<compile_context>
chip_gen: v7x
topology: tpu7x:2x2x1
jax: 0.10.2.dev20260603
libtpu: 0.0.44.dev20260713+nightly
codegen_flags: <defaults>
</compile_context>

<pallas_src>
import jax
import jax.numpy as jnp
from jax import lax
from jax.experimental import pallas as pl
from jax.experimental.pallas import tpu as pltpu
from jax.experimental.pallas import tpu_sc as plsc

N = 10000
E = 320000
C = 128
CP = C + 3
XPAD = 144
NPT = 320
NPAD = 32 * NPT

_info = plsc.get_sparse_core_info()
NC = _info.num_cores
NS = _info.num_subcores
NW = NC * NS

EPT = E // NW
WA = 200
WH = 800
NWIN = E // WH
BH = 16
SELB = 1024


def _wid():
    return lax.axis_index("s") * NC + lax.axis_index("c")



def _pass_a_body(xp, idxi, idxj, s1_out, s2_out, bi, bj, ri, rj, acc, sem1, sem2):
    w = _wid()
    base = w * EPT

    def window(wi, carry):
        s1, s2 = carry
        off = base + wi * WA
        pltpu.sync_copy(idxi.at[pl.ds(off, WA)], bi)
        pltpu.sync_copy(idxj.at[pl.ds(off, WA)], bj)
        cp1 = pltpu.async_copy(xp.at[bi], ri, sem1)
        cp2 = pltpu.async_copy(xp.at[bj], rj, sem2)
        cp1.wait()
        cp2.wait()

        def edge(e, carry2):
            s1e, s2e = carry2
            for c8 in range(XPAD // 16):
                a = ri[e, pl.ds(c8 * 16, 16)]
                b = rj[e, pl.ds(c8 * 16, 16)]
                d = b - a
                s1e = s1e + d
                s2e = s2e + d * d
            return (s1e, s2e)

        return lax.fori_loop(0, WA, edge, (s1, s2))

    z = jnp.zeros((16,), jnp.float32)
    s1, s2 = lax.fori_loop(0, EPT // WA, window, (z, z))
    acc[pl.ds(0, 16)] = s1
    acc[pl.ds(16, 16)] = s2
    pltpu.sync_copy(acc.at[pl.ds(0, 16)], s1_out.at[w])
    pltpu.sync_copy(acc.at[pl.ds(16, 16)], s2_out.at[w])


def _run_pass_a(xp, idxi, idxj):
    mesh = plsc.VectorSubcoreMesh(core_axis_name="c", subcore_axis_name="s")
    f = pl.kernel(
        _pass_a_body,
        mesh=mesh,
        compiler_params=pltpu.CompilerParams(use_tc_tiling_on_sc=False, needs_layout_passes=False),
        out_type=[
            jax.ShapeDtypeStruct((NW, 16), jnp.float32),
            jax.ShapeDtypeStruct((NW, 16), jnp.float32),
        ],
        scratch_types=[
            pltpu.VMEM((WA,), jnp.int32),
            pltpu.VMEM((WA,), jnp.int32),
            pltpu.VMEM((WA, XPAD), jnp.float32),
            pltpu.VMEM((WA, XPAD), jnp.float32),
            pltpu.VMEM((32,), jnp.float32),
            pltpu.SemaphoreType.DMA,
            pltpu.SemaphoreType.DMA,
        ],
    )
    return f(xp, idxi, idxj)



def _pass_b_body(u, v, idxi, idxj, hpre, st_out, bi, bj, ru, rv, hb, acc, sem1, sem2):
    w = _wid()
    base = w * EPT

    def window(wi, carry):
        off = base + wi * WA
        pltpu.sync_copy(idxi.at[pl.ds(off, WA)], bi)
        pltpu.sync_copy(idxj.at[pl.ds(off, WA)], bj)
        cp1 = pltpu.async_copy(u.at[bi], ru, sem1)
        cp2 = pltpu.async_copy(v.at[bj], rv, sem2)
        cp1.wait()
        cp2.wait()

        def edge(e, carry2):
            out = []
            for c8 in range(8):
                h = ru[e, pl.ds(c8 * 16, 16)] + rv[e, pl.ds(c8 * 16, 16)]
                hb[e, pl.ds(c8 * 16, 16)] = h
                s1 = carry2[2 * c8] + h
                s2 = carry2[2 * c8 + 1] + h * h
                out.append(s1)
                out.append(s2)
            return tuple(out)

        carry = lax.fori_loop(0, WA, edge, carry)
        pltpu.sync_copy(hb, hpre.at[pl.ds(off, WA)])
        return carry

    z = jnp.zeros((16,), jnp.float32)
    carry = tuple(z for _ in range(16))
    carry = lax.fori_loop(0, EPT // WA, window, carry)
    for c8 in range(8):
        acc[pl.ds(c8 * 16, 16)] = carry[2 * c8]
        acc[pl.ds(128 + c8 * 16, 16)] = carry[2 * c8 + 1]
    pltpu.sync_copy(acc, st_out.at[w])


def _run_pass_b(u, v, idxi, idxj):
    mesh = plsc.VectorSubcoreMesh(core_axis_name="c", subcore_axis_name="s")
    f = pl.kernel(
        _pass_b_body,
        mesh=mesh,
        out_type=[
            jax.ShapeDtypeStruct((E, C), jnp.float32),
            jax.ShapeDtypeStruct((NW, 2 * C), jnp.float32),
        ],
        scratch_types=[
            pltpu.VMEM((WA,), jnp.int32),
            pltpu.VMEM((WA,), jnp.int32),
            pltpu.VMEM((WA, C), jnp.float32),
            pltpu.VMEM((WA, C), jnp.float32),
            pltpu.VMEM((WA, C), jnp.float32),
            pltpu.VMEM((2 * C,), jnp.float32),
            pltpu.SemaphoreType.DMA,
            pltpu.SemaphoreType.DMA,
        ],
    )
    return f(u, v, idxi, idxj)



def _pass_h_body(h2, idxi, out, iba, ibb, sel_id, sel_dst, rows, mx, sm, cnt,
                 sema, semb, semr):
    w = _wid()
    lo = w * NPT
    hi = lo + NPT
    zero = jnp.zeros((16,), jnp.float32)
    one = jnp.ones((16,), jnp.float32)

    def zinit(n, _):
        for c8 in range(8):
            mx[n, pl.ds(c8 * 16, 16)] = zero
            sm[n, pl.ds(c8 * 16, 16)] = zero
        cnt[n, pl.ds(0, 16)] = zero
        return 0

    lax.fori_loop(0, NPT, zinit, 0)

    izero = jnp.zeros((16,), jnp.int32)

    def selinit(k, _):
        sel_id[pl.ds(k * 16, 16)] = izero
        sel_dst[pl.ds(k * 16, 16)] = izero
        return 0

    lax.fori_loop(0, SELB // 16, selinit, 0)

    def process(ib, off):
        def grp(g, fill):
            vv = ib[pl.ds(g * 16, 16)]
            m = (vv >= lo) & (vv < hi)
            ids = lax.iota(jnp.int32, 16) + (off + g * 16)
            pref = plsc.cumsum(jnp.where(m, 1, 0))
            pos = fill + pref - 1
            plsc.store_scatter(sel_id, [pos], ids, mask=m)
            plsc.store_scatter(sel_dst, [pos], vv, mask=m)
            return fill + pref[15]

        fill = lax.fori_loop(0, WH // 16, grp, jnp.int32(0))

        nch = (fill + (BH - 1)) // BH

        def chunk(ci, _):
            cb = ci * BH
            idvec = sel_id[pl.ds(cb, BH)]
            pltpu.async_copy(h2.at[idvec], rows, semr).wait()
            nk = jnp.minimum(fill - cb, BH)

            def edge(k, _2):
                d = sel_dst[pl.ds(cb + k, 16)][0]
                dl = d - lo
                for c8 in range(8):
                    r = rows[k, pl.ds(c8 * 16, 16)]
                    a = mx[dl, pl.ds(c8 * 16, 16)]
                    mx[dl, pl.ds(c8 * 16, 16)] = jnp.maximum(a, r)
                    s = sm[dl, pl.ds(c8 * 16, 16)]
                    sm[dl, pl.ds(c8 * 16, 16)] = s + r
                cnt[dl, pl.ds(0, 16)] = cnt[dl, pl.ds(0, 16)] + one
                return 0

            lax.fori_loop(0, nk, edge, 0)
            return 0

        lax.fori_loop(0, nch, chunk, 0)

    pltpu.async_copy(idxi.at[pl.ds(0, WH)], iba, sema)

    def pair(pi, _):
        w0 = 2 * pi
        pltpu.async_copy(idxi.at[pl.ds((w0 + 1) * WH, WH)], ibb, semb)
        pltpu.make_async_copy(idxi.at[pl.ds(0, WH)], iba, sema).wait()
        process(iba, w0 * WH)
        nxt = jnp.minimum(w0 + 2, NWIN - 1)
        pltpu.async_copy(idxi.at[pl.ds(nxt * WH, WH)], iba, sema)
        pltpu.make_async_copy(idxi.at[pl.ds(0, WH)], ibb, semb).wait()
        process(ibb, (w0 + 1) * WH)
        return 0

    lax.fori_loop(0, NWIN // 2, pair, 0)
    pltpu.make_async_copy(idxi.at[pl.ds(0, WH)], iba, sema).wait()

    def finish(n, _):
        cv = cnt[n, pl.ds(0, 16)]
        den = jnp.maximum(cv, 1.0)
        for c8 in range(8):
            s = sm[n, pl.ds(c8 * 16, 16)]
            m = mx[n, pl.ds(c8 * 16, 16)]
            mx[n, pl.ds(c8 * 16, 16)] = m + s / den
        return 0

    lax.fori_loop(0, NPT, finish, 0)
    pltpu.sync_copy(mx, out.at[pl.ds(lo, NPT)])


def _run_pass_h(h2, idxi):
    mesh = plsc.VectorSubcoreMesh(core_axis_name="c", subcore_axis_name="s")
    f = pl.kernel(
        _pass_h_body,
        mesh=mesh,
        compiler_params=pltpu.CompilerParams(needs_layout_passes=False),
        out_type=jax.ShapeDtypeStruct((NPAD, C), jnp.float32),
        scratch_types=[
            pltpu.VMEM((WH,), jnp.int32),
            pltpu.VMEM((WH,), jnp.int32),
            pltpu.VMEM((SELB,), jnp.int32),
            pltpu.VMEM((SELB,), jnp.int32),
            pltpu.VMEM((BH, C), jnp.float32),
            pltpu.VMEM((NPT, C), jnp.float32),
            pltpu.VMEM((NPT, C), jnp.float32),
            pltpu.VMEM((NPT, 16), jnp.float32),
            pltpu.SemaphoreType.DMA,
            pltpu.SemaphoreType.DMA,
            pltpu.SemaphoreType.DMA,
        ],
    )
    return f(h2, idxi)



TN = 640
TE = 4000


def _node_body(xp_ref, w_ref, cvec_ref, inv_ref, u_ref, v_ref):
    z = jnp.dot(xp_ref[...], w_ref[...], preferred_element_type=jnp.float32)
    zb = z[:, C:] * inv_ref[0, 0]
    u_ref[...] = z[:, :C] + cvec_ref[...] - zb
    v_ref[...] = zb


def _run_node(xp_pad, wcat, cvec, inv):
    grid = (NPAD // TN,)
    return pl.pallas_call(
        _node_body,
        grid=grid,
        in_specs=[
            pl.BlockSpec((TN, XPAD), lambda i: (i, 0)),
            pl.BlockSpec((XPAD, 2 * C), lambda i: (0, 0)),
            pl.BlockSpec((1, C), lambda i: (0, 0)),
            pl.BlockSpec((1, 1), lambda i: (0, 0), memory_space=pltpu.SMEM),
        ],
        out_specs=[
            pl.BlockSpec((TN, C), lambda i: (i, 0)),
            pl.BlockSpec((TN, C), lambda i: (i, 0)),
        ],
        out_shape=[
            jax.ShapeDtypeStruct((NPAD, C), jnp.float32),
            jax.ShapeDtypeStruct((NPAD, C), jnp.float32),
        ],
    )(xp_pad, wcat, cvec, inv)


def _lin_body(x_ref, a_ref, b_ref, w_ref, bias_ref, out_ref, st_ref, acc_ref):
    i = pl.program_id(0)
    t = jnp.maximum(x_ref[...] * a_ref[...] + b_ref[...], 0.0)
    m = jnp.dot(t, w_ref[...], preferred_element_type=jnp.float32) + bias_ref[...]
    out_ref[...] = m

    @pl.when(i == 0)
    def _():
        acc_ref[...] = jnp.zeros_like(acc_ref)

    acc_ref[0:1, :] += jnp.sum(m, axis=0, keepdims=True)
    acc_ref[1:2, :] += jnp.sum(m * m, axis=0, keepdims=True)

    @pl.when(i == pl.num_programs(0) - 1)
    def _():
        st_ref[...] = acc_ref[...]


def _run_lin(x, a, b, w, bias):
    grid = (E // TE,)
    return pl.pallas_call(
        _lin_body,
        grid=grid,
        in_specs=[
            pl.BlockSpec((TE, C), lambda i: (i, 0)),
            pl.BlockSpec((1, C), lambda i: (0, 0)),
            pl.BlockSpec((1, C), lambda i: (0, 0)),
            pl.BlockSpec((C, C), lambda i: (0, 0)),
            pl.BlockSpec((1, C), lambda i: (0, 0)),
        ],
        out_specs=[
            pl.BlockSpec((TE, C), lambda i: (i, 0)),
            pl.BlockSpec((2, C), lambda i: (0, 0)),
        ],
        out_shape=[
            jax.ShapeDtypeStruct((E, C), jnp.float32),
            jax.ShapeDtypeStruct((2, C), jnp.float32),
        ],
        scratch_shapes=[pltpu.VMEM((2, C), jnp.float32)],
    )(x, a, b, w, bias)


def _lin_res_body(x_ref, r_ref, a_ref, b_ref, ar_ref, br_ref, w_ref, bias_ref,
                  out_ref, st_ref, acc_ref):
    i = pl.program_id(0)
    h0 = jnp.maximum(r_ref[...] * ar_ref[...] + br_ref[...], 0.0)
    t = jnp.maximum(x_ref[...] * a_ref[...] + b_ref[...] + h0, 0.0)
    m = jnp.dot(t, w_ref[...], preferred_element_type=jnp.float32) + bias_ref[...]
    out_ref[...] = m

    @pl.when(i == 0)
    def _():
        acc_ref[...] = jnp.zeros_like(acc_ref)

    acc_ref[0:1, :] += jnp.sum(m, axis=0, keepdims=True)
    acc_ref[1:2, :] += jnp.sum(m * m, axis=0, keepdims=True)

    @pl.when(i == pl.num_programs(0) - 1)
    def _():
        st_ref[...] = acc_ref[...]


def _run_lin_res(x, r, a, b, ar, br, w, bias):
    grid = (E // TE,)
    return pl.pallas_call(
        _lin_res_body,
        grid=grid,
        in_specs=[
            pl.BlockSpec((TE, C), lambda i: (i, 0)),
            pl.BlockSpec((TE, C), lambda i: (i, 0)),
            pl.BlockSpec((1, C), lambda i: (0, 0)),
            pl.BlockSpec((1, C), lambda i: (0, 0)),
            pl.BlockSpec((1, C), lambda i: (0, 0)),
            pl.BlockSpec((1, C), lambda i: (0, 0)),
            pl.BlockSpec((C, C), lambda i: (0, 0)),
            pl.BlockSpec((1, C), lambda i: (0, 0)),
        ],
        out_specs=[
            pl.BlockSpec((TE, C), lambda i: (i, 0)),
            pl.BlockSpec((2, C), lambda i: (0, 0)),
        ],
        out_shape=[
            jax.ShapeDtypeStruct((E, C), jnp.float32),
            jax.ShapeDtypeStruct((2, C), jnp.float32),
        ],
        scratch_shapes=[pltpu.VMEM((2, C), jnp.float32)],
    )(x, r, a, b, ar, br, w, bias)


def _final_body(m4_ref, m2_ref, hp_ref, a4_ref, b4_ref, a2_ref, b2_ref,
                a0_ref, b0_ref, out_ref):
    h0 = jnp.maximum(hp_ref[...] * a0_ref[...] + b0_ref[...], 0.0)
    h1 = jnp.maximum(m2_ref[...] * a2_ref[...] + b2_ref[...] + h0, 0.0)
    out_ref[...] = jnp.maximum(m4_ref[...] * a4_ref[...] + b4_ref[...] + h1, 0.0)


def _run_final(m4, m2, hp, a4, b4, a2, b2, a0, b0):
    grid = (E // TE,)

    def vec():
        return pl.BlockSpec((1, C), lambda i: (0, 0))

    def big():
        return pl.BlockSpec((TE, C), lambda i: (i, 0))

    return pl.pallas_call(
        _final_body,
        grid=grid,
        in_specs=[big(), big(), big(), vec(), vec(), vec(), vec(), vec(), vec()],
        out_specs=big(),
        out_shape=jax.ShapeDtypeStruct((E, C), jnp.float32),
    )(m4, m2, hp, a4, b4, a2, b2, a0, b0)




def _bn_affine(st, g, beta):
    mu = st[0] / E
    var = st[1] / E - mu * mu
    a = g / jnp.sqrt(var + 1e-5)
    return (a[None, :], (beta - mu * a)[None, :])


def kernel(pos, x, edge_index, affine_w, affine_b, lin_W, lin_b, lin_g, lin_beta,
           rW1, rb1, rg1, rbe1, rW2, rb2, rgn, rbn):
    idx_i = edge_index[0]
    idx_j = edge_index[1]

    xf = jnp.concatenate([x, pos], axis=1)
    xp = jnp.pad(xf, ((0, 0), (0, XPAD - CP)))

    s1p, s2p = _run_pass_a(xp, idx_i, idx_j)
    s1 = jnp.sum(s1p)
    s2 = jnp.sum(s2p)
    m = E * CP
    var = (s2 - s1 * s1 / m) / (m - 1)
    sprime = jnp.sqrt(var) + 1e-5

    w_top = lin_W[:CP]
    w_bot = affine_w[:, None] * lin_W[CP:]
    wcat = jnp.pad(jnp.concatenate([w_top, w_bot], axis=1),
                   ((0, XPAD - CP), (0, 0)))
    c0 = affine_b @ lin_W[CP:] + lin_b
    xp_pad = jnp.pad(xp, ((0, NPAD - N), (0, 0)))
    inv = (1.0 / sprime).reshape(1, 1)
    u, v = _run_node(xp_pad, wcat, c0[None, :], inv)

    hpre, stp = _run_pass_b(u, v, idx_i, idx_j)
    st0 = jnp.sum(stp, axis=0)
    a0, b0 = _bn_affine(jnp.stack([st0[:C], st0[C:]]), lin_g, lin_beta)

    m1, st1 = _run_lin(hpre, a0, b0, rW1[0], rb1[0][None, :])
    a1, b1 = _bn_affine(st1, rg1[0], rbe1[0])
    m2, st2 = _run_lin(m1, a1, b1, rW2[0], rb2[0][None, :])
    a2, b2 = _bn_affine(st2, rgn[0], rbn[0])
    m3, st3 = _run_lin_res(m2, hpre, a2, b2, a0, b0, rW1[1], rb1[1][None, :])
    a3, b3 = _bn_affine(st3, rg1[1], rbe1[1])
    m4, st4 = _run_lin(m3, a3, b3, rW2[1], rb2[1][None, :])
    a4, b4 = _bn_affine(st4, rgn[1], rbn[1])
    h2 = _run_final(m4, m2, hpre, a4, b4, a2, b2, a0, b0)

    out = _run_pass_h(h2, idx_i)
    return out[:N]

# --- scband reference (transcript-rebuilt; emitter-appended) ---
"""Pipeline reference for scband-gal-84945863180509 (READ-ONLY COPY).

The authoritative reference and input builder live on the scoring server;
editing this copy changes nothing except your own understanding.
"""

import jax, jax.numpy as jnp
import numpy as np

N = 10000
E = 320000
C = 128
NB = 2
CP = C + 3


def _bn(x, gamma, beta, eps=1e-5):
    mu = jnp.mean(x, axis=0, keepdims=True)
    var = jnp.var(x, axis=0, keepdims=True)
    return gamma * (x - mu) / jnp.sqrt(var + eps) + beta


def setup_inputs(seed: int = 0) -> dict:
    key = jax.random.key(seed)
    ks = jax.random.split(key, 16)
    pos = jax.random.normal(ks[0], (N, 3), dtype=jnp.float32)
    x = jax.random.normal(ks[1], (N, C), dtype=jnp.float32)
    edge_index = jax.random.randint(ks[2], (2, E), 0, N, dtype=jnp.int32)
    affine_w = jnp.ones((CP,), dtype=jnp.float32)
    affine_b = jnp.zeros((CP,), dtype=jnp.float32)
    lin_W = jax.random.normal(ks[3], (2 * CP, C), dtype=jnp.float32) * 0.02
    lin_b = jnp.zeros((C,), dtype=jnp.float32)
    lin_g = jnp.ones((C,), dtype=jnp.float32)
    lin_beta = jnp.zeros((C,), dtype=jnp.float32)
    rW1 = jax.random.normal(ks[4], (NB, C, C), dtype=jnp.float32) * 0.02
    rb1 = jnp.zeros((NB, C), dtype=jnp.float32)
    rg1 = jnp.ones((NB, C), dtype=jnp.float32)
    rbe1 = jnp.zeros((NB, C), dtype=jnp.float32)
    rW2 = jax.random.normal(ks[5], (NB, C, C), dtype=jnp.float32) * 0.02
    rb2 = jnp.zeros((NB, C), dtype=jnp.float32)
    rgn = jnp.ones((NB, C), dtype=jnp.float32)
    rbn = jnp.zeros((NB, C), dtype=jnp.float32)
    return {"pos": pos, "x": x, "edge_index": edge_index,
            "affine_w": affine_w, "affine_b": affine_b,
            "lin_W": lin_W, "lin_b": lin_b, "lin_g": lin_g, "lin_beta": lin_beta,
            "rW1": rW1, "rb1": rb1, "rg1": rg1, "rbe1": rbe1,
            "rW2": rW2, "rb2": rb2, "rgn": rgn, "rbn": rbn}


def reference(pos, x, edge_index, affine_w, affine_b, lin_W, lin_b, lin_g, lin_beta,
              rW1, rb1, rg1, rbe1, rW2, rb2, rgn, rbn):
    idx_i = edge_index[0]
    idx_j = edge_index[1]
    pos_i = jnp.take(pos, idx_i, axis=0)
    pos_j = jnp.take(pos, idx_j, axis=0)
    x_i = jnp.concatenate([jnp.take(x, idx_i, axis=0), pos_i], axis=-1)
    x_j = jnp.concatenate([jnp.take(x, idx_j, axis=0), pos_j], axis=-1)
    diff = x_j - x_i
    std_x = jnp.std(diff, ddof=1)
    x_rel = diff / (std_x + 1e-05)
    x_rel = affine_w * x_rel + affine_b
    x_w = jnp.concatenate([x_i, x_rel], axis=-1)
    h = x_w @ lin_W + lin_b
    h = jax.nn.relu(_bn(h, lin_g, lin_beta))
    for i in range(NB):
        t = jax.nn.relu(_bn(h @ rW1[i] + rb1[i], rg1[i], rbe1[i]))
        t = t @ rW2[i] + rb2[i]
        h = jax.nn.relu(_bn(t, rgn[i], rbn[i]) + h)
    seg_sum = jax.ops.segment_sum(h, idx_i, num_segments=N)
    counts = jax.ops.segment_sum(jnp.ones((E, 1), dtype=h.dtype), idx_i, num_segments=N)
    seg_mean = seg_sum / jnp.maximum(counts, 1.0)
    seg_max = jax.ops.segment_max(h, idx_i, num_segments=N)
    seg_max = jnp.where(counts > 0, seg_max, 0.0)
    return seg_max + seg_mean

if __name__ == "__main__":
    import jax
    _d = setup_inputs()
    print(jax.jit(kernel)(*tuple(_d.values())))

</pallas_src>

<mosaic_0001>
#map = affine_map<(d0, d1) -> (0, 0)>
#map1 = affine_map<(d0, d1) -> (0)>
module attributes {stable_mosaic.version = 14 : i64} {
  func.func @_pass_a_body(%arg0: i32, %arg1: i32, %arg2: memref<10000x144xf32, #tpu.memory_space<hbm>>, %arg3: memref<320000xi32, #tpu.memory_space<hbm>>, %arg4: memref<320000xi32, #tpu.memory_space<hbm>>, %arg5: memref<32x16xf32, #tpu.memory_space<hbm>>, %arg6: memref<32x16xf32, #tpu.memory_space<hbm>>, %arg7: memref<200xi32, #tpu.memory_space<vmem>>, %arg8: memref<200xi32, #tpu.memory_space<vmem>>, %arg9: memref<200x144xf32, #tpu.memory_space<vmem>>, %arg10: memref<200x144xf32, #tpu.memory_space<vmem>>, %arg11: memref<32xf32, #tpu.memory_space<vmem>>, %arg12: memref<!tpu.dma_semaphore, #tpu.memory_space<semaphore_mem>>, %arg13: memref<!tpu.dma_semaphore, #tpu.memory_space<semaphore_mem>>) attributes {dimension_semantics = [#tpu.dimension_semantics<core_parallel>, #tpu.dimension_semantics<subcore_parallel>], iteration_bounds = array<i64: 2, 16>, scalar_prefetch = 0 : i64, scratch_operands = 7 : i64, tpu.core_type = #tpu.core_type<sc_vector_subcore>, window_params = [{transform_indices = #map}, {transform_indices = #map1}, {transform_indices = #map1}, {transform_indices = #map}, {transform_indices = #map}]} {
    %mul3A = arith.constant 2 : i32
    %mul3A_0 = arith.muli %arg1, %mul3A : i32
    %add3A = arith.addi %mul3A_0, %arg0 : i32
    %mul3A_1 = arith.constant 10000 : i32
    %mul3A_2 = arith.muli %add3A, %mul3A_1 : i32
    %broadcast_in_dim3A = arith.constant 0.000000e+00 : f32
    %broadcast_in_dim3A_3 = vector.broadcast %broadcast_in_dim3A : f32 to vector<16xf32>
    %scan3A = arith.constant 0 : i32
    %scan3A_4 = arith.constant 50 : i32
    %scan3A_5 = arith.addi %scan3A, %scan3A_4 : i32
    %scan3A_6 = arith.constant 1 : i32
    %scan3A_7:2 = scf.for %scan3A_12 = %scan3A to %scan3A_5 step %scan3A_6 iter_args(%scan3A_13 = %broadcast_in_dim3A_3, %scan3A_14 = %broadcast_in_dim3A_3) -> (vector<16xf32>, vector<16xf32>)  : i32 {
      %mul3A_15 = arith.constant 200 : i32
      %mul3A_16 = arith.muli %scan3A_12, %mul3A_15 : i32
      %add3A_17 = arith.addi %mul3A_2, %mul3A_16 : i32
      "tpu.region"() ({
        %run_scoped3A = tpu.sem_alloc : memref<!tpu.dma_semaphore, #tpu.memory_space<semaphore_mem>>
        %dma_start3A_34 = tpu.memref_slice %arg3[%add3A_17] : memref<320000xi32, #tpu.memory_space<hbm>> -> memref<200xi32, #tpu.memory_space<hbm>>
        %dma_start3A_35 = tpu.memref_slice %arg3[%add3A_17] : memref<320000xi32, #tpu.memory_space<hbm>> -> memref<200xi32, #tpu.memory_space<hbm>>
        tpu.enqueue_dma source(%dma_start3A_35 : memref<200xi32, #tpu.memory_space<hbm>>) target(%arg7 : memref<200xi32, #tpu.memory_space<vmem>>) target_semaphore(%run_scoped3A : memref<!tpu.dma_semaphore, #tpu.memory_space<semaphore_mem>>)
        %dma_wait3A_36 = tpu.memref_slice %arg3[%add3A_17] : memref<320000xi32, #tpu.memory_space<hbm>> -> memref<200xi32, #tpu.memory_space<hbm>>
        %dma_wait3A_37 = tpu.memref_slice %arg3[%add3A_17] : memref<320000xi32, #tpu.memory_space<hbm>> -> memref<200xi32, #tpu.memory_space<hbm>>
        tpu.wait_dma2 semaphore(%run_scoped3A : memref<!tpu.dma_semaphore, #tpu.memory_space<semaphore_mem>>) src(%dma_wait3A_37 : memref<200xi32, #tpu.memory_space<hbm>>) dst(%arg7 : memref<200xi32, #tpu.memory_space<vmem>>)
        tpu.yield
      }) : () -> ()
      "tpu.region"() ({
        %run_scoped3A = tpu.sem_alloc : memref<!tpu.dma_semaphore, #tpu.memory_space<semaphore_mem>>
        %dma_start3A_34 = tpu.memref_slice %arg4[%add3A_17] : memref<320000xi32, #tpu.memory_space<hbm>> -> memref<200xi32, #tpu.memory_space<hbm>>
        %dma_start3A_35 = tpu.memref_slice %arg4[%add3A_17] : memref<320000xi32, #tpu.memory_space<hbm>> -> memref<200xi32, #tpu.memory_space<hbm>>
        tpu.enqueue_dma source(%dma_start3A_35 : memref<200xi32, #tpu.memory_space<hbm>>) target(%arg8 : memref<200xi32, #tpu.memory_space<vmem>>) target_semaphore(%run_scoped3A : memref<!tpu.dma_semaphore, #tpu.memory_space<semaphore_mem>>)
        %dma_wait3A_36 = tpu.memref_slice %arg4[%add3A_17] : memref<320000xi32, #tpu.memory_space<hbm>> -> memref<200xi32, #tpu.memory_space<hbm>>
        %dma_wait3A_37 = tpu.memref_slice %arg4[%add3A_17] : memref<320000xi32, #tpu.memory_space<hbm>> -> memref<200xi32, #tpu.memory_space<hbm>>
        tpu.wait_dma2 semaphore(%run_scoped3A : memref<!tpu.dma_semaphore, #tpu.memory_space<semaphore_mem>>) src(%dma_wait3A_37 : memref<200xi32, #tpu.memory_space<hbm>>) dst(%arg8 : memref<200xi32, #tpu.memory_space<vmem>>)
        tpu.yield
      }) : () -> ()
      %dma_start3A = arith.constant 0 : i32
      %dma_start3A_18 = arith.constant 0 : i32
      %dma_start3A_19 = tpu.memref_slice %arg2[%dma_start3A, %dma_start3A_18] : memref<10000x144xf32, #tpu.memory_space<hbm>> -> memref<10000x144xf32, #tpu.memory_space<hbm>>
      tpu.enqueue_indirect_dma source(%dma_start3A_19 : memref<10000x144xf32, #tpu.memory_space<hbm>>) target(%arg9 : memref<200x144xf32, #tpu.memory_space<vmem>>) offsets(%arg7 : memref<200xi32, #tpu.memory_space<vmem>>) semaphore(%arg12 : memref<!tpu.dma_semaphore, #tpu.memory_space<semaphore_mem>>)
      %dma_start3A_20 = arith.constant 0 : i32
      %dma_start3A_21 = arith.constant 0 : i32
      %dma_start3A_22 = tpu.memref_slice %arg2[%dma_start3A_20, %dma_start3A_21] : memref<10000x144xf32, #tpu.memory_space<hbm>> -> memref<10000x144xf32, #tpu.memory_space<hbm>>
      tpu.enqueue_indirect_dma source(%dma_start3A_22 : memref<10000x144xf32, #tpu.memory_space<hbm>>) target(%arg10 : memref<200x144xf32, #tpu.memory_space<vmem>>) offsets(%arg8 : memref<200xi32, #tpu.memory_space<vmem>>) semaphore(%arg13 : memref<!tpu.dma_semaphore, #tpu.memory_space<semaphore_mem>>)
      %dma_wait3A = arith.constant 0 : i32
      %dma_wait3A_23 = arith.constant 0 : i32
      %dma_wait3A_24 = tpu.memref_slice %arg2[%dma_wait3A, %dma_wait3A_23] : memref<10000x144xf32, #tpu.memory_space<hbm>> -> memref<10000x144xf32, #tpu.memory_space<hbm>>
      tpu.wait_indirect_dma semaphore(%arg12 : memref<!tpu.dma_semaphore, #tpu.memory_space<semaphore_mem>>) src(%dma_wait3A_24 : memref<10000x144xf32, #tpu.memory_space<hbm>>) dst(%arg9 : memref<200x144xf32, #tpu.memory_space<vmem>>)
      %dma_wait3A_25 = arith.constant 0 : i32
      %dma_wait3A_26 = arith.constant 0 : i32
      %dma_wait3A_27 = tpu.memref_slice %arg2[%dma_wait3A_25, %dma_wait3A_26] : memref<10000x144xf32, #tpu.memory_space<hbm>> -> memref<10000x144xf32, #tpu.memory_space<hbm>>
      tpu.wait_indirect_dma semaphore(%arg13 : memref<!tpu.dma_semaphore, #tpu.memory_space<semaphore_mem>>) src(%dma_wait3A_27 : memref<10000x144xf32, #tpu.memory_space<hbm>>) dst(%arg10 : memref<200x144xf32, #tpu.memory_space<vmem>>)
      %scan3A_28 = arith.constant 0 : i32
      %scan3A_29 = arith.constant 200 : i32
      %scan3A_30 = arith.addi %scan3A_28, %scan3A_29 : i32
      %scan3A_31 = arith.constant 1 : i32
      %scan3A_32:2 = scf.for %scan3A_34 = %scan3A_28 to %scan3A_30 step %scan3A_31 iter_args(%scan3A_35 = %scan3A_13, %scan3A_36 = %scan3A_14) -> (vector<16xf32>, vector<16xf32>)  : i32 {
        %get3A = arith.index_cast %scan3A_34 : i32 to index
        %get3A_37 = arith.constant 0 : index
        %get3A_38 = tpu.vector_load %arg9[%get3A, %get3A_37] {strides = array<i32>} : memref<200x144xf32, #tpu.memory_space<vmem>>, vector<16xf32>,
        %get3A_39 = arith.index_cast %scan3A_34 : i32 to index
        %get3A_40 = arith.constant 0 : index
        %get3A_41 = tpu.vector_load %arg10[%get3A_39, %get3A_40] {strides = array<i32>} : memref<200x144xf32, #tpu.memory_space<vmem>>, vector<16xf32>,
        %sub3A = arith.subf %get3A_41, %get3A_38 : vector<16xf32>
        %add3A_42 = arith.addf %scan3A_35, %sub3A : vector<16xf32>
        %mul3A_43 = arith.mulf %sub3A, %sub3A : vector<16xf32>
        %add3A_44 = arith.addf %scan3A_36, %mul3A_43 : vector<16xf32>
        %get3A_45 = arith.index_cast %scan3A_34 : i32 to index
        %get3A_46 = arith.constant 16 : index
        %get3A_47 = tpu.vector_load %arg9[%get3A_45, %get3A_46] {strides = array<i32>} : memref<200x144xf32, #tpu.memory_space<vmem>>, vector<16xf32>,
        %get3A_48 = arith.index_cast %scan3A_34 : i32 to index
        %get3A_49 = arith.constant 16 : index
        %get3A_50 = tpu.vector_load %arg10[%get3A_48, %get3A_49] {strides = array<i32>} : memref<200x144xf32, #tpu.memory_space<vmem>>, vector<16xf32>,
        %sub3A_51 = arith.subf %get3A_50, %get3A_47 : vector<16xf32>
        %add3A_52 = arith.addf %add3A_42, %sub3A_51 : vector<16xf32>
        %mul3A_53 = arith.mulf %sub3A_51, %sub3A_51 : vector<16xf32>
        %add3A_54 = arith.addf %add3A_44, %mul3A_53 : vector<16xf32>
        %get3A_55 = arith.index_cast %scan3A_34 : i32 to index
        %get3A_56 = arith.constant 32 : index
        %get3A_57 = tpu.vector_load %arg9[%get3A_55, %get3A_56] {strides = array<i32>} : memref<200x144xf32, #tpu.memory_space<vmem>>, vector<16xf32>,
        %get3A_58 = arith.index_cast %scan3A_34 : i32 to index
        %get3A_59 = arith.constant 32 : index
        %get3A_60 = tpu.vector_load %arg10[%get3A_58, %get3A_59] {strides = array<i32>} : memref<200x144xf32, #tpu.memory_space<vmem>>, vector<16xf32>,
        %sub3A_61 = arith.subf %get3A_60, %get3A_57 : vector<16xf32>
        %add3A_62 = arith.addf %add3A_52, %sub3A_61 : vector<16xf32>
        %mul3A_63 = arith.mulf %sub3A_61, %sub3A_61 : vector<16xf32>
        %add3A_64 = arith.addf %add3A_54, %mul3A_63 : vector<16xf32>
        %get3A_65 = arith.index_cast %scan3A_34 : i32 to index
        %get3A_66 = arith.constant 48 : index
        %get3A_67 = tpu.vector_load %arg9[%get3A_65, %get3A_66] {strides = array<i32>} : memref<200x144xf32, #tpu.memory_space<vmem>>, vector<16xf32>,
        %get3A_68 = arith.index_cast %scan3A_34 : i32 to index
        %get3A_69 = arith.constant 48 : index
        %get3A_70 = tpu.vector_load %arg10[%get3A_68, %get3A_69] {strides = array<i32>} : memref<200x144xf32, #tpu.memory_space<vmem>>, vector<16xf32>,
        %sub3A_71 = arith.subf %get3A_70, %get3A_67 : vector<16xf32>
        %add3A_72 = arith.addf %add3A_62, %sub3A_71 : vector<16xf32>
        %mul3A_73 = arith.mulf %sub3A_71, %sub3A_71 : vector<16xf32>
        %add3A_74 = arith.addf %add3A_64, %mul3A_73 : vector<16xf32>
        %get3A_75 = arith.index_cast %scan3A_34 : i32 to index
        %get3A_76 = arith.constant 64 : index
        %get3A_77 = tpu.vector_load %arg9[%get3A_75, %get3A_76] {strides = array<i32>} : memref<200x144xf32, #tpu.memory_space<vmem>>, vector<16xf32>,
        %get3A_78 = arith.index_cast %scan3A_34 : i32 to index
        %get3A_79 = arith.constant 64 : index
        %get3A_80 = tpu.vector_load %arg10[%get3A_78, %get3A_79] {strides = array<i32>} : memref<200x144xf32, #tpu.memory_space<vmem>>, vector<16xf32>,
        %sub3A_81 = arith.subf %get3A_80, %get3A_77 : vector<16xf32>
        %add3A_82 = arith.addf %add3A_72, %sub3A_81 : vector<16xf32>
        %mul3A_83 = arith.mulf %sub3A_81, %sub3A_81 : vector<16xf32>
        %add3A_84 = arith.addf %add3A_74, %mul3A_83 : vector<16xf32>
        %get3A_85 = arith.index_cast %scan3A_34 : i32 to index
        %get3A_86 = arith.constant 80 : index
        %get3A_87 = tpu.vector_load %arg9[%get3A_85, %get3A_86] {strides = array<i32>} : memref<200x144xf32, #tpu.memory_space<vmem>>, vector<16xf32>,
        %get3A_88 = arith.index_cast %scan3A_34 : i32 to index
        %get3A_89 = arith.constant 80 : index
        %get3A_90 = tpu.vector_load %arg10[%get3A_88, %get3A_89] {strides = array<i32>} : memref<200x144xf32, #tpu.memory_space<vmem>>, vector<16xf32>,
        %sub3A_91 = arith.subf %get3A_90, %get3A_87 : vector<16xf32>
        %add3A_92 = arith.addf %add3A_82, %sub3A_91 : vector<16xf32>
        %mul3A_93 = arith.mulf %sub3A_91, %sub3A_91 : vector<16xf32>
        %add3A_94 = arith.addf %add3A_84, %mul3A_93 : vector<16xf32>
        %get3A_95 = arith.index_cast %scan3A_34 : i32 to index
        %get3A_96 = arith.constant 96 : index
        %get3A_97 = tpu.vector_load %arg9[%get3A_95, %get3A_96] {strides = array<i32>} : memref<200x144xf32, #tpu.memory_space<vmem>>, vector<16xf32>,
        %get3A_98 = arith.index_cast %scan3A_34 : i32 to index
        %get3A_99 = arith.constant 96 : index
        %get3A_100 = tpu.vector_load %arg10[%get3A_98, %get3A_99] {strides = array<i32>} : memref<200x144xf32, #tpu.memory_space<vmem>>, vector<16xf32>,
        %sub3A_101 = arith.subf %get3A_100, %get3A_97 : vector<16xf32>
        %add3A_102 = arith.addf %add3A_92, %sub3A_101 : vector<16xf32>
        %mul3A_103 = arith.mulf %sub3A_101, %sub3A_101 : vector<16xf32>
        %add3A_104 = arith.addf %add3A_94, %mul3A_103 : vector<16xf32>
        %get3A_105 = arith.index_cast %scan3A_34 : i32 to index
        %get3A_106 = arith.constant 112 : index
        %get3A_107 = tpu.vector_load %arg9[%get3A_105, %get3A_106] {strides = array<i32>} : memref<200x144xf32, #tpu.memory_space<vmem>>, vector<16xf32>,
        %get3A_108 = arith.index_cast %scan3A_34 : i32 to index
        %get3A_109 = arith.constant 112 : index
        %get3A_110 = tpu.vector_load %arg10[%get3A_108, %get3A_109] {strides = array<i32>} : memref<200x144xf32, #tpu.memory_space<vmem>>, vector<16xf32>,
        %sub3A_111 = arith.subf %get3A_110, %get3A_107 : vector<16xf32>
        %add3A_112 = arith.addf %add3A_102, %sub3A_111 : vector<16xf32>
        %mul3A_113 = arith.mulf %sub3A_111, %sub3A_111 : vector<16xf32>
        %add3A_114 = arith.addf %add3A_104, %mul3A_113 : vector<16xf32>
        %get3A_115 = arith.index_cast %scan3A_34 : i32 to index
        %get3A_116 = arith.constant 128 : index
        %get3A_117 = tpu.vector_load %arg9[%get3A_115, %get3A_116] {strides = array<i32>} : memref<200x144xf32, #tpu.memory_space<vmem>>, vector<16xf32>,
        %get3A_118 = arith.index_cast %scan3A_34 : i32 to index
        %get3A_119 = arith.constant 128 : index
        %get3A_120 = tpu.vector_load %arg10[%get3A_118, %get3A_119] {strides = array<i32>} : memref<200x144xf32, #tpu.memory_space<vmem>>, vector<16xf32>,
        %sub3A_121 = arith.subf %get3A_120, %get3A_117 : vector<16xf32>
        %add3A_122 = arith.addf %add3A_112, %sub3A_121 : vector<16xf32>
        %mul3A_123 = arith.mulf %sub3A_121, %sub3A_121 : vector<16xf32>
        %add3A_124 = arith.addf %add3A_114, %mul3A_123 : vector<16xf32>
        scf.yield %add3A_122, %add3A_124 : vector<16xf32>, vector<16xf32>
      }
      %scan3A_33 = arith.constant 200 : i32
      scf.yield %scan3A_32#0, %scan3A_32#1 : vector<16xf32>, vector<16xf32>
    }
    %scan3A_8 = arith.constant 50 : i32
    %swap3A = arith.constant 0 : index
    %swap3A_9 = tpu.vector_load %arg11[%swap3A] {strides = array<i32>} : memref<32xf32, #tpu.memory_space<vmem>>, vector<16xf32>,
    tpu.vector_store %arg11[%swap3A], %scan3A_7#0 {strides = array<i32>} : memref<32xf32, #tpu.memory_space<vmem>>, vector<16xf32>,
    %swap3A_10 = arith.constant 16 : index
    %swap3A_11 = tpu.vector_load %arg11[%swap3A_10] {strides = array<i32>} : memref<32xf32, #tpu.memory_space<vmem>>, vector<16xf32>,
    tpu.vector_store %arg11[%swap3A_10], %scan3A_7#1 {strides = array<i32>} : memref<32xf32, #tpu.memory_space<vmem>>, vector<16xf32>,
    "tpu.region"() ({
      %run_scoped3A = tpu.sem_alloc : memref<!tpu.dma_semaphore, #tpu.memory_space<semaphore_mem>>
      %dma_start3A = arith.constant 0 : i32
      %dma_start3A_12 = tpu.memref_slice %arg11[%dma_start3A] : memref<32xf32, #tpu.memory_space<vmem>> -> memref<16xf32, #tpu.memory_space<vmem>>
      %dma_start3A_13 = arith.constant 0 : i32
      %dma_start3A_14 = tpu.memref_slice %arg5[%add3A, %dma_start3A_13] : memref<32x16xf32, #tpu.memory_space<hbm>> -> memref<1x16xf32, #tpu.memory_space<hbm>>
      %dma_start3A_15 = tpu.memref_squeeze %dma_start3A_14 : memref<1x16xf32, #tpu.memory_space<hbm>> -> memref<16xf32, #tpu.memory_space<hbm>>
      %dma_start3A_16 = arith.constant 0 : i32
      %dma_start3A_17 = tpu.memref_slice %arg5[%add3A, %dma_start3A_16] : memref<32x16xf32, #tpu.memory_space<hbm>> -> memref<1x16xf32, #tpu.memory_space<hbm>>
      %dma_start3A_18 = tpu.memref_squeeze %dma_start3A_17 : memref<1x16xf32, #tpu.memory_space<hbm>> -> memref<16xf32, #tpu.memory_space<hbm>>
      %dma_start3A_19 = arith.constant 0 : i32
      %dma_start3A_20 = tpu.memref_slice %arg11[%dma_start3A_19] : memref<32xf32, #tpu.memory_space<vmem>> -> memref<16xf32, #tpu.memory_space<vmem>>
      tpu.enqueue_dma source(%dma_start3A_20 : memref<16xf32, #tpu.memory_space<vmem>>) target(%dma_start3A_18 : memref<16xf32, #tpu.memory_space<hbm>>) target_semaphore(%run_scoped3A : memref<!tpu.dma_semaphore, #tpu.memory_space<semaphore_mem>>)
      %dma_wait3A = arith.constant 0 : i32
      %dma_wait3A_21 = tpu.memref_slice %arg11[%dma_wait3A] : memref<32xf32, #tpu.memory_space<vmem>> -> memref<16xf32, #tpu.memory_space<vmem>>
      %dma_wait3A_22 = arith.constant 0 : i32
      %dma_wait3A_23 = tpu.memref_slice %arg5[%add3A, %dma_wait3A_22] : memref<32x16xf32, #tpu.memory_space<hbm>> -> memref<1x16xf32, #tpu.memory_space<hbm>>
      %dma_wait3A_24 = tpu.memref_squeeze %dma_wait3A_23 : memref<1x16xf32, #tpu.memory_space<hbm>> -> memref<16xf32, #tpu.memory_space<hbm>>
      %dma_wait3A_25 = arith.constant 0 : i32
      %dma_wait3A_26 = tpu.memref_slice %arg5[%add3A, %dma_wait3A_25] : memref<32x16xf32, #tpu.memory_space<hbm>> -> memref<1x16xf32, #tpu.memory_space<hbm>>
      %dma_wait3A_27 = tpu.memref_squeeze %dma_wait3A_26 : memref<1x16xf32, #tpu.memory_space<hbm>> -> memref<16xf32, #tpu.memory_space<hbm>>
      %dma_wait3A_28 = arith.constant 0 : i32
      %dma_wait3A_29 = tpu.memref_slice %arg11[%dma_wait3A_28] : memref<32xf32, #tpu.memory_space<vmem>> -> memref<16xf32, #tpu.memory_space<vmem>>
      tpu.wait_dma2 semaphore(%run_scoped3A : memref<!tpu.dma_semaphore, #tpu.memory_space<semaphore_mem>>) src(%dma_wait3A_29 : memref<16xf32, #tpu.memory_space<vmem>>) dst(%dma_wait3A_27 : memref<16xf32, #tpu.memory_space<hbm>>)
      tpu.yield
    }) : () -> ()
    "tpu.region"() ({
      %run_scoped3A = tpu.sem_alloc : memref<!tpu.dma_semaphore, #tpu.memory_space<semaphore_mem>>
      %dma_start3A = arith.constant 16 : i32
      %dma_start3A_12 = tpu.memref_slice %arg11[%dma_start3A] : memref<32xf32, #tpu.memory_space<vmem>> -> memref<16xf32, #tpu.memory_space<vmem>>
      %dma_start3A_13 = arith.constant 0 : i32
      %dma_start3A_14 = tpu.memref_slice %arg6[%add3A, %dma_start3A_13] : memref<32x16xf32, #tpu.memory_space<hbm>> -> memref<1x16xf32, #tpu.memory_space<hbm>>
      %dma_start3A_15 = tpu.memref_squeeze %dma_start3A_14 : memref<1x16xf32, #tpu.memory_space<hbm>> -> memref<16xf32, #tpu.memory_space<hbm>>
      %dma_start3A_16 = arith.constant 0 : i32
      %dma_start3A_17 = tpu.memref_slice %arg6[%add3A, %dma_start3A_16] : memref<32x16xf32, #tpu.memory_space<hbm>> -> memref<1x16xf32, #tpu.memory_space<hbm>>
      %dma_start3A_18 = tpu.memref_squeeze %dma_start3A_17 : memref<1x16xf32, #tpu.memory_space<hbm>> -> memref<16xf32, #tpu.memory_space<hbm>>
      %dma_start3A_19 = arith.constant 16 : i32
      %dma_start3A_20 = tpu.memref_slice %arg11[%dma_start3A_19] : memref<32xf32, #tpu.memory_space<vmem>> -> memref<16xf32, #tpu.memory_space<vmem>>
      tpu.enqueue_dma source(%dma_start3A_20 : memref<16xf32, #tpu.memory_space<vmem>>) target(%dma_start3A_18 : memref<16xf32, #tpu.memory_space<hbm>>) target_semaphore(%run_scoped3A : memref<!tpu.dma_semaphore, #tpu.memory_space<semaphore_mem>>)
      %dma_wait3A = arith.constant 16 : i32
      %dma_wait3A_21 = tpu.memref_slice %arg11[%dma_wait3A] : memref<32xf32, #tpu.memory_space<vmem>> -> memref<16xf32, #tpu.memory_space<vmem>>
      %dma_wait3A_22 = arith.constant 0 : i32
      %dma_wait3A_23 = tpu.memref_slice %arg6[%add3A, %dma_wait3A_22] : memref<32x16xf32, #tpu.memory_space<hbm>> -> memref<1x16xf32, #tpu.memory_space<hbm>>
      %dma_wait3A_24 = tpu.memref_squeeze %dma_wait3A_23 : memref<1x16xf32, #tpu.memory_space<hbm>> -> memref<16xf32, #tpu.memory_space<hbm>>
      %dma_wait3A_25 = arith.constant 0 : i32
      %dma_wait3A_26 = tpu.memref_slice %arg6[%add3A, %dma_wait3A_25] : memref<32x16xf32, #tpu.memory_space<hbm>> -> memref<1x16xf32, #tpu.memory_space<hbm>>
      %dma_wait3A_27 = tpu.memref_squeeze %dma_wait3A_26 : memref<1x16xf32, #tpu.memory_space<hbm>> -> memref<16xf32, #tpu.memory_space<hbm>>
      %dma_wait3A_28 = arith.constant 16 : i32
      %dma_wait3A_29 = tpu.memref_slice %arg11[%dma_wait3A_28] : memref<32xf32, #tpu.memory_space<vmem>> -> memref<16xf32, #tpu.memory_space<vmem>>
      tpu.wait_dma2 semaphore(%run_scoped3A : memref<!tpu.dma_semaphore, #tpu.memory_space<semaphore_mem>>) src(%dma_wait3A_29 : memref<16xf32, #tpu.memory_space<vmem>>) dst(%dma_wait3A_27 : memref<16xf32, #tpu.memory_space<hbm>>)
      tpu.yield
    }) : () -> ()
    return
  }
}

#map = affine_map<(d0, d1) -> (0, 0)>
#map1 = affine_map<(d0, d1) -> (0)>
module attributes {stable_mosaic.version = 14 : i64} {
  func.func @_pass_b_body(%arg0: i32, %arg1: i32, %arg2: memref<10240x128xf32, #tpu.memory_space<hbm>>, %arg3: memref<10240x128xf32, #tpu.memory_space<hbm>>, %arg4: memref<320000xi32, #tpu.memory_space<hbm>>, %arg5: memref<320000xi32, #tpu.memory_space<hbm>>, %arg6: memref<320000x128xf32, #tpu.memory_space<hbm>>, %arg7: memref<32x256xf32, #tpu.memory_space<hbm>>, %arg8: memref<200xi32, #tpu.memory_space<vmem>>, %arg9: memref<200xi32, #tpu.memory_space<vmem>>, %arg10: memref<200x128xf32, #tpu.memory_space<vmem>>, %arg11: memref<200x128xf32, #tpu.memory_space<vmem>>, %arg12: memref<200x128xf32, #tpu.memory_space<vmem>>, %arg13: memref<256xf32, #tpu.memory_space<vmem>>, %arg14: memref<!tpu.dma_semaphore, #tpu.memory_space<semaphore_mem>>, %arg15: memref<!tpu.dma_semaphore, #tpu.memory_space<semaphore_mem>>) attributes {dimension_semantics = [#tpu.dimension_semantics<core_parallel>, #tpu.dimension_semantics<subcore_parallel>], iteration_bounds = array<i64: 2, 16>, scalar_prefetch = 0 : i64, scratch_operands = 8 : i64, tpu.core_type = #tpu.core_type<sc_vector_subcore>, window_params = [{transform_indices = #map}, {transform_indices = #map}, {transform_indices = #map1}, {transform_indices = #map1}, {transform_indices = #map}, {transform_indices = #map}]} {
    %mul3A = arith.constant 2 : i32
    %mul3A_0 = arith.muli %arg1, %mul3A : i32
    %add3A = arith.addi %mul3A_0, %arg0 : i32
    %mul3A_1 = arith.constant 10000 : i32
    %mul3A_2 = arith.muli %add3A, %mul3A_1 : i32
    %broadcast_in_dim3A = arith.constant 0.000000e+00 : f32
    %broadcast_in_dim3A_3 = vector.broadcast %broadcast_in_dim3A : f32 to vector<16xf32>
    %scan3A = arith.constant 0 : i32
    %scan3A_4 = arith.constant 50 : i32
    %scan3A_5 = arith.addi %scan3A, %scan3A_4 : i32
    %scan3A_6 = arith.constant 1 : i32
    %scan3A_7:16 = scf.for %scan3A_72 = %scan3A to %scan3A_5 step %scan3A_6 iter_args(%scan3A_73 = %broadcast_in_dim3A_3, %scan3A_74 = %broadcast_in_dim3A_3, %scan3A_75 = %broadcast_in_dim3A_3, %scan3A_76 = %broadcast_in_dim3A_3, %scan3A_77 = %broadcast_in_dim3A_3, %scan3A_78 = %broadcast_in_dim3A_3, %scan3A_79 = %broadcast_in_dim3A_3, %scan3A_80 = %broadcast_in_dim3A_3, %scan3A_81 = %broadcast_in_dim3A_3, %scan3A_82 = %broadcast_in_dim3A_3, %scan3A_83 = %broadcast_in_dim3A_3, %scan3A_84 = %broadcast_in_dim3A_3, %scan3A_85 = %broadcast_in_dim3A_3, %scan3A_86 = %broadcast_in_dim3A_3, %scan3A_87 = %broadcast_in_dim3A_3, %scan3A_88 = %broadcast_in_dim3A_3) -> (vector<16xf32>, vector<16xf32>, vector<16xf32>, vector<16xf32>, vector<16xf32>, vector<16xf32>, vector<16xf32>, vector<16xf32>, vector<16xf32>, vector<16xf32>, vector<16xf32>, vector<16xf32>, vector<16xf32>, vector<16xf32>, vector<16xf32>, vector<16xf32>)  : i32 {
      %mul3A_89 = arith.constant 200 : i32
      %mul3A_90 = arith.muli %scan3A_72, %mul3A_89 : i32
      %add3A_91 = arith.addi %mul3A_2, %mul3A_90 : i32
      "tpu.region"() ({
        %run_scoped3A = tpu.sem_alloc : memref<!tpu.dma_semaphore, #tpu.memory_space<semaphore_mem>>
        %dma_start3A_108 = tpu.memref_slice %arg4[%add3A_91] : memref<320000xi32, #tpu.memory_space<hbm>> -> memref<200xi32, #tpu.memory_space<hbm>>
        %dma_start3A_109 = tpu.memref_slice %arg4[%add3A_91] : memref<320000xi32, #tpu.memory_space<hbm>> -> memref<200xi32, #tpu.memory_space<hbm>>
        tpu.enqueue_dma source(%dma_start3A_109 : memref<200xi32, #tpu.memory_space<hbm>>) target(%arg8 : memref<200xi32, #tpu.memory_space<vmem>>) target_semaphore(%run_scoped3A : memref<!tpu.dma_semaphore, #tpu.memory_space<semaphore_mem>>)
        %dma_wait3A_110 = tpu.memref_slice %arg4[%add3A_91] : memref<320000xi32, #tpu.memory_space<hbm>> -> memref<200xi32, #tpu.memory_space<hbm>>
        %dma_wait3A_111 = tpu.memref_slice %arg4[%add3A_91] : memref<320000xi32, #tpu.memory_space<hbm>> -> memref<200xi32, #tpu.memory_space<hbm>>
        tpu.wait_dma2 semaphore(%run_scoped3A : memref<!tpu.dma_semaphore, #tpu.memory_space<semaphore_mem>>) src(%dma_wait3A_111 : memref<200xi32, #tpu.memory_space<hbm>>) dst(%arg8 : memref<200xi32, #tpu.memory_space<vmem>>)
        tpu.yield
      }) : () -> ()
      "tpu.region"() ({
        %run_scoped3A = tpu.sem_alloc : memref<!tpu.dma_semaphore, #tpu.memory_space<semaphore_mem>>
        %dma_start3A_108 = tpu.memref_slice %arg5[%add3A_91] : memref<320000xi32, #tpu.memory_space<hbm>> -> memref<200xi32, #tpu.memory_space<hbm>>
        %dma_start3A_109 = tpu.memref_slice %arg5[%add3A_91] : memref<320000xi32, #tpu.memory_space<hbm>> -> memref<200xi32, #tpu.memory_space<hbm>>
        tpu.enqueue_dma source(%dma_start3A_109 : memref<200xi32, #tpu.memory_space<hbm>>) target(%arg9 : memref<200xi32, #tpu.memory_space<vmem>>) target_semaphore(%run_scoped3A : memref<!tpu.dma_semaphore, #tpu.memory_space<semaphore_mem>>)
        %dma_wait3A_110 = tpu.memref_slice %arg5[%add3A_91] : memref<320000xi32, #tpu.memory_space<hbm>> -> memref<200xi32, #tpu.memory_space<hbm>>
        %dma_wait3A_111 = tpu.memref_slice %arg5[%add3A_91] : memref<320000xi32, #tpu.memory_space<hbm>> -> memref<200xi32, #tpu.memory_space<hbm>>
        tpu.wait_dma2 semaphore(%run_scoped3A : memref<!tpu.dma_semaphore, #tpu.memory_space<semaphore_mem>>) src(%dma_wait3A_111 : memref<200xi32, #tpu.memory_space<hbm>>) dst(%arg9 : memref<200xi32, #tpu.memory_space<vmem>>)
        tpu.yield
      }) : () -> ()
      %dma_start3A = arith.constant 0 : i32
      %dma_start3A_92 = arith.constant 0 : i32
      %dma_start3A_93 = tpu.memref_slice %arg2[%dma_start3A, %dma_start3A_92] : memref<10240x128xf32, #tpu.memory_space<hbm>> -> memref<10240x128xf32, #tpu.memory_space<hbm>>
      tpu.enqueue_indirect_dma source(%dma_start3A_93 : memref<10240x128xf32, #tpu.memory_space<hbm>>) target(%arg10 : memref<200x128xf32, #tpu.memory_space<vmem>>) offsets(%arg8 : memref<200xi32, #tpu.memory_space<vmem>>) semaphore(%arg14 : memref<!tpu.dma_semaphore, #tpu.memory_space<semaphore_mem>>)
      %dma_start3A_94 = arith.constant 0 : i32
      %dma_start3A_95 = arith.constant 0 : i32
      %dma_start3A_96 = tpu.memref_slice %arg3[%dma_start3A_94, %dma_start3A_95] : memref<10240x128xf32, #tpu.memory_space<hbm>> -> memref<10240x128xf32, #tpu.memory_space<hbm>>
      tpu.enqueue_indirect_dma source(%dma_start3A_96 : memref<10240x128xf32, #tpu.memory_space<hbm>>) target(%arg11 : memref<200x128xf32, #tpu.memory_space<vmem>>) offsets(%arg9 : memref<200xi32, #tpu.memory_space<vmem>>) semaphore(%arg15 : memref<!tpu.dma_semaphore, #tpu.memory_space<semaphore_mem>>)
      %dma_wait3A = arith.constant 0 : i32
      %dma_wait3A_97 = arith.constant 0 : i32
      %dma_wait3A_98 = tpu.memref_slice %arg2[%dma_wait3A, %dma_wait3A_97] : memref<10240x128xf32, #tpu.memory_space<hbm>> -> memref<10240x128xf32, #tpu.memory_space<hbm>>
      tpu.wait_indirect_dma semaphore(%arg14 : memref<!tpu.dma_semaphore, #tpu.memory_space<semaphore_mem>>) src(%dma_wait3A_98 : memref<10240x128xf32, #tpu.memory_space<hbm>>) dst(%arg10 : memref<200x128xf32, #tpu.memory_space<vmem>>)
      %dma_wait3A_99 = arith.constant 0 : i32
      %dma_wait3A_100 = arith.constant 0 : i32
      %dma_wait3A_101 = tpu.memref_slice %arg3[%dma_wait3A_99, %dma_wait3A_100] : memref<10240x128xf32, #tpu.memory_space<hbm>> -> memref<10240x128xf32, #tpu.memory_space<hbm>>
      tpu.wait_indirect_dma semaphore(%arg15 : memref<!tpu.dma_semaphore, #tpu.memory_space<semaphore_mem>>) src(%dma_wait3A_101 : memref<10240x128xf32, #tpu.memory_space<hbm>>) dst(%arg11 : memref<200x128xf32, #tpu.memory_space<vmem>>)
      %scan3A_102 = arith.constant 0 : i32
      %scan3A_103 = arith.constant 200 : i32
      %scan3A_104 = arith.addi %scan3A_102, %scan3A_103 : i32
      %scan3A_105 = arith.constant 1 : i32
      %scan3A_106:16 = scf.for %scan3A_108 = %scan3A_102 to %scan3A_104 step %scan3A_105 iter_args(%scan3A_109 = %scan3A_73, %scan3A_110 = %scan3A_74, %scan3A_111 = %scan3A_75, %scan3A_112 = %scan3A_76, %scan3A_113 = %scan3A_77, %scan3A_114 = %scan3A_78, %scan3A_115 = %scan3A_79, %scan3A_116 = %scan3A_80, %scan3A_117 = %scan3A_81, %scan3A_118 = %scan3A_82, %scan3A_119 = %scan3A_83, %scan3A_120 = %scan3A_84, %scan3A_121 = %scan3A_85, %scan3A_122 = %scan3A_86, %scan3A_123 = %scan3A_87, %scan3A_124 = %scan3A_88) -> (vector<16xf32>, vector<16xf32>, vector<16xf32>, vector<16xf32>, vector<16xf32>, vector<16xf32>, vector<16xf32>, vector<16xf32>, vector<16xf32>, vector<16xf32>, vector<16xf32>, vector<16xf32>, vector<16xf32>, vector<16xf32>, vector<16xf32>, vector<16xf32>)  : i32 {
        %get3A = arith.index_cast %scan3A_108 : i32 to index
        %get3A_125 = arith.constant 0 : index
        %get3A_126 = tpu.vector_load %arg10[%get3A, %get3A_125] {strides = array<i32>} : memref<200x128xf32, #tpu.memory_space<vmem>>, vector<1x16xf32>,
        %get3A_127 = vector.shape_cast %get3A_126 : vector<1x16xf32> to vector<16xf32>
        %get3A_128 = arith.index_cast %scan3A_108 : i32 to index
        %get3A_129 = arith.constant 0 : index
        %get3A_130 = tpu.vector_load %arg11[%get3A_128, %get3A_129] {strides = array<i32>} : memref<200x128xf32, #tpu.memory_space<vmem>>, vector<1x16xf32>,
        %get3A_131 = vector.shape_cast %get3A_130 : vector<1x16xf32> to vector<16xf32>
        %add3A_132 = arith.addf %get3A_127, %get3A_131 : vector<16xf32>
        %swap3A_133 = arith.index_cast %scan3A_108 : i32 to index
        %swap3A_134 = arith.constant 0 : index
        %swap3A_135 = tpu.vector_load %arg12[%swap3A_133, %swap3A_134] {strides = array<i32>} : memref<200x128xf32, #tpu.memory_space<vmem>>, vector<1x16xf32>,
        %swap3A_136 = vector.shape_cast %swap3A_135 : vector<1x16xf32> to vector<16xf32>
        %swap3A_137 = vector.shape_cast %add3A_132 : vector<16xf32> to vector<1x16xf32>
        tpu.vector_store %arg12[%swap3A_133, %swap3A_134], %swap3A_137 {strides = array<i32>} : memref<200x128xf32, #tpu.memory_space<vmem>>, vector<1x16xf32>,
        %add3A_138 = arith.addf %scan3A_109, %add3A_132 : vector<16xf32>
        %mul3A_139 = arith.mulf %add3A_132, %add3A_132 : vector<16xf32>
        %add3A_140 = arith.addf %scan3A_110, %mul3A_139 : vector<16xf32>
        %get3A_141 = arith.index_cast %scan3A_108 : i32 to index
        %get3A_142 = arith.constant 16 : index
        %get3A_143 = tpu.vector_load %arg10[%get3A_141, %get3A_142] {strides = array<i32>} : memref<200x128xf32, #tpu.memory_space<vmem>>, vector<1x16xf32>,
        %get3A_144 = vector.shape_cast %get3A_143 : vector<1x16xf32> to vector<16xf32>
        %get3A_145 = arith.index_cast %scan3A_108 : i32 to index
        %get3A_146 = arith.constant 16 : index
        %get3A_147 = tpu.vector_load %arg11[%get3A_145, %get3A_146] {strides = array<i32>} : memref<200x128xf32, #tpu.memory_space<vmem>>, vector<1x16xf32>,
        %get3A_148 = vector.shape_cast %get3A_147 : vector<1x16xf32> to vector<16xf32>
        %add3A_149 = arith.addf %get3A_144, %get3A_148 : vector<16xf32>
        %swap3A_150 = arith.index_cast %scan3A_108 : i32 to index
        %swap3A_151 = arith.constant 16 : index
        %swap3A_152 = tpu.vector_load %arg12[%swap3A_150, %swap3A_151] {strides = array<i32>} : memref<200x128xf32, #tpu.memory_space<vmem>>, vector<1x16xf32>,
        %swap3A_153 = vector.shape_cast %swap3A_152 : vector<1x16xf32> to vector<16xf32>
        %swap3A_154 = vector.shape_cast %add3A_149 : vector<16xf32> to vector<1x16xf32>
        tpu.vector_store %arg12[%swap3A_150, %swap3A_151], %swap3A_154 {strides = array<i32>} : memref<200x128xf32, #tpu.memory_space<vmem>>, vector<1x16xf32>,
        %add3A_155 = arith.addf %scan3A_111, %add3A_149 : vector<16xf32>
        %mul3A_156 = arith.mulf %add3A_149, %add3A_149 : vector<16xf32>
        %add3A_157 = arith.addf %scan3A_112, %mul3A_156 : vector<16xf32>
        %get3A_158 = arith.index_cast %scan3A_108 : i32 to index
        %get3A_159 = arith.constant 32 : index
        %get3A_160 = tpu.vector_load %arg10[%get3A_158, %get3A_159] {strides = array<i32>} : memref<200x128xf32, #tpu.memory_space<vmem>>, vector<1x16xf32>,
        %get3A_161 = vector.shape_cast %get3A_160 : vector<1x16xf32> to vector<16xf32>
        %get3A_162 = arith.index_cast %scan3A_108 : i32 to index
        %get3A_163 = arith.constant 32 : index
        %get3A_164 = tpu.vector_load %arg11[%get3A_162, %get3A_163] {strides = array<i32>} : memref<200x128xf32, #tpu.memory_space<vmem>>, vector<1x16xf32>,
        %get3A_165 = vector.shape_cast %get3A_164 : vector<1x16xf32> to vector<16xf32>
        %add3A_166 = arith.addf %get3A_161, %get3A_165 : vector<16xf32>
        %swap3A_167 = arith.index_cast %scan3A_108 : i32 to index
        %swap3A_168 = arith.constant 32 : index
        %swap3A_169 = tpu.vector_load %arg12[%swap3A_167, %swap3A_168] {strides = array<i32>} : memref<200x128xf32, #tpu.memory_space<vmem>>, vector<1x16xf32>,
        %swap3A_170 = vector.shape_cast %swap3A_169 : vector<1x16xf32> to vector<16xf32>
        %swap3A_171 = vector.shape_cast %add3A_166 : vector<16xf32> to vector<1x16xf32>
        tpu.vector_store %arg12[%swap3A_167, %swap3A_168], %swap3A_171 {strides = array<i32>} : memref<200x128xf32, #tpu.memory_space<vmem>>, vector<1x16xf32>,
        %add3A_172 = arith.addf %scan3A_113, %add3A_166 : vector<16xf32>
        %mul3A_173 = arith.mulf %add3A_166, %add3A_166 : vector<16xf32>
        %add3A_174 = arith.addf %scan3A_114, %mul3A_173 : vector<16xf32>
        %get3A_175 = arith.index_cast %scan3A_108 : i32 to index
        %get3A_176 = arith.constant 48 : index
        %get3A_177 = tpu.vector_load %arg10[%get3A_175, %get3A_176] {strides = array<i32>} : memref<200x128xf32, #tpu.memory_space<vmem>>, vector<1x16xf32>,
        %get3A_178 = vector.shape_cast %get3A_177 : vector<1x16xf32> to vector<16xf32>
        %get3A_179 = arith.index_cast %scan3A_108 : i32 to index
        %get3A_180 = arith.constant 48 : index
        %get3A_181 = tpu.vector_load %arg11[%get3A_179, %get3A_180] {strides = array<i32>} : memref<200x128xf32, #tpu.memory_space<vmem>>, vector<1x16xf32>,
        %get3A_182 = vector.shape_cast %get3A_181 : vector<1x16xf32> to vector<16xf32>
        %add3A_183 = arith.addf %get3A_178, %get3A_182 : vector<16xf32>
        %swap3A_184 = arith.index_cast %scan3A_108 : i32 to index
        %swap3A_185 = arith.constant 48 : index
        %swap3A_186 = tpu.vector_load %arg12[%swap3A_184, %swap3A_185] {strides = array<i32>} : memref<200x128xf32, #tpu.memory_space<vmem>>, vector<1x16xf32>,
        %swap3A_187 = vector.shape_cast %swap3A_186 : vector<1x16xf32> to vector<16xf32>
        %swap3A_188 = vector.shape_cast %add3A_183 : vector<16xf32> to vector<1x16xf32>
        tpu.vector_store %arg12[%swap3A_184, %swap3A_185], %swap3A_188 {strides = array<i32>} : memref<200x128xf32, #tpu.memory_space<vmem>>, vector<1x16xf32>,
        %add3A_189 = arith.addf %scan3A_115, %add3A_183 : vector<16xf32>
        %mul3A_190 = arith.mulf %add3A_183, %add3A_183 : vector<16xf32>
        %add3A_191 = arith.addf %scan3A_116, %mul3A_190 : vector<16xf32>
        %get3A_192 = arith.index_cast %scan3A_108 : i32 to index
        %get3A_193 = arith.constant 64 : index
        %get3A_194 = tpu.vector_load %arg10[%get3A_192, %get3A_193] {strides = array<i32>} : memref<200x128xf32, #tpu.memory_space<vmem>>, vector<1x16xf32>,
        %get3A_195 = vector.shape_cast %get3A_194 : vector<1x16xf32> to vector<16xf32>
        %get3A_196 = arith.index_cast %scan3A_108 : i32 to index
        %get3A_197 = arith.constant 64 : index
        %get3A_198 = tpu.vector_load %arg11[%get3A_196, %get3A_197] {strides = array<i32>} : memref<200x128xf32, #tpu.memory_space<vmem>>, vector<1x16xf32>,
        %get3A_199 = vector.shape_cast %get3A_198 : vector<1x16xf32> to vector<16xf32>
        %add3A_200 = arith.addf %get3A_195, %get3A_199 : vector<16xf32>
        %swap3A_201 = arith.index_cast %scan3A_108 : i32 to index
        %swap3A_202 = arith.constant 64 : index
        %swap3A_203 = tpu.vector_load %arg12[%swap3A_201, %swap3A_202] {strides = array<i32>} : memref<200x128xf32, #tpu.memory_space<vmem>>, vector<1x16xf32>,
        %swap3A_204 = vector.shape_cast %swap3A_203 : vector<1x16xf32> to vector<16xf32>
        %swap3A_205 = vector.shape_cast %add3A_200 : vector<16xf32> to vector<1x16xf32>
        tpu.vector_store %arg12[%swap3A_201, %swap3A_202], %swap3A_205 {strides = array<i32>} : memref<200x128xf32, #tpu.memory_space<vmem>>, vector<1x16xf32>,
        %add3A_206 = arith.addf %scan3A_117, %add3A_200 : vector<16xf32>
        %mul3A_207 = arith.mulf %add3A_200, %add3A_200 : vector<16xf32>
        %add3A_208 = arith.addf %scan3A_118, %mul3A_207 : vector<16xf32>
        %get3A_209 = arith.index_cast %scan3A_108 : i32 to index
        %get3A_210 = arith.constant 80 : index
        %get3A_211 = tpu.vector_load %arg10[%get3A_209, %get3A_210] {strides = array<i32>} : memref<200x128xf32, #tpu.memory_space<vmem>>, vector<1x16xf32>,
        %get3A_212 = vector.shape_cast %get3A_211 : vector<1x16xf32> to vector<16xf32>
        %get3A_213 = arith.index_cast %scan3A_108 : i32 to index
        %get3A_214 = arith.constant 80 : index
        %get3A_215 = tpu.vector_load %arg11[%get3A_213, %get3A_214] {strides = array<i32>} : memref<200x128xf32, #tpu.memory_space<vmem>>, vector<1x16xf32>,
        %get3A_216 = vector.shape_cast %get3A_215 : vector<1x16xf32> to vector<16xf32>
        %add3A_217 = arith.addf %get3A_212, %get3A_216 : vector<16xf32>
        %swap3A_218 = arith.index_cast %scan3A_108 : i32 to index
        %swap3A_219 = arith.constant 80 : index
        %swap3A_220 = tpu.vector_load %arg12[%swap3A_218, %swap3A_219] {strides = array<i32>} : memref<200x128xf32, #tpu.memory_space<vmem>>, vector<1x16xf32>,
        %swap3A_221 = vector.shape_cast %swap3A_220 : vector<1x16xf32> to vector<16xf32>
        %swap3A_222 = vector.shape_cast %add3A_217 : vector<16xf32> to vector<1x16xf32>
        tpu.vector_store %arg12[%swap3A_218, %swap3A_219], %swap3A_222 {strides = array<i32>} : memref<200x128xf32, #tpu.memory_space<vmem>>, vector<1x16xf32>,
        %add3A_223 = arith.addf %scan3A_119, %add3A_217 : vector<16xf32>
        %mul3A_224 = arith.mulf %add3A_217, %add3A_217 : vector<16xf32>
        %add3A_225 = arith.addf %scan3A_120, %mul3A_224 : vector<16xf32>
        %get3A_226 = arith.index_cast %scan3A_108 : i32 to index
        %get3A_227 = arith.constant 96 : index
        %get3A_228 = tpu.vector_load %arg10[%get3A_226, %get3A_227] {strides = array<i32>} : memref<200x128xf32, #tpu.memory_space<vmem>>, vector<1x16xf32>,
        %get3A_229 = vector.shape_cast %get3A_228 : vector<1x16xf32> to vector<16xf32>
        %get3A_230 = arith.index_cast %scan3A_108 : i32 to index
        %get3A_231 = arith.constant 96 : index
        %get3A_232 = tpu.vector_load %arg11[%get3A_230, %get3A_231] {strides = array<i32>} : memref<200x128xf32, #tpu.memory_space<vmem>>, vector<1x16xf32>,
        %get3A_233 = vector.shape_cast %get3A_232 : vector<1x16xf32> to vector<16xf32>
        %add3A_234 = arith.addf %get3A_229, %get3A_233 : vector<16xf32>
        %swap3A_235 = arith.index_cast %scan3A_108 : i32 to index
        %swap3A_236 = arith.constant 96 : index
        %swap3A_237 = tpu.vector_load %arg12[%swap3A_235, %swap3A_236] {strides = array<i32>} : memref<200x128xf32, #tpu.memory_space<vmem>>, vector<1x16xf32>,
        %swap3A_238 = vector.shape_cast %swap3A_237 : vector<1x16xf32> to vector<16xf32>
        %swap3A_239 = vector.shape_cast %add3A_234 : vector<16xf32> to vector<1x16xf32>
        tpu.vector_store %arg12[%swap3A_235, %swap3A_236], %swap3A_239 {strides = array<i32>} : memref<200x128xf32, #tpu.memory_space<vmem>>, vector<1x16xf32>,
        %add3A_240 = arith.addf %scan3A_121, %add3A_234 : vector<16xf32>
        %mul3A_241 = arith.mulf %add3A_234, %add3A_234 : vector<16xf32>
        %add3A_242 = arith.addf %scan3A_122, %mul3A_241 : vector<16xf32>
        %get3A_243 = arith.index_cast %scan3A_108 : i32 to index
        %get3A_244 = arith.constant 112 : index
        %get3A_245 = tpu.vector_load %arg10[%get3A_243, %get3A_244] {strides = array<i32>} : memref<200x128xf32, #tpu.memory_space<vmem>>, vector<1x16xf32>,
        %get3A_246 = vector.shape_cast %get3A_245 : vector<1x16xf32> to vector<16xf32>
        %get3A_247 = arith.index_cast %scan3A_108 : i32 to index
        %get3A_248 = arith.constant 112 : index
        %get3A_249 = tpu.vector_load %arg11[%get3A_247, %get3A_248] {strides = array<i32>} : memref<200x128xf32, #tpu.memory_space<vmem>>, vector<1x16xf32>,
        %get3A_250 = vector.shape_cast %get3A_249 : vector<1x16xf32> to vector<16xf32>
        %add3A_251 = arith.addf %get3A_246, %get3A_250 : vector<16xf32>
        %swap3A_252 = arith.index_cast %scan3A_108 : i32 to index
        %swap3A_253 = arith.constant 112 : index
        %swap3A_254 = tpu.vector_load %arg12[%swap3A_252, %swap3A_253] {strides = array<i32>} : memref<200x128xf32, #tpu.memory_space<vmem>>, vector<1x16xf32>,
        %swap3A_255 = vector.shape_cast %swap3A_254 : vector<1x16xf32> to vector<16xf32>
        %swap3A_256 = vector.shape_cast %add3A_251 : vector<16xf32> to vector<1x16xf32>
        tpu.vector_store %arg12[%swap3A_252, %swap3A_253], %swap3A_256 {strides = array<i32>} : memref<200x128xf32, #tpu.memory_space<vmem>>, vector<1x16xf32>,
        %add3A_257 = arith.addf %scan3A_123, %add3A_251 : vector<16xf32>
        %mul3A_258 = arith.mulf %add3A_251, %add3A_251 : vector<16xf32>
        %add3A_259 = arith.addf %scan3A_124, %mul3A_258 : vector<16xf32>
        scf.yield %add3A_138, %add3A_140, %add3A_155, %add3A_157, %add3A_172, %add3A_174, %add3A_189, %add3A_191, %add3A_206, %add3A_208, %add3A_223, %add3A_225, %add3A_240, %add3A_242, %add3A_257, %add3A_259 : vector<16xf32>, vector<16xf32>, vector<16xf32>, vector<16xf32>, vector<16xf32>, vector<16xf32>, vector<16xf32>, vector<16xf32>, vector<16xf32>, vector<16xf32>, vector<16xf32>, vector<16xf32>, vector<16xf32>, vector<16xf32>, vector<16xf32>, vector<16xf32>
      }
      %scan3A_107 = arith.constant 200 : i32
      "tpu.region"() ({
        %run_scoped3A = tpu.sem_alloc : memref<!tpu.dma_semaphore, #tpu.memory_space<semaphore_mem>>
        %dma_start3A_108 = arith.constant 0 : i32
        %dma_start3A_109 = tpu.memref_slice %arg6[%add3A_91, %dma_start3A_108] : memref<320000x128xf32, #tpu.memory_space<hbm>> -> memref<200x128xf32, #tpu.memory_space<hbm>>
        %dma_start3A_110 = arith.constant 0 : i32
        %dma_start3A_111 = tpu.memref_slice %arg6[%add3A_91, %dma_start3A_110] : memref<320000x128xf32, #tpu.memory_space<hbm>> -> memref<200x128xf32, #tpu.memory_space<hbm>>
        tpu.enqueue_dma source(%arg12 : memref<200x128xf32, #tpu.memory_space<vmem>>) target(%dma_start3A_111 : memref<200x128xf32, #tpu.memory_space<hbm>>) target_semaphore(%run_scoped3A : memref<!tpu.dma_semaphore, #tpu.memory_space<semaphore_mem>>)
        %dma_wait3A_112 = arith.constant 0 : i32
        %dma_wait3A_113 = tpu.memref_slice %arg6[%add3A_91, %dma_wait3A_112] : memref<320000x128xf32, #tpu.memory_space<hbm>> -> memref<200x128xf32, #tpu.memory_space<hbm>>
        %dma_wait3A_114 = arith.constant 0 : i32
        %dma_wait3A_115 = tpu.memref_slice %arg6[%add3A_91, %dma_wait3A_114] : memref<320000x128xf32, #tpu.memory_space<hbm>> -> memref<200x128xf32, #tpu.memory_space<hbm>>
        tpu.wait_dma2 semaphore(%run_scoped3A : memref<!tpu.dma_semaphore, #tpu.memory_space<semaphore_mem>>) src(%arg12 : memref<200x128xf32, #tpu.memory_space<vmem>>) dst(%dma_wait3A_115 : memref<200x128xf32, #tpu.memory_space<hbm>>)
        tpu.yield
      }) : () -> ()
      scf.yield %scan3A_106#0, %scan3A_106#1, %scan3A_106#2, %scan3A_106#3, %scan3A_106#4, %scan3A_106#5, %scan3A_106#6, %scan3A_106#7, %scan3A_106#8, %scan3A_106#9, %scan3A_106#10, %scan3A_106#11, %scan3A_106#12, %scan3A_106#13, %scan3A_106#14, %scan3A_106#15 : vector<16xf32>, vector<16xf32>, vector<16xf32>, vector<16xf32>, vector<16xf32>, vector<16xf32>, vector<16xf32>, vector<16xf32>, vector<16xf32>, vector<16xf32>, vector<16xf32>, vector<16xf32>, vector<16xf32>, vector<16xf32>, vector<16xf32>, vector<16xf32>
    }
    %scan3A_8 = arith.constant 50 : i32
    %swap3A = arith.constant 0 : index
    %swap3A_9 = tpu.vector_load %arg13[%swap3A] {strides = array<i32>} : memref<256xf32, #tpu.memory_space<vmem>>, vector<16xf32>,
    %swap3A_10 = vector.shape_cast %swap3A_9 : vector<16xf32> to vector<16xf32>
    %swap3A_11 = vector.shape_cast %scan3A_7#0 : vector<16xf32> to vector<16xf32>
    tpu.vector_store %arg13[%swap3A], %swap3A_11 {strides = array<i32>} : memref<256xf32, #tpu.memory_space<vmem>>, vector<16xf32>,
    %swap3A_12 = arith.constant 128 : index
    %swap3A_13 = tpu.vector_load %arg13[%swap3A_12] {strides = array<i32>} : memref<256xf32, #tpu.memory_space<vmem>>, vector<16xf32>,
    %swap3A_14 = vector.shape_cast %swap3A_13 : vector<16xf32> to vector<16xf32>
    %swap3A_15 = vector.shape_cast %scan3A_7#1 : vector<16xf32> to vector<16xf32>
    tpu.vector_store %arg13[%swap3A_12], %swap3A_15 {strides = array<i32>} : memref<256xf32, #tpu.memory_space<vmem>>, vector<16xf32>,
    %swap3A_16 = arith.constant 16 : index
    %swap3A_17 = tpu.vector_load %arg13[%swap3A_16] {strides = array<i32>} : memref<256xf32, #tpu.memory_space<vmem>>, vector<16xf32>,
    %swap3A_18 = vector.shape_cast %swap3A_17 : vector<16xf32> to vector<16xf32>
    %swap3A_19 = vector.shape_cast %scan3A_7#2 : vector<16xf32> to vector<16xf32>
    tpu.vector_store %arg13[%swap3A_16], %swap3A_19 {strides = array<i32>} : memref<256xf32, #tpu.memory_space<vmem>>, vector<16xf32>,
    %swap3A_20 = arith.constant 144 : index
    %swap3A_21 = tpu.vector_load %arg13[%swap3A_20] {strides = array<i32>} : memref<256xf32, #tpu.memory_space<vmem>>, vector<16xf32>,
    %swap3A_22 = vector.shape_cast %swap3A_21 : vector<16xf32> to vector<16xf32>
    %swap3A_23 = vector.shape_cast %scan3A_7#3 : vector<16xf32> to vector<16xf32>
    tpu.vector_store %arg13[%swap3A_20], %swap3A_23 {strides = array<i32>} : memref<256xf32, #tpu.memory_space<vmem>>, vector<16xf32>,
    %swap3A_24 = arith.constant 32 : index
    %swap3A_25 = tpu.vector_load %arg13[%swap3A_24] {strides = array<i32>} : memref<256xf32, #tpu.memory_space<vmem>>, vector<16xf32>,
    %swap3A_26 = vector.shape_cast %swap3A_25 : vector<16xf32> to vector<16xf32>
    %swap3A_27 = vector.shape_cast %scan3A_7#4 : vector<16xf32> to vector<16xf32>
    tpu.vector_store %arg13[%swap3A_24], %swap3A_27 {strides = array<i32>} : memref<256xf32, #tpu.memory_space<vmem>>, vector<16xf32>,
    %swap3A_28 = arith.constant 160 : index
    %swap3A_29 = tpu.vector_load %arg13[%swap3A_28] {strides = array<i32>} : memref<256xf32, #tpu.memory_space<vmem>>, vector<16xf32>,
    %swap3A_30 = vector.shape_cast %swap3A_29 : vector<16xf32> to vector<16xf32>
    %swap3A_31 = vector.shape_cast %scan3A_7#5 : vector<16xf32> to vector<16xf32>
    tpu.vector_store %arg13[%swap3A_28], %swap3A_31 {strides = array<i32>} : memref<256xf32, #tpu.memory_space<vmem>>, vector<16xf32>,
    %swap3A_32 = arith.constant 48 : index
    %swap3A_33 = tpu.vector_load %arg13[%swap3A_32] {strides = array<i32>} : memref<256xf32, #tpu.memory_space<vmem>>, vector<16xf32>,
    %swap3A_34 = vector.shape_cast %swap3A_33 : vector<16xf32> to vector<16xf32>
    %swap3A_35 = vector.shape_cast %scan3A_7#6 : vector<16xf32> to vector<16xf32>
    tpu.vector_store %arg13[%swap3A_32], %swap3A_35 {strides = array<i32>} : memref<256xf32, #tpu.memory_space<vmem>>, vector<16xf32>,
    %swap3A_36 = arith.constant 176 : index
    %swap3A_37 = tpu.vector_load %arg13[%swap3A_36] {strides = array<i32>} : memref<256xf32, #tpu.memory_space<vmem>>, vector<16xf32>,
    %swap3A_38 = vector.shape_cast %swap3A_37 : vector<16xf32> to vector<16xf32>
    %swap3A_39 = vector.shape_cast %scan3A_7#7 : vector<16xf32> to vector<16xf32>
    tpu.vector_store %arg13[%swap3A_36], %swap3A_39 {strides = array<i32>} : memref<256xf32, #tpu.memory_space<vmem>>, vector<16xf32>,
    %swap3A_40 = arith.constant 64 : index
    %swap3A_41 = tpu.vector_load %arg13[%swap3A_40] {strides = array<i32>} : memref<256xf32, #tpu.memory_space<vmem>>, vector<16xf32>,
    %swap3A_42 = vector.shape_cast %swap3A_41 : vector<16xf32> to vector<16xf32>
    %swap3A_43 = vector.shape_cast %scan3A_7#8 : vector<16xf32> to vector<16xf32>
    tpu.vector_store %arg13[%swap3A_40], %swap3A_43 {strides = array<i32>} : memref<256xf32, #tpu.memory_space<vmem>>, vector<16xf32>,
    %swap3A_44 = arith.constant 192 : index
    %swap3A_45 = tpu.vector_load %arg13[%swap3A_44] {strides = array<i32>} : memref<256xf32, #tpu.memory_space<vmem>>, vector<16xf32>,
    %swap3A_46 = vector.shape_cast %swap3A_45 : vector<16xf32> to vector<16xf32>
    %swap3A_47 = vector.shape_cast %scan3A_7#9 : vector<16xf32> to vector<16xf32>
    tpu.vector_store %arg13[%swap3A_44], %swap3A_47 {strides = array<i32>} : memref<256xf32, #tpu.memory_space<vmem>>, vector<16xf32>,
    %swap3A_48 = arith.constant 80 : index
    %swap3A_49 = tpu.vector_load %arg13[%swap3A_48] {strides = array<i32>} : memref<256xf32, #tpu.memory_space<vmem>>, vector<16xf32>,
    %swap3A_50 = vector.shape_cast %swap3A_49 : vector<16xf32> to vector<16xf32>
    %swap3A_51 = vector.shape_cast %scan3A_7#10 : vector<16xf32> to vector<16xf32>
    tpu.vector_store %arg13[%swap3A_48], %swap3A_51 {strides = array<i32>} : memref<256xf32, #tpu.memory_space<vmem>>, vector<16xf32>,
    %swap3A_52 = arith.constant 208 : index
    %swap3A_53 = tpu.vector_load %arg13[%swap3A_52] {strides = array<i32>} : memref<256xf32, #tpu.memory_space<vmem>>, vector<16xf32>,
    %swap3A_54 = vector.shape_cast %swap3A_53 : vector<16xf32> to vector<16xf32>
    %swap3A_55 = vector.shape_cast %scan3A_7#11 : vector<16xf32> to vector<16xf32>
    tpu.vector_store %arg13[%swap3A_52], %swap3A_55 {strides = array<i32>} : memref<256xf32, #tpu.memory_space<vmem>>, vector<16xf32>,
    %swap3A_56 = arith.constant 96 : index
    %swap3A_57 = tpu.vector_load %arg13[%swap3A_56] {strides = array<i32>} : memref<256xf32, #tpu.memory_space<vmem>>, vector<16xf32>,
    %swap3A_58 = vector.shape_cast %swap3A_57 : vector<16xf32> to vector<16xf32>
    %swap3A_59 = vector.shape_cast %scan3A_7#12 : vector<16xf32> to vector<16xf32>
    tpu.vector_store %arg13[%swap3A_56], %swap3A_59 {strides = array<i32>} : memref<256xf32, #tpu.memory_space<vmem>>, vector<16xf32>,
    %swap3A_60 = arith.constant 224 : index
    %swap3A_61 = tpu.vector_load %arg13[%swap3A_60] {strides = array<i32>} : memref<256xf32, #tpu.memory_space<vmem>>, vector<16xf32>,
    %swap3A_62 = vector.shape_cast %swap3A_61 : vector<16xf32> to vector<16xf32>
    %swap3A_63 = vector.shape_cast %scan3A_7#13 : vector<16xf32> to vector<16xf32>
    tpu.vector_store %arg13[%swap3A_60], %swap3A_63 {strides = array<i32>} : memref<256xf32, #tpu.memory_space<vmem>>, vector<16xf32>,
    %swap3A_64 = arith.constant 112 : index
    %swap3A_65 = tpu.vector_load %arg13[%swap3A_64] {strides = array<i32>} : memref<256xf32, #tpu.memory_space<vmem>>, vector<16xf32>,
    %swap3A_66 = vector.shape_cast %swap3A_65 : vector<16xf32> to vector<16xf32>
    %swap3A_67 = vector.shape_cast %scan3A_7#14 : vector<16xf32> to vector<16xf32>
    tpu.vector_store %arg13[%swap3A_64], %swap3A_67 {strides = array<i32>} : memref<256xf32, #tpu.memory_space<vmem>>, vector<16xf32>,
    %swap3A_68 = arith.constant 240 : index
    %swap3A_69 = tpu.vector_load %arg13[%swap3A_68] {strides = array<i32>} : memref<256xf32, #tpu.memory_space<vmem>>, vector<16xf32>,
    %swap3A_70 = vector.shape_cast %swap3A_69 : vector<16xf32> to vector<16xf32>
    %swap3A_71 = vector.shape_cast %scan3A_7#15 : vector<16xf32> to vector<16xf32>
    tpu.vector_store %arg13[%swap3A_68], %swap3A_71 {strides = array<i32>} : memref<256xf32, #tpu.memory_space<vmem>>, vector<16xf32>,
    "tpu.region"() ({
      %run_scoped3A = tpu.sem_alloc : memref<!tpu.dma_semaphore, #tpu.memory_space<semaphore_mem>>
      %dma_start3A = arith.constant 0 : i32
      %dma_start3A_72 = tpu.memref_slice %arg7[%add3A, %dma_start3A] : memref<32x256xf32, #tpu.memory_space<hbm>> -> memref<1x256xf32, #tpu.memory_space<hbm>>
      %dma_start3A_73 = tpu.memref_squeeze %dma_start3A_72 : memref<1x256xf32, #tpu.memory_space<hbm>> -> memref<256xf32, #tpu.memory_space<hbm>>
      %dma_start3A_74 = arith.constant 0 : i32
      %dma_start3A_75 = tpu.memref_slice %arg7[%add3A, %dma_start3A_74] : memref<32x256xf32, #tpu.memory_space<hbm>> -> memref<1x256xf32, #tpu.memory_space<hbm>>
      %dma_start3A_76 = tpu.memref_squeeze %dma_start3A_75 : memref<1x256xf32, #tpu.memory_space<hbm>> -> memref<256xf32, #tpu.memory_space<hbm>>
      tpu.enqueue_dma source(%arg13 : memref<256xf32, #tpu.memory_space<vmem>>) target(%dma_start3A_76 : memref<256xf32, #tpu.memory_space<hbm>>) target_semaphore(%run_scoped3A : memref<!tpu.dma_semaphore, #tpu.memory_space<semaphore_mem>>)
      %dma_wait3A = arith.constant 0 : i32
      %dma_wait3A_77 = tpu.memref_slice %arg7[%add3A, %dma_wait3A] : memref<32x256xf32, #tpu.memory_space<hbm>> -> memref<1x256xf32, #tpu.memory_space<hbm>>
      %dma_wait3A_78 = tpu.memref_squeeze %dma_wait3A_77 : memref<1x256xf32, #tpu.memory_space<hbm>> -> memref<256xf32, #tpu.memory_space<hbm>>
      %dma_wait3A_79 = arith.constant 0 : i32
      %dma_wait3A_80 = tpu.memref_slice %arg7[%add3A, %dma_wait3A_79] : memref<32x256xf32, #tpu.memory_space<hbm>> -> memref<1x256xf32, #tpu.memory_space<hbm>>
      %dma_wait3A_81 = tpu.memref_squeeze %dma_wait3A_80 : memref<1x256xf32, #tpu.memory_space<hbm>> -> memref<256xf32, #tpu.memory_space<hbm>>
      tpu.wait_dma2 semaphore(%run_scoped3A : memref<!tpu.dma_semaphore, #tpu.memory_space<semaphore_mem>>) src(%arg13 : memref<256xf32, #tpu.memory_space<vmem>>) dst(%dma_wait3A_81 : memref<256xf32, #tpu.memory_space<hbm>>)
      tpu.yield
    }) : () -> ()
    return
  }
}

#map = affine_map<(d0, d1) -> (0, 0)>
#map1 = affine_map<(d0, d1) -> (0)>
module attributes {stable_mosaic.version = 14 : i64} {
  func.func @_pass_h_body(%arg0: i32, %arg1: i32, %arg2: memref<320000x128xf32, #tpu.memory_space<hbm>>, %arg3: memref<320000xi32, #tpu.memory_space<hbm>>, %arg4: memref<10240x128xf32, #tpu.memory_space<hbm>>, %arg5: memref<800xi32, #tpu.memory_space<vmem>>, %arg6: memref<800xi32, #tpu.memory_space<vmem>>, %arg7: memref<1024xi32, #tpu.memory_space<vmem>>, %arg8: memref<1024xi32, #tpu.memory_space<vmem>>, %arg9: memref<16x128xf32, #tpu.memory_space<vmem>>, %arg10: memref<320x128xf32, #tpu.memory_space<vmem>>, %arg11: memref<320x128xf32, #tpu.memory_space<vmem>>, %arg12: memref<320x16xf32, #tpu.memory_space<vmem>>, %arg13: memref<!tpu.dma_semaphore, #tpu.memory_space<semaphore_mem>>, %arg14: memref<!tpu.dma_semaphore, #tpu.memory_space<semaphore_mem>>, %arg15: memref<!tpu.dma_semaphore, #tpu.memory_space<semaphore_mem>>) attributes {dimension_semantics = [#tpu.dimension_semantics<core_parallel>, #tpu.dimension_semantics<subcore_parallel>], iteration_bounds = array<i64: 2, 16>, scalar_prefetch = 0 : i64, scratch_operands = 11 : i64, tpu.core_type = #tpu.core_type<sc_vector_subcore>, window_params = [{transform_indices = #map}, {transform_indices = #map1}, {transform_indices = #map}]} {
    %mul3A = arith.constant 2 : i32
    %mul3A_0 = arith.muli %arg1, %mul3A : i32
    %add3A = arith.addi %mul3A_0, %arg0 : i32
    %mul3A_1 = arith.constant 320 : i32
    %mul3A_2 = arith.muli %add3A, %mul3A_1 : i32
    %add3A_3 = arith.constant 320 : i32
    %add3A_4 = arith.addi %mul3A_2, %add3A_3 : i32
    %broadcast_in_dim3A = arith.constant 0.000000e+00 : f32
    %broadcast_in_dim3A_5 = vector.broadcast %broadcast_in_dim3A : f32 to vector<16xf32>
    %broadcast_in_dim3A_6 = arith.constant 1.000000e+00 : f32
    %broadcast_in_dim3A_7 = vector.broadcast %broadcast_in_dim3A_6 : f32 to vector<16xf32>
    %scan3A = arith.constant 0 : i32
    %scan3A_8 = arith.constant 0 : i32
    %scan3A_9 = arith.constant 320 : i32
    %scan3A_10 = arith.addi %scan3A_8, %scan3A_9 : i32
    %scan3A_11 = arith.constant 1 : i32
    %scan3A_12 = scf.for %scan3A_43 = %scan3A_8 to %scan3A_10 step %scan3A_11 iter_args(%scan3A_44 = %scan3A) -> (i32)  : i32 {
      %swap3A = arith.index_cast %scan3A_43 : i32 to index
      %swap3A_45 = arith.constant 0 : index
      %swap3A_46 = tpu.vector_load %arg10[%swap3A, %swap3A_45] {strides = array<i32>} : memref<320x128xf32, #tpu.memory_space<vmem>>, vector<16xf32>,
      tpu.vector_store %arg10[%swap3A, %swap3A_45], %broadcast_in_dim3A_5 {strides = array<i32>} : memref<320x128xf32, #tpu.memory_space<vmem>>, vector<16xf32>,
      %swap3A_47 = arith.index_cast %scan3A_43 : i32 to index
      %swap3A_48 = arith.constant 0 : index
      %swap3A_49 = tpu.vector_load %arg11[%swap3A_47, %swap3A_48] {strides = array<i32>} : memref<320x128xf32, #tpu.memory_space<vmem>>, vector<16xf32>,
      tpu.vector_store %arg11[%swap3A_47, %swap3A_48], %broadcast_in_dim3A_5 {strides = array<i32>} : memref<320x128xf32, #tpu.memory_space<vmem>>, vector<16xf32>,
      %swap3A_50 = arith.index_cast %scan3A_43 : i32 to index
      %swap3A_51 = arith.constant 16 : index
      %swap3A_52 = tpu.vector_load %arg10[%swap3A_50, %swap3A_51] {strides = array<i32>} : memref<320x128xf32, #tpu.memory_space<vmem>>, vector<16xf32>,
      tpu.vector_store %arg10[%swap3A_50, %swap3A_51], %broadcast_in_dim3A_5 {strides = array<i32>} : memref<320x128xf32, #tpu.memory_space<vmem>>, vector<16xf32>,
      %swap3A_53 = arith.index_cast %scan3A_43 : i32 to index
      %swap3A_54 = arith.constant 16 : index
      %swap3A_55 = tpu.vector_load %arg11[%swap3A_53, %swap3A_54] {strides = array<i32>} : memref<320x128xf32, #tpu.memory_space<vmem>>, vector<16xf32>,
      tpu.vector_store %arg11[%swap3A_53, %swap3A_54], %broadcast_in_dim3A_5 {strides = array<i32>} : memref<320x128xf32, #tpu.memory_space<vmem>>, vector<16xf32>,
      %swap3A_56 = arith.index_cast %scan3A_43 : i32 to index
      %swap3A_57 = arith.constant 32 : index
      %swap3A_58 = tpu.vector_load %arg10[%swap3A_56, %swap3A_57] {strides = array<i32>} : memref<320x128xf32, #tpu.memory_space<vmem>>, vector<16xf32>,
      tpu.vector_store %arg10[%swap3A_56, %swap3A_57], %broadcast_in_dim3A_5 {strides = array<i32>} : memref<320x128xf32, #tpu.memory_space<vmem>>, vector<16xf32>,
      %swap3A_59 = arith.index_cast %scan3A_43 : i32 to index
      %swap3A_60 = arith.constant 32 : index
      %swap3A_61 = tpu.vector_load %arg11[%swap3A_59, %swap3A_60] {strides = array<i32>} : memref<320x128xf32, #tpu.memory_space<vmem>>, vector<16xf32>,
      tpu.vector_store %arg11[%swap3A_59, %swap3A_60], %broadcast_in_dim3A_5 {strides = array<i32>} : memref<320x128xf32, #tpu.memory_space<vmem>>, vector<16xf32>,
      %swap3A_62 = arith.index_cast %scan3A_43 : i32 to index
      %swap3A_63 = arith.constant 48 : index
      %swap3A_64 = tpu.vector_load %arg10[%swap3A_62, %swap3A_63] {strides = array<i32>} : memref<320x128xf32, #tpu.memory_space<vmem>>, vector<16xf32>,
      tpu.vector_store %arg10[%swap3A_62, %swap3A_63], %broadcast_in_dim3A_5 {strides = array<i32>} : memref<320x128xf32, #tpu.memory_space<vmem>>, vector<16xf32>,
      %swap3A_65 = arith.index_cast %scan3A_43 : i32 to index
      %swap3A_66 = arith.constant 48 : index
      %swap3A_67 = tpu.vector_load %arg11[%swap3A_65, %swap3A_66] {strides = array<i32>} : memref<320x128xf32, #tpu.memory_space<vmem>>, vector<16xf32>,
      tpu.vector_store %arg11[%swap3A_65, %swap3A_66], %broadcast_in_dim3A_5 {strides = array<i32>} : memref<320x128xf32, #tpu.memory_space<vmem>>, vector<16xf32>,
      %swap3A_68 = arith.index_cast %scan3A_43 : i32 to index
      %swap3A_69 = arith.constant 64 : index
      %swap3A_70 = tpu.vector_load %arg10[%swap3A_68, %swap3A_69] {strides = array<i32>} : memref<320x128xf32, #tpu.memory_space<vmem>>, vector<16xf32>,
      tpu.vector_store %arg10[%swap3A_68, %swap3A_69], %broadcast_in_dim3A_5 {strides = array<i32>} : memref<320x128xf32, #tpu.memory_space<vmem>>, vector<16xf32>,
      %swap3A_71 = arith.index_cast %scan3A_43 : i32 to index
      %swap3A_72 = arith.constant 64 : index
      %swap3A_73 = tpu.vector_load %arg11[%swap3A_71, %swap3A_72] {strides = array<i32>} : memref<320x128xf32, #tpu.memory_space<vmem>>, vector<16xf32>,
      tpu.vector_store %arg11[%swap3A_71, %swap3A_72], %broadcast_in_dim3A_5 {strides = array<i32>} : memref<320x128xf32, #tpu.memory_space<vmem>>, vector<16xf32>,
      %swap3A_74 = arith.index_cast %scan3A_43 : i32 to index
      %swap3A_75 = arith.constant 80 : index
      %swap3A_76 = tpu.vector_load %arg10[%swap3A_74, %swap3A_75] {strides = array<i32>} : memref<320x128xf32, #tpu.memory_space<vmem>>, vector<16xf32>,
      tpu.vector_store %arg10[%swap3A_74, %swap3A_75], %broadcast_in_dim3A_5 {strides = array<i32>} : memref<320x128xf32, #tpu.memory_space<vmem>>, vector<16xf32>,
      %swap3A_77 = arith.index_cast %scan3A_43 : i32 to index
      %swap3A_78 = arith.constant 80 : index
      %swap3A_79 = tpu.vector_load %arg11[%swap3A_77, %swap3A_78] {strides = array<i32>} : memref<320x128xf32, #tpu.memory_space<vmem>>, vector<16xf32>,
      tpu.vector_store %arg11[%swap3A_77, %swap3A_78], %broadcast_in_dim3A_5 {strides = array<i32>} : memref<320x128xf32, #tpu.memory_space<vmem>>, vector<16xf32>,
      %swap3A_80 = arith.index_cast %scan3A_43 : i32 to index
      %swap3A_81 = arith.constant 96 : index
      %swap3A_82 = tpu.vector_load %arg10[%swap3A_80, %swap3A_81] {strides = array<i32>} : memref<320x128xf32, #tpu.memory_space<vmem>>, vector<16xf32>,
      tpu.vector_store %arg10[%swap3A_80, %swap3A_81], %broadcast_in_dim3A_5 {strides = array<i32>} : memref<320x128xf32, #tpu.memory_space<vmem>>, vector<16xf32>,
      %swap3A_83 = arith.index_cast %scan3A_43 : i32 to index
      %swap3A_84 = arith.constant 96 : index
      %swap3A_85 = tpu.vector_load %arg11[%swap3A_83, %swap3A_84] {strides = array<i32>} : memref<320x128xf32, #tpu.memory_space<vmem>>, vector<16xf32>,
      tpu.vector_store %arg11[%swap3A_83, %swap3A_84], %broadcast_in_dim3A_5 {strides = array<i32>} : memref<320x128xf32, #tpu.memory_space<vmem>>, vector<16xf32>,
      %swap3A_86 = arith.index_cast %scan3A_43 : i32 to index
      %swap3A_87 = arith.constant 112 : index
      %swap3A_88 = tpu.vector_load %arg10[%swap3A_86, %swap3A_87] {strides = array<i32>} : memref<320x128xf32, #tpu.memory_space<vmem>>, vector<16xf32>,
      tpu.vector_store %arg10[%swap3A_86, %swap3A_87], %broadcast_in_dim3A_5 {strides = array<i32>} : memref<320x128xf32, #tpu.memory_space<vmem>>, vector<16xf32>,
      %swap3A_89 = arith.index_cast %scan3A_43 : i32 to index
      %swap3A_90 = arith.constant 112 : index
      %swap3A_91 = tpu.vector_load %arg11[%swap3A_89, %swap3A_90] {strides = array<i32>} : memref<320x128xf32, #tpu.memory_space<vmem>>, vector<16xf32>,
      tpu.vector_store %arg11[%swap3A_89, %swap3A_90], %broadcast_in_dim3A_5 {strides = array<i32>} : memref<320x128xf32, #tpu.memory_space<vmem>>, vector<16xf32>,
      %swap3A_92 = arith.index_cast %scan3A_43 : i32 to index
      %swap3A_93 = arith.constant 0 : index
      %swap3A_94 = tpu.vector_load %arg12[%swap3A_92, %swap3A_93] {strides = array<i32>} : memref<320x16xf32, #tpu.memory_space<vmem>>, vector<16xf32>,
      tpu.vector_store %arg12[%swap3A_92, %swap3A_93], %broadcast_in_dim3A_5 {strides = array<i32>} : memref<320x16xf32, #tpu.memory_space<vmem>>, vector<16xf32>,
      %scan3A_95 = arith.constant 0 : i32
      scf.yield %scan3A_95 : i32
    }
    %scan3A_13 = arith.constant 320 : i32
    %broadcast_in_dim3A_14 = arith.constant 0 : i32
    %broadcast_in_dim3A_15 = vector.broadcast %broadcast_in_dim3A_14 : i32 to vector<16xi32>
    %scan3A_16 = arith.constant 0 : i32
    %scan3A_17 = arith.constant 0 : i32
    %scan3A_18 = arith.constant 64 : i32
    %scan3A_19 = arith.addi %scan3A_17, %scan3A_18 : i32
    %scan3A_20 = arith.constant 1 : i32
    %scan3A_21 = scf.for %scan3A_43 = %scan3A_17 to %scan3A_19 step %scan3A_20 iter_args(%scan3A_44 = %scan3A_16) -> (i32)  : i32 {
      %mul3A_45 = arith.constant 16 : i32
      %mul3A_46 = arith.muli %scan3A_43, %mul3A_45 : i32
      %swap3A = arith.index_cast %mul3A_46 : i32 to index
      %swap3A_47 = tpu.vector_load %arg7[%swap3A] {strides = array<i32>} : memref<1024xi32, #tpu.memory_space<vmem>>, vector<16xi32>,
      tpu.vector_store %arg7[%swap3A], %broadcast_in_dim3A_15 {strides = array<i32>} : memref<1024xi32, #tpu.memory_space<vmem>>, vector<16xi32>,
      %mul3A_48 = arith.constant 16 : i32
      %mul3A_49 = arith.muli %scan3A_43, %mul3A_48 : i32
      %swap3A_50 = arith.index_cast %mul3A_49 : i32 to index
      %swap3A_51 = tpu.vector_load %arg8[%swap3A_50] {strides = array<i32>} : memref<1024xi32, #tpu.memory_space<vmem>>, vector<16xi32>,
      tpu.vector_store %arg8[%swap3A_50], %broadcast_in_dim3A_15 {strides = array<i32>} : memref<1024xi32, #tpu.memory_space<vmem>>, vector<16xi32>,
      %scan3A_52 = arith.constant 0 : i32
      scf.yield %scan3A_52 : i32
    }
    %scan3A_22 = arith.constant 64 : i32
    %dma_start3A = arith.constant 0 : i32
    %dma_start3A_23 = tpu.memref_slice %arg3[%dma_start3A] : memref<320000xi32, #tpu.memory_space<hbm>> -> memref<800xi32, #tpu.memory_space<hbm>>
    %dma_start3A_24 = arith.constant 0 : i32
    %dma_start3A_25 = tpu.memref_slice %arg3[%dma_start3A_24] : memref<320000xi32, #tpu.memory_space<hbm>> -> memref<800xi32, #tpu.memory_space<hbm>>
    tpu.enqueue_dma source(%dma_start3A_25 : memref<800xi32, #tpu.memory_space<hbm>>) target(%arg5 : memref<800xi32, #tpu.memory_space<vmem>>) target_semaphore(%arg13 : memref<!tpu.dma_semaphore, #tpu.memory_space<semaphore_mem>>)
    %scan3A_26 = arith.constant 0 : i32
    %scan3A_27 = arith.constant 0 : i32
    %scan3A_28 = arith.constant 200 : i32
    %scan3A_29 = arith.addi %scan3A_27, %scan3A_28 : i32
    %scan3A_30 = arith.constant 1 : i32
    %scan3A_31 = scf.for %scan3A_43 = %scan3A_27 to %scan3A_29 step %scan3A_30 iter_args(%scan3A_44 = %scan3A_26) -> (i32)  : i32 {
      %mul3A_45 = arith.constant 2 : i32
      %mul3A_46 = arith.muli %mul3A_45, %scan3A_43 : i32
      %add3A_47 = arith.constant 1 : i32
      %add3A_48 = arith.addi %mul3A_46, %add3A_47 : i32
      %mul3A_49 = arith.constant 800 : i32
      %mul3A_50 = arith.muli %add3A_48, %mul3A_49 : i32
      %dma_start3A_51 = tpu.memref_slice %arg3[%mul3A_50] : memref<320000xi32, #tpu.memory_space<hbm>> -> memref<800xi32, #tpu.memory_space<hbm>>
      %dma_start3A_52 = tpu.memref_slice %arg3[%mul3A_50] : memref<320000xi32, #tpu.memory_space<hbm>> -> memref<800xi32, #tpu.memory_space<hbm>>
      tpu.enqueue_dma source(%dma_start3A_52 : memref<800xi32, #tpu.memory_space<hbm>>) target(%arg6 : memref<800xi32, #tpu.memory_space<vmem>>) target_semaphore(%arg14 : memref<!tpu.dma_semaphore, #tpu.memory_space<semaphore_mem>>)
      %dma_wait3A_53 = arith.constant 0 : i32
      %dma_wait3A_54 = tpu.memref_slice %arg3[%dma_wait3A_53] : memref<320000xi32, #tpu.memory_space<hbm>> -> memref<800xi32, #tpu.memory_space<hbm>>
      %dma_wait3A_55 = arith.constant 0 : i32
      %dma_wait3A_56 = tpu.memref_slice %arg3[%dma_wait3A_55] : memref<320000xi32, #tpu.memory_space<hbm>> -> memref<800xi32, #tpu.memory_space<hbm>>
      tpu.wait_dma2 semaphore(%arg13 : memref<!tpu.dma_semaphore, #tpu.memory_space<semaphore_mem>>) src(%dma_wait3A_56 : memref<800xi32, #tpu.memory_space<hbm>>) dst(%arg5 : memref<800xi32, #tpu.memory_space<vmem>>)
      %mul3A_57 = arith.constant 800 : i32
      %mul3A_58 = arith.muli %mul3A_46, %mul3A_57 : i32
      %scan3A_59 = arith.constant 0 : i32
      %scan3A_60 = arith.constant 0 : i32
      %scan3A_61 = arith.constant 50 : i32
      %scan3A_62 = arith.addi %scan3A_60, %scan3A_61 : i32
      %scan3A_63 = arith.constant 1 : i32
      %scan3A_64 = scf.for %scan3A_156 = %scan3A_60 to %scan3A_62 step %scan3A_63 iter_args(%scan3A_157 = %scan3A_59) -> (i32)  : i32 {
        %mul3A_158 = arith.constant 16 : i32
        %mul3A_159 = arith.muli %scan3A_156, %mul3A_158 : i32
        %get3A = arith.index_cast %mul3A_159 : i32 to index
        %get3A_160 = tpu.vector_load %arg5[%get3A] {strides = array<i32>} : memref<800xi32, #tpu.memory_space<vmem>>, vector<16xi32>,
        %ge3A = vector.broadcast %mul3A_2 : i32 to vector<16xi32>
        %ge3A_161 = arith.cmpi sge, %get3A_160, %ge3A : vector<16xi32>
        %lt3A = vector.broadcast %add3A_4 : i32 to vector<16xi32>
        %lt3A_162 = arith.cmpi slt, %get3A_160, %lt3A : vector<16xi32>
        %and3A_163 = arith.andi %ge3A_161, %lt3A_162 : vector<16xi1>
        %iota3A = tpu.iota {dimensions = array<i32: 0>} : vector<16xi32>
        %mul3A_164 = arith.constant 16 : i32
        %mul3A_165 = arith.muli %scan3A_156, %mul3A_164 : i32
        %add3A_166 = arith.addi %mul3A_58, %mul3A_165 : i32
        %add3A_167 = vector.broadcast %add3A_166 : i32 to vector<16xi32>
        %add3A_168 = arith.addi %iota3A, %add3A_167 : vector<16xi32>
        %jit3A_169 = arith.constant 1 : i32
        %jit3A_170 = arith.constant 0 : i32
        %broadcast_in_dim3A_171 = vector.broadcast %jit3A_169 : i32 to vector<16xi32>
        %broadcast_in_dim3A_172 = vector.broadcast %jit3A_170 : i32 to vector<16xi32>
        %select_n3A_173 = arith.select %and3A_163, %broadcast_in_dim3A_171, %broadcast_in_dim3A_172 : vector<16xi1>, vector<16xi32>
        %broadcast_in_dim3A_174 = arith.constant true
        %broadcast_in_dim3A_175 = vector.broadcast %broadcast_in_dim3A_174 : i1 to vector<16xi1>
        %masked_cumsum3A = tpu.scan <sum>, %select_n3A_173 masked %broadcast_in_dim3A_175 : vector<16xi32>, vector<16xi1> -> vector<16xi32>
        %add3A_176 = vector.broadcast %scan3A_157 : i32 to vector<16xi32>
        %add3A_177 = arith.addi %add3A_176, %masked_cumsum3A : vector<16xi32>
        %sub3A_178 = arith.constant 1 : i32
        %sub3A_179 = vector.broadcast %sub3A_178 : i32 to vector<16xi32>
        %sub3A_180 = arith.subi %add3A_177, %sub3A_179 : vector<16xi32>
        tpu.vector_store_idx %arg7[%sub3A_180], %add3A_168 masked %and3A_163 : memref<1024xi32, #tpu.memory_space<vmem>>[vector<16xi32>], vector<16xi32>, vector<16xi1>
        tpu.vector_store_idx %arg8[%sub3A_180], %get3A_160 masked %and3A_163 : memref<1024xi32, #tpu.memory_space<vmem>>[vector<16xi32>], vector<16xi32>, vector<16xi1>
        %slice3A = vector.extract_strided_slice %masked_cumsum3A {offsets = [15], sizes = [1], strides = [1]} : vector<16xi32> to vector<1xi32>
        %squeeze3A = vector.extract %slice3A[0] : i32 from vector<1xi32>
        %add3A_181 = arith.addi %scan3A_157, %squeeze3A : i32
        scf.yield %add3A_181 : i32
      }
      %scan3A_65 = arith.constant 50 : i32
      %add3A_66 = arith.constant 15 : i32
      %add3A_67 = arith.addi %scan3A_64, %add3A_66 : i32
      %jit3A = arith.constant 16 : i32
      %div3A = arith.divsi %add3A_67, %jit3A : i32
      %sign3A = arith.constant 0 : i32
      %sign3A_68 = arith.cmpi sgt, %add3A_67, %sign3A : i32
      %sign3A_69 = arith.extui %sign3A_68 : i1 to i32
      %sign3A_70 = arith.constant 0 : i32
      %sign3A_71 = arith.cmpi slt, %add3A_67, %sign3A_70 : i32
      %sign3A_72 = arith.extui %sign3A_71 : i1 to i32
      %sign3A_73 = arith.subi %sign3A_69, %sign3A_72 : i32
      %sign3A_74 = arith.constant 0 : i32
      %sign3A_75 = arith.cmpi sgt, %jit3A, %sign3A_74 : i32
      %sign3A_76 = arith.extui %sign3A_75 : i1 to i32
      %sign3A_77 = arith.constant 0 : i32
      %sign3A_78 = arith.cmpi slt, %jit3A, %sign3A_77 : i32
      %sign3A_79 = arith.extui %sign3A_78 : i1 to i32
      %sign3A_80 = arith.subi %sign3A_76, %sign3A_79 : i32
      %ne3A = arith.cmpi ne, %sign3A_73, %sign3A_80 : i32
      %rem3A = arith.remsi %add3A_67, %jit3A : i32
      %ne3A_81 = arith.constant 0 : i32
      %ne3A_82 = arith.cmpi ne, %rem3A, %ne3A_81 : i32
      %and3A = arith.andi %ne3A, %ne3A_82 : i1
      %sub3A = arith.constant 1 : i32
      %sub3A_83 = arith.subi %div3A, %sub3A : i32
      %select_n3A = arith.select %and3A, %sub3A_83, %div3A : i32
      %while3A = arith.constant 0 : i32
      %while3A_84 = arith.constant 0 : i32
      %while3A_85 = arith.subi %select_n3A, %while3A : i32
      %while3A_86 = arith.addi %while3A, %while3A_85 : i32
      %while3A_87 = arith.constant 1 : i32
      %while3A_88 = arith.divsi %while3A_85, %while3A_87 : i32
      %while3A_89 = arith.muli %while3A_88, %while3A_87 : i32
      %while3A_90 = arith.addi %while3A, %while3A_89 : i32
      %while3A_91 = arith.constant 1 : i32
      %while3A_92 = scf.for %while3A_156 = %while3A to %while3A_90 step %while3A_91 iter_args(%while3A_157 = %while3A_84) -> (i32)  : i32 {
        %mul3A_158 = arith.constant 16 : i32
        %mul3A_159 = arith.muli %while3A_156, %mul3A_158 : i32
        %get3A = arith.index_cast %mul3A_159 : i32 to index
        %get3A_160 = tpu.vector_load %arg7[%get3A] {strides = array<i32>} : memref<1024xi32, #tpu.memory_space<vmem>>, vector<16xi32>,
        %dma_start3A_161 = arith.constant 0 : i32
        %dma_start3A_162 = arith.constant 0 : i32
        %dma_start3A_163 = tpu.memref_slice %arg2[%dma_start3A_161, %dma_start3A_162] : memref<320000x128xf32, #tpu.memory_space<hbm>> -> memref<320000x128xf32, #tpu.memory_space<hbm>>
        tpu.enqueue_indirect_dma source(%dma_start3A_163 : memref<320000x128xf32, #tpu.memory_space<hbm>>) target(%arg9 : memref<16x128xf32, #tpu.memory_space<vmem>>) offsets(%get3A_160 : vector<16xi32>) semaphore(%arg15 : memref<!tpu.dma_semaphore, #tpu.memory_space<semaphore_mem>>)
        %dma_wait3A_164 = arith.constant 0 : i32
        %dma_wait3A_165 = arith.constant 0 : i32
        %dma_wait3A_166 = tpu.memref_slice %arg2[%dma_wait3A_164, %dma_wait3A_165] : memref<320000x128xf32, #tpu.memory_space<hbm>> -> memref<320000x128xf32, #tpu.memory_space<hbm>>
        tpu.wait_indirect_dma semaphore(%arg15 : memref<!tpu.dma_semaphore, #tpu.memory_space<semaphore_mem>>) src(%dma_wait3A_166 : memref<320000x128xf32, #tpu.memory_space<hbm>>) dst(%arg9 : memref<16x128xf32, #tpu.memory_space<vmem>>)
        %sub3A_167 = arith.subi %scan3A_64, %mul3A_159 : i32
        %min3A_168 = arith.constant 16 : i32
        %min3A_169 = arith.minsi %sub3A_167, %min3A_168 : i32
        %while3A_170 = arith.constant 0 : i32
        %while3A_171 = arith.constant 0 : i32
        %while3A_172 = arith.subi %min3A_169, %while3A_170 : i32
        %while3A_173 = arith.addi %while3A_170, %while3A_172 : i32
        %while3A_174 = arith.constant 1 : i32
        %while3A_175 = arith.divsi %while3A_172, %while3A_174 : i32
        %while3A_176 = arith.muli %while3A_175, %while3A_174 : i32
        %while3A_177 = arith.addi %while3A_170, %while3A_176 : i32
        %while3A_178 = arith.constant 1 : i32
        %while3A_179 = scf.for %while3A_183 = %while3A_170 to %while3A_177 step %while3A_178 iter_args(%while3A_184 = %while3A_171) -> (i32)  : i32 {
          %add3A_185 = arith.addi %mul3A_159, %while3A_183 : i32
          %get3A_186 = arith.index_cast %add3A_185 : i32 to index
          %get3A_187 = tpu.vector_load %arg8[%get3A_186] {strides = array<i32>} : memref<1024xi32, #tpu.memory_space<vmem>>, vector<16xi32>,
          %slice3A = vector.extract_strided_slice %get3A_187 {offsets = [0], sizes = [1], strides = [1]} : vector<16xi32> to vector<1xi32>
          %squeeze3A = vector.extract %slice3A[0] : i32 from vector<1xi32>
          %sub3A_188 = arith.subi %squeeze3A, %mul3A_2 : i32
          %get3A_189 = arith.index_cast %while3A_183 : i32 to index
          %get3A_190 = arith.constant 0 : index
          %get3A_191 = tpu.vector_load %arg9[%get3A_189, %get3A_190] {strides = array<i32>} : memref<16x128xf32, #tpu.memory_space<vmem>>, vector<16xf32>,
          %get3A_192 = arith.index_cast %sub3A_188 : i32 to index
          %get3A_193 = arith.constant 0 : index
          %get3A_194 = tpu.vector_load %arg10[%get3A_192, %get3A_193] {strides = array<i32>} : memref<320x128xf32, #tpu.memory_space<vmem>>, vector<16xf32>,
          %max3A = arith.maximumf %get3A_194, %get3A_191 : vector<16xf32>
          %swap3A = arith.index_cast %sub3A_188 : i32 to index
          %swap3A_195 = arith.constant 0 : index
          %swap3A_196 = tpu.vector_load %arg10[%swap3A, %swap3A_195] {strides = array<i32>} : memref<320x128xf32, #tpu.memory_space<vmem>>, vector<16xf32>,
          tpu.vector_store %arg10[%swap3A, %swap3A_195], %max3A {strides = array<i32>} : memref<320x128xf32, #tpu.memory_space<vmem>>, vector<16xf32>,
          %get3A_197 = arith.index_cast %sub3A_188 : i32 to index
          %get3A_198 = arith.constant 0 : index
          %get3A_199 = tpu.vector_load %arg11[%get3A_197, %get3A_198] {strides = array<i32>} : memref<320x128xf32, #tpu.memory_space<vmem>>, vector<16xf32>,
          %add3A_200 = arith.addf %get3A_199, %get3A_191 : vector<16xf32>
          %swap3A_201 = arith.index_cast %sub3A_188 : i32 to index
          %swap3A_202 = arith.constant 0 : index
          %swap3A_203 = tpu.vector_load %arg11[%swap3A_201, %swap3A_202] {strides = array<i32>} : memref<320x128xf32, #tpu.memory_space<vmem>>, vector<16xf32>,
          tpu.vector_store %arg11[%swap3A_201, %swap3A_202], %add3A_200 {strides = array<i32>} : memref<320x128xf32, #tpu.memory_space<vmem>>, vector<16xf32>,
          %get3A_204 = arith.index_cast %while3A_183 : i32 to index
          %get3A_205 = arith.constant 16 : index
          %get3A_206 = tpu.vector_load %arg9[%get3A_204, %get3A_205] {strides = array<i32>} : memref<16x128xf32, #tpu.memory_space<vmem>>, vector<16xf32>,
          %get3A_207 = arith.index_cast %sub3A_188 : i32 to index
          %get3A_208 = arith.constant 16 : index
          %get3A_209 = tpu.vector_load %arg10[%get3A_207, %get3A_208] {strides = array<i32>} : memref<320x128xf32, #tpu.memory_space<vmem>>, vector<16xf32>,
          %max3A_210 = arith.maximumf %get3A_209, %get3A_206 : vector<16xf32>
          %swap3A_211 = arith.index_cast %sub3A_188 : i32 to index
          %swap3A_212 = arith.constant 16 : index
          %swap3A_213 = tpu.vector_load %arg10[%swap3A_211, %swap3A_212] {strides = array<i32>} : memref<320x128xf32, #tpu.memory_space<vmem>>, vector<16xf32>,
          tpu.vector_store %arg10[%swap3A_211, %swap3A_212], %max3A_210 {strides = array<i32>} : memref<320x128xf32, #tpu.memory_space<vmem>>, vector<16xf32>,
          %get3A_214 = arith.index_cast %sub3A_188 : i32 to index
          %get3A_215 = arith.constant 16 : index
          %get3A_216 = tpu.vector_load %arg11[%get3A_214, %get3A_215] {strides = array<i32>} : memref<320x128xf32, #tpu.memory_space<vmem>>, vector<16xf32>,
          %add3A_217 = arith.addf %get3A_216, %get3A_206 : vector<16xf32>
          %swap3A_218 = arith.index_cast %sub3A_188 : i32 to index
          %swap3A_219 = arith.constant 16 : index
          %swap3A_220 = tpu.vector_load %arg11[%swap3A_218, %swap3A_219] {strides = array<i32>} : memref<320x128xf32, #tpu.memory_space<vmem>>, vector<16xf32>,
          tpu.vector_store %arg11[%swap3A_218, %swap3A_219], %add3A_217 {strides = array<i32>} : memref<320x128xf32, #tpu.memory_space<vmem>>, vector<16xf32>,
          %get3A_221 = arith.index_cast %while3A_183 : i32 to index
          %get3A_222 = arith.constant 32 : index
          %get3A_223 = tpu.vector_load %arg9[%get3A_221, %get3A_222] {strides = array<i32>} : memref<16x128xf32, #tpu.memory_space<vmem>>, vector<16xf32>,
          %get3A_224 = arith.index_cast %sub3A_188 : i32 to index
          %get3A_225 = arith.constant 32 : index
          %get3A_226 = tpu.vector_load %arg10[%get3A_224, %get3A_225] {strides = array<i32>} : memref<320x128xf32, #tpu.memory_space<vmem>>, vector<16xf32>,
          %max3A_227 = arith.maximumf %get3A_226, %get3A_223 : vector<16xf32>
          %swap3A_228 = arith.index_cast %sub3A_188 : i32 to index
          %swap3A_229 = arith.constant 32 : index
          %swap3A_230 = tpu.vector_load %arg10[%swap3A_228, %swap3A_229] {strides = array<i32>} : memref<320x128xf32, #tpu.memory_space<vmem>>, vector<16xf32>,
          tpu.vector_store %arg10[%swap3A_228, %swap3A_229], %max3A_227 {strides = array<i32>} : memref<320x128xf32, #tpu.memory_space<vmem>>, vector<16xf32>,
          %get3A_231 = arith.index_cast %sub3A_188 : i32 to index
          %get3A_232 = arith.constant 32 : index
          %get3A_233 = tpu.vector_load %arg11[%get3A_231, %get3A_232] {strides = array<i32>} : memref<320x128xf32, #tpu.memory_space<vmem>>, vector<16xf32>,
          %add3A_234 = arith.addf %get3A_233, %get3A_223 : vector<16xf32>
          %swap3A_235 = arith.index_cast %sub3A_188 : i32 to index
          %swap3A_236 = arith.constant 32 : index
          %swap3A_237 = tpu.vector_load %arg11[%swap3A_235, %swap3A_236] {strides = array<i32>} : memref<320x128xf32, #tpu.memory_space<vmem>>, vector<16xf32>,
          tpu.vector_store %arg11[%swap3A_235, %swap3A_236], %add3A_234 {strides = array<i32>} : memref<320x128xf32, #tpu.memory_space<vmem>>, vector<16xf32>,
          %get3A_238 = arith.index_cast %while3A_183 : i32 to index
          %get3A_239 = arith.constant 48 : index
          %get3A_240 = tpu.vector_load %arg9[%get3A_238, %get3A_239] {strides = array<i32>} : memref<16x128xf32, #tpu.memory_space<vmem>>, vector<16xf32>,
          %get3A_241 = arith.index_cast %sub3A_188 : i32 to index
          %get3A_242 = arith.constant 48 : index
          %get3A_243 = tpu.vector_load %arg10[%get3A_241, %get3A_242] {strides = array<i32>} : memref<320x128xf32, #tpu.memory_space<vmem>>, vector<16xf32>,
          %max3A_244 = arith.maximumf %get3A_243, %get3A_240 : vector<16xf32>
          %swap3A_245 = arith.index_cast %sub3A_188 : i32 to index
          %swap3A_246 = arith.constant 48 : index
          %swap3A_247 = tpu.vector_load %arg10[%swap3A_245, %swap3A_246] {strides = array<i32>} : memref<320x128xf32, #tpu.memory_space<vmem>>, vector<16xf32>,
          tpu.vector_store %arg10[%swap3A_245, %swap3A_246], %max3A_244 {strides = array<i32>} : memref<320x128xf32, #tpu.memory_space<vmem>>, vector<16xf32>,
          %get3A_248 = arith.index_cast %sub3A_188 : i32 to index
          %get3A_249 = arith.constant 48 : index
          %get3A_250 = tpu.vector_load %arg11[%get3A_248, %get3A_249] {strides = array<i32>} : memref<320x128xf32, #tpu.memory_space<vmem>>, vector<16xf32>,
          %add3A_251 = arith.addf %get3A_250, %get3A_240 : vector<16xf32>
          %swap3A_252 = arith.index_cast %sub3A_188 : i32 to index
          %swap3A_253 = arith.constant 48 : index
          %swap3A_254 = tpu.vector_load %arg11[%swap3A_252, %swap3A_253] {strides = array<i32>} : memref<320x128xf32, #tpu.memory_space<vmem>>, vector<16xf32>,
          tpu.vector_store %arg11[%swap3A_252, %swap3A_253], %add3A_251 {strides = array<i32>} : memref<320x128xf32, #tpu.memory_space<vmem>>, vector<16xf32>,
          %get3A_255 = arith.index_cast %while3A_183 : i32 to index
          %get3A_256 = arith.constant 64 : index
          %get3A_257 = tpu.vector_load %arg9[%get3A_255, %get3A_256] {strides = array<i32>} : memref<16x128xf32, #tpu.memory_space<vmem>>, vector<16xf32>,
          %get3A_258 = arith.index_cast %sub3A_188 : i32 to index
          %get3A_259 = arith.constant 64 : index
          %get3A_260 = tpu.vector_load %arg10[%get3A_258, %get3A_259] {strides = array<i32>} : memref<320x128xf32, #tpu.memory_space<vmem>>, vector<16xf32>,
          %max3A_261 = arith.maximumf %get3A_260, %get3A_257 : vector<16xf32>
          %swap3A_262 = arith.index_cast %sub3A_188 : i32 to index
          %swap3A_263 = arith.constant 64 : index
          %swap3A_264 = tpu.vector_load %arg10[%swap3A_262, %swap3A_263] {strides = array<i32>} : memref<320x128xf32, #tpu.memory_space<vmem>>, vector<16xf32>,
          tpu.vector_store %arg10[%swap3A_262, %swap3A_263], %max3A_261 {strides = array<i32>} : memref<320x128xf32, #tpu.memory_space<vmem>>, vector<16xf32>,
          %get3A_265 = arith.index_cast %sub3A_188 : i32 to index
          %get3A_266 = arith.constant 64 : index
          %get3A_267 = tpu.vector_load %arg11[%get3A_265, %get3A_266] {strides = array<i32>} : memref<320x128xf32, #tpu.memory_space<vmem>>, vector<16xf32>,
          %add3A_268 = arith.addf %get3A_267, %get3A_257 : vector<16xf32>
          %swap3A_269 = arith.index_cast %sub3A_188 : i32 to index
          %swap3A_270 = arith.constant 64 : index
          %swap3A_271 = tpu.vector_load %arg11[%swap3A_269, %swap3A_270] {strides = array<i32>} : memref<320x128xf32, #tpu.memory_space<vmem>>, vector<16xf32>,
          tpu.vector_store %arg11[%swap3A_269, %swap3A_270], %add3A_268 {strides = array<i32>} : memref<320x128xf32, #tpu.memory_space<vmem>>, vector<16xf32>,
          %get3A_272 = arith.index_cast %while3A_183 : i32 to index
          %get3A_273 = arith.constant 80 : index
          %get3A_274 = tpu.vector_load %arg9[%get3A_272, %get3A_273] {strides = array<i32>} : memref<16x128xf32, #tpu.memory_space<vmem>>, vector<16xf32>,
          %get3A_275 = arith.index_cast %sub3A_188 : i32 to index
          %get3A_276 = arith.constant 80 : index
          %get3A_277 = tpu.vector_load %arg10[%get3A_275, %get3A_276] {strides = array<i32>} : memref<320x128xf32, #tpu.memory_space<vmem>>, vector<16xf32>,
          %max3A_278 = arith.maximumf %get3A_277, %get3A_274 : vector<16xf32>
          %swap3A_279 = arith.index_cast %sub3A_188 : i32 to index
          %swap3A_280 = arith.constant 80 : index
          %swap3A_281 = tpu.vector_load %arg10[%swap3A_279, %swap3A_280] {strides = array<i32>} : memref<320x128xf32, #tpu.memory_space<vmem>>, vector<16xf32>,
          tpu.vector_store %arg10[%swap3A_279, %swap3A_280], %max3A_278 {strides = array<i32>} : memref<320x128xf32, #tpu.memory_space<vmem>>, vector<16xf32>,
          %get3A_282 = arith.index_cast %sub3A_188 : i32 to index
          %get3A_283 = arith.constant 80 : index
          %get3A_284 = tpu.vector_load %arg11[%get3A_282, %get3A_283] {strides = array<i32>} : memref<320x128xf32, #tpu.memory_space<vmem>>, vector<16xf32>,
          %add3A_285 = arith.addf %get3A_284, %get3A_274 : vector<16xf32>
          %swap3A_286 = arith.index_cast %sub3A_188 : i32 to index
          %swap3A_287 = arith.constant 80 : index
          %swap3A_288 = tpu.vector_load %arg11[%swap3A_286, %swap3A_287] {strides = array<i32>} : memref<320x128xf32, #tpu.memory_space<vmem>>, vector<16xf32>,
          tpu.vector_store %arg11[%swap3A_286, %swap3A_287], %add3A_285 {strides = array<i32>} : memref<320x128xf32, #tpu.memory_space<vmem>>, vector<16xf32>,
          %get3A_289 = arith.index_cast %while3A_183 : i32 to index
          %get3A_290 = arith.constant 96 : index
          %get3A_291 = tpu.vector_load %arg9[%get3A_289, %get3A_290] {strides = array<i32>} : memref<16x128xf32, #tpu.memory_space<vmem>>, vector<16xf32>,
          %get3A_292 = arith.index_cast %sub3A_188 : i32 to index
          %get3A_293 = arith.constant 96 : index
          %get3A_294 = tpu.vector_load %arg10[%get3A_292, %get3A_293] {strides = array<i32>} : memref<320x128xf32, #tpu.memory_space<vmem>>, vector<16xf32>,
          %max3A_295 = arith.maximumf %get3A_294, %get3A_291 : vector<16xf32>
          %swap3A_296 = arith.index_cast %sub3A_188 : i32 to index
          %swap3A_297 = arith.constant 96 : index
          %swap3A_298 = tpu.vector_load %arg10[%swap3A_296, %swap3A_297] {strides = array<i32>} : memref<320x128xf32, #tpu.memory_space<vmem>>, vector<16xf32>,
          tpu.vector_store %arg10[%swap3A_296, %swap3A_297], %max3A_295 {strides = array<i32>} : memref<320x128xf32, #tpu.memory_space<vmem>>, vector<16xf32>,
          %get3A_299 = arith.index_cast %sub3A_188 : i32 to index
          %get3A_300 = arith.constant 96 : index
          %get3A_301 = tpu.vector_load %arg11[%get3A_299, %get3A_300] {strides = array<i32>} : memref<320x128xf32, #tpu.memory_space<vmem>>, vector<16xf32>,
          %add3A_302 = arith.addf %get3A_301, %get3A_291 : vector<16xf32>
          %swap3A_303 = arith.index_cast %sub3A_188 : i32 to index
          %swap3A_304 = arith.constant 96 : index
          %swap3A_305 = tpu.vector_load %arg11[%swap3A_303, %swap3A_304] {strides = array<i32>} : memref<320x128xf32, #tpu.memory_space<vmem>>, vector<16xf32>,
          tpu.vector_store %arg11[%swap3A_303, %swap3A_304], %add3A_302 {strides = array<i32>} : memref<320x128xf32, #tpu.memory_space<vmem>>, vector<16xf32>,
          %get3A_306 = arith.index_cast %while3A_183 : i32 to index
          %get3A_307 = arith.constant 112 : index
          %get3A_308 = tpu.vector_load %arg9[%get3A_306, %get3A_307] {strides = array<i32>} : memref<16x128xf32, #tpu.memory_space<vmem>>, vector<16xf32>,
          %get3A_309 = arith.index_cast %sub3A_188 : i32 to index
          %get3A_310 = arith.constant 112 : index
          %get3A_311 = tpu.vector_load %arg10[%get3A_309, %get3A_310] {strides = array<i32>} : memref<320x128xf32, #tpu.memory_space<vmem>>, vector<16xf32>,
          %max3A_312 = arith.maximumf %get3A_311, %get3A_308 : vector<16xf32>
          %swap3A_313 = arith.index_cast %sub3A_188 : i32 to index
          %swap3A_314 = arith.constant 112 : index
          %swap3A_315 = tpu.vector_load %arg10[%swap3A_313, %swap3A_314] {strides = array<i32>} : memref<320x128xf32, #tpu.memory_space<vmem>>, vector<16xf32>,
          tpu.vector_store %arg10[%swap3A_313, %swap3A_314], %max3A_312 {strides = array<i32>} : memref<320x128xf32, #tpu.memory_space<vmem>>, vector<16xf32>,
          %get3A_316 = arith.index_cast %sub3A_188 : i32 to index
          %get3A_317 = arith.constant 112 : index
          %get3A_318 = tpu.vector_load %arg11[%get3A_316, %get3A_317] {strides = array<i32>} : memref<320x128xf32, #tpu.memory_space<vmem>>, vector<16xf32>,
          %add3A_319 = arith.addf %get3A_318, %get3A_308 : vector<16xf32>
          %swap3A_320 = arith.index_cast %sub3A_188 : i32 to index
          %swap3A_321 = arith.constant 112 : index
          %swap3A_322 = tpu.vector_load %arg11[%swap3A_320, %swap3A_321] {strides = array<i32>} : memref<320x128xf32, #tpu.memory_space<vmem>>, vector<16xf32>,
          tpu.vector_store %arg11[%swap3A_320, %swap3A_321], %add3A_319 {strides = array<i32>} : memref<320x128xf32, #tpu.memory_space<vmem>>, vector<16xf32>,
          %get3A_323 = arith.index_cast %sub3A_188 : i32 to index
          %get3A_324 = arith.constant 0 : index
          %get3A_325 = tpu.vector_load %arg12[%get3A_323, %get3A_324] {strides = array<i32>} : memref<320x16xf32, #tpu.memory_space<vmem>>, vector<16xf32>,
          %add3A_326 = arith.addf %get3A_325, %broadcast_in_dim3A_7 : vector<16xf32>
          %swap3A_327 = arith.index_cast %sub3A_188 : i32 to index
          %swap3A_328 = arith.constant 0 : index
          %swap3A_329 = tpu.vector_load %arg12[%swap3A_327, %swap3A_328] {strides = array<i32>} : memref<320x16xf32, #tpu.memory_space<vmem>>, vector<16xf32>,
          tpu.vector_store %arg12[%swap3A_327, %swap3A_328], %add3A_326 {strides = array<i32>} : memref<320x16xf32, #tpu.memory_space<vmem>>, vector<16xf32>,
          %while3A_330 = arith.constant 0 : i32
          scf.yield %while3A_330 : i32
        }
        %while3A_180 = arith.constant 1 : i32
        %while3A_181 = scf.for %while3A_183 = %while3A_177 to %while3A_173 step %while3A_180 iter_args(%while3A_184 = %while3A_179) -> (i32)  : i32 {
          %add3A_185 = arith.addi %mul3A_159, %while3A_183 : i32
          %get3A_186 = arith.index_cast %add3A_185 : i32 to index
          %get3A_187 = tpu.vector_load %arg8[%get3A_186] {strides = array<i32>} : memref<1024xi32, #tpu.memory_space<vmem>>, vector<16xi32>,
          %slice3A = vector.extract_strided_slice %get3A_187 {offsets = [0], sizes = [1], strides = [1]} : vector<16xi32> to vector<1xi32>
          %squeeze3A = vector.extract %slice3A[0] : i32 from vector<1xi32>
          %sub3A_188 = arith.subi %squeeze3A, %mul3A_2 : i32
          %get3A_189 = arith.index_cast %while3A_183 : i32 to index
          %get3A_190 = arith.constant 0 : index
          %get3A_191 = tpu.vector_load %arg9[%get3A_189, %get3A_190] {strides = array<i32>} : memref<16x128xf32, #tpu.memory_space<vmem>>, vector<16xf32>,
          %get3A_192 = arith.index_cast %sub3A_188 : i32 to index
          %get3A_193 = arith.constant 0 : index
          %get3A_194 = tpu.vector_load %arg10[%get3A_192, %get3A_193] {strides = array<i32>} : memref<320x128xf32, #tpu.memory_space<vmem>>, vector<16xf32>,
          %max3A = arith.maximumf %get3A_194, %get3A_191 : vector<16xf32>
          %swap3A = arith.index_cast %sub3A_188 : i32 to index
          %swap3A_195 = arith.constant 0 : index
          %swap3A_196 = tpu.vector_load %arg10[%swap3A, %swap3A_195] {strides = array<i32>} : memref<320x128xf32, #tpu.memory_space<vmem>>, vector<16xf32>,
          tpu.vector_store %arg10[%swap3A, %swap3A_195], %max3A {strides = array<i32>} : memref<320x128xf32, #tpu.memory_space<vmem>>, vector<16xf32>,
          %get3A_197 = arith.index_cast %sub3A_188 : i32 to index
          %get3A_198 = arith.constant 0 : index
          %get3A_199 = tpu.vector_load %arg11[%get3A_197, %get3A_198] {strides = array<i32>} : memref<320x128xf32, #tpu.memory_space<vmem>>, vector<16xf32>,
          %add3A_200 = arith.addf %get3A_199, %get3A_191 : vector<16xf32>
          %swap3A_201 = arith.index_cast %sub3A_188 : i32 to index
          %swap3A_202 = arith.constant 0 : index
          %swap3A_203 = tpu.vector_load %arg11[%swap3A_201, %swap3A_202] {strides = array<i32>} : memref<320x128xf32, #tpu.memory_space<vmem>>, vector<16xf32>,
          tpu.vector_store %arg11[%swap3A_201, %swap3A_202], %add3A_200 {strides = array<i32>} : memref<320x128xf32, #tpu.memory_space<vmem>>, vector<16xf32>,
          %get3A_204 = arith.index_cast %while3A_183 : i32 to index
          %get3A_205 = arith.constant 16 : index
          %get3A_206 = tpu.vector_load %arg9[%get3A_204, %get3A_205] {strides = array<i32>} : memref<16x128xf32, #tpu.memory_space<vmem>>, vector<16xf32>,
          %get3A_207 = arith.index_cast %sub3A_188 : i32 to index
          %get3A_208 = arith.constant 16 : index
          %get3A_209 = tpu.vector_load %arg10[%get3A_207, %get3A_208] {strides = array<i32>} : memref<320x128xf32, #tpu.memory_space<vmem>>, vector<16xf32>,
          %max3A_210 = arith.maximumf %get3A_209, %get3A_206 : vector<16xf32>
          %swap3A_211 = arith.index_cast %sub3A_188 : i32 to index
          %swap3A_212 = arith.constant 16 : index
          %swap3A_213 = tpu.vector_load %arg10[%swap3A_211, %swap3A_212] {strides = array<i32>} : memref<320x128xf32, #tpu.memory_space<vmem>>, vector<16xf32>,
          tpu.vector_store %arg10[%swap3A_211, %swap3A_212], %max3A_210 {strides = array<i32>} : memref<320x128xf32, #tpu.memory_space<vmem>>, vector<16xf32>,
          %get3A_214 = arith.index_cast %sub3A_188 : i32 to index
          %get3A_215 = arith.constant 16 : index
          %get3A_216 = tpu.vector_load %arg11[%get3A_214, %get3A_215] {strides = array<i32>} : memref<320x128xf32, #tpu.memory_space<vmem>>, vector<16xf32>,
          %add3A_217 = arith.addf %get3A_216, %get3A_206 : vector<16xf32>
          %swap3A_218 = arith.index_cast %sub3A_188 : i32 to index
          %swap3A_219 = arith.constant 16 : index
          %swap3A_220 = tpu.vector_load %arg11[%swap3A_218, %swap3A_219] {strides = array<i32>} : memref<320x128xf32, #tpu.memory_space<vmem>>, vector<16xf32>,
          tpu.vector_store %arg11[%swap3A_218, %swap3A_219], %add3A_217 {strides = array<i32>} : memref<320x128xf32, #tpu.memory_space<vmem>>, vector<16xf32>,
          %get3A_221 = arith.index_cast %while3A_183 : i32 to index
          %get3A_222 = arith.constant 32 : index
          %get3A_223 = tpu.vector_load %arg9[%get3A_221, %get3A_222] {strides = array<i32>} : memref<16x128xf32, #tpu.memory_space<vmem>>, vector<16xf32>,
          %get3A_224 = arith.index_cast %sub3A_188 : i32 to index
          %get3A_225 = arith.constant 32 : index
          %get3A_226 = tpu.vector_load %arg10[%get3A_224, %get3A_225] {strides = array<i32>} : memref<320x128xf32, #tpu.memory_space<vmem>>, vector<16xf32>,
          %max3A_227 = arith.maximumf %get3A_226, %get3A_223 : vector<16xf32>
          %swap3A_228 = arith.index_cast %sub3A_188 : i32 to index
          %swap3A_229 = arith.constant 32 : index
          %swap3A_230 = tpu.vector_load %arg10[%swap3A_228, %swap3A_229] {strides = array<i32>} : memref<320x128xf32, #tpu.memory_space<vmem>>, vector<16xf32>,
          tpu.vector_store %arg10[%swap3A_228, %swap3A_229], %max3A_227 {strides = array<i32>} : memref<320x128xf32, #tpu.memory_space<vmem>>, vector<16xf32>,
          %get3A_231 = arith.index_cast %sub3A_188 : i32 to index
          %get3A_232 = arith.constant 32 : index
          %get3A_233 = tpu.vector_load %arg11[%get3A_231, %get3A_232] {strides = array<i32>} : memref<320x128xf32, #tpu.memory_space<vmem>>, vector<16xf32>,
          %add3A_234 = arith.addf %get3A_233, %get3A_223 : vector<16xf32>
          %swap3A_235 = arith.index_cast %sub3A_188 : i32 to index
          %swap3A_236 = arith.constant 32 : index
          %swap3A_237 = tpu.vector_load %arg11[%swap3A_235, %swap3A_236] {strides = array<i32>} : memref<320x128xf32, #tpu.memory_space<vmem>>, vector<16xf32>,
          tpu.vector_store %arg11[%swap3A_235, %swap3A_236], %add3A_234 {strides = array<i32>} : memref<320x128xf32, #tpu.memory_space<vmem>>, vector<16xf32>,
          %get3A_238 = arith.index_cast %while3A_183 : i32 to index
          %get3A_239 = arith.constant 48 : index
          %get3A_240 = tpu.vector_load %arg9[%get3A_238, %get3A_239] {strides = array<i32>} : memref<16x128xf32, #tpu.memory_space<vmem>>, vector<16xf32>,
          %get3A_241 = arith.index_cast %sub3A_188 : i32 to index
          %get3A_242 = arith.constant 48 : index
          %get3A_243 = tpu.vector_load %arg10[%get3A_241, %get3A_242] {strides = array<i32>} : memref<320x128xf32, #tpu.memory_space<vmem>>, vector<16xf32>,
          %max3A_244 = arith.maximumf %get3A_243, %get3A_240 : vector<16xf32>
          %swap3A_245 = arith.index_cast %sub3A_188 : i32 to index
          %swap3A_246 = arith.constant 48 : index
          %swap3A_247 = tpu.vector_load %arg10[%swap3A_245, %swap3A_246] {strides = array<i32>} : memref<320x128xf32, #tpu.memory_space<vmem>>, vector<16xf32>,
          tpu.vector_store %arg10[%swap3A_245, %swap3A_246], %max3A_244 {strides = array<i32>} : memref<320x128xf32, #tpu.memory_space<vmem>>, vector<16xf32>,
          %get3A_248 = arith.index_cast %sub3A_188 : i32 to index
          %get3A_249 = arith.constant 48 : index
          %get3A_250 = tpu.vector_load %arg11[%get3A_248, %get3A_249] {strides = array<i32>} : memref<320x128xf32, #tpu.memory_space<vmem>>, vector<16xf32>,
          %add3A_251 = arith.addf %get3A_250, %get3A_240 : vector<16xf32>
          %swap3A_252 = arith.index_cast %sub3A_188 : i32 to index
          %swap3A_253 = arith.constant 48 : index
          %swap3A_254 = tpu.vector_load %arg11[%swap3A_252, %swap3A_253] {strides = array<i32>} : memref<320x128xf32, #tpu.memory_space<vmem>>, vector<16xf32>,
          tpu.vector_store %arg11[%swap3A_252, %swap3A_253], %add3A_251 {strides = array<i32>} : memref<320x128xf32, #tpu.memory_space<vmem>>, vector<16xf32>,
          %get3A_255 = arith.index_cast %while3A_183 : i32 to index
          %get3A_256 = arith.constant 64 : index
          %get3A_257 = tpu.vector_load %arg9[%get3A_255, %get3A_256] {strides = array<i32>} : memref<16x128xf32, #tpu.memory_space<vmem>>, vector<16xf32>,
          %get3A_258 = arith.index_cast %sub3A_188 : i32 to index
          %get3A_259 = arith.constant 64 : index
          %get3A_260 = tpu.vector_load %arg10[%get3A_258, %get3A_259] {strides = array<i32>} : memref<320x128xf32, #tpu.memory_space<vmem>>, vector<16xf32>,
          %max3A_261 = arith.maximumf %get3A_260, %get3A_257 : vector<16xf32>
          %swap3A_262 = arith.index_cast %sub3A_188 : i32 to index
          %swap3A_263 = arith.constant 64 : index
          %swap3A_264 = tpu.vector_load %arg10[%swap3A_262, %swap3A_263] {strides = array<i32>} : memref<320x128xf32, #tpu.memory_space<vmem>>, vector<16xf32>,
          tpu.vector_store %arg10[%swap3A_262, %swap3A_263], %max3A_261 {strides = array<i32>} : memref<320x128xf32, #tpu.memory_space<vmem>>, vector<16xf32>,
          %get3A_265 = arith.index_cast %sub3A_188 : i32 to index
          %get3A_266 = arith.constant 64 : index
          %get3A_267 = tpu.vector_load %arg11[%get3A_265, %get3A_266] {strides = array<i32>} : memref<320x128xf32, #tpu.memory_space<vmem>>, vector<16xf32>,
          %add3A_268 = arith.addf %get3A_267, %get3A_257 : vector<16xf32>
          %swap3A_269 = arith.index_cast %sub3A_188 : i32 to index
          %swap3A_270 = arith.constant 64 : index
          %swap3A_271 = tpu.vector_load %arg11[%swap3A_269, %swap3A_270] {strides = array<i32>} : memref<320x128xf32, #tpu.memory_space<vmem>>, vector<16xf32>,
          tpu.vector_store %arg11[%swap3A_269, %swap3A_270], %add3A_268 {strides = array<i32>} : memref<320x128xf32, #tpu.memory_space<vmem>>, vector<16xf32>,
          %get3A_272 = arith.index_cast %while3A_183 : i32 to index
          %get3A_273 = arith.constant 80 : index
          %get3A_274 = tpu.vector_load %arg9[%get3A_272, %get3A_273] {strides = array<i32>} : memref<16x128xf32, #tpu.memory_space<vmem>>, vector<16xf32>,
          %get3A_275 = arith.index_cast %sub3A_188 : i32 to index
          %get3A_276 = arith.constant 80 : index
          %get3A_277 = tpu.vector_load %arg10[%get3A_275, %get3A_276] {strides = array<i32>} : memref<320x128xf32, #tpu.memory_space<vmem>>, vector<16xf32>,
          %max3A_278 = arith.maximumf %get3A_277, %get3A_274 : vector<16xf32>
          %swap3A_279 = arith.index_cast %sub3A_188 : i32 to index
          %swap3A_280 = arith.constant 80 : index
          %swap3A_281 = tpu.vector_load %arg10[%swap3A_279, %swap3A_280] {strides = array<i32>} : memref<320x128xf32, #tpu.memory_space<vmem>>, vector<16xf32>,
          tpu.vector_store %arg10[%swap3A_279, %swap3A_280], %max3A_278 {strides = array<i32>} : memref<320x128xf32, #tpu.memory_space<vmem>>, vector<16xf32>,
          %get3A_282 = arith.index_cast %sub3A_188 : i32 to index
          %get3A_283 = arith.constant 80 : index
          %get3A_284 = tpu.vector_load %arg11[%get3A_282, %get3A_283] {strides = array<i32>} : memref<320x128xf32, #tpu.memory_space<vmem>>, vector<16xf32>,
          %add3A_285 = arith.addf %get3A_284, %get3A_274 : vector<16xf32>
          %swap3A_286 = arith.index_cast %sub3A_188 : i32 to index
          %swap3A_287 = arith.constant 80 : index
          %swap3A_288 = tpu.vector_load %arg11[%swap3A_286, %swap3A_287] {strides = array<i32>} : memref<320x128xf32, #tpu.memory_space<vmem>>, vector<16xf32>,
          tpu.vector_store %arg11[%swap3A_286, %swap3A_287], %add3A_285 {strides = array<i32>} : memref<320x128xf32, #tpu.memory_space<vmem>>, vector<16xf32>,
          %get3A_289 = arith.index_cast %while3A_183 : i32 to index
          %get3A_290 = arith.constant 96 : index
          %get3A_291 = tpu.vector_load %arg9[%get3A_289, %get3A_290] {strides = array<i32>} : memref<16x128xf32, #tpu.memory_space<vmem>>, vector<16xf32>,
          %get3A_292 = arith.index_cast %sub3A_188 : i32 to index
          %get3A_293 = arith.constant 96 : index
          %get3A_294 = tpu.vector_load %arg10[%get3A_292, %get3A_293] {strides = array<i32>} : memref<320x128xf32, #tpu.memory_space<vmem>>, vector<16xf32>,
          %max3A_295 = arith.maximumf %get3A_294, %get3A_291 : vector<16xf32>
          %swap3A_296 = arith.index_cast %sub3A_188 : i32 to index
          %swap3A_297 = arith.constant 96 : index
          %swap3A_298 = tpu.vector_load %arg10[%swap3A_296, %swap3A_297] {strides = array<i32>} : memref<320x128xf32, #tpu.memory_space<vmem>>, vector<16xf32>,
          tpu.vector_store %arg10[%swap3A_296, %swap3A_297], %max3A_295 {strides = array<i32>} : memref<320x128xf32, #tpu.memory_space<vmem>>, vector<16xf32>,
          %get3A_299 = arith.index_cast %sub3A_188 : i32 to index
          %get3A_300 = arith.constant 96 : index
          %get3A_301 = tpu.vector_load %arg11[%get3A_299, %get3A_300] {strides = array<i32>} : memref<320x128xf32, #tpu.memory_space<vmem>>, vector<16xf32>,
          %add3A_302 = arith.addf %get3A_301, %get3A_291 : vector<16xf32>
          %swap3A_303 = arith.index_cast %sub3A_188 : i32 to index
          %swap3A_304 = arith.constant 96 : index
          %swap3A_305 = tpu.vector_load %arg11[%swap3A_303, %swap3A_304] {strides = array<i32>} : memref<320x128xf32, #tpu.memory_space<vmem>>, vector<16xf32>,
          tpu.vector_store %arg11[%swap3A_303, %swap3A_304], %add3A_302 {strides = array<i32>} : memref<320x128xf32, #tpu.memory_space<vmem>>, vector<16xf32>,
          %get3A_306 = arith.index_cast %while3A_183 : i32 to index
          %get3A_307 = arith.constant 112 : index
          %get3A_308 = tpu.vector_load %arg9[%get3A_306, %get3A_307] {strides = array<i32>} : memref<16x128xf32, #tpu.memory_space<vmem>>, vector<16xf32>,
          %get3A_309 = arith.index_cast %sub3A_188 : i32 to index
          %get3A_310 = arith.constant 112 : index
          %get3A_311 = tpu.vector_load %arg10[%get3A_309, %get3A_310] {strides = array<i32>} : memref<320x128xf32, #tpu.memory_space<vmem>>, vector<16xf32>,
          %max3A_312 = arith.maximumf %get3A_311, %get3A_308 : vector<16xf32>
          %swap3A_313 = arith.index_cast %sub3A_188 : i32 to index
          %swap3A_314 = arith.constant 112 : index
          %swap3A_315 = tpu.vector_load %arg10[%swap3A_313, %swap3A_314] {strides = array<i32>} : memref<320x128xf32, #tpu.memory_space<vmem>>, vector<16xf32>,
          tpu.vector_store %arg10[%swap3A_313, %swap3A_314], %max3A_312 {strides = array<i32>} : memref<320x128xf32, #tpu.memory_space<vmem>>, vector<16xf32>,
          %get3A_316 = arith.index_cast %sub3A_188 : i32 to index
          %get3A_317 = arith.constant 112 : index
          %get3A_318 = tpu.vector_load %arg11[%get3A_316, %get3A_317] {strides = array<i32>} : memref<320x128xf32, #tpu.memory_space<vmem>>, vector<16xf32>,
          %add3A_319 = arith.addf %get3A_318, %get3A_308 : vector<16xf32>
          %swap3A_320 = arith.index_cast %sub3A_188 : i32 to index
          %swap3A_321 = arith.constant 112 : index
          %swap3A_322 = tpu.vector_load %arg11[%swap3A_320, %swap3A_321] {strides = array<i32>} : memref<320x128xf32, #tpu.memory_space<vmem>>, vector<16xf32>,
          tpu.vector_store %arg11[%swap3A_320, %swap3A_321], %add3A_319 {strides = array<i32>} : memref<320x128xf32, #tpu.memory_space<vmem>>, vector<16xf32>,
          %get3A_323 = arith.index_cast %sub3A_188 : i32 to index
          %get3A_324 = arith.constant 0 : index
          %get3A_325 = tpu.vector_load %arg12[%get3A_323, %get3A_324] {strides = array<i32>} : memref<320x16xf32, #tpu.memory_space<vmem>>, vector<16xf32>,
          %add3A_326 = arith.addf %get3A_325, %broadcast_in_dim3A_7 : vector<16xf32>
          %swap3A_327 = arith.index_cast %sub3A_188 : i32 to index
          %swap3A_328 = arith.constant 0 : index
          %swap3A_329 = tpu.vector_load %arg12[%swap3A_327, %swap3A_328] {strides = array<i32>} : memref<320x16xf32, #tpu.memory_space<vmem>>, vector<16xf32>,
          tpu.vector_store %arg12[%swap3A_327, %swap3A_328], %add3A_326 {strides = array<i32>} : memref<320x16xf32, #tpu.memory_space<vmem>>, vector<16xf32>,
          %while3A_330 = arith.constant 0 : i32
          scf.yield %while3A_330 : i32
        }
        %while3A_182 = arith.constant 0 : i32
        scf.yield %while3A_182 : i32
      }
      %while3A_93 = arith.constant 1 : i32
      %while3A_94 = scf.for %while3A_156 = %while3A_90 to %while3A_86 step %while3A_93 iter_args(%while3A_157 = %while3A_92) -> (i32)  : i32 {
        %mul3A_158 = arith.constant 16 : i32
        %mul3A_159 = arith.muli %while3A_156, %mul3A_158 : i32
        %get3A = arith.index_cast %mul3A_159 : i32 to index
        %get3A_160 = tpu.vector_load %arg7[%get3A] {strides = array<i32>} : memref<1024xi32, #tpu.memory_space<vmem>>, vector<16xi32>,
        %dma_start3A_161 = arith.constant 0 : i32
        %dma_start3A_162 = arith.constant 0 : i32
        %dma_start3A_163 = tpu.memref_slice %arg2[%dma_start3A_161, %dma_start3A_162] : memref<320000x128xf32, #tpu.memory_space<hbm>> -> memref<320000x128xf32, #tpu.memory_space<hbm>>
        tpu.enqueue_indirect_dma source(%dma_start3A_163 : memref<320000x128xf32, #tpu.memory_space<hbm>>) target(%arg9 : memref<16x128xf32, #tpu.memory_space<vmem>>) offsets(%get3A_160 : vector<16xi32>) semaphore(%arg15 : memref<!tpu.dma_semaphore, #tpu.memory_space<semaphore_mem>>)
        %dma_wait3A_164 = arith.constant 0 : i32
        %dma_wait3A_165 = arith.constant 0 : i32
        %dma_wait3A_166 = tpu.memref_slice %arg2[%dma_wait3A_164, %dma_wait3A_165] : memref<320000x128xf32, #tpu.memory_space<hbm>> -> memref<320000x128xf32, #tpu.memory_space<hbm>>
        tpu.wait_indirect_dma semaphore(%arg15 : memref<!tpu.dma_semaphore, #tpu.memory_space<semaphore_mem>>) src(%dma_wait3A_166 : memref<320000x128xf32, #tpu.memory_space<hbm>>) dst(%arg9 : memref<16x128xf32, #tpu.memory_space<vmem>>)
        %sub3A_167 = arith.subi %scan3A_64, %mul3A_159 : i32
        %min3A_168 = arith.constant 16 : i32
        %min3A_169 = arith.minsi %sub3A_167, %min3A_168 : i32
        %while3A_170 = arith.constant 0 : i32
        %while3A_171 = arith.constant 0 : i32
        %while3A_172 = arith.subi %min3A_169, %while3A_170 : i32
        %while3A_173 = arith.addi %while3A_170, %while3A_172 : i32
        %while3A_174 = arith.constant 1 : i32
        %while3A_175 = arith.divsi %while3A_172, %while3A_174 : i32
        %while3A_176 = arith.muli %while3A_175, %while3A_174 : i32
        %while3A_177 = arith.addi %while3A_170, %while3A_176 : i32
        %while3A_178 = arith.constant 1 : i32
        %while3A_179 = scf.for %while3A_183 = %while3A_170 to %while3A_177 step %while3A_178 iter_args(%while3A_184 = %while3A_171) -> (i32)  : i32 {
          %add3A_185 = arith.addi %mul3A_159, %while3A_183 : i32
          %get3A_186 = arith.index_cast %add3A_185 : i32 to index
          %get3A_187 = tpu.vector_load %arg8[%get3A_186] {strides = array<i32>} : memref<1024xi32, #tpu.memory_space<vmem>>, vector<16xi32>,
          %slice3A = vector.extract_strided_slice %get3A_187 {offsets = [0], sizes = [1], strides = [1]} : vector<16xi32> to vector<1xi32>
          %squeeze3A = vector.extract %slice3A[0] : i32 from vector<1xi32>
          %sub3A_188 = arith.subi %squeeze3A, %mul3A_2 : i32
          %get3A_189 = arith.index_cast %while3A_183 : i32 to index
          %get3A_190 = arith.constant 0 : index
          %get3A_191 = tpu.vector_load %arg9[%get3A_189, %get3A_190] {strides = array<i32>} : memref<16x128xf32, #tpu.memory_space<vmem>>, vector<16xf32>,
          %get3A_192 = arith.index_cast %sub3A_188 : i32 to index
          %get3A_193 = arith.constant 0 : index
          %get3A_194 = tpu.vector_load %arg10[%get3A_192, %get3A_193] {strides = array<i32>} : memref<320x128xf32, #tpu.memory_space<vmem>>, vector<16xf32>,
          %max3A = arith.maximumf %get3A_194, %get3A_191 : vector<16xf32>
          %swap3A = arith.index_cast %sub3A_188 : i32 to index
          %swap3A_195 = arith.constant 0 : index
          %swap3A_196 = tpu.vector_load %arg10[%swap3A, %swap3A_195] {strides = array<i32>} : memref<320x128xf32, #tpu.memory_space<vmem>>, vector<16xf32>,
          tpu.vector_store %arg10[%swap3A, %swap3A_195], %max3A {strides = array<i32>} : memref<320x128xf32, #tpu.memory_space<vmem>>, vector<16xf32>,
          %get3A_197 = arith.index_cast %sub3A_188 : i32 to index
          %get3A_198 = arith.constant 0 : index
          %get3A_199 = tpu.vector_load %arg11[%get3A_197, %get3A_198] {strides = array<i32>} : memref<320x128xf32, #tpu.memory_space<vmem>>, vector<16xf32>,
          %add3A_200 = arith.addf %get3A_199, %get3A_191 : vector<16xf32>
          %swap3A_201 = arith.index_cast %sub3A_188 : i32 to index
          %swap3A_202 = arith.constant 0 : index
          %swap3A_203 = tpu.vector_load %arg11[%swap3A_201, %swap3A_202] {strides = array<i32>} : memref<320x128xf32, #tpu.memory_space<vmem>>, vector<16xf32>,
          tpu.vector_store %arg11[%swap3A_201, %swap3A_202], %add3A_200 {strides = array<i32>} : memref<320x128xf32, #tpu.memory_space<vmem>>, vector<16xf32>,
          %get3A_204 = arith.index_cast %while3A_183 : i32 to index
          %get3A_205 = arith.constant 16 : index
          %get3A_206 = tpu.vector_load %arg9[%get3A_204, %get3A_205] {strides = array<i32>} : memref<16x128xf32, #tpu.memory_space<vmem>>, vector<16xf32>,
          %get3A_207 = arith.index_cast %sub3A_188 : i32 to index
          %get3A_208 = arith.constant 16 : index
          %get3A_209 = tpu.vector_load %arg10[%get3A_207, %get3A_208] {strides = array<i32>} : memref<320x128xf32, #tpu.memory_space<vmem>>, vector<16xf32>,
          %max3A_210 = arith.maximumf %get3A_209, %get3A_206 : vector<16xf32>
          %swap3A_211 = arith.index_cast %sub3A_188 : i32 to index
          %swap3A_212 = arith.constant 16 : index
          %swap3A_213 = tpu.vector_load %arg10[%swap3A_211, %swap3A_212] {strides = array<i32>} : memref<320x128xf32, #tpu.memory_space<vmem>>, vector<16xf32>,
          tpu.vector_store %arg10[%swap3A_211, %swap3A_212], %max3A_210 {strides = array<i32>} : memref<320x128xf32, #tpu.memory_space<vmem>>, vector<16xf32>,
          %get3A_214 = arith.index_cast %sub3A_188 : i32 to index
          %get3A_215 = arith.constant 16 : index
          %get3A_216 = tpu.vector_load %arg11[%get3A_214, %get3A_215] {strides = array<i32>} : memref<320x128xf32, #tpu.memory_space<vmem>>, vector<16xf32>,
          %add3A_217 = arith.addf %get3A_216, %get3A_206 : vector<16xf32>
          %swap3A_218 = arith.index_cast %sub3A_188 : i32 to index
          %swap3A_219 = arith.constant 16 : index
          %swap3A_220 = tpu.vector_load %arg11[%swap3A_218, %swap3A_219] {strides = array<i32>} : memref<320x128xf32, #tpu.memory_space<vmem>>, vector<16xf32>,
          tpu.vector_store %arg11[%swap3A_218, %swap3A_219], %add3A_217 {strides = array<i32>} : memref<320x128xf32, #tpu.memory_space<vmem>>, vector<16xf32>,
          %get3A_221 = arith.index_cast %while3A_183 : i32 to index
          %get3A_222 = arith.constant 32 : index
          %get3A_223 = tpu.vector_load %arg9[%get3A_221, %get3A_222] {strides = array<i32>} : memref<16x128xf32, #tpu.memory_space<vmem>>, vector<16xf32>,
          %get3A_224 = arith.index_cast %sub3A_188 : i32 to index
          %get3A_225 = arith.constant 32 : index
          %get3A_226 = tpu.vector_load %arg10[%get3A_224, %get3A_225] {strides = array<i32>} : memref<320x128xf32, #tpu.memory_space<vmem>>, vector<16xf32>,
          %max3A_227 = arith.maximumf %get3A_226, %get3A_223 : vector<16xf32>
          %swap3A_228 = arith.index_cast %sub3A_188 : i32 to index
          %swap3A_229 = arith.constant 32 : index
          %swap3A_230 = tpu.vector_load %arg10[%swap3A_228, %swap3A_229] {strides = array<i32>} : memref<320x128xf32, #tpu.memory_space<vmem>>, vector<16xf32>,
          tpu.vector_store %arg10[%swap3A_228, %swap3A_229], %max3A_227 {strides = array<i32>} : memref<320x128xf32, #tpu.memory_space<vmem>>, vector<16xf32>,
          %get3A_231 = arith.index_cast %sub3A_188 : i32 to index
          %get3A_232 = arith.constant 32 : index
          %get3A_233 = tpu.vector_load %arg11[%get3A_231, %get3A_232] {strides = array<i32>} : memref<320x128xf32, #tpu.memory_space<vmem>>, vector<16xf32>,
          %add3A_234 = arith.addf %get3A_233, %get3A_223 : vector<16xf32>
          %swap3A_235 = arith.index_cast %sub3A_188 : i32 to index
          %swap3A_236 = arith.constant 32 : index
          %swap3A_237 = tpu.vector_load %arg11[%swap3A_235, %swap3A_236] {strides = array<i32>} : memref<320x128xf32, #tpu.memory_space<vmem>>, vector<16xf32>,
          tpu.vector_store %arg11[%swap3A_235, %swap3A_236], %add3A_234 {strides = array<i32>} : memref<320x128xf32, #tpu.memory_space<vmem>>, vector<16xf32>,
          %get3A_238 = arith.index_cast %while3A_183 : i32 to index
          %get3A_239 = arith.constant 48 : index
          %get3A_240 = tpu.vector_load %arg9[%get3A_238, %get3A_239] {strides = array<i32>} : memref<16x128xf32, #tpu.memory_space<vmem>>, vector<16xf32>,
          %get3A_241 = arith.index_cast %sub3A_188 : i32 to index
          %get3A_242 = arith.constant 48 : index
          %get3A_243 = tpu.vector_load %arg10[%get3A_241, %get3A_242] {strides = array<i32>} : memref<320x128xf32, #tpu.memory_space<vmem>>, vector<16xf32>,
          %max3A_244 = arith.maximumf %get3A_243, %get3A_240 : vector<16xf32>
          %swap3A_245 = arith.index_cast %sub3A_188 : i32 to index
          %swap3A_246 = arith.constant 48 : index
          %swap3A_247 = tpu.vector_load %arg10[%swap3A_245, %swap3A_246] {strides = array<i32>} : memref<320x128xf32, #tpu.memory_space<vmem>>, vector<16xf32>,
          tpu.vector_store %arg10[%swap3A_245, %swap3A_246], %max3A_244 {strides = array<i32>} : memref<320x128xf32, #tpu.memory_space<vmem>>, vector<16xf32>,
          %get3A_248 = arith.index_cast %sub3A_188 : i32 to index
          %get3A_249 = arith.constant 48 : index
          %get3A_250 = tpu.vector_load %arg11[%get3A_248, %get3A_249] {strides = array<i32>} : memref<320x128xf32, #tpu.memory_space<vmem>>, vector<16xf32>,
          %add3A_251 = arith.addf %get3A_250, %get3A_240 : vector<16xf32>
          %swap3A_252 = arith.index_cast %sub3A_188 : i32 to index
          %swap3A_253 = arith.constant 48 : index
          %swap3A_254 = tpu.vector_load %arg11[%swap3A_252, %swap3A_253] {strides = array<i32>} : memref<320x128xf32, #tpu.memory_space<vmem>>, vector<16xf32>,
          tpu.vector_store %arg11[%swap3A_252, %swap3A_253], %add3A_251 {strides = array<i32>} : memref<320x128xf32, #tpu.memory_space<vmem>>, vector<16xf32>,
          %get3A_255 = arith.index_cast %while3A_183 : i32 to index
          %get3A_256 = arith.constant 64 : index
          %get3A_257 = tpu.vector_load %arg9[%get3A_255, %get3A_256] {strides = array<i32>} : memref<16x128xf32, #tpu.memory_space<vmem>>, vector<16xf32>,
          %get3A_258 = arith.index_cast %sub3A_188 : i32 to index
          %get3A_259 = arith.constant 64 : index
          %get3A_260 = tpu.vector_load %arg10[%get3A_258, %get3A_259] {strides = array<i32>} : memref<320x128xf32, #tpu.memory_space<vmem>>, vector<16xf32>,
          %max3A_261 = arith.maximumf %get3A_260, %get3A_257 : vector<16xf32>
          %swap3A_262 = arith.index_cast %sub3A_188 : i32 to index
          %swap3A_263 = arith.constant 64 : index
          %swap3A_264 = tpu.vector_load %arg10[%swap3A_262, %swap3A_263] {strides = array<i32>} : memref<320x128xf32, #tpu.memory_space<vmem>>, vector<16xf32>,
          tpu.vector_store %arg10[%swap3A_262, %swap3A_263], %max3A_261 {strides = array<i32>} : memref<320x128xf32, #tpu.memory_space<vmem>>, vector<16xf32>,
          %get3A_265 = arith.index_cast %sub3A_188 : i32 to index
          %get3A_266 = arith.constant 64 : index
          %get3A_267 = tpu.vector_load %arg11[%get3A_265, %get3A_266] {strides = array<i32>} : memref<320x128xf32, #tpu.memory_space<vmem>>, vector<16xf32>,
          %add3A_268 = arith.addf %get3A_267, %get3A_257 : vector<16xf32>
          %swap3A_269 = arith.index_cast %sub3A_188 : i32 to index
          %swap3A_270 = arith.constant 64 : index
          %swap3A_271 = tpu.vector_load %arg11[%swap3A_269, %swap3A_270] {strides = array<i32>} : memref<320x128xf32, #tpu.memory_space<vmem>>, vector<16xf32>,
          tpu.vector_store %arg11[%swap3A_269, %swap3A_270], %add3A_268 {strides = array<i32>} : memref<320x128xf32, #tpu.memory_space<vmem>>, vector<16xf32>,
          %get3A_272 = arith.index_cast %while3A_183 : i32 to index
          %get3A_273 = arith.constant 80 : index
          %get3A_274 = tpu.vector_load %arg9[%get3A_272, %get3A_273] {strides = array<i32>} : memref<16x128xf32, #tpu.memory_space<vmem>>, vector<16xf32>,
          %get3A_275 = arith.index_cast %sub3A_188 : i32 to index
          %get3A_276 = arith.constant 80 : index
          %get3A_277 = tpu.vector_load %arg10[%get3A_275, %get3A_276] {strides = array<i32>} : memref<320x128xf32, #tpu.memory_space<vmem>>, vector<16xf32>,
          %max3A_278 = arith.maximumf %get3A_277, %get3A_274 : vector<16xf32>
          %swap3A_279 = arith.index_cast %sub3A_188 : i32 to index
          %swap3A_280 = arith.constant 80 : index
          %swap3A_281 = tpu.vector_load %arg10[%swap3A_279, %swap3A_280] {strides = array<i32>} : memref<320x128xf32, #tpu.memory_space<vmem>>, vector<16xf32>,
          tpu.vector_store %arg10[%swap3A_279, %swap3A_280], %max3A_278 {strides = array<i32>} : memref<320x128xf32, #tpu.memory_space<vmem>>, vector<16xf32>,
          %get3A_282 = arith.index_cast %sub3A_188 : i32 to index
          %get3A_283 = arith.constant 80 : index
          %get3A_284 = tpu.vector_load %arg11[%get3A_282, %get3A_283] {strides = array<i32>} : memref<320x128xf32, #tpu.memory_space<vmem>>, vector<16xf32>,
          %add3A_285 = arith.addf %get3A_284, %get3A_274 : vector<16xf32>
          %swap3A_286 = arith.index_cast %sub3A_188 : i32 to index
          %swap3A_287 = arith.constant 80 : index
          %swap3A_288 = tpu.vector_load %arg11[%swap3A_286, %swap3A_287] {strides = array<i32>} : memref<320x128xf32, #tpu.memory_space<vmem>>, vector<16xf32>,
          tpu.vector_store %arg11[%swap3A_286, %swap3A_287], %add3A_285 {strides = array<i32>} : memref<320x128xf32, #tpu.memory_space<vmem>>, vector<16xf32>,
          %get3A_289 = arith.index_cast %while3A_183 : i32 to index
          %get3A_290 = arith.constant 96 : index
          %get3A_291 = tpu.vector_load %arg9[%get3A_289, %get3A_290] {strides = array<i32>} : memref<16x128xf32, #tpu.memory_space<vmem>>, vector<16xf32>,
          %get3A_292 = arith.index_cast %sub3A_188 : i32 to index
          %get3A_293 = arith.constant 96 : index
          %get3A_294 = tpu.vector_load %arg10[%get3A_292, %get3A_293] {strides = array<i32>} : memref<320x128xf32, #tpu.memory_space<vmem>>, vector<16xf32>,
          %max3A_295 = arith.maximumf %get3A_294, %get3A_291 : vector<16xf32>
          %swap3A_296 = arith.index_cast %sub3A_188 : i32 to index
          %swap3A_297 = arith.constant 96 : index
          %swap3A_298 = tpu.vector_load %arg10[%swap3A_296, %swap3A_297] {strides = array<i32>} : memref<320x128xf32, #tpu.memory_space<vmem>>, vector<16xf32>,
          tpu.vector_store %arg10[%swap3A_296, %swap3A_297], %max3A_295 {strides = array<i32>} : memref<320x128xf32, #tpu.memory_space<vmem>>, vector<16xf32>,
          %get3A_299 = arith.index_cast %sub3A_188 : i32 to index
          %get3A_300 = arith.constant 96 : index
          %get3A_301 = tpu.vector_load %arg11[%get3A_299, %get3A_300] {strides = array<i32>} : memref<320x128xf32, #tpu.memory_space<vmem>>, vector<16xf32>,
          %add3A_302 = arith.addf %get3A_301, %get3A_291 : vector<16xf32>
          %swap3A_303 = arith.index_cast %sub3A_188 : i32 to index
          %swap3A_304 = arith.constant 96 : index
          %swap3A_305 = tpu.vector_load %arg11[%swap3A_303, %swap3A_304] {strides = array<i32>} : memref<320x128xf32, #tpu.memory_space<vmem>>, vector<16xf32>,
          tpu.vector_store %arg11[%swap3A_303, %swap3A_304], %add3A_302 {strides = array<i32>} : memref<320x128xf32, #tpu.memory_space<vmem>>, vector<16xf32>,
          %get3A_306 = arith.index_cast %while3A_183 : i32 to index
          %get3A_307 = arith.constant 112 : index
          %get3A_308 = tpu.vector_load %arg9[%get3A_306, %get3A_307] {strides = array<i32>} : memref<16x128xf32, #tpu.memory_space<vmem>>, vector<16xf32>,
          %get3A_309 = arith.index_cast %sub3A_188 : i32 to index
          %get3A_310 = arith.constant 112 : index
          %get3A_311 = tpu.vector_load %arg10[%get3A_309, %get3A_310] {strides = array<i32>} : memref<320x128xf32, #tpu.memory_space<vmem>>, vector<16xf32>,
          %max3A_312 = arith.maximumf %get3A_311, %get3A_308 : vector<16xf32>
          %swap3A_313 = arith.index_cast %sub3A_188 : i32 to index
          %swap3A_314 = arith.constant 112 : index
          %swap3A_315 = tpu.vector_load %arg10[%swap3A_313, %swap3A_314] {strides = array<i32>} : memref<320x128xf32, #tpu.memory_space<vmem>>, vector<16xf32>,
          tpu.vector_store %arg10[%swap3A_313, %swap3A_314], %max3A_312 {strides = array<i32>} : memref<320x128xf32, #tpu.memory_space<vmem>>, vector<16xf32>,
          %get3A_316 = arith.index_cast %sub3A_188 : i32 to index
          %get3A_317 = arith.constant 112 : index
          %get3A_318 = tpu.vector_load %arg11[%get3A_316, %get3A_317] {strides = array<i32>} : memref<320x128xf32, #tpu.memory_space<vmem>>, vector<16xf32>,
          %add3A_319 = arith.addf %get3A_318, %get3A_308 : vector<16xf32>
          %swap3A_320 = arith.index_cast %sub3A_188 : i32 to index
          %swap3A_321 = arith.constant 112 : index
          %swap3A_322 = tpu.vector_load %arg11[%swap3A_320, %swap3A_321] {strides = array<i32>} : memref<320x128xf32, #tpu.memory_space<vmem>>, vector<16xf32>,
          tpu.vector_store %arg11[%swap3A_320, %swap3A_321], %add3A_319 {strides = array<i32>} : memref<320x128xf32, #tpu.memory_space<vmem>>, vector<16xf32>,
          %get3A_323 = arith.index_cast %sub3A_188 : i32 to index
          %get3A_324 = arith.constant 0 : index
          %get3A_325 = tpu.vector_load %arg12[%get3A_323, %get3A_324] {strides = array<i32>} : memref<320x16xf32, #tpu.memory_space<vmem>>, vector<16xf32>,
          %add3A_326 = arith.addf %get3A_325, %broadcast_in_dim3A_7 : vector<16xf32>
          %swap3A_327 = arith.index_cast %sub3A_188 : i32 to index
          %swap3A_328 = arith.constant 0 : index
          %swap3A_329 = tpu.vector_load %arg12[%swap3A_327, %swap3A_328] {strides = array<i32>} : memref<320x16xf32, #tpu.memory_space<vmem>>, vector<16xf32>,
          tpu.vector_store %arg12[%swap3A_327, %swap3A_328], %add3A_326 {strides = array<i32>} : memref<320x16xf32, #tpu.memory_space<vmem>>, vector<16xf32>,
          %while3A_330 = arith.constant 0 : i32
          scf.yield %while3A_330 : i32
        }
        %while3A_180 = arith.constant 1 : i32
        %while3A_181 = scf.for %while3A_183 = %while3A_177 to %while3A_173 step %while3A_180 iter_args(%while3A_184 = %while3A_179) -> (i32)  : i32 {
          %add3A_185 = arith.addi %mul3A_159, %while3A_183 : i32
          %get3A_186 = arith.index_cast %add3A_185 : i32 to index
          %get3A_187 = tpu.vector_load %arg8[%get3A_186] {strides = array<i32>} : memref<1024xi32, #tpu.memory_space<vmem>>, vector<16xi32>,
          %slice3A = vector.extract_strided_slice %get3A_187 {offsets = [0], sizes = [1], strides = [1]} : vector<16xi32> to vector<1xi32>
          %squeeze3A = vector.extract %slice3A[0] : i32 from vector<1xi32>
          %sub3A_188 = arith.subi %squeeze3A, %mul3A_2 : i32
          %get3A_189 = arith.index_cast %while3A_183 : i32 to index
          %get3A_190 = arith.constant 0 : index
          %get3A_191 = tpu.vector_load %arg9[%get3A_189, %get3A_190] {strides = array<i32>} : memref<16x128xf32, #tpu.memory_space<vmem>>, vector<16xf32>,
          %get3A_192 = arith.index_cast %sub3A_188 : i32 to index
          %get3A_193 = arith.constant 0 : index
          %get3A_194 = tpu.vector_load %arg10[%get3A_192, %get3A_193] {strides = array<i32>} : memref<320x128xf32, #tpu.memory_space<vmem>>, vector<16xf32>,
          %max3A = arith.maximumf %get3A_194, %get3A_191 : vector<16xf32>
          %swap3A = arith.index_cast %sub3A_188 : i32 to index
          %swap3A_195 = arith.constant 0 : index
          %swap3A_196 = tpu.vector_load %arg10[%swap3A, %swap3A_195] {strides = array<i32>} : memref<320x128xf32, #tpu.memory_space<vmem>>, vector<16xf32>,
          tpu.vector_store %arg10[%swap3A, %swap3A_195], %max3A {strides = array<i32>} : memref<320x128xf32, #tpu.memory_space<vmem>>, vector<16xf32>,
          %get3A_197 = arith.index_cast %sub3A_188 : i32 to index
          %get3A_198 = arith.constant 0 : index
          %get3A_199 = tpu.vector_load %arg11[%get3A_197, %get3A_198] {strides = array<i32>} : memref<320x128xf32, #tpu.memory_space<vmem>>, vector<16xf32>,
          %add3A_200 = arith.addf %get3A_199, %get3A_191 : vector<16xf32>
          %swap3A_201 = arith.index_cast %sub3A_188 : i32 to index
          %swap3A_202 = arith.constant 0 : index
          %swap3A_203 = tpu.vector_load %arg11[%swap3A_201, %swap3A_202] {strides = array<i32>} : memref<320x128xf32, #tpu.memory_space<vmem>>, vector<16xf32>,
          tpu.vector_store %arg11[%swap3A_201, %swap3A_202], %add3A_200 {strides = array<i32>} : memref<320x128xf32, #tpu.memory_space<vmem>>, vector<16xf32>,
          %get3A_204 = arith.index_cast %while3A_183 : i32 to index
          %get3A_205 = arith.constant 16 : index
          %get3A_206 = tpu.vector_load %arg9[%get3A_204, %get3A_205] {strides = array<i32>} : memref<16x128xf32, #tpu.memory_space<vmem>>, vector<16xf32>,
          %get3A_207 = arith.index_cast %sub3A_188 : i32 to index
          %get3A_208 = arith.constant 16 : index
          %get3A_209 = tpu.vector_load %arg10[%get3A_207, %get3A_208] {strides = array<i32>} : memref<320x128xf32, #tpu.memory_space<vmem>>, vector<16xf32>,
          %max3A_210 = arith.maximumf %get3A_209, %get3A_206 : vector<16xf32>
          %swap3A_211 = arith.index_cast %sub3A_188 : i32 to index
          %swap3A_212 = arith.constant 16 : index
          %swap3A_213 = tpu.vector_load %arg10[%swap3A_211, %swap3A_212] {strides = array<i32>} : memref<320x128xf32, #tpu.memory_space<vmem>>, vector<16xf32>,
          tpu.vector_store %arg10[%swap3A_211, %swap3A_212], %max3A_210 {strides = array<i32>} : memref<320x128xf32, #tpu.memory_space<vmem>>, vector<16xf32>,
          %get3A_214 = arith.index_cast %sub3A_188 : i32 to index
          %get3A_215 = arith.constant 16 : index
          %get3A_216 = tpu.vector_load %arg11[%get3A_214, %get3A_215] {strides = array<i32>} : memref<320x128xf32, #tpu.memory_space<vmem>>, vector<16xf32>,
          %add3A_217 = arith.addf %get3A_216, %get3A_206 : vector<16xf32>
          %swap3A_218 = arith.index_cast %sub3A_188 : i32 to index
          %swap3A_219 = arith.constant 16 : index
          %swap3A_220 = tpu.vector_load %arg11[%swap3A_218, %swap3A_219] {strides = array<i32>} : memref<320x128xf32, #tpu.memory_space<vmem>>, vector<16xf32>,
          tpu.vector_store %arg11[%swap3A_218, %swap3A_219], %add3A_217 {strides = array<i32>} : memref<320x128xf32, #tpu.memory_space<vmem>>, vector<16xf32>,
          %get3A_221 = arith.index_cast %while3A_183 : i32 to index
          %get3A_222 = arith.constant 32 : index
          %get3A_223 = tpu.vector_load %arg9[%get3A_221, %get3A_222] {strides = array<i32>} : memref<16x128xf32, #tpu.memory_space<vmem>>, vector<16xf32>,
          %get3A_224 = arith.index_cast %sub3A_188 : i32 to index
          %get3A_225 = arith.constant 32 : index
          %get3A_226 = tpu.vector_load %arg10[%get3A_224, %get3A_225] {strides = array<i32>} : memref<320x128xf32, #tpu.memory_space<vmem>>, vector<16xf32>,
          %max3A_227 = arith.maximumf %get3A_226, %get3A_223 : vector<16xf32>
          %swap3A_228 = arith.index_cast %sub3A_188 : i32 to index
          %swap3A_229 = arith.constant 32 : index
          %swap3A_230 = tpu.vector_load %arg10[%swap3A_228, %swap3A_229] {strides = array<i32>} : memref<320x128xf32, #tpu.memory_space<vmem>>, vector<16xf32>,
          tpu.vector_store %arg10[%swap3A_228, %swap3A_229], %max3A_227 {strides = array<i32>} : memref<320x128xf32, #tpu.memory_space<vmem>>, vector<16xf32>,
          %get3A_231 = arith.index_cast %sub3A_188 : i32 to index
          %get3A_232 = arith.constant 32 : index
          %get3A_233 = tpu.vector_load %arg11[%get3A_231, %get3A_232] {strides = array<i32>} : memref<320x128xf32, #tpu.memory_space<vmem>>, vector<16xf32>,
          %add3A_234 = arith.addf %get3A_233, %get3A_223 : vector<16xf32>
          %swap3A_235 = arith.index_cast %sub3A_188 : i32 to index
          %swap3A_236 = arith.constant 32 : index
          %swap3A_237 = tpu.vector_load %arg11[%swap3A_235, %swap3A_236] {strides = array<i32>} : memref<320x128xf32, #tpu.memory_space<vmem>>, vector<16xf32>,
          tpu.vector_store %arg11[%swap3A_235, %swap3A_236], %add3A_234 {strides = array<i32>} : memref<320x128xf32, #tpu.memory_space<vmem>>, vector<16xf32>,
          %get3A_238 = arith.index_cast %while3A_183 : i32 to index
          %get3A_239 = arith.constant 48 : index
          %get3A_240 = tpu.vector_load %arg9[%get3A_238, %get3A_239] {strides = array<i32>} : memref<16x128xf32, #tpu.memory_space<vmem>>, vector<16xf32>,
          %get3A_241 = arith.index_cast %sub3A_188 : i32 to index
          %get3A_242 = arith.constant 48 : index
          %get3A_243 = tpu.vector_load %arg10[%get3A_241, %get3A_242] {strides = array<i32>} : memref<320x128xf32, #tpu.memory_space<vmem>>, vector<16xf32>,
          %max3A_244 = arith.maximumf %get3A_243, %get3A_240 : vector<16xf32>
          %swap3A_245 = arith.index_cast %sub3A_188 : i32 to index
          %swap3A_246 = arith.constant 48 : index
          %swap3A_247 = tpu.vector_load %arg10[%swap3A_245, %swap3A_246] {strides = array<i32>} : memref<320x128xf32, #tpu.memory_space<vmem>>, vector<16xf32>,
          tpu.vector_store %arg10[%swap3A_245, %swap3A_246], %max3A_244 {strides = array<i32>} : memref<320x128xf32, #tpu.memory_space<vmem>>, vector<16xf32>,
          %get3A_248 = arith.index_cast %sub3A_188 : i32 to index
          %get3A_249 = arith.constant 48 : index
          %get3A_250 = tpu.vector_load %arg11[%get3A_248, %get3A_249] {strides = array<i32>} : memref<320x128xf32, #tpu.memory_space<vmem>>, vector<16xf32>,
          %add3A_251 = arith.addf %get3A_250, %get3A_240 : vector<16xf32>
          %swap3A_252 = arith.index_cast %sub3A_188 : i32 to index
          %swap3A_253 = arith.constant 48 : index
          %swap3A_254 = tpu.vector_load %arg11[%swap3A_252, %swap3A_253] {strides = array<i32>} : memref<320x128xf32, #tpu.memory_space<vmem>>, vector<16xf32>,
          tpu.vector_store %arg11[%swap3A_252, %swap3A_253], %add3A_251 {strides = array<i32>} : memref<320x128xf32, #tpu.memory_space<vmem>>, vector<16xf32>,
          %get3A_255 = arith.index_cast %while3A_183 : i32 to index
          %get3A_256 = arith.constant 64 : index
          %get3A_257 = tpu.vector_load %arg9[%get3A_255, %get3A_256] {strides = array<i32>} : memref<16x128xf32, #tpu.memory_space<vmem>>, vector<16xf32>,
          %get3A_258 = arith.index_cast %sub3A_188 : i32 to index
          %get3A_259 = arith.constant 64 : index
          %get3A_260 = tpu.vector_load %arg10[%get3A_258, %get3A_259] {strides = array<i32>} : memref<320x128xf32, #tpu.memory_space<vmem>>, vector<16xf32>,
          %max3A_261 = arith.maximumf %get3A_260, %get3A_257 : vector<16xf32>
          %swap3A_262 = arith.index_cast %sub3A_188 : i32 to index
          %swap3A_263 = arith.constant 64 : index
          %swap3A_264 = tpu.vector_load %arg10[%swap3A_262, %swap3A_263] {strides = array<i32>} : memref<320x128xf32, #tpu.memory_space<vmem>>, vector<16xf32>,
          tpu.vector_store %arg10[%swap3A_262, %swap3A_263], %max3A_261 {strides = array<i32>} : memref<320x128xf32, #tpu.memory_space<vmem>>, vector<16xf32>,
          %get3A_265 = arith.index_cast %sub3A_188 : i32 to index
          %get3A_266 = arith.constant 64 : index
          %get3A_267 = tpu.vector_load %arg11[%get3A_265, %get3A_266] {strides = array<i32>} : memref<320x128xf32, #tpu.memory_space<vmem>>, vector<16xf32>,
          %add3A_268 = arith.addf %get3A_267, %get3A_257 : vector<16xf32>
          %swap3A_269 = arith.index_cast %sub3A_188 : i32 to index
          %swap3A_270 = arith.constant 64 : index
          %swap3A_271 = tpu.vector_load %arg11[%swap3A_269, %swap3A_270] {strides = array<i32>} : memref<320x128xf32, #tpu.memory_space<vmem>>, vector<16xf32>,
          tpu.vector_store %arg11[%swap3A_269, %swap3A_270], %add3A_268 {strides = array<i32>} : memref<320x128xf32, #tpu.memory_space<vmem>>, vector<16xf32>,
          %get3A_272 = arith.index_cast %while3A_183 : i32 to index
          %get3A_273 = arith.constant 80 : index
          %get3A_274 = tpu.vector_load %arg9[%get3A_272, %get3A_273] {strides = array<i32>} : memref<16x128xf32, #tpu.memory_space<vmem>>, vector<16xf32>,
          %get3A_275 = arith.index_cast %sub3A_188 : i32 to index
          %get3A_276 = arith.constant 80 : index
          %get3A_277 = tpu.vector_load %arg10[%get3A_275, %get3A_276] {strides = array<i32>} : memref<320x128xf32, #tpu.memory_space<vmem>>, vector<16xf32>,
          %max3A_278 = arith.maximumf %get3A_277, %get3A_274 : vector<16xf32>
          %swap3A_279 = arith.index_cast %sub3A_188 : i32 to index
          %swap3A_280 = arith.constant 80 : index
          %swap3A_281 = tpu.vector_load %arg10[%swap3A_279, %swap3A_280] {strides = array<i32>} : memref<320x128xf32, #tpu.memory_space<vmem>>, vector<16xf32>,
          tpu.vector_store %arg10[%swap3A_279, %swap3A_280], %max3A_278 {strides = array<i32>} : memref<320x128xf32, #tpu.memory_space<vmem>>, vector<16xf32>,
          %get3A_282 = arith.index_cast %sub3A_188 : i32 to index
          %get3A_283 = arith.constant 80 : index
          %get3A_284 = tpu.vector_load %arg11[%get3A_282, %get3A_283] {strides = array<i32>} : memref<320x128xf32, #tpu.memory_space<vmem>>, vector<16xf32>,
          %add3A_285 = arith.addf %get3A_284, %get3A_274 : vector<16xf32>
          %swap3A_286 = arith.index_cast %sub3A_188 : i32 to index
          %swap3A_287 = arith.constant 80 : index
          %swap3A_288 = tpu.vector_load %arg11[%swap3A_286, %swap3A_287] {strides = array<i32>} : memref<320x128xf32, #tpu.memory_space<vmem>>, vector<16xf32>,
          tpu.vector_store %arg11[%swap3A_286, %swap3A_287], %add3A_285 {strides = array<i32>} : memref<320x128xf32, #tpu.memory_space<vmem>>, vector<16xf32>,
          %get3A_289 = arith.index_cast %while3A_183 : i32 to index
          %get3A_290 = arith.constant 96 : index
          %get3A_291 = tpu.vector_load %arg9[%get3A_289, %get3A_290] {strides = array<i32>} : memref<16x128xf32, #tpu.memory_space<vmem>>, vector<16xf32>,
          %get3A_292 = arith.index_cast %sub3A_188 : i32 to index
          %get3A_293 = arith.constant 96 : index
          %get3A_294 = tpu.vector_load %arg10[%get3A_292, %get3A_293] {strides = array<i32>} : memref<320x128xf32, #tpu.memory_space<vmem>>, vector<16xf32>,
          %max3A_295 = arith.maximumf %get3A_294, %get3A_291 : vector<16xf32>
          %swap3A_296 = arith.index_cast %sub3A_188 : i32 to index
          %swap3A_297 = arith.constant 96 : index
          %swap3A_298 = tpu.vector_load %arg10[%swap3A_296, %swap3A_297] {strides = array<i32>} : memref<320x128xf32, #tpu.memory_space<vmem>>, vector<16xf32>,
          tpu.vector_store %arg10[%swap3A_296, %swap3A_297], %max3A_295 {strides = array<i32>} : memref<320x128xf32, #tpu.memory_space<vmem>>, vector<16xf32>,
          %get3A_299 = arith.index_cast %sub3A_188 : i32 to index
          %get3A_300 = arith.constant 96 : index
          %get3A_301 = tpu.vector_load %arg11[%get3A_299, %get3A_300] {strides = array<i32>} : memref<320x128xf32, #tpu.memory_space<vmem>>, vector<16xf32>,
          %add3A_302 = arith.addf %get3A_301, %get3A_291 : vector<16xf32>
          %swap3A_303 = arith.index_cast %sub3A_188 : i32 to index
          %swap3A_304 = arith.constant 96 : index
          %swap3A_305 = tpu.vector_load %arg11[%swap3A_303, %swap3A_304] {strides = array<i32>} : memref<320x128xf32, #tpu.memory_space<vmem>>, vector<16xf32>,
          tpu.vector_store %arg11[%swap3A_303, %swap3A_304], %add3A_302 {strides = array<i32>} : memref<320x128xf32, #tpu.memory_space<vmem>>, vector<16xf32>,
          %get3A_306 = arith.index_cast %while3A_183 : i32 to index
          %get3A_307 = arith.constant 112 : index
          %get3A_308 = tpu.vector_load %arg9[%get3A_306, %get3A_307] {strides = array<i32>} : memref<16x128xf32, #tpu.memory_space<vmem>>, vector<16xf32>,
          %get3A_309 = arith.index_cast %sub3A_188 : i32 to index
          %get3A_310 = arith.constant 112 : index
          %get3A_311 = tpu.vector_load %arg10[%get3A_309, %get3A_310] {strides = array<i32>} : memref<320x128xf32, #tpu.memory_space<vmem>>, vector<16xf32>,
          %max3A_312 = arith.maximumf %get3A_311, %get3A_308 : vector<16xf32>
          %swap3A_313 = arith.index_cast %sub3A_188 : i32 to index
          %swap3A_314 = arith.constant 112 : index
          %swap3A_315 = tpu.vector_load %arg10[%swap3A_313, %swap3A_314] {strides = array<i32>} : memref<320x128xf32, #tpu.memory_space<vmem>>, vector<16xf32>,
          tpu.vector_store %arg10[%swap3A_313, %swap3A_314], %max3A_312 {strides = array<i32>} : memref<320x128xf32, #tpu.memory_space<vmem>>, vector<16xf32>,
          %get3A_316 = arith.index_cast %sub3A_188 : i32 to index
          %get3A_317 = arith.constant 112 : index
          %get3A_318 = tpu.vector_load %arg11[%get3A_316, %get3A_317] {strides = array<i32>} : memref<320x128xf32, #tpu.memory_space<vmem>>, vector<16xf32>,
          %add3A_319 = arith.addf %get3A_318, %get3A_308 : vector<16xf32>
          %swap3A_320 = arith.index_cast %sub3A_188 : i32 to index
          %swap3A_321 = arith.constant 112 : index
          %swap3A_322 = tpu.vector_load %arg11[%swap3A_320, %swap3A_321] {strides = array<i32>} : memref<320x128xf32, #tpu.memory_space<vmem>>, vector<16xf32>,
          tpu.vector_store %arg11[%swap3A_320, %swap3A_321], %add3A_319 {strides = array<i32>} : memref<320x128xf32, #tpu.memory_space<vmem>>, vector<16xf32>,
          %get3A_323 = arith.index_cast %sub3A_188 : i32 to index
          %get3A_324 = arith.constant 0 : index
          %get3A_325 = tpu.vector_load %arg12[%get3A_323, %get3A_324] {strides = array<i32>} : memref<320x16xf32, #tpu.memory_space<vmem>>, vector<16xf32>,
          %add3A_326 = arith.addf %get3A_325, %broadcast_in_dim3A_7 : vector<16xf32>
          %swap3A_327 = arith.index_cast %sub3A_188 : i32 to index
          %swap3A_328 = arith.constant 0 : index
          %swap3A_329 = tpu.vector_load %arg12[%swap3A_327, %swap3A_328] {strides = array<i32>} : memref<320x16xf32, #tpu.memory_space<vmem>>, vector<16xf32>,
          tpu.vector_store %arg12[%swap3A_327, %swap3A_328], %add3A_326 {strides = array<i32>} : memref<320x16xf32, #tpu.memory_space<vmem>>, vector<16xf32>,
          %while3A_330 = arith.constant 0 : i32
          scf.yield %while3A_330 : i32
        }
        %while3A_182 = arith.constant 0 : i32
        scf.yield %while3A_182 : i32
      }
      %add3A_95 = arith.constant 2 : i32
      %add3A_96 = arith.addi %mul3A_46, %add3A_95 : i32
      %min3A = arith.constant 399 : i32
      %min3A_97 = arith.minsi %add3A_96, %min3A : i32
      %mul3A_98 = arith.constant 800 : i32
      %mul3A_99 = arith.muli %min3A_97, %mul3A_98 : i32
      %dma_start3A_100 = tpu.memref_slice %arg3[%mul3A_99] : memref<320000xi32, #tpu.memory_space<hbm>> -> memref<800xi32, #tpu.memory_space<hbm>>
      %dma_start3A_101 = tpu.memref_slice %arg3[%mul3A_99] : memref<320000xi32, #tpu.memory_space<hbm>> -> memref<800xi32, #tpu.memory_space<hbm>>
      tpu.enqueue_dma source(%dma_start3A_101 : memref<800xi32, #tpu.memory_space<hbm>>) target(%arg5 : memref<800xi32, #tpu.memory_space<vmem>>) target_semaphore(%arg13 : memref<!tpu.dma_semaphore, #tpu.memory_space<semaphore_mem>>)
      %dma_wait3A_102 = arith.constant 0 : i32
      %dma_wait3A_103 = tpu.memref_slice %arg3[%dma_wait3A_102] : memref<320000xi32, #tpu.memory_space<hbm>> -> memref<800xi32, #tpu.memory_space<hbm>>
      %dma_wait3A_104 = arith.constant 0 : i32
      %dma_wait3A_105 = tpu.memref_slice %arg3[%dma_wait3A_104] : memref<320000xi32, #tpu.memory_space<hbm>> -> memref<800xi32, #tpu.memory_space<hbm>>
      tpu.wait_dma2 semaphore(%arg14 : memref<!tpu.dma_semaphore, #tpu.memory_space<semaphore_mem>>) src(%dma_wait3A_105 : memref<800xi32, #tpu.memory_space<hbm>>) dst(%arg6 : memref<800xi32, #tpu.memory_space<vmem>>)
      %add3A_106 = arith.constant 1 : i32
      %add3A_107 = arith.addi %mul3A_46, %add3A_106 : i32
      %mul3A_108 = arith.constant 800 : i32
      %mul3A_109 = arith.muli %add3A_107, %mul3A_108 : i32
      %scan3A_110 = arith.constant 0 : i32
      %scan3A_111 = arith.constant 0 : i32
      %scan3A_112 = arith.constant 50 : i32
      %scan3A_113 = arith.addi %scan3A_111, %scan3A_112 : i32
      %scan3A_114 = arith.constant 1 : i32
      %scan3A_115 = scf.for %scan3A_156 = %scan3A_111 to %scan3A_113 step %scan3A_114 iter_args(%scan3A_157 = %scan3A_110) -> (i32)  : i32 {
        %mul3A_158 = arith.constant 16 : i32
        %mul3A_159 = arith.muli %scan3A_156, %mul3A_158 : i32
        %get3A = arith.index_cast %mul3A_159 : i32 to index
        %get3A_160 = tpu.vector_load %arg6[%get3A] {strides = array<i32>} : memref<800xi32, #tpu.memory_space<vmem>>, vector<16xi32>,
        %ge3A = vector.broadcast %mul3A_2 : i32 to vector<16xi32>
        %ge3A_161 = arith.cmpi sge, %get3A_160, %ge3A : vector<16xi32>
        %lt3A = vector.broadcast %add3A_4 : i32 to vector<16xi32>
        %lt3A_162 = arith.cmpi slt, %get3A_160, %lt3A : vector<16xi32>
        %and3A_163 = arith.andi %ge3A_161, %lt3A_162 : vector<16xi1>
        %iota3A = tpu.iota {dimensions = array<i32: 0>} : vector<16xi32>
        %mul3A_164 = arith.constant 16 : i32
        %mul3A_165 = arith.muli %scan3A_156, %mul3A_164 : i32
        %add3A_166 = arith.addi %mul3A_109, %mul3A_165 : i32
        %add3A_167 = vector.broadcast %add3A_166 : i32 to vector<16xi32>
        %add3A_168 = arith.addi %iota3A, %add3A_167 : vector<16xi32>
        %jit3A_169 = arith.constant 1 : i32
        %jit3A_170 = arith.constant 0 : i32
        %broadcast_in_dim3A_171 = vector.broadcast %jit3A_169 : i32 to vector<16xi32>
        %broadcast_in_dim3A_172 = vector.broadcast %jit3A_170 : i32 to vector<16xi32>
        %select_n3A_173 = arith.select %and3A_163, %broadcast_in_dim3A_171, %broadcast_in_dim3A_172 : vector<16xi1>, vector<16xi32>
        %broadcast_in_dim3A_174 = arith.constant true
        %broadcast_in_dim3A_175 = vector.broadcast %broadcast_in_dim3A_174 : i1 to vector<16xi1>
        %masked_cumsum3A = tpu.scan <sum>, %select_n3A_173 masked %broadcast_in_dim3A_175 : vector<16xi32>, vector<16xi1> -> vector<16xi32>
        %add3A_176 = vector.broadcast %scan3A_157 : i32 to vector<16xi32>
        %add3A_177 = arith.addi %add3A_176, %masked_cumsum3A : vector<16xi32>
        %sub3A_178 = arith.constant 1 : i32
        %sub3A_179 = vector.broadcast %sub3A_178 : i32 to vector<16xi32>
        %sub3A_180 = arith.subi %add3A_177, %sub3A_179 : vector<16xi32>
        tpu.vector_store_idx %arg7[%sub3A_180], %add3A_168 masked %and3A_163 : memref<1024xi32, #tpu.memory_space<vmem>>[vector<16xi32>], vector<16xi32>, vector<16xi1>
        tpu.vector_store_idx %arg8[%sub3A_180], %get3A_160 masked %and3A_163 : memref<1024xi32, #tpu.memory_space<vmem>>[vector<16xi32>], vector<16xi32>, vector<16xi1>
        %slice3A = vector.extract_strided_slice %masked_cumsum3A {offsets = [15], sizes = [1], strides = [1]} : vector<16xi32> to vector<1xi32>
        %squeeze3A = vector.extract %slice3A[0] : i32 from vector<1xi32>
        %add3A_181 = arith.addi %scan3A_157, %squeeze3A : i32
        scf.yield %add3A_181 : i32
      }
      %scan3A_116 = arith.constant 50 : i32
      %add3A_117 = arith.constant 15 : i32
      %add3A_118 = arith.addi %scan3A_115, %add3A_117 : i32
      %jit3A_119 = arith.constant 16 : i32
      %div3A_120 = arith.divsi %add3A_118, %jit3A_119 : i32
      %sign3A_121 = arith.constant 0 : i32
      %sign3A_122 = arith.cmpi sgt, %add3A_118, %sign3A_121 : i32
      %sign3A_123 = arith.extui %sign3A_122 : i1 to i32
      %sign3A_124 = arith.constant 0 : i32
      %sign3A_125 = arith.cmpi slt, %add3A_118, %sign3A_124 : i32
      %sign3A_126 = arith.extui %sign3A_125 : i1 to i32
      %sign3A_127 = arith.subi %sign3A_123, %sign3A_126 : i32
      %sign3A_128 = arith.constant 0 : i32
      %sign3A_129 = arith.cmpi sgt, %jit3A_119, %sign3A_128 : i32
      %sign3A_130 = arith.extui %sign3A_129 : i1 to i32
      %sign3A_131 = arith.constant 0 : i32
      %sign3A_132 = arith.cmpi slt, %jit3A_119, %sign3A_131 : i32
      %sign3A_133 = arith.extui %sign3A_132 : i1 to i32
      %sign3A_134 = arith.subi %sign3A_130, %sign3A_133 : i32
      %ne3A_135 = arith.cmpi ne, %sign3A_127, %sign3A_134 : i32
      %rem3A_136 = arith.remsi %add3A_118, %jit3A_119 : i32
      %ne3A_137 = arith.constant 0 : i32
      %ne3A_138 = arith.cmpi ne, %rem3A_136, %ne3A_137 : i32
      %and3A_139 = arith.andi %ne3A_135, %ne3A_138 : i1
      %sub3A_140 = arith.constant 1 : i32
      %sub3A_141 = arith.subi %div3A_120, %sub3A_140 : i32
      %select_n3A_142 = arith.select %and3A_139, %sub3A_141, %div3A_120 : i32
      %while3A_143 = arith.constant 0 : i32
      %while3A_144 = arith.constant 0 : i32
      %while3A_145 = arith.subi %select_n3A_142, %while3A_143 : i32
      %while3A_146 = arith.addi %while3A_143, %while3A_145 : i32
      %while3A_147 = arith.constant 1 : i32
      %while3A_148 = arith.divsi %while3A_145, %while3A_147 : i32
      %while3A_149 = arith.muli %while3A_148, %while3A_147 : i32
      %while3A_150 = arith.addi %while3A_143, %while3A_149 : i32
      %while3A_151 = arith.constant 1 : i32
      %while3A_152 = scf.for %while3A_156 = %while3A_143 to %while3A_150 step %while3A_151 iter_args(%while3A_157 = %while3A_144) -> (i32)  : i32 {
        %mul3A_158 = arith.constant 16 : i32
        %mul3A_159 = arith.muli %while3A_156, %mul3A_158 : i32
        %get3A = arith.index_cast %mul3A_159 : i32 to index
        %get3A_160 = tpu.vector_load %arg7[%get3A] {strides = array<i32>} : memref<1024xi32, #tpu.memory_space<vmem>>, vector<16xi32>,
        %dma_start3A_161 = arith.constant 0 : i32
        %dma_start3A_162 = arith.constant 0 : i32
        %dma_start3A_163 = tpu.memref_slice %arg2[%dma_start3A_161, %dma_start3A_162] : memref<320000x128xf32, #tpu.memory_space<hbm>> -> memref<320000x128xf32, #tpu.memory_space<hbm>>
        tpu.enqueue_indirect_dma source(%dma_start3A_163 : memref<320000x128xf32, #tpu.memory_space<hbm>>) target(%arg9 : memref<16x128xf32, #tpu.memory_space<vmem>>) offsets(%get3A_160 : vector<16xi32>) semaphore(%arg15 : memref<!tpu.dma_semaphore, #tpu.memory_space<semaphore_mem>>)
        %dma_wait3A_164 = arith.constant 0 : i32
        %dma_wait3A_165 = arith.constant 0 : i32
        %dma_wait3A_166 = tpu.memref_slice %arg2[%dma_wait3A_164, %dma_wait3A_165] : memref<320000x128xf32, #tpu.memory_space<hbm>> -> memref<320000x128xf32, #tpu.memory_space<hbm>>
        tpu.wait_indirect_dma semaphore(%arg15 : memref<!tpu.dma_semaphore, #tpu.memory_space<semaphore_mem>>) src(%dma_wait3A_166 : memref<320000x128xf32, #tpu.memory_space<hbm>>) dst(%arg9 : memref<16x128xf32, #tpu.memory_space<vmem>>)
        %sub3A_167 = arith.subi %scan3A_115, %mul3A_159 : i32
        %min3A_168 = arith.constant 16 : i32
        %min3A_169 = arith.minsi %sub3A_167, %min3A_168 : i32
        %while3A_170 = arith.constant 0 : i32
        %while3A_171 = arith.constant 0 : i32
        %while3A_172 = arith.subi %min3A_169, %while3A_170 : i32
        %while3A_173 = arith.addi %while3A_170, %while3A_172 : i32
        %while3A_174 = arith.constant 1 : i32
        %while3A_175 = arith.divsi %while3A_172, %while3A_174 : i32
        %while3A_176 = arith.muli %while3A_175, %while3A_174 : i32
        %while3A_177 = arith.addi %while3A_170, %while3A_176 : i32
        %while3A_178 = arith.constant 1 : i32
        %while3A_179 = scf.for %while3A_183 = %while3A_170 to %while3A_177 step %while3A_178 iter_args(%while3A_184 = %while3A_171) -> (i32)  : i32 {
          %add3A_185 = arith.addi %mul3A_159, %while3A_183 : i32
          %get3A_186 = arith.index_cast %add3A_185 : i32 to index
          %get3A_187 = tpu.vector_load %arg8[%get3A_186] {strides = array<i32>} : memref<1024xi32, #tpu.memory_space<vmem>>, vector<16xi32>,
          %slice3A = vector.extract_strided_slice %get3A_187 {offsets = [0], sizes = [1], strides = [1]} : vector<16xi32> to vector<1xi32>
          %squeeze3A = vector.extract %slice3A[0] : i32 from vector<1xi32>
          %sub3A_188 = arith.subi %squeeze3A, %mul3A_2 : i32
          %get3A_189 = arith.index_cast %while3A_183 : i32 to index
          %get3A_190 = arith.constant 0 : index
          %get3A_191 = tpu.vector_load %arg9[%get3A_189, %get3A_190] {strides = array<i32>} : memref<16x128xf32, #tpu.memory_space<vmem>>, vector<16xf32>,
          %get3A_192 = arith.index_cast %sub3A_188 : i32 to index
          %get3A_193 = arith.constant 0 : index
          %get3A_194 = tpu.vector_load %arg10[%get3A_192, %get3A_193] {strides = array<i32>} : memref<320x128xf32, #tpu.memory_space<vmem>>, vector<16xf32>,
          %max3A = arith.maximumf %get3A_194, %get3A_191 : vector<16xf32>
          %swap3A = arith.index_cast %sub3A_188 : i32 to index
          %swap3A_195 = arith.constant 0 : index
          %swap3A_196 = tpu.vector_load %arg10[%swap3A, %swap3A_195] {strides = array<i32>} : memref<320x128xf32, #tpu.memory_space<vmem>>, vector<16xf32>,
          tpu.vector_store %arg10[%swap3A, %swap3A_195], %max3A {strides = array<i32>} : memref<320x128xf32, #tpu.memory_space<vmem>>, vector<16xf32>,
          %get3A_197 = arith.index_cast %sub3A_188 : i32 to index
          %get3A_198 = arith.constant 0 : index
          %get3A_199 = tpu.vector_load %arg11[%get3A_197, %get3A_198] {strides = array<i32>} : memref<320x128xf32, #tpu.memory_space<vmem>>, vector<16xf32>,
          %add3A_200 = arith.addf %get3A_199, %get3A_191 : vector<16xf32>
          %swap3A_201 = arith.index_cast %sub3A_188 : i32 to index
          %swap3A_202 = arith.constant 0 : index
          %swap3A_203 = tpu.vector_load %arg11[%swap3A_201, %swap3A_202] {strides = array<i32>} : memref<320x128xf32, #tpu.memory_space<vmem>>, vector<16xf32>,
          tpu.vector_store %arg11[%swap3A_201, %swap3A_202], %add3A_200 {strides = array<i32>} : memref<320x128xf32, #tpu.memory_space<vmem>>, vector<16xf32>,
          %get3A_204 = arith.index_cast %while3A_183 : i32 to index
          %get3A_205 = arith.constant 16 : index
          %get3A_206 = tpu.vector_load %arg9[%get3A_204, %get3A_205] {strides = array<i32>} : memref<16x128xf32, #tpu.memory_space<vmem>>, vector<16xf32>,
          %get3A_207 = arith.index_cast %sub3A_188 : i32 to index
          %get3A_208 = arith.constant 16 : index
          %get3A_209 = tpu.vector_load %arg10[%get3A_207, %get3A_208] {strides = array<i32>} : memref<320x128xf32, #tpu.memory_space<vmem>>, vector<16xf32>,
          %max3A_210 = arith.maximumf %get3A_209, %get3A_206 : vector<16xf32>
          %swap3A_211 = arith.index_cast %sub3A_188 : i32 to index
          %swap3A_212 = arith.constant 16 : index
          %swap3A_213 = tpu.vector_load %arg10[%swap3A_211, %swap3A_212] {strides = array<i32>} : memref<320x128xf32, #tpu.memory_space<vmem>>, vector<16xf32>,
          tpu.vector_store %arg10[%swap3A_211, %swap3A_212], %max3A_210 {strides = array<i32>} : memref<320x128xf32, #tpu.memory_space<vmem>>, vector<16xf32>,
          %get3A_214 = arith.index_cast %sub3A_188 : i32 to index
          %get3A_215 = arith.constant 16 : index
          %get3A_216 = tpu.vector_load %arg11[%get3A_214, %get3A_215] {strides = array<i32>} : memref<320x128xf32, #tpu.memory_space<vmem>>, vector<16xf32>,
          %add3A_217 = arith.addf %get3A_216, %get3A_206 : vector<16xf32>
          %swap3A_218 = arith.index_cast %sub3A_188 : i32 to index
          %swap3A_219 = arith.constant 16 : index
          %swap3A_220 = tpu.vector_load %arg11[%swap3A_218, %swap3A_219] {strides = array<i32>} : memref<320x128xf32, #tpu.memory_space<vmem>>, vector<16xf32>,
          tpu.vector_store %arg11[%swap3A_218, %swap3A_219], %add3A_217 {strides = array<i32>} : memref<320x128xf32, #tpu.memory_space<vmem>>, vector<16xf32>,
          %get3A_221 = arith.index_cast %while3A_183 : i32 to index
          %get3A_222 = arith.constant 32 : index
          %get3A_223 = tpu.vector_load %arg9[%get3A_221, %get3A_222] {strides = array<i32>} : memref<16x128xf32, #tpu.memory_space<vmem>>, vector<16xf32>,
          %get3A_224 = arith.index_cast %sub3A_188 : i32 to index
          %get3A_225 = arith.constant 32 : index
          %get3A_226 = tpu.vector_load %arg10[%get3A_224, %get3A_225] {strides = array<i32>} : memref<320x128xf32, #tpu.memory_space<vmem>>, vector<16xf32>,
          %max3A_227 = arith.maximumf %get3A_226, %get3A_223 : vector<16xf32>
          %swap3A_228 = arith.index_cast %sub3A_188 : i32 to index
          %swap3A_229 = arith.constant 32 : index
          %swap3A_230 = tpu.vector_load %arg10[%swap3A_228, %swap3A_229] {strides = array<i32>} : memref<320x128xf32, #tpu.memory_space<vmem>>, vector<16xf32>,
          tpu.vector_store %arg10[%swap3A_228, %swap3A_229], %max3A_227 {strides = array<i32>} : memref<320x128xf32, #tpu.memory_space<vmem>>, vector<16xf32>,
          %get3A_231 = arith.index_cast %sub3A_188 : i32 to index
          %get3A_232 = arith.constant 32 : index
          %get3A_233 = tpu.vector_load %arg11[%get3A_231, %get3A_232] {strides = array<i32>} : memref<320x128xf32, #tpu.memory_space<vmem>>, vector<16xf32>,
          %add3A_234 = arith.addf %get3A_233, %get3A_223 : vector<16xf32>
          %swap3A_235 = arith.index_cast %sub3A_188 : i32 to index
          %swap3A_236 = arith.constant 32 : index
          %swap3A_237 = tpu.vector_load %arg11[%swap3A_235, %swap3A_236] {strides = array<i32>} : memref<320x128xf32, #tpu.memory_space<vmem>>, vector<16xf32>,
          tpu.vector_store %arg11[%swap3A_235, %swap3A_236], %add3A_234 {strides = array<i32>} : memref<320x128xf32, #tpu.memory_space<vmem>>, vector<16xf32>,
          %get3A_238 = arith.index_cast %while3A_183 : i32 to index
          %get3A_239 = arith.constant 48 : index
          %get3A_240 = tpu.vector_load %arg9[%get3A_238, %get3A_239] {strides = array<i32>} : memref<16x128xf32, #tpu.memory_space<vmem>>, vector<16xf32>,
          %get3A_241 = arith.index_cast %sub3A_188 : i32 to index
          %get3A_242 = arith.constant 48 : index
          %get3A_243 = tpu.vector_load %arg10[%get3A_241, %get3A_242] {strides = array<i32>} : memref<320x128xf32, #tpu.memory_space<vmem>>, vector<16xf32>,
          %max3A_244 = arith.maximumf %get3A_243, %get3A_240 : vector<16xf32>
          %swap3A_245 = arith.index_cast %sub3A_188 : i32 to index
          %swap3A_246 = arith.constant 48 : index
          %swap3A_247 = tpu.vector_load %arg10[%swap3A_245, %swap3A_246] {strides = array<i32>} : memref<320x128xf32, #tpu.memory_space<vmem>>, vector<16xf32>,
          tpu.vector_store %arg10[%swap3A_245, %swap3A_246], %max3A_244 {strides = array<i32>} : memref<320x128xf32, #tpu.memory_space<vmem>>, vector<16xf32>,
          %get3A_248 = arith.index_cast %sub3A_188 : i32 to index
          %get3A_249 = arith.constant 48 : index
          %get3A_250 = tpu.vector_load %arg11[%get3A_248, %get3A_249] {strides = array<i32>} : memref<320x128xf32, #tpu.memory_space<vmem>>, vector<16xf32>,
          %add3A_251 = arith.addf %get3A_250, %get3A_240 : vector<16xf32>
          %swap3A_252 = arith.index_cast %sub3A_188 : i32 to index
          %swap3A_253 = arith.constant 48 : index
          %swap3A_254 = tpu.vector_load %arg11[%swap3A_252, %swap3A_253] {strides = array<i32>} : memref<320x128xf32, #tpu.memory_space<vmem>>, vector<16xf32>,
          tpu.vector_store %arg11[%swap3A_252, %swap3A_253], %add3A_251 {strides = array<i32>} : memref<320x128xf32, #tpu.memory_space<vmem>>, vector<16xf32>,
          %get3A_255 = arith.index_cast %while3A_183 : i32 to index
          %get3A_256 = arith.constant 64 : index
          %get3A_257 = tpu.vector_load %arg9[%get3A_255, %get3A_256] {strides = array<i32>} : memref<16x128xf32, #tpu.memory_space<vmem>>, vector<16xf32>,
          %get3A_258 = arith.index_cast %sub3A_188 : i32 to index
          %get3A_259 = arith.constant 64 : index
          %get3A_260 = tpu.vector_load %arg10[%get3A_258, %get3A_259] {strides = array<i32>} : memref<320x128xf32, #tpu.memory_space<vmem>>, vector<16xf32>,
          %max3A_261 = arith.maximumf %get3A_260, %get3A_257 : vector<16xf32>
          %swap3A_262 = arith.index_cast %sub3A_188 : i32 to index
          %swap3A_263 = arith.constant 64 : index
          %swap3A_264 = tpu.vector_load %arg10[%swap3A_262, %swap3A_263] {strides = array<i32>} : memref<320x128xf32, #tpu.memory_space<vmem>>, vector<16xf32>,
          tpu.vector_store %arg10[%swap3A_262, %swap3A_263], %max3A_261 {strides = array<i32>} : memref<320x128xf32, #tpu.memory_space<vmem>>, vector<16xf32>,
          %get3A_265 = arith.index_cast %sub3A_188 : i32 to index
          %get3A_266 = arith.constant 64 : index
          %get3A_267 = tpu.vector_load %arg11[%get3A_265, %get3A_266] {strides = array<i32>} : memref<320x128xf32, #tpu.memory_space<vmem>>, vector<16xf32>,
          %add3A_268 = arith.addf %get3A_267, %get3A_257 : vector<16xf32>
          %swap3A_269 = arith.index_cast %sub3A_188 : i32 to index
          %swap3A_270 = arith.constant 64 : index
          %swap3A_271 = tpu.vector_load %arg11[%swap3A_269, %swap3A_270] {strides = array<i32>} : memref<320x128xf32, #tpu.memory_space<vmem>>, vector<16xf32>,
          tpu.vector_store %arg11[%swap3A_269, %swap3A_270], %add3A_268 {strides = array<i32>} : memref<320x128xf32, #tpu.memory_space<vmem>>, vector<16xf32>,
          %get3A_272 = arith.index_cast %while3A_183 : i32 to index
          %get3A_273 = arith.constant 80 : index
          %get3A_274 = tpu.vector_load %arg9[%get3A_272, %get3A_273] {strides = array<i32>} : memref<16x128xf32, #tpu.memory_space<vmem>>, vector<16xf32>,
          %get3A_275 = arith.index_cast %sub3A_188 : i32 to index
          %get3A_276 = arith.constant 80 : index
          %get3A_277 = tpu.vector_load %arg10[%get3A_275, %get3A_276] {strides = array<i32>} : memref<320x128xf32, #tpu.memory_space<vmem>>, vector<16xf32>,
          %max3A_278 = arith.maximumf %get3A_277, %get3A_274 : vector<16xf32>
          %swap3A_279 = arith.index_cast %sub3A_188 : i32 to index
          %swap3A_280 = arith.constant 80 : index
          %swap3A_281 = tpu.vector_load %arg10[%swap3A_279, %swap3A_280] {strides = array<i32>} : memref<320x128xf32, #tpu.memory_space<vmem>>, vector<16xf32>,
          tpu.vector_store %arg10[%swap3A_279, %swap3A_280], %max3A_278 {strides = array<i32>} : memref<320x128xf32, #tpu.memory_space<vmem>>, vector<16xf32>,
          %get3A_282 = arith.index_cast %sub3A_188 : i32 to index
          %get3A_283 = arith.constant 80 : index
          %get3A_284 = tpu.vector_load %arg11[%get3A_282, %get3A_283] {strides = array<i32>} : memref<320x128xf32, #tpu.memory_space<vmem>>, vector<16xf32>,
          %add3A_285 = arith.addf %get3A_284, %get3A_274 : vector<16xf32>
          %swap3A_286 = arith.index_cast %sub3A_188 : i32 to index
          %swap3A_287 = arith.constant 80 : index
          %swap3A_288 = tpu.vector_load %arg11[%swap3A_286, %swap3A_287] {strides = array<i32>} : memref<320x128xf32, #tpu.memory_space<vmem>>, vector<16xf32>,
          tpu.vector_store %arg11[%swap3A_286, %swap3A_287], %add3A_285 {strides = array<i32>} : memref<320x128xf32, #tpu.memory_space<vmem>>, vector<16xf32>,
          %get3A_289 = arith.index_cast %while3A_183 : i32 to index
          %get3A_290 = arith.constant 96 : index
          %get3A_291 = tpu.vector_load %arg9[%get3A_289, %get3A_290] {strides = array<i32>} : memref<16x128xf32, #tpu.memory_space<vmem>>, vector<16xf32>,
          %get3A_292 = arith.index_cast %sub3A_188 : i32 to index
          %get3A_293 = arith.constant 96 : index
          %get3A_294 = tpu.vector_load %arg10[%get3A_292, %get3A_293] {strides = array<i32>} : memref<320x128xf32, #tpu.memory_space<vmem>>, vector<16xf32>,
          %max3A_295 = arith.maximumf %get3A_294, %get3A_291 : vector<16xf32>
          %swap3A_296 = arith.index_cast %sub3A_188 : i32 to index
          %swap3A_297 = arith.constant 96 : index
          %swap3A_298 = tpu.vector_load %arg10[%swap3A_296, %swap3A_297] {strides = array<i32>} : memref<320x128xf32, #tpu.memory_space<vmem>>, vector<16xf32>,
          tpu.vector_store %arg10[%swap3A_296, %swap3A_297], %max3A_295 {strides = array<i32>} : memref<320x128xf32, #tpu.memory_space<vmem>>, vector<16xf32>,
          %get3A_299 = arith.index_cast %sub3A_188 : i32 to index
          %get3A_300 = arith.constant 96 : index
          %get3A_301 = tpu.vector_load %arg11[%get3A_299, %get3A_300] {strides = array<i32>} : memref<320x128xf32, #tpu.memory_space<vmem>>, vector<16xf32>,
          %add3A_302 = arith.addf %get3A_301, %get3A_291 : vector<16xf32>
          %swap3A_303 = arith.index_cast %sub3A_188 : i32 to index
          %swap3A_304 = arith.constant 96 : index
          %swap3A_305 = tpu.vector_load %arg11[%swap3A_303, %swap3A_304] {strides = array<i32>} : memref<320x128xf32, #tpu.memory_space<vmem>>, vector<16xf32>,
          tpu.vector_store %arg11[%swap3A_303, %swap3A_304], %add3A_302 {strides = array<i32>} : memref<320x128xf32, #tpu.memory_space<vmem>>, vector<16xf32>,
          %get3A_306 = arith.index_cast %while3A_183 : i32 to index
          %get3A_307 = arith.constant 112 : index
          %get3A_308 = tpu.vector_load %arg9[%get3A_306, %get3A_307] {strides = array<i32>} : memref<16x128xf32, #tpu.memory_space<vmem>>, vector<16xf32>,
          %get3A_309 = arith.index_cast %sub3A_188 : i32 to index
          %get3A_310 = arith.constant 112 : index
          %get3A_311 = tpu.vector_load %arg10[%get3A_309, %get3A_310] {strides = array<i32>} : memref<320x128xf32, #tpu.memory_space<vmem>>, vector<16xf32>,
          %max3A_312 = arith.maximumf %get3A_311, %get3A_308 : vector<16xf32>
          %swap3A_313 = arith.index_cast %sub3A_188 : i32 to index
          %swap3A_314 = arith.constant 112 : index
          %swap3A_315 = tpu.vector_load %arg10[%swap3A_313, %swap3A_314] {strides = array<i32>} : memref<320x128xf32, #tpu.memory_space<vmem>>, vector<16xf32>,
          tpu.vector_store %arg10[%swap3A_313, %swap3A_314], %max3A_312 {strides = array<i32>} : memref<320x128xf32, #tpu.memory_space<vmem>>, vector<16xf32>,
          %get3A_316 = arith.index_cast %sub3A_188 : i32 to index
          %get3A_317 = arith.constant 112 : index
          %get3A_318 = tpu.vector_load %arg11[%get3A_316, %get3A_317] {strides = array<i32>} : memref<320x128xf32, #tpu.memory_space<vmem>>, vector<16xf32>,
          %add3A_319 = arith.addf %get3A_318, %get3A_308 : vector<16xf32>
          %swap3A_320 = arith.index_cast %sub3A_188 : i32 to index
          %swap3A_321 = arith.constant 112 : index
          %swap3A_322 = tpu.vector_load %arg11[%swap3A_320, %swap3A_321] {strides = array<i32>} : memref<320x128xf32, #tpu.memory_space<vmem>>, vector<16xf32>,
          tpu.vector_store %arg11[%swap3A_320, %swap3A_321], %add3A_319 {strides = array<i32>} : memref<320x128xf32, #tpu.memory_space<vmem>>, vector<16xf32>,
          %get3A_323 = arith.index_cast %sub3A_188 : i32 to index
          %get3A_324 = arith.constant 0 : index
          %get3A_325 = tpu.vector_load %arg12[%get3A_323, %get3A_324] {strides = array<i32>} : memref<320x16xf32, #tpu.memory_space<vmem>>, vector<16xf32>,
          %add3A_326 = arith.addf %get3A_325, %broadcast_in_dim3A_7 : vector<16xf32>
          %swap3A_327 = arith.index_cast %sub3A_188 : i32 to index
          %swap3A_328 = arith.constant 0 : index
          %swap3A_329 = tpu.vector_load %arg12[%swap3A_327, %swap3A_328] {strides = array<i32>} : memref<320x16xf32, #tpu.memory_space<vmem>>, vector<16xf32>,
          tpu.vector_store %arg12[%swap3A_327, %swap3A_328], %add3A_326 {strides = array<i32>} : memref<320x16xf32, #tpu.memory_space<vmem>>, vector<16xf32>,
          %while3A_330 = arith.constant 0 : i32
          scf.yield %while3A_330 : i32
        }
        %while3A_180 = arith.constant 1 : i32
        %while3A_181 = scf.for %while3A_183 = %while3A_177 to %while3A_173 step %while3A_180 iter_args(%while3A_184 = %while3A_179) -> (i32)  : i32 {
          %add3A_185 = arith.addi %mul3A_159, %while3A_183 : i32
          %get3A_186 = arith.index_cast %add3A_185 : i32 to index
          %get3A_187 = tpu.vector_load %arg8[%get3A_186] {strides = array<i32>} : memref<1024xi32, #tpu.memory_space<vmem>>, vector<16xi32>,
          %slice3A = vector.extract_strided_slice %get3A_187 {offsets = [0], sizes = [1], strides = [1]} : vector<16xi32> to vector<1xi32>
          %squeeze3A = vector.extract %slice3A[0] : i32 from vector<1xi32>
          %sub3A_188 = arith.subi %squeeze3A, %mul3A_2 : i32
          %get3A_189 = arith.index_cast %while3A_183 : i32 to index
          %get3A_190 = arith.constant 0 : index
          %get3A_191 = tpu.vector_load %arg9[%get3A_189, %get3A_190] {strides = array<i32>} : memref<16x128xf32, #tpu.memory_space<vmem>>, vector<16xf32>,
          %get3A_192 = arith.index_cast %sub3A_188 : i32 to index
          %get3A_193 = arith.constant 0 : index
          %get3A_194 = tpu.vector_load %arg10[%get3A_192, %get3A_193] {strides = array<i32>} : memref<320x128xf32, #tpu.memory_space<vmem>>, vector<16xf32>,
          %max3A = arith.maximumf %get3A_194, %get3A_191 : vector<16xf32>
          %swap3A = arith.index_cast %sub3A_188 : i32 to index
          %swap3A_195 = arith.constant 0 : index
          %swap3A_196 = tpu.vector_load %arg10[%swap3A, %swap3A_195] {strides = array<i32>} : memref<320x128xf32, #tpu.memory_space<vmem>>, vector<16xf32>,
          tpu.vector_store %arg10[%swap3A, %swap3A_195], %max3A {strides = array<i32>} : memref<320x128xf32, #tpu.memory_space<vmem>>, vector<16xf32>,
          %get3A_197 = arith.index_cast %sub3A_188 : i32 to index
          %get3A_198 = arith.constant 0 : index
          %get3A_199 = tpu.vector_load %arg11[%get3A_197, %get3A_198] {strides = array<i32>} : memref<320x128xf32, #tpu.memory_space<vmem>>, vector<16xf32>,
          %add3A_200 = arith.addf %get3A_199, %get3A_191 : vector<16xf32>
          %swap3A_201 = arith.index_cast %sub3A_188 : i32 to index
          %swap3A_202 = arith.constant 0 : index
          %swap3A_203 = tpu.vector_load %arg11[%swap3A_201, %swap3A_202] {strides = array<i32>} : memref<320x128xf32, #tpu.memory_space<vmem>>, vector<16xf32>,
          tpu.vector_store %arg11[%swap3A_201, %swap3A_202], %add3A_200 {strides = array<i32>} : memref<320x128xf32, #tpu.memory_space<vmem>>, vector<16xf32>,
          %get3A_204 = arith.index_cast %while3A_183 : i32 to index
          %get3A_205 = arith.constant 16 : index
          %get3A_206 = tpu.vector_load %arg9[%get3A_204, %get3A_205] {strides = array<i32>} : memref<16x128xf32, #tpu.memory_space<vmem>>, vector<16xf32>,
          %get3A_207 = arith.index_cast %sub3A_188 : i32 to index
          %get3A_208 = arith.constant 16 : index
          %get3A_209 = tpu.vector_load %arg10[%get3A_207, %get3A_208] {strides = array<i32>} : memref<320x128xf32, #tpu.memory_space<vmem>>, vector<16xf32>,
          %max3A_210 = arith.maximumf %get3A_209, %get3A_206 : vector<16xf32>
          %swap3A_211 = arith.index_cast %sub3A_188 : i32 to index
          %swap3A_212 = arith.constant 16 : index
          %swap3A_213 = tpu.vector_load %arg10[%swap3A_211, %swap3A_212] {strides = array<i32>} : memref<320x128xf32, #tpu.memory_space<vmem>>, vector<16xf32>,
          tpu.vector_store %arg10[%swap3A_211, %swap3A_212], %max3A_210 {strides = array<i32>} : memref<320x128xf32, #tpu.memory_space<vmem>>, vector<16xf32>,
          %get3A_214 = arith.index_cast %sub3A_188 : i32 to index
          %get3A_215 = arith.constant 16 : index
          %get3A_216 = tpu.vector_load %arg11[%get3A_214, %get3A_215] {strides = array<i32>} : memref<320x128xf32, #tpu.memory_space<vmem>>, vector<16xf32>,
          %add3A_217 = arith.addf %get3A_216, %get3A_206 : vector<16xf32>
          %swap3A_218 = arith.index_cast %sub3A_188 : i32 to index
          %swap3A_219 = arith.constant 16 : index
          %swap3A_220 = tpu.vector_load %arg11[%swap3A_218, %swap3A_219] {strides = array<i32>} : memref<320x128xf32, #tpu.memory_space<vmem>>, vector<16xf32>,
          tpu.vector_store %arg11[%swap3A_218, %swap3A_219], %add3A_217 {strides = array<i32>} : memref<320x128xf32, #tpu.memory_space<vmem>>, vector<16xf32>,
          %get3A_221 = arith.index_cast %while3A_183 : i32 to index
          %get3A_222 = arith.constant 32 : index
          %get3A_223 = tpu.vector_load %arg9[%get3A_221, %get3A_222] {strides = array<i32>} : memref<16x128xf32, #tpu.memory_space<vmem>>, vector<16xf32>,
          %get3A_224 = arith.index_cast %sub3A_188 : i32 to index
          %get3A_225 = arith.constant 32 : index
          %get3A_226 = tpu.vector_load %arg10[%get3A_224, %get3A_225] {strides = array<i32>} : memref<320x128xf32, #tpu.memory_space<vmem>>, vector<16xf32>,
          %max3A_227 = arith.maximumf %get3A_226, %get3A_223 : vector<16xf32>
          %swap3A_228 = arith.index_cast %sub3A_188 : i32 to index
          %swap3A_229 = arith.constant 32 : index
          %swap3A_230 = tpu.vector_load %arg10[%swap3A_228, %swap3A_229] {strides = array<i32>} : memref<320x128xf32, #tpu.memory_space<vmem>>, vector<16xf32>,
          tpu.vector_store %arg10[%swap3A_228, %swap3A_229], %max3A_227 {strides = array<i32>} : memref<320x128xf32, #tpu.memory_space<vmem>>, vector<16xf32>,
          %get3A_231 = arith.index_cast %sub3A_188 : i32 to index
          %get3A_232 = arith.constant 32 : index
          %get3A_233 = tpu.vector_load %arg11[%get3A_231, %get3A_232] {strides = array<i32>} : memref<320x128xf32, #tpu.memory_space<vmem>>, vector<16xf32>,
          %add3A_234 = arith.addf %get3A_233, %get3A_223 : vector<16xf32>
          %swap3A_235 = arith.index_cast %sub3A_188 : i32 to index
          %swap3A_236 = arith.constant 32 : index
          %swap3A_237 = tpu.vector_load %arg11[%swap3A_235, %swap3A_236] {strides = array<i32>} : memref<320x128xf32, #tpu.memory_space<vmem>>, vector<16xf32>,
          tpu.vector_store %arg11[%swap3A_235, %swap3A_236], %add3A_234 {strides = array<i32>} : memref<320x128xf32, #tpu.memory_space<vmem>>, vector<16xf32>,
          %get3A_238 = arith.index_cast %while3A_183 : i32 to index
          %get3A_239 = arith.constant 48 : index
          %get3A_240 = tpu.vector_load %arg9[%get3A_238, %get3A_239] {strides = array<i32>} : memref<16x128xf32, #tpu.memory_space<vmem>>, vector<16xf32>,
          %get3A_241 = arith.index_cast %sub3A_188 : i32 to index
          %get3A_242 = arith.constant 48 : index
          %get3A_243 = tpu.vector_load %arg10[%get3A_241, %get3A_242] {strides = array<i32>} : memref<320x128xf32, #tpu.memory_space<vmem>>, vector<16xf32>,
          %max3A_244 = arith.maximumf %get3A_243, %get3A_240 : vector<16xf32>
          %swap3A_245 = arith.index_cast %sub3A_188 : i32 to index
          %swap3A_246 = arith.constant 48 : index
          %swap3A_247 = tpu.vector_load %arg10[%swap3A_245, %swap3A_246] {strides = array<i32>} : memref<320x128xf32, #tpu.memory_space<vmem>>, vector<16xf32>,
          tpu.vector_store %arg10[%swap3A_245, %swap3A_246], %max3A_244 {strides = array<i32>} : memref<320x128xf32, #tpu.memory_space<vmem>>, vector<16xf32>,
          %get3A_248 = arith.index_cast %sub3A_188 : i32 to index
          %get3A_249 = arith.constant 48 : index
          %get3A_250 = tpu.vector_load %arg11[%get3A_248, %get3A_249] {strides = array<i32>} : memref<320x128xf32, #tpu.memory_space<vmem>>, vector<16xf32>,
          %add3A_251 = arith.addf %get3A_250, %get3A_240 : vector<16xf32>
          %swap3A_252 = arith.index_cast %sub3A_188 : i32 to index
          %swap3A_253 = arith.constant 48 : index
          %swap3A_254 = tpu.vector_load %arg11[%swap3A_252, %swap3A_253] {strides = array<i32>} : memref<320x128xf32, #tpu.memory_space<vmem>>, vector<16xf32>,
          tpu.vector_store %arg11[%swap3A_252, %swap3A_253], %add3A_251 {strides = array<i32>} : memref<320x128xf32, #tpu.memory_space<vmem>>, vector<16xf32>,
          %get3A_255 = arith.index_cast %while3A_183 : i32 to index
          %get3A_256 = arith.constant 64 : index
          %get3A_257 = tpu.vector_load %arg9[%get3A_255, %get3A_256] {strides = array<i32>} : memref<16x128xf32, #tpu.memory_space<vmem>>, vector<16xf32>,
          %get3A_258 = arith.index_cast %sub3A_188 : i32 to index
          %get3A_259 = arith.constant 64 : index
          %get3A_260 = tpu.vector_load %arg10[%get3A_258, %get3A_259] {strides = array<i32>} : memref<320x128xf32, #tpu.memory_space<vmem>>, vector<16xf32>,
          %max3A_261 = arith.maximumf %get3A_260, %get3A_257 : vector<16xf32>
          %swap3A_262 = arith.index_cast %sub3A_188 : i32 to index
          %swap3A_263 = arith.constant 64 : index
          %swap3A_264 = tpu.vector_load %arg10[%swap3A_262, %swap3A_263] {strides = array<i32>} : memref<320x128xf32, #tpu.memory_space<vmem>>, vector<16xf32>,
          tpu.vector_store %arg10[%swap3A_262, %swap3A_263], %max3A_261 {strides = array<i32>} : memref<320x128xf32, #tpu.memory_space<vmem>>, vector<16xf32>,
          %get3A_265 = arith.index_cast %sub3A_188 : i32 to index
          %get3A_266 = arith.constant 64 : index
          %get3A_267 = tpu.vector_load %arg11[%get3A_265, %get3A_266] {strides = array<i32>} : memref<320x128xf32, #tpu.memory_space<vmem>>, vector<16xf32>,
          %add3A_268 = arith.addf %get3A_267, %get3A_257 : vector<16xf32>
          %swap3A_269 = arith.index_cast %sub3A_188 : i32 to index
          %swap3A_270 = arith.constant 64 : index
          %swap3A_271 = tpu.vector_load %arg11[%swap3A_269, %swap3A_270] {strides = array<i32>} : memref<320x128xf32, #tpu.memory_space<vmem>>, vector<16xf32>,
          tpu.vector_store %arg11[%swap3A_269, %swap3A_270], %add3A_268 {strides = array<i32>} : memref<320x128xf32, #tpu.memory_space<vmem>>, vector<16xf32>,
          %get3A_272 = arith.index_cast %while3A_183 : i32 to index
          %get3A_273 = arith.constant 80 : index
          %get3A_274 = tpu.vector_load %arg9[%get3A_272, %get3A_273] {strides = array<i32>} : memref<16x128xf32, #tpu.memory_space<vmem>>, vector<16xf32>,
          %get3A_275 = arith.index_cast %sub3A_188 : i32 to index
          %get3A_276 = arith.constant 80 : index
          %get3A_277 = tpu.vector_load %arg10[%get3A_275, %get3A_276] {strides = array<i32>} : memref<320x128xf32, #tpu.memory_space<vmem>>, vector<16xf32>,
          %max3A_278 = arith.maximumf %get3A_277, %get3A_274 : vector<16xf32>
          %swap3A_279 = arith.index_cast %sub3A_188 : i32 to index
          %swap3A_280 = arith.constant 80 : index
          %swap3A_281 = tpu.vector_load %arg10[%swap3A_279, %swap3A_280] {strides = array<i32>} : memref<320x128xf32, #tpu.memory_space<vmem>>, vector<16xf32>,
          tpu.vector_store %arg10[%swap3A_279, %swap3A_280], %max3A_278 {strides = array<i32>} : memref<320x128xf32, #tpu.memory_space<vmem>>, vector<16xf32>,
          %get3A_282 = arith.index_cast %sub3A_188 : i32 to index
          %get3A_283 = arith.constant 80 : index
          %get3A_284 = tpu.vector_load %arg11[%get3A_282, %get3A_283] {strides = array<i32>} : memref<320x128xf32, #tpu.memory_space<vmem>>, vector<16xf32>,
          %add3A_285 = arith.addf %get3A_284, %get3A_274 : vector<16xf32>
          %swap3A_286 = arith.index_cast %sub3A_188 : i32 to index
          %swap3A_287 = arith.constant 80 : index
          %swap3A_288 = tpu.vector_load %arg11[%swap3A_286, %swap3A_287] {strides = array<i32>} : memref<320x128xf32, #tpu.memory_space<vmem>>, vector<16xf32>,
          tpu.vector_store %arg11[%swap3A_286, %swap3A_287], %add3A_285 {strides = array<i32>} : memref<320x128xf32, #tpu.memory_space<vmem>>, vector<16xf32>,
          %get3A_289 = arith.index_cast %while3A_183 : i32 to index
          %get3A_290 = arith.constant 96 : index
          %get3A_291 = tpu.vector_load %arg9[%get3A_289, %get3A_290] {strides = array<i32>} : memref<16x128xf32, #tpu.memory_space<vmem>>, vector<16xf32>,
          %get3A_292 = arith.index_cast %sub3A_188 : i32 to index
          %get3A_293 = arith.constant 96 : index
          %get3A_294 = tpu.vector_load %arg10[%get3A_292, %get3A_293] {strides = array<i32>} : memref<320x128xf32, #tpu.memory_space<vmem>>, vector<16xf32>,
          %max3A_295 = arith.maximumf %get3A_294, %get3A_291 : vector<16xf32>
          %swap3A_296 = arith.index_cast %sub3A_188 : i32 to index
          %swap3A_297 = arith.constant 96 : index
          %swap3A_298 = tpu.vector_load %arg10[%swap3A_296, %swap3A_297] {strides = array<i32>} : memref<320x128xf32, #tpu.memory_space<vmem>>, vector<16xf32>,
          tpu.vector_store %arg10[%swap3A_296, %swap3A_297], %max3A_295 {strides = array<i32>} : memref<320x128xf32, #tpu.memory_space<vmem>>, vector<16xf32>,
          %get3A_299 = arith.index_cast %sub3A_188 : i32 to index
          %get3A_300 = arith.constant 96 : index
          %get3A_301 = tpu.vector_load %arg11[%get3A_299, %get3A_300] {strides = array<i32>} : memref<320x128xf32, #tpu.memory_space<vmem>>, vector<16xf32>,
          %add3A_302 = arith.addf %get3A_301, %get3A_291 : vector<16xf32>
          %swap3A_303 = arith.index_cast %sub3A_188 : i32 to index
          %swap3A_304 = arith.constant 96 : index
          %swap3A_305 = tpu.vector_load %arg11[%swap3A_303, %swap3A_304] {strides = array<i32>} : memref<320x128xf32, #tpu.memory_space<vmem>>, vector<16xf32>,
          tpu.vector_store %arg11[%swap3A_303, %swap3A_304], %add3A_302 {strides = array<i32>} : memref<320x128xf32, #tpu.memory_space<vmem>>, vector<16xf32>,
          %get3A_306 = arith.index_cast %while3A_183 : i32 to index
          %get3A_307 = arith.constant 112 : index
          %get3A_308 = tpu.vector_load %arg9[%get3A_306, %get3A_307] {strides = array<i32>} : memref<16x128xf32, #tpu.memory_space<vmem>>, vector<16xf32>,
          %get3A_309 = arith.index_cast %sub3A_188 : i32 to index
          %get3A_310 = arith.constant 112 : index
          %get3A_311 = tpu.vector_load %arg10[%get3A_309, %get3A_310] {strides = array<i32>} : memref<320x128xf32, #tpu.memory_space<vmem>>, vector<16xf32>,
          %max3A_312 = arith.maximumf %get3A_311, %get3A_308 : vector<16xf32>
          %swap3A_313 = arith.index_cast %sub3A_188 : i32 to index
          %swap3A_314 = arith.constant 112 : index
          %swap3A_315 = tpu.vector_load %arg10[%swap3A_313, %swap3A_314] {strides = array<i32>} : memref<320x128xf32, #tpu.memory_space<vmem>>, vector<16xf32>,
          tpu.vector_store %arg10[%swap3A_313, %swap3A_314], %max3A_312 {strides = array<i32>} : memref<320x128xf32, #tpu.memory_space<vmem>>, vector<16xf32>,
          %get3A_316 = arith.index_cast %sub3A_188 : i32 to index
          %get3A_317 = arith.constant 112 : index
          %get3A_318 = tpu.vector_load %arg11[%get3A_316, %get3A_317] {strides = array<i32>} : memref<320x128xf32, #tpu.memory_space<vmem>>, vector<16xf32>,
          %add3A_319 = arith.addf %get3A_318, %get3A_308 : vector<16xf32>
          %swap3A_320 = arith.index_cast %sub3A_188 : i32 to index
          %swap3A_321 = arith.constant 112 : index
          %swap3A_322 = tpu.vector_load %arg11[%swap3A_320, %swap3A_321] {strides = array<i32>} : memref<320x128xf32, #tpu.memory_space<vmem>>, vector<16xf32>,
          tpu.vector_store %arg11[%swap3A_320, %swap3A_321], %add3A_319 {strides = array<i32>} : memref<320x128xf32, #tpu.memory_space<vmem>>, vector<16xf32>,
          %get3A_323 = arith.index_cast %sub3A_188 : i32 to index
          %get3A_324 = arith.constant 0 : index
          %get3A_325 = tpu.vector_load %arg12[%get3A_323, %get3A_324] {strides = array<i32>} : memref<320x16xf32, #tpu.memory_space<vmem>>, vector<16xf32>,
          %add3A_326 = arith.addf %get3A_325, %broadcast_in_dim3A_7 : vector<16xf32>
          %swap3A_327 = arith.index_cast %sub3A_188 : i32 to index
          %swap3A_328 = arith.constant 0 : index
          %swap3A_329 = tpu.vector_load %arg12[%swap3A_327, %swap3A_328] {strides = array<i32>} : memref<320x16xf32, #tpu.memory_space<vmem>>, vector<16xf32>,
          tpu.vector_store %arg12[%swap3A_327, %swap3A_328], %add3A_326 {strides = array<i32>} : memref<320x16xf32, #tpu.memory_space<vmem>>, vector<16xf32>,
          %while3A_330 = arith.constant 0 : i32
          scf.yield %while3A_330 : i32
        }
        %while3A_182 = arith.constant 0 : i32
        scf.yield %while3A_182 : i32
      }
      %while3A_153 = arith.constant 1 : i32
      %while3A_154 = scf.for %while3A_156 = %while3A_150 to %while3A_146 step %while3A_153 iter_args(%while3A_157 = %while3A_152) -> (i32)  : i32 {
        %mul3A_158 = arith.constant 16 : i32
        %mul3A_159 = arith.muli %while3A_156, %mul3A_158 : i32
        %get3A = arith.index_cast %mul3A_159 : i32 to index
        %get3A_160 = tpu.vector_load %arg7[%get3A] {strides = array<i32>} : memref<1024xi32, #tpu.memory_space<vmem>>, vector<16xi32>,
        %dma_start3A_161 = arith.constant 0 : i32
        %dma_start3A_162 = arith.constant 0 : i32
        %dma_start3A_163 = tpu.memref_slice %arg2[%dma_start3A_161, %dma_start3A_162] : memref<320000x128xf32, #tpu.memory_space<hbm>> -> memref<320000x128xf32, #tpu.memory_space<hbm>>
        tpu.enqueue_indirect_dma source(%dma_start3A_163 : memref<320000x128xf32, #tpu.memory_space<hbm>>) target(%arg9 : memref<16x128xf32, #tpu.memory_space<vmem>>) offsets(%get3A_160 : vector<16xi32>) semaphore(%arg15 : memref<!tpu.dma_semaphore, #tpu.memory_space<semaphore_mem>>)
        %dma_wait3A_164 = arith.constant 0 : i32
        %dma_wait3A_165 = arith.constant 0 : i32
        %dma_wait3A_166 = tpu.memref_slice %arg2[%dma_wait3A_164, %dma_wait3A_165] : memref<320000x128xf32, #tpu.memory_space<hbm>> -> memref<320000x128xf32, #tpu.memory_space<hbm>>
        tpu.wait_indirect_dma semaphore(%arg15 : memref<!tpu.dma_semaphore, #tpu.memory_space<semaphore_mem>>) src(%dma_wait3A_166 : memref<320000x128xf32, #tpu.memory_space<hbm>>) dst(%arg9 : memref<16x128xf32, #tpu.memory_space<vmem>>)
        %sub3A_167 = arith.subi %scan3A_115, %mul3A_159 : i32
        %min3A_168 = arith.constant 16 : i32
        %min3A_169 = arith.minsi %sub3A_167, %min3A_168 : i32
        %while3A_170 = arith.constant 0 : i32
        %while3A_171 = arith.constant 0 : i32
        %while3A_172 = arith.subi %min3A_169, %while3A_170 : i32
        %while3A_173 = arith.addi %while3A_170, %while3A_172 : i32
        %while3A_174 = arith.constant 1 : i32
        %while3A_175 = arith.divsi %while3A_172, %while3A_174 : i32
        %while3A_176 = arith.muli %while3A_175, %while3A_174 : i32
        %while3A_177 = arith.addi %while3A_170, %while3A_176 : i32
        %while3A_178 = arith.constant 1 : i32
        %while3A_179 = scf.for %while3A_183 = %while3A_170 to %while3A_177 step %while3A_178 iter_args(%while3A_184 = %while3A_171) -> (i32)  : i32 {
          %add3A_185 = arith.addi %mul3A_159, %while3A_183 : i32
          %get3A_186 = arith.index_cast %add3A_185 : i32 to index
          %get3A_187 = tpu.vector_load %arg8[%get3A_186] {strides = array<i32>} : memref<1024xi32, #tpu.memory_space<vmem>>, vector<16xi32>,
          %slice3A = vector.extract_strided_slice %get3A_187 {offsets = [0], sizes = [1], strides = [1]} : vector<16xi32> to vector<1xi32>
          %squeeze3A = vector.extract %slice3A[0] : i32 from vector<1xi32>
          %sub3A_188 = arith.subi %squeeze3A, %mul3A_2 : i32
          %get3A_189 = arith.index_cast %while3A_183 : i32 to index
          %get3A_190 = arith.constant 0 : index
          %get3A_191 = tpu.vector_load %arg9[%get3A_189, %get3A_190] {strides = array<i32>} : memref<16x128xf32, #tpu.memory_space<vmem>>, vector<16xf32>,
          %get3A_192 = arith.index_cast %sub3A_188 : i32 to index
          %get3A_193 = arith.constant 0 : index
          %get3A_194 = tpu.vector_load %arg10[%get3A_192, %get3A_193] {strides = array<i32>} : memref<320x128xf32, #tpu.memory_space<vmem>>, vector<16xf32>,
          %max3A = arith.maximumf %get3A_194, %get3A_191 : vector<16xf32>
          %swap3A = arith.index_cast %sub3A_188 : i32 to index
          %swap3A_195 = arith.constant 0 : index
          %swap3A_196 = tpu.vector_load %arg10[%swap3A, %swap3A_195] {strides = array<i32>} : memref<320x128xf32, #tpu.memory_space<vmem>>, vector<16xf32>,
          tpu.vector_store %arg10[%swap3A, %swap3A_195], %max3A {strides = array<i32>} : memref<320x128xf32, #tpu.memory_space<vmem>>, vector<16xf32>,
          %get3A_197 = arith.index_cast %sub3A_188 : i32 to index
          %get3A_198 = arith.constant 0 : index
          %get3A_199 = tpu.vector_load %arg11[%get3A_197, %get3A_198] {strides = array<i32>} : memref<320x128xf32, #tpu.memory_space<vmem>>, vector<16xf32>,
          %add3A_200 = arith.addf %get3A_199, %get3A_191 : vector<16xf32>
          %swap3A_201 = arith.index_cast %sub3A_188 : i32 to index
          %swap3A_202 = arith.constant 0 : index
          %swap3A_203 = tpu.vector_load %arg11[%swap3A_201, %swap3A_202] {strides = array<i32>} : memref<320x128xf32, #tpu.memory_space<vmem>>, vector<16xf32>,
          tpu.vector_store %arg11[%swap3A_201, %swap3A_202], %add3A_200 {strides = array<i32>} : memref<320x128xf32, #tpu.memory_space<vmem>>, vector<16xf32>,
          %get3A_204 = arith.index_cast %while3A_183 : i32 to index
          %get3A_205 = arith.constant 16 : index
          %get3A_206 = tpu.vector_load %arg9[%get3A_204, %get3A_205] {strides = array<i32>} : memref<16x128xf32, #tpu.memory_space<vmem>>, vector<16xf32>,
          %get3A_207 = arith.index_cast %sub3A_188 : i32 to index
          %get3A_208 = arith.constant 16 : index
          %get3A_209 = tpu.vector_load %arg10[%get3A_207, %get3A_208] {strides = array<i32>} : memref<320x128xf32, #tpu.memory_space<vmem>>, vector<16xf32>,
          %max3A_210 = arith.maximumf %get3A_209, %get3A_206 : vector<16xf32>
          %swap3A_211 = arith.index_cast %sub3A_188 : i32 to index
          %swap3A_212 = arith.constant 16 : index
          %swap3A_213 = tpu.vector_load %arg10[%swap3A_211, %swap3A_212] {strides = array<i32>} : memref<320x128xf32, #tpu.memory_space<vmem>>, vector<16xf32>,
          tpu.vector_store %arg10[%swap3A_211, %swap3A_212], %max3A_210 {strides = array<i32>} : memref<320x128xf32, #tpu.memory_space<vmem>>, vector<16xf32>,
          %get3A_214 = arith.index_cast %sub3A_188 : i32 to index
          %get3A_215 = arith.constant 16 : index
          %get3A_216 = tpu.vector_load %arg11[%get3A_214, %get3A_215] {strides = array<i32>} : memref<320x128xf32, #tpu.memory_space<vmem>>, vector<16xf32>,
          %add3A_217 = arith.addf %get3A_216, %get3A_206 : vector<16xf32>
          %swap3A_218 = arith.index_cast %sub3A_188 : i32 to index
          %swap3A_219 = arith.constant 16 : index
          %swap3A_220 = tpu.vector_load %arg11[%swap3A_218, %swap3A_219] {strides = array<i32>} : memref<320x128xf32, #tpu.memory_space<vmem>>, vector<16xf32>,
          tpu.vector_store %arg11[%swap3A_218, %swap3A_219], %add3A_217 {strides = array<i32>} : memref<320x128xf32, #tpu.memory_space<vmem>>, vector<16xf32>,
          %get3A_221 = arith.index_cast %while3A_183 : i32 to index
          %get3A_222 = arith.constant 32 : index
          %get3A_223 = tpu.vector_load %arg9[%get3A_221, %get3A_222] {strides = array<i32>} : memref<16x128xf32, #tpu.memory_space<vmem>>, vector<16xf32>,
          %get3A_224 = arith.index_cast %sub3A_188 : i32 to index
          %get3A_225 = arith.constant 32 : index
          %get3A_226 = tpu.vector_load %arg10[%get3A_224, %get3A_225] {strides = array<i32>} : memref<320x128xf32, #tpu.memory_space<vmem>>, vector<16xf32>,
          %max3A_227 = arith.maximumf %get3A_226, %get3A_223 : vector<16xf32>
          %swap3A_228 = arith.index_cast %sub3A_188 : i32 to index
          %swap3A_229 = arith.constant 32 : index
          %swap3A_230 = tpu.vector_load %arg10[%swap3A_228, %swap3A_229] {strides = array<i32>} : memref<320x128xf32, #tpu.memory_space<vmem>>, vector<16xf32>,
          tpu.vector_store %arg10[%swap3A_228, %swap3A_229], %max3A_227 {strides = array<i32>} : memref<320x128xf32, #tpu.memory_space<vmem>>, vector<16xf32>,
          %get3A_231 = arith.index_cast %sub3A_188 : i32 to index
          %get3A_232 = arith.constant 32 : index
          %get3A_233 = tpu.vector_load %arg11[%get3A_231, %get3A_232] {strides = array<i32>} : memref<320x128xf32, #tpu.memory_space<vmem>>, vector<16xf32>,
          %add3A_234 = arith.addf %get3A_233, %get3A_223 : vector<16xf32>
          %swap3A_235 = arith.index_cast %sub3A_188 : i32 to index
          %swap3A_236 = arith.constant 32 : index
          %swap3A_237 = tpu.vector_load %arg11[%swap3A_235, %swap3A_236] {strides = array<i32>} : memref<320x128xf32, #tpu.memory_space<vmem>>, vector<16xf32>,
          tpu.vector_store %arg11[%swap3A_235, %swap3A_236], %add3A_234 {strides = array<i32>} : memref<320x128xf32, #tpu.memory_space<vmem>>, vector<16xf32>,
          %get3A_238 = arith.index_cast %while3A_183 : i32 to index
          %get3A_239 = arith.constant 48 : index
          %get3A_240 = tpu.vector_load %arg9[%get3A_238, %get3A_239] {strides = array<i32>} : memref<16x128xf32, #tpu.memory_space<vmem>>, vector<16xf32>,
          %get3A_241 = arith.index_cast %sub3A_188 : i32 to index
          %get3A_242 = arith.constant 48 : index
          %get3A_243 = tpu.vector_load %arg10[%get3A_241, %get3A_242] {strides = array<i32>} : memref<320x128xf32, #tpu.memory_space<vmem>>, vector<16xf32>,
          %max3A_244 = arith.maximumf %get3A_243, %get3A_240 : vector<16xf32>
          %swap3A_245 = arith.index_cast %sub3A_188 : i32 to index
          %swap3A_246 = arith.constant 48 : index
          %swap3A_247 = tpu.vector_load %arg10[%swap3A_245, %swap3A_246] {strides = array<i32>} : memref<320x128xf32, #tpu.memory_space<vmem>>, vector<16xf32>,
          tpu.vector_store %arg10[%swap3A_245, %swap3A_246], %max3A_244 {strides = array<i32>} : memref<320x128xf32, #tpu.memory_space<vmem>>, vector<16xf32>,
          %get3A_248 = arith.index_cast %sub3A_188 : i32 to index
          %get3A_249 = arith.constant 48 : index
          %get3A_250 = tpu.vector_load %arg11[%get3A_248, %get3A_249] {strides = array<i32>} : memref<320x128xf32, #tpu.memory_space<vmem>>, vector<16xf32>,
          %add3A_251 = arith.addf %get3A_250, %get3A_240 : vector<16xf32>
          %swap3A_252 = arith.index_cast %sub3A_188 : i32 to index
          %swap3A_253 = arith.constant 48 : index
          %swap3A_254 = tpu.vector_load %arg11[%swap3A_252, %swap3A_253] {strides = array<i32>} : memref<320x128xf32, #tpu.memory_space<vmem>>, vector<16xf32>,
          tpu.vector_store %arg11[%swap3A_252, %swap3A_253], %add3A_251 {strides = array<i32>} : memref<320x128xf32, #tpu.memory_space<vmem>>, vector<16xf32>,
          %get3A_255 = arith.index_cast %while3A_183 : i32 to index
          %get3A_256 = arith.constant 64 : index
          %get3A_257 = tpu.vector_load %arg9[%get3A_255, %get3A_256] {strides = array<i32>} : memref<16x128xf32, #tpu.memory_space<vmem>>, vector<16xf32>,
          %get3A_258 = arith.index_cast %sub3A_188 : i32 to index
          %get3A_259 = arith.constant 64 : index
          %get3A_260 = tpu.vector_load %arg10[%get3A_258, %get3A_259] {strides = array<i32>} : memref<320x128xf32, #tpu.memory_space<vmem>>, vector<16xf32>,
          %max3A_261 = arith.maximumf %get3A_260, %get3A_257 : vector<16xf32>
          %swap3A_262 = arith.index_cast %sub3A_188 : i32 to index
          %swap3A_263 = arith.constant 64 : index
          %swap3A_264 = tpu.vector_load %arg10[%swap3A_262, %swap3A_263] {strides = array<i32>} : memref<320x128xf32, #tpu.memory_space<vmem>>, vector<16xf32>,
          tpu.vector_store %arg10[%swap3A_262, %swap3A_263], %max3A_261 {strides = array<i32>} : memref<320x128xf32, #tpu.memory_space<vmem>>, vector<16xf32>,
          %get3A_265 = arith.index_cast %sub3A_188 : i32 to index
          %get3A_266 = arith.constant 64 : index
          %get3A_267 = tpu.vector_load %arg11[%get3A_265, %get3A_266] {strides = array<i32>} : memref<320x128xf32, #tpu.memory_space<vmem>>, vector<16xf32>,
          %add3A_268 = arith.addf %get3A_267, %get3A_257 : vector<16xf32>
          %swap3A_269 = arith.index_cast %sub3A_188 : i32 to index
          %swap3A_270 = arith.constant 64 : index
          %swap3A_271 = tpu.vector_load %arg11[%swap3A_269, %swap3A_270] {strides = array<i32>} : memref<320x128xf32, #tpu.memory_space<vmem>>, vector<16xf32>,
          tpu.vector_store %arg11[%swap3A_269, %swap3A_270], %add3A_268 {strides = array<i32>} : memref<320x128xf32, #tpu.memory_space<vmem>>, vector<16xf32>,
          %get3A_272 = arith.index_cast %while3A_183 : i32 to index
          %get3A_273 = arith.constant 80 : index
          %get3A_274 = tpu.vector_load %arg9[%get3A_272, %get3A_273] {strides = array<i32>} : memref<16x128xf32, #tpu.memory_space<vmem>>, vector<16xf32>,
          %get3A_275 = arith.index_cast %sub3A_188 : i32 to index
          %get3A_276 = arith.constant 80 : index
          %get3A_277 = tpu.vector_load %arg10[%get3A_275, %get3A_276] {strides = array<i32>} : memref<320x128xf32, #tpu.memory_space<vmem>>, vector<16xf32>,
          %max3A_278 = arith.maximumf %get3A_277, %get3A_274 : vector<16xf32>
          %swap3A_279 = arith.index_cast %sub3A_188 : i32 to index
          %swap3A_280 = arith.constant 80 : index
          %swap3A_281 = tpu.vector_load %arg10[%swap3A_279, %swap3A_280] {strides = array<i32>} : memref<320x128xf32, #tpu.memory_space<vmem>>, vector<16xf32>,
          tpu.vector_store %arg10[%swap3A_279, %swap3A_280], %max3A_278 {strides = array<i32>} : memref<320x128xf32, #tpu.memory_space<vmem>>, vector<16xf32>,
          %get3A_282 = arith.index_cast %sub3A_188 : i32 to index
          %get3A_283 = arith.constant 80 : index
          %get3A_284 = tpu.vector_load %arg11[%get3A_282, %get3A_283] {strides = array<i32>} : memref<320x128xf32, #tpu.memory_space<vmem>>, vector<16xf32>,
          %add3A_285 = arith.addf %get3A_284, %get3A_274 : vector<16xf32>
          %swap3A_286 = arith.index_cast %sub3A_188 : i32 to index
          %swap3A_287 = arith.constant 80 : index
          %swap3A_288 = tpu.vector_load %arg11[%swap3A_286, %swap3A_287] {strides = array<i32>} : memref<320x128xf32, #tpu.memory_space<vmem>>, vector<16xf32>,
          tpu.vector_store %arg11[%swap3A_286, %swap3A_287], %add3A_285 {strides = array<i32>} : memref<320x128xf32, #tpu.memory_space<vmem>>, vector<16xf32>,
          %get3A_289 = arith.index_cast %while3A_183 : i32 to index
          %get3A_290 = arith.constant 96 : index
          %get3A_291 = tpu.vector_load %arg9[%get3A_289, %get3A_290] {strides = array<i32>} : memref<16x128xf32, #tpu.memory_space<vmem>>, vector<16xf32>,
          %get3A_292 = arith.index_cast %sub3A_188 : i32 to index
          %get3A_293 = arith.constant 96 : index
          %get3A_294 = tpu.vector_load %arg10[%get3A_292, %get3A_293] {strides = array<i32>} : memref<320x128xf32, #tpu.memory_space<vmem>>, vector<16xf32>,
          %max3A_295 = arith.maximumf %get3A_294, %get3A_291 : vector<16xf32>
          %swap3A_296 = arith.index_cast %sub3A_188 : i32 to index
          %swap3A_297 = arith.constant 96 : index
          %swap3A_298 = tpu.vector_load %arg10[%swap3A_296, %swap3A_297] {strides = array<i32>} : memref<320x128xf32, #tpu.memory_space<vmem>>, vector<16xf32>,
          tpu.vector_store %arg10[%swap3A_296, %swap3A_297], %max3A_295 {strides = array<i32>} : memref<320x128xf32, #tpu.memory_space<vmem>>, vector<16xf32>,
          %get3A_299 = arith.index_cast %sub3A_188 : i32 to index
          %get3A_300 = arith.constant 96 : index
          %get3A_301 = tpu.vector_load %arg11[%get3A_299, %get3A_300] {strides = array<i32>} : memref<320x128xf32, #tpu.memory_space<vmem>>, vector<16xf32>,
          %add3A_302 = arith.addf %get3A_301, %get3A_291 : vector<16xf32>
          %swap3A_303 = arith.index_cast %sub3A_188 : i32 to index
          %swap3A_304 = arith.constant 96 : index
          %swap3A_305 = tpu.vector_load %arg11[%swap3A_303, %swap3A_304] {strides = array<i32>} : memref<320x128xf32, #tpu.memory_space<vmem>>, vector<16xf32>,
          tpu.vector_store %arg11[%swap3A_303, %swap3A_304], %add3A_302 {strides = array<i32>} : memref<320x128xf32, #tpu.memory_space<vmem>>, vector<16xf32>,
          %get3A_306 = arith.index_cast %while3A_183 : i32 to index
          %get3A_307 = arith.constant 112 : index
          %get3A_308 = tpu.vector_load %arg9[%get3A_306, %get3A_307] {strides = array<i32>} : memref<16x128xf32, #tpu.memory_space<vmem>>, vector<16xf32>,
          %get3A_309 = arith.index_cast %sub3A_188 : i32 to index
          %get3A_310 = arith.constant 112 : index
          %get3A_311 = tpu.vector_load %arg10[%get3A_309, %get3A_310] {strides = array<i32>} : memref<320x128xf32, #tpu.memory_space<vmem>>, vector<16xf32>,
          %max3A_312 = arith.maximumf %get3A_311, %get3A_308 : vector<16xf32>
          %swap3A_313 = arith.index_cast %sub3A_188 : i32 to index
          %swap3A_314 = arith.constant 112 : index
          %swap3A_315 = tpu.vector_load %arg10[%swap3A_313, %swap3A_314] {strides = array<i32>} : memref<320x128xf32, #tpu.memory_space<vmem>>, vector<16xf32>,
          tpu.vector_store %arg10[%swap3A_313, %swap3A_314], %max3A_312 {strides = array<i32>} : memref<320x128xf32, #tpu.memory_space<vmem>>, vector<16xf32>,
          %get3A_316 = arith.index_cast %sub3A_188 : i32 to index
          %get3A_317 = arith.constant 112 : index
          %get3A_318 = tpu.vector_load %arg11[%get3A_316, %get3A_317] {strides = array<i32>} : memref<320x128xf32, #tpu.memory_space<vmem>>, vector<16xf32>,
          %add3A_319 = arith.addf %get3A_318, %get3A_308 : vector<16xf32>
          %swap3A_320 = arith.index_cast %sub3A_188 : i32 to index
          %swap3A_321 = arith.constant 112 : index
          %swap3A_322 = tpu.vector_load %arg11[%swap3A_320, %swap3A_321] {strides = array<i32>} : memref<320x128xf32, #tpu.memory_space<vmem>>, vector<16xf32>,
          tpu.vector_store %arg11[%swap3A_320, %swap3A_321], %add3A_319 {strides = array<i32>} : memref<320x128xf32, #tpu.memory_space<vmem>>, vector<16xf32>,
          %get3A_323 = arith.index_cast %sub3A_188 : i32 to index
          %get3A_324 = arith.constant 0 : index
          %get3A_325 = tpu.vector_load %arg12[%get3A_323, %get3A_324] {strides = array<i32>} : memref<320x16xf32, #tpu.memory_space<vmem>>, vector<16xf32>,
          %add3A_326 = arith.addf %get3A_325, %broadcast_in_dim3A_7 : vector<16xf32>
          %swap3A_327 = arith.index_cast %sub3A_188 : i32 to index
          %swap3A_328 = arith.constant 0 : index
          %swap3A_329 = tpu.vector_load %arg12[%swap3A_327, %swap3A_328] {strides = array<i32>} : memref<320x16xf32, #tpu.memory_space<vmem>>, vector<16xf32>,
          tpu.vector_store %arg12[%swap3A_327, %swap3A_328], %add3A_326 {strides = array<i32>} : memref<320x16xf32, #tpu.memory_space<vmem>>, vector<16xf32>,
          %while3A_330 = arith.constant 0 : i32
          scf.yield %while3A_330 : i32
        }
        %while3A_180 = arith.constant 1 : i32
        %while3A_181 = scf.for %while3A_183 = %while3A_177 to %while3A_173 step %while3A_180 iter_args(%while3A_184 = %while3A_179) -> (i32)  : i32 {
          %add3A_185 = arith.addi %mul3A_159, %while3A_183 : i32
          %get3A_186 = arith.index_cast %add3A_185 : i32 to index
          %get3A_187 = tpu.vector_load %arg8[%get3A_186] {strides = array<i32>} : memref<1024xi32, #tpu.memory_space<vmem>>, vector<16xi32>,
          %slice3A = vector.extract_strided_slice %get3A_187 {offsets = [0], sizes = [1], strides = [1]} : vector<16xi32> to vector<1xi32>
          %squeeze3A = vector.extract %slice3A[0] : i32 from vector<1xi32>
          %sub3A_188 = arith.subi %squeeze3A, %mul3A_2 : i32
          %get3A_189 = arith.index_cast %while3A_183 : i32 to index
          %get3A_190 = arith.constant 0 : index
          %get3A_191 = tpu.vector_load %arg9[%get3A_189, %get3A_190] {strides = array<i32>} : memref<16x128xf32, #tpu.memory_space<vmem>>, vector<16xf32>,
          %get3A_192 = arith.index_cast %sub3A_188 : i32 to index
          %get3A_193 = arith.constant 0 : index
          %get3A_194 = tpu.vector_load %arg10[%get3A_192, %get3A_193] {strides = array<i32>} : memref<320x128xf32, #tpu.memory_space<vmem>>, vector<16xf32>,
          %max3A = arith.maximumf %get3A_194, %get3A_191 : vector<16xf32>
          %swap3A = arith.index_cast %sub3A_188 : i32 to index
          %swap3A_195 = arith.constant 0 : index
          %swap3A_196 = tpu.vector_load %arg10[%swap3A, %swap3A_195] {strides = array<i32>} : memref<320x128xf32, #tpu.memory_space<vmem>>, vector<16xf32>,
          tpu.vector_store %arg10[%swap3A, %swap3A_195], %max3A {strides = array<i32>} : memref<320x128xf32, #tpu.memory_space<vmem>>, vector<16xf32>,
          %get3A_197 = arith.index_cast %sub3A_188 : i32 to index
          %get3A_198 = arith.constant 0 : index
          %get3A_199 = tpu.vector_load %arg11[%get3A_197, %get3A_198] {strides = array<i32>} : memref<320x128xf32, #tpu.memory_space<vmem>>, vector<16xf32>,
          %add3A_200 = arith.addf %get3A_199, %get3A_191 : vector<16xf32>
          %swap3A_201 = arith.index_cast %sub3A_188 : i32 to index
          %swap3A_202 = arith.constant 0 : index
          %swap3A_203 = tpu.vector_load %arg11[%swap3A_201, %swap3A_202] {strides = array<i32>} : memref<320x128xf32, #tpu.memory_space<vmem>>, vector<16xf32>,
          tpu.vector_store %arg11[%swap3A_201, %swap3A_202], %add3A_200 {strides = array<i32>} : memref<320x128xf32, #tpu.memory_space<vmem>>, vector<16xf32>,
          %get3A_204 = arith.index_cast %while3A_183 : i32 to index
          %get3A_205 = arith.constant 16 : index
          %get3A_206 = tpu.vector_load %arg9[%get3A_204, %get3A_205] {strides = array<i32>} : memref<16x128xf32, #tpu.memory_space<vmem>>, vector<16xf32>,
          %get3A_207 = arith.index_cast %sub3A_188 : i32 to index
          %get3A_208 = arith.constant 16 : index
          %get3A_209 = tpu.vector_load %arg10[%get3A_207, %get3A_208] {strides = array<i32>} : memref<320x128xf32, #tpu.memory_space<vmem>>, vector<16xf32>,
          %max3A_210 = arith.maximumf %get3A_209, %get3A_206 : vector<16xf32>
          %swap3A_211 = arith.index_cast %sub3A_188 : i32 to index
          %swap3A_212 = arith.constant 16 : index
          %swap3A_213 = tpu.vector_load %arg10[%swap3A_211, %swap3A_212] {strides = array<i32>} : memref<320x128xf32, #tpu.memory_space<vmem>>, vector<16xf32>,
          tpu.vector_store %arg10[%swap3A_211, %swap3A_212], %max3A_210 {strides = array<i32>} : memref<320x128xf32, #tpu.memory_space<vmem>>, vector<16xf32>,
          %get3A_214 = arith.index_cast %sub3A_188 : i32 to index
          %get3A_215 = arith.constant 16 : index
          %get3A_216 = tpu.vector_load %arg11[%get3A_214, %get3A_215] {strides = array<i32>} : memref<320x128xf32, #tpu.memory_space<vmem>>, vector<16xf32>,
          %add3A_217 = arith.addf %get3A_216, %get3A_206 : vector<16xf32>
          %swap3A_218 = arith.index_cast %sub3A_188 : i32 to index
          %swap3A_219 = arith.constant 16 : index
          %swap3A_220 = tpu.vector_load %arg11[%swap3A_218, %swap3A_219] {strides = array<i32>} : memref<320x128xf32, #tpu.memory_space<vmem>>, vector<16xf32>,
          tpu.vector_store %arg11[%swap3A_218, %swap3A_219], %add3A_217 {strides = array<i32>} : memref<320x128xf32, #tpu.memory_space<vmem>>, vector<16xf32>,
          %get3A_221 = arith.index_cast %while3A_183 : i32 to index
          %get3A_222 = arith.constant 32 : index
          %get3A_223 = tpu.vector_load %arg9[%get3A_221, %get3A_222] {strides = array<i32>} : memref<16x128xf32, #tpu.memory_space<vmem>>, vector<16xf32>,
          %get3A_224 = arith.index_cast %sub3A_188 : i32 to index
          %get3A_225 = arith.constant 32 : index
          %get3A_226 = tpu.vector_load %arg10[%get3A_224, %get3A_225] {strides = array<i32>} : memref<320x128xf32, #tpu.memory_space<vmem>>, vector<16xf32>,
          %max3A_227 = arith.maximumf %get3A_226, %get3A_223 : vector<16xf32>
          %swap3A_228 = arith.index_cast %sub3A_188 : i32 to index
          %swap3A_229 = arith.constant 32 : index
          %swap3A_230 = tpu.vector_load %arg10[%swap3A_228, %swap3A_229] {strides = array<i32>} : memref<320x128xf32, #tpu.memory_space<vmem>>, vector<16xf32>,
          tpu.vector_store %arg10[%swap3A_228, %swap3A_229], %max3A_227 {strides = array<i32>} : memref<320x128xf32, #tpu.memory_space<vmem>>, vector<16xf32>,
          %get3A_231 = arith.index_cast %sub3A_188 : i32 to index
          %get3A_232 = arith.constant 32 : index
          %get3A_233 = tpu.vector_load %arg11[%get3A_231, %get3A_232] {strides = array<i32>} : memref<320x128xf32, #tpu.memory_space<vmem>>, vector<16xf32>,
          %add3A_234 = arith.addf %get3A_233, %get3A_223 : vector<16xf32>
          %swap3A_235 = arith.index_cast %sub3A_188 : i32 to index
          %swap3A_236 = arith.constant 32 : index
          %swap3A_237 = tpu.vector_load %arg11[%swap3A_235, %swap3A_236] {strides = array<i32>} : memref<320x128xf32, #tpu.memory_space<vmem>>, vector<16xf32>,
          tpu.vector_store %arg11[%swap3A_235, %swap3A_236], %add3A_234 {strides = array<i32>} : memref<320x128xf32, #tpu.memory_space<vmem>>, vector<16xf32>,
          %get3A_238 = arith.index_cast %while3A_183 : i32 to index
          %get3A_239 = arith.constant 48 : index
          %get3A_240 = tpu.vector_load %arg9[%get3A_238, %get3A_239] {strides = array<i32>} : memref<16x128xf32, #tpu.memory_space<vmem>>, vector<16xf32>,
          %get3A_241 = arith.index_cast %sub3A_188 : i32 to index
          %get3A_242 = arith.constant 48 : index
          %get3A_243 = tpu.vector_load %arg10[%get3A_241, %get3A_242] {strides = array<i32>} : memref<320x128xf32, #tpu.memory_space<vmem>>, vector<16xf32>,
          %max3A_244 = arith.maximumf %get3A_243, %get3A_240 : vector<16xf32>
          %swap3A_245 = arith.index_cast %sub3A_188 : i32 to index
          %swap3A_246 = arith.constant 48 : index
          %swap3A_247 = tpu.vector_load %arg10[%swap3A_245, %swap3A_246] {strides = array<i32>} : memref<320x128xf32, #tpu.memory_space<vmem>>, vector<16xf32>,
          tpu.vector_store %arg10[%swap3A_245, %swap3A_246], %max3A_244 {strides = array<i32>} : memref<320x128xf32, #tpu.memory_space<vmem>>, vector<16xf32>,
          %get3A_248 = arith.index_cast %sub3A_188 : i32 to index
          %get3A_249 = arith.constant 48 : index
          %get3A_250 = tpu.vector_load %arg11[%get3A_248, %get3A_249] {strides = array<i32>} : memref<320x128xf32, #tpu.memory_space<vmem>>, vector<16xf32>,
          %add3A_251 = arith.addf %get3A_250, %get3A_240 : vector<16xf32>
          %swap3A_252 = arith.index_cast %sub3A_188 : i32 to index
          %swap3A_253 = arith.constant 48 : index
          %swap3A_254 = tpu.vector_load %arg11[%swap3A_252, %swap3A_253] {strides = array<i32>} : memref<320x128xf32, #tpu.memory_space<vmem>>, vector<16xf32>,
          tpu.vector_store %arg11[%swap3A_252, %swap3A_253], %add3A_251 {strides = array<i32>} : memref<320x128xf32, #tpu.memory_space<vmem>>, vector<16xf32>,
          %get3A_255 = arith.index_cast %while3A_183 : i32 to index
          %get3A_256 = arith.constant 64 : index
          %get3A_257 = tpu.vector_load %arg9[%get3A_255, %get3A_256] {strides = array<i32>} : memref<16x128xf32, #tpu.memory_space<vmem>>, vector<16xf32>,
          %get3A_258 = arith.index_cast %sub3A_188 : i32 to index
          %get3A_259 = arith.constant 64 : index
          %get3A_260 = tpu.vector_load %arg10[%get3A_258, %get3A_259] {strides = array<i32>} : memref<320x128xf32, #tpu.memory_space<vmem>>, vector<16xf32>,
          %max3A_261 = arith.maximumf %get3A_260, %get3A_257 : vector<16xf32>
          %swap3A_262 = arith.index_cast %sub3A_188 : i32 to index
          %swap3A_263 = arith.constant 64 : index
          %swap3A_264 = tpu.vector_load %arg10[%swap3A_262, %swap3A_263] {strides = array<i32>} : memref<320x128xf32, #tpu.memory_space<vmem>>, vector<16xf32>,
          tpu.vector_store %arg10[%swap3A_262, %swap3A_263], %max3A_261 {strides = array<i32>} : memref<320x128xf32, #tpu.memory_space<vmem>>, vector<16xf32>,
          %get3A_265 = arith.index_cast %sub3A_188 : i32 to index
          %get3A_266 = arith.constant 64 : index
          %get3A_267 = tpu.vector_load %arg11[%get3A_265, %get3A_266] {strides = array<i32>} : memref<320x128xf32, #tpu.memory_space<vmem>>, vector<16xf32>,
          %add3A_268 = arith.addf %get3A_267, %get3A_257 : vector<16xf32>
          %swap3A_269 = arith.index_cast %sub3A_188 : i32 to index
          %swap3A_270 = arith.constant 64 : index
          %swap3A_271 = tpu.vector_load %arg11[%swap3A_269, %swap3A_270] {strides = array<i32>} : memref<320x128xf32, #tpu.memory_space<vmem>>, vector<16xf32>,
          tpu.vector_store %arg11[%swap3A_269, %swap3A_270], %add3A_268 {strides = array<i32>} : memref<320x128xf32, #tpu.memory_space<vmem>>, vector<16xf32>,
          %get3A_272 = arith.index_cast %while3A_183 : i32 to index
          %get3A_273 = arith.constant 80 : index
          %get3A_274 = tpu.vector_load %arg9[%get3A_272, %get3A_273] {strides = array<i32>} : memref<16x128xf32, #tpu.memory_space<vmem>>, vector<16xf32>,
          %get3A_275 = arith.index_cast %sub3A_188 : i32 to index
          %get3A_276 = arith.constant 80 : index
          %get3A_277 = tpu.vector_load %arg10[%get3A_275, %get3A_276] {strides = array<i32>} : memref<320x128xf32, #tpu.memory_space<vmem>>, vector<16xf32>,
          %max3A_278 = arith.maximumf %get3A_277, %get3A_274 : vector<16xf32>
          %swap3A_279 = arith.index_cast %sub3A_188 : i32 to index
          %swap3A_280 = arith.constant 80 : index
          %swap3A_281 = tpu.vector_load %arg10[%swap3A_279, %swap3A_280] {strides = array<i32>} : memref<320x128xf32, #tpu.memory_space<vmem>>, vector<16xf32>,
          tpu.vector_store %arg10[%swap3A_279, %swap3A_280], %max3A_278 {strides = array<i32>} : memref<320x128xf32, #tpu.memory_space<vmem>>, vector<16xf32>,
          %get3A_282 = arith.index_cast %sub3A_188 : i32 to index
          %get3A_283 = arith.constant 80 : index
          %get3A_284 = tpu.vector_load %arg11[%get3A_282, %get3A_283] {strides = array<i32>} : memref<320x128xf32, #tpu.memory_space<vmem>>, vector<16xf32>,
          %add3A_285 = arith.addf %get3A_284, %get3A_274 : vector<16xf32>
          %swap3A_286 = arith.index_cast %sub3A_188 : i32 to index
          %swap3A_287 = arith.constant 80 : index
          %swap3A_288 = tpu.vector_load %arg11[%swap3A_286, %swap3A_287] {strides = array<i32>} : memref<320x128xf32, #tpu.memory_space<vmem>>, vector<16xf32>,
          tpu.vector_store %arg11[%swap3A_286, %swap3A_287], %add3A_285 {strides = array<i32>} : memref<320x128xf32, #tpu.memory_space<vmem>>, vector<16xf32>,
          %get3A_289 = arith.index_cast %while3A_183 : i32 to index
          %get3A_290 = arith.constant 96 : index
          %get3A_291 = tpu.vector_load %arg9[%get3A_289, %get3A_290] {strides = array<i32>} : memref<16x128xf32, #tpu.memory_space<vmem>>, vector<16xf32>,
          %get3A_292 = arith.index_cast %sub3A_188 : i32 to index
          %get3A_293 = arith.constant 96 : index
          %get3A_294 = tpu.vector_load %arg10[%get3A_292, %get3A_293] {strides = array<i32>} : memref<320x128xf32, #tpu.memory_space<vmem>>, vector<16xf32>,
          %max3A_295 = arith.maximumf %get3A_294, %get3A_291 : vector<16xf32>
          %swap3A_296 = arith.index_cast %sub3A_188 : i32 to index
          %swap3A_297 = arith.constant 96 : index
          %swap3A_298 = tpu.vector_load %arg10[%swap3A_296, %swap3A_297] {strides = array<i32>} : memref<320x128xf32, #tpu.memory_space<vmem>>, vector<16xf32>,
          tpu.vector_store %arg10[%swap3A_296, %swap3A_297], %max3A_295 {strides = array<i32>} : memref<320x128xf32, #tpu.memory_space<vmem>>, vector<16xf32>,
          %get3A_299 = arith.index_cast %sub3A_188 : i32 to index
          %get3A_300 = arith.constant 96 : index
          %get3A_301 = tpu.vector_load %arg11[%get3A_299, %get3A_300] {strides = array<i32>} : memref<320x128xf32, #tpu.memory_space<vmem>>, vector<16xf32>,
          %add3A_302 = arith.addf %get3A_301, %get3A_291 : vector<16xf32>
          %swap3A_303 = arith.index_cast %sub3A_188 : i32 to index
          %swap3A_304 = arith.constant 96 : index
          %swap3A_305 = tpu.vector_load %arg11[%swap3A_303, %swap3A_304] {strides = array<i32>} : memref<320x128xf32, #tpu.memory_space<vmem>>, vector<16xf32>,
          tpu.vector_store %arg11[%swap3A_303, %swap3A_304], %add3A_302 {strides = array<i32>} : memref<320x128xf32, #tpu.memory_space<vmem>>, vector<16xf32>,
          %get3A_306 = arith.index_cast %while3A_183 : i32 to index
          %get3A_307 = arith.constant 112 : index
          %get3A_308 = tpu.vector_load %arg9[%get3A_306, %get3A_307] {strides = array<i32>} : memref<16x128xf32, #tpu.memory_space<vmem>>, vector<16xf32>,
          %get3A_309 = arith.index_cast %sub3A_188 : i32 to index
          %get3A_310 = arith.constant 112 : index
          %get3A_311 = tpu.vector_load %arg10[%get3A_309, %get3A_310] {strides = array<i32>} : memref<320x128xf32, #tpu.memory_space<vmem>>, vector<16xf32>,
          %max3A_312 = arith.maximumf %get3A_311, %get3A_308 : vector<16xf32>
          %swap3A_313 = arith.index_cast %sub3A_188 : i32 to index
          %swap3A_314 = arith.constant 112 : index
          %swap3A_315 = tpu.vector_load %arg10[%swap3A_313, %swap3A_314] {strides = array<i32>} : memref<320x128xf32, #tpu.memory_space<vmem>>, vector<16xf32>,
          tpu.vector_store %arg10[%swap3A_313, %swap3A_314], %max3A_312 {strides = array<i32>} : memref<320x128xf32, #tpu.memory_space<vmem>>, vector<16xf32>,
          %get3A_316 = arith.index_cast %sub3A_188 : i32 to index
          %get3A_317 = arith.constant 112 : index
          %get3A_318 = tpu.vector_load %arg11[%get3A_316, %get3A_317] {strides = array<i32>} : memref<320x128xf32, #tpu.memory_space<vmem>>, vector<16xf32>,
          %add3A_319 = arith.addf %get3A_318, %get3A_308 : vector<16xf32>
          %swap3A_320 = arith.index_cast %sub3A_188 : i32 to index
          %swap3A_321 = arith.constant 112 : index
          %swap3A_322 = tpu.vector_load %arg11[%swap3A_320, %swap3A_321] {strides = array<i32>} : memref<320x128xf32, #tpu.memory_space<vmem>>, vector<16xf32>,
          tpu.vector_store %arg11[%swap3A_320, %swap3A_321], %add3A_319 {strides = array<i32>} : memref<320x128xf32, #tpu.memory_space<vmem>>, vector<16xf32>,
          %get3A_323 = arith.index_cast %sub3A_188 : i32 to index
          %get3A_324 = arith.constant 0 : index
          %get3A_325 = tpu.vector_load %arg12[%get3A_323, %get3A_324] {strides = array<i32>} : memref<320x16xf32, #tpu.memory_space<vmem>>, vector<16xf32>,
          %add3A_326 = arith.addf %get3A_325, %broadcast_in_dim3A_7 : vector<16xf32>
          %swap3A_327 = arith.index_cast %sub3A_188 : i32 to index
          %swap3A_328 = arith.constant 0 : index
          %swap3A_329 = tpu.vector_load %arg12[%swap3A_327, %swap3A_328] {strides = array<i32>} : memref<320x16xf32, #tpu.memory_space<vmem>>, vector<16xf32>,
          tpu.vector_store %arg12[%swap3A_327, %swap3A_328], %add3A_326 {strides = array<i32>} : memref<320x16xf32, #tpu.memory_space<vmem>>, vector<16xf32>,
          %while3A_330 = arith.constant 0 : i32
          scf.yield %while3A_330 : i32
        }
        %while3A_182 = arith.constant 0 : i32
        scf.yield %while3A_182 : i32
      }
      %scan3A_155 = arith.constant 0 : i32
      scf.yield %scan3A_155 : i32
    }
    %scan3A_32 = arith.constant 200 : i32
    %dma_wait3A = arith.constant 0 : i32
    %dma_wait3A_33 = tpu.memref_slice %arg3[%dma_wait3A] : memref<320000xi32, #tpu.memory_space<hbm>> -> memref<800xi32, #tpu.memory_space<hbm>>
    %dma_wait3A_34 = arith.constant 0 : i32
    %dma_wait3A_35 = tpu.memref_slice %arg3[%dma_wait3A_34] : memref<320000xi32, #tpu.memory_space<hbm>> -> memref<800xi32, #tpu.memory_space<hbm>>
    tpu.wait_dma2 semaphore(%arg13 : memref<!tpu.dma_semaphore, #tpu.memory_space<semaphore_mem>>) src(%dma_wait3A_35 : memref<800xi32, #tpu.memory_space<hbm>>) dst(%arg5 : memref<800xi32, #tpu.memory_space<vmem>>)
    %scan3A_36 = arith.constant 0 : i32
    %scan3A_37 = arith.constant 0 : i32
    %scan3A_38 = arith.constant 320 : i32
    %scan3A_39 = arith.addi %scan3A_37, %scan3A_38 : i32
    %scan3A_40 = arith.constant 1 : i32
    %scan3A_41 = scf.for %scan3A_43 = %scan3A_37 to %scan3A_39 step %scan3A_40 iter_args(%scan3A_44 = %scan3A_36) -> (i32)  : i32 {
      %get3A = arith.index_cast %scan3A_43 : i32 to index
      %get3A_45 = arith.constant 0 : index
      %get3A_46 = tpu.vector_load %arg12[%get3A, %get3A_45] {strides = array<i32>} : memref<320x16xf32, #tpu.memory_space<vmem>>, vector<16xf32>,
      %max3A = arith.constant 1.000000e+00 : f32
      %max3A_47 = vector.broadcast %max3A : f32 to vector<16xf32>
      %max3A_48 = arith.maximumf %get3A_46, %max3A_47 : vector<16xf32>
      %get3A_49 = arith.index_cast %scan3A_43 : i32 to index
      %get3A_50 = arith.constant 0 : index
      %get3A_51 = tpu.vector_load %arg11[%get3A_49, %get3A_50] {strides = array<i32>} : memref<320x128xf32, #tpu.memory_space<vmem>>, vector<16xf32>,
      %get3A_52 = arith.index_cast %scan3A_43 : i32 to index
      %get3A_53 = arith.constant 0 : index
      %get3A_54 = tpu.vector_load %arg10[%get3A_52, %get3A_53] {strides = array<i32>} : memref<320x128xf32, #tpu.memory_space<vmem>>, vector<16xf32>,
      %div3A = arith.divf %get3A_51, %max3A_48 : vector<16xf32>
      %add3A_55 = arith.addf %get3A_54, %div3A : vector<16xf32>
      %swap3A = arith.index_cast %scan3A_43 : i32 to index
      %swap3A_56 = arith.constant 0 : index
      %swap3A_57 = tpu.vector_load %arg10[%swap3A, %swap3A_56] {strides = array<i32>} : memref<320x128xf32, #tpu.memory_space<vmem>>, vector<16xf32>,
      tpu.vector_store %arg10[%swap3A, %swap3A_56], %add3A_55 {strides = array<i32>} : memref<320x128xf32, #tpu.memory_space<vmem>>, vector<16xf32>,
      %get3A_58 = arith.index_cast %scan3A_43 : i32 to index
      %get3A_59 = arith.constant 16 : index
      %get3A_60 = tpu.vector_load %arg11[%get3A_58, %get3A_59] {strides = array<i32>} : memref<320x128xf32, #tpu.memory_space<vmem>>, vector<16xf32>,
      %get3A_61 = arith.index_cast %scan3A_43 : i32 to index
      %get3A_62 = arith.constant 16 : index
      %get3A_63 = tpu.vector_load %arg10[%get3A_61, %get3A_62] {strides = array<i32>} : memref<320x128xf32, #tpu.memory_space<vmem>>, vector<16xf32>,
      %div3A_64 = arith.divf %get3A_60, %max3A_48 : vector<16xf32>
      %add3A_65 = arith.addf %get3A_63, %div3A_64 : vector<16xf32>
      %swap3A_66 = arith.index_cast %scan3A_43 : i32 to index
      %swap3A_67 = arith.constant 16 : index
      %swap3A_68 = tpu.vector_load %arg10[%swap3A_66, %swap3A_67] {strides = array<i32>} : memref<320x128xf32, #tpu.memory_space<vmem>>, vector<16xf32>,
      tpu.vector_store %arg10[%swap3A_66, %swap3A_67], %add3A_65 {strides = array<i32>} : memref<320x128xf32, #tpu.memory_space<vmem>>, vector<16xf32>,
      %get3A_69 = arith.index_cast %scan3A_43 : i32 to index
      %get3A_70 = arith.constant 32 : index
      %get3A_71 = tpu.vector_load %arg11[%get3A_69, %get3A_70] {strides = array<i32>} : memref<320x128xf32, #tpu.memory_space<vmem>>, vector<16xf32>,
      %get3A_72 = arith.index_cast %scan3A_43 : i32 to index
      %get3A_73 = arith.constant 32 : index
      %get3A_74 = tpu.vector_load %arg10[%get3A_72, %get3A_73] {strides = array<i32>} : memref<320x128xf32, #tpu.memory_space<vmem>>, vector<16xf32>,
      %div3A_75 = arith.divf %get3A_71, %max3A_48 : vector<16xf32>
      %add3A_76 = arith.addf %get3A_74, %div3A_75 : vector<16xf32>
      %swap3A_77 = arith.index_cast %scan3A_43 : i32 to index
      %swap3A_78 = arith.constant 32 : index
      %swap3A_79 = tpu.vector_load %arg10[%swap3A_77, %swap3A_78] {strides = array<i32>} : memref<320x128xf32, #tpu.memory_space<vmem>>, vector<16xf32>,
      tpu.vector_store %arg10[%swap3A_77, %swap3A_78], %add3A_76 {strides = array<i32>} : memref<320x128xf32, #tpu.memory_space<vmem>>, vector<16xf32>,
      %get3A_80 = arith.index_cast %scan3A_43 : i32 to index
      %get3A_81 = arith.constant 48 : index
      %get3A_82 = tpu.vector_load %arg11[%get3A_80, %get3A_81] {strides = array<i32>} : memref<320x128xf32, #tpu.memory_space<vmem>>, vector<16xf32>,
      %get3A_83 = arith.index_cast %scan3A_43 : i32 to index
      %get3A_84 = arith.constant 48 : index
      %get3A_85 = tpu.vector_load %arg10[%get3A_83, %get3A_84] {strides = array<i32>} : memref<320x128xf32, #tpu.memory_space<vmem>>, vector<16xf32>,
      %div3A_86 = arith.divf %get3A_82, %max3A_48 : vector<16xf32>
      %add3A_87 = arith.addf %get3A_85, %div3A_86 : vector<16xf32>
      %swap3A_88 = arith.index_cast %scan3A_43 : i32 to index
      %swap3A_89 = arith.constant 48 : index
      %swap3A_90 = tpu.vector_load %arg10[%swap3A_88, %swap3A_89] {strides = array<i32>} : memref<320x128xf32, #tpu.memory_space<vmem>>, vector<16xf32>,
      tpu.vector_store %arg10[%swap3A_88, %swap3A_89], %add3A_87 {strides = array<i32>} : memref<320x128xf32, #tpu.memory_space<vmem>>, vector<16xf32>,
      %get3A_91 = arith.index_cast %scan3A_43 : i32 to index
      %get3A_92 = arith.constant 64 : index
      %get3A_93 = tpu.vector_load %arg11[%get3A_91, %get3A_92] {strides = array<i32>} : memref<320x128xf32, #tpu.memory_space<vmem>>, vector<16xf32>,
      %get3A_94 = arith.index_cast %scan3A_43 : i32 to index
      %get3A_95 = arith.constant 64 : index
      %get3A_96 = tpu.vector_load %arg10[%get3A_94, %get3A_95] {strides = array<i32>} : memref<320x128xf32, #tpu.memory_space<vmem>>, vector<16xf32>,
      %div3A_97 = arith.divf %get3A_93, %max3A_48 : vector<16xf32>
      %add3A_98 = arith.addf %get3A_96, %div3A_97 : vector<16xf32>
      %swap3A_99 = arith.index_cast %scan3A_43 : i32 to index
      %swap3A_100 = arith.constant 64 : index
      %swap3A_101 = tpu.vector_load %arg10[%swap3A_99, %swap3A_100] {strides = array<i32>} : memref<320x128xf32, #tpu.memory_space<vmem>>, vector<16xf32>,
      tpu.vector_store %arg10[%swap3A_99, %swap3A_100], %add3A_98 {strides = array<i32>} : memref<320x128xf32, #tpu.memory_space<vmem>>, vector<16xf32>,
      %get3A_102 = arith.index_cast %scan3A_43 : i32 to index
      %get3A_103 = arith.constant 80 : index
      %get3A_104 = tpu.vector_load %arg11[%get3A_102, %get3A_103] {strides = array<i32>} : memref<320x128xf32, #tpu.memory_space<vmem>>, vector<16xf32>,
      %get3A_105 = arith.index_cast %scan3A_43 : i32 to index
      %get3A_106 = arith.constant 80 : index
      %get3A_107 = tpu.vector_load %arg10[%get3A_105, %get3A_106] {strides = array<i32>} : memref<320x128xf32, #tpu.memory_space<vmem>>, vector<16xf32>,
      %div3A_108 = arith.divf %get3A_104, %max3A_48 : vector<16xf32>
      %add3A_109 = arith.addf %get3A_107, %div3A_108 : vector<16xf32>
      %swap3A_110 = arith.index_cast %scan3A_43 : i32 to index
      %swap3A_111 = arith.constant 80 : index
      %swap3A_112 = tpu.vector_load %arg10[%swap3A_110, %swap3A_111] {strides = array<i32>} : memref<320x128xf32, #tpu.memory_space<vmem>>, vector<16xf32>,
      tpu.vector_store %arg10[%swap3A_110, %swap3A_111], %add3A_109 {strides = array<i32>} : memref<320x128xf32, #tpu.memory_space<vmem>>, vector<16xf32>,
      %get3A_113 = arith.index_cast %scan3A_43 : i32 to index
      %get3A_114 = arith.constant 96 : index
      %get3A_115 = tpu.vector_load %arg11[%get3A_113, %get3A_114] {strides = array<i32>} : memref<320x128xf32, #tpu.memory_space<vmem>>, vector<16xf32>,
      %get3A_116 = arith.index_cast %scan3A_43 : i32 to index
      %get3A_117 = arith.constant 96 : index
      %get3A_118 = tpu.vector_load %arg10[%get3A_116, %get3A_117] {strides = array<i32>} : memref<320x128xf32, #tpu.memory_space<vmem>>, vector<16xf32>,
      %div3A_119 = arith.divf %get3A_115, %max3A_48 : vector<16xf32>
      %add3A_120 = arith.addf %get3A_118, %div3A_119 : vector<16xf32>
      %swap3A_121 = arith.index_cast %scan3A_43 : i32 to index
      %swap3A_122 = arith.constant 96 : index
      %swap3A_123 = tpu.vector_load %arg10[%swap3A_121, %swap3A_122] {strides = array<i32>} : memref<320x128xf32, #tpu.memory_space<vmem>>, vector<16xf32>,
      tpu.vector_store %arg10[%swap3A_121, %swap3A_122], %add3A_120 {strides = array<i32>} : memref<320x128xf32, #tpu.memory_space<vmem>>, vector<16xf32>,
      %get3A_124 = arith.index_cast %scan3A_43 : i32 to index
      %get3A_125 = arith.constant 112 : index
      %get3A_126 = tpu.vector_load %arg11[%get3A_124, %get3A_125] {strides = array<i32>} : memref<320x128xf32, #tpu.memory_space<vmem>>, vector<16xf32>,
      %get3A_127 = arith.index_cast %scan3A_43 : i32 to index
      %get3A_128 = arith.constant 112 : index
      %get3A_129 = tpu.vector_load %arg10[%get3A_127, %get3A_128] {strides = array<i32>} : memref<320x128xf32, #tpu.memory_space<vmem>>, vector<16xf32>,
      %div3A_130 = arith.divf %get3A_126, %max3A_48 : vector<16xf32>
      %add3A_131 = arith.addf %get3A_129, %div3A_130 : vector<16xf32>
      %swap3A_132 = arith.index_cast %scan3A_43 : i32 to index
      %swap3A_133 = arith.constant 112 : index
      %swap3A_134 = tpu.vector_load %arg10[%swap3A_132, %swap3A_133] {strides = array<i32>} : memref<320x128xf32, #tpu.memory_space<vmem>>, vector<16xf32>,
      tpu.vector_store %arg10[%swap3A_132, %swap3A_133], %add3A_131 {strides = array<i32>} : memref<320x128xf32, #tpu.memory_space<vmem>>, vector<16xf32>,
      %scan3A_135 = arith.constant 0 : i32
      scf.yield %scan3A_135 : i32
    }
    %scan3A_42 = arith.constant 320 : i32
    "tpu.region"() ({
      %run_scoped3A = tpu.sem_alloc : memref<!tpu.dma_semaphore, #tpu.memory_space<semaphore_mem>>
      %dma_start3A_43 = arith.constant 0 : i32
      %dma_start3A_44 = tpu.memref_slice %arg4[%mul3A_2, %dma_start3A_43] : memref<10240x128xf32, #tpu.memory_space<hbm>> -> memref<320x128xf32, #tpu.memory_space<hbm>>
      %dma_start3A_45 = arith.constant 0 : i32
      %dma_start3A_46 = tpu.memref_slice %arg4[%mul3A_2, %dma_start3A_45] : memref<10240x128xf32, #tpu.memory_space<hbm>> -> memref<320x128xf32, #tpu.memory_space<hbm>>
      tpu.enqueue_dma source(%arg10 : memref<320x128xf32, #tpu.memory_space<vmem>>) target(%dma_start3A_46 : memref<320x128xf32, #tpu.memory_space<hbm>>) target_semaphore(%run_scoped3A : memref<!tpu.dma_semaphore, #tpu.memory_space<semaphore_mem>>)
      %dma_wait3A_47 = arith.constant 0 : i32
      %dma_wait3A_48 = tpu.memref_slice %arg4[%mul3A_2, %dma_wait3A_47] : memref<10240x128xf32, #tpu.memory_space<hbm>> -> memref<320x128xf32, #tpu.memory_space<hbm>>
      %dma_wait3A_49 = arith.constant 0 : i32
      %dma_wait3A_50 = tpu.memref_slice %arg4[%mul3A_2, %dma_wait3A_49] : memref<10240x128xf32, #tpu.memory_space<hbm>> -> memref<320x128xf32, #tpu.memory_space<hbm>>
      tpu.wait_dma2 semaphore(%run_scoped3A : memref<!tpu.dma_semaphore, #tpu.memory_space<semaphore_mem>>) src(%arg10 : memref<320x128xf32, #tpu.memory_space<vmem>>) dst(%dma_wait3A_50 : memref<320x128xf32, #tpu.memory_space<hbm>>)
      tpu.yield
    }) : () -> ()
    return
  }
}

module attributes {stable_mosaic.version = 14 : i64} {
  func.func @_node_body(%arg0: i32, %arg1: memref<640x144xf32, #tpu.memory_space<vmem>>, %arg2: memref<144x256xf32, #tpu.memory_space<vmem>>, %arg3: memref<1x128xf32, #tpu.memory_space<vmem>>, %arg4: memref<1x1xf32, #tpu.memory_space<smem>>, %arg5: memref<640x128xf32, #tpu.memory_space<vmem>>, %arg6: memref<640x128xf32, #tpu.memory_space<vmem>>) attributes {dimension_semantics = [#tpu.dimension_semantics<arbitrary>], iteration_bounds = array<i64: 16>, scalar_prefetch = 0 : i64, scratch_operands = 0 : i64, tpu.core_type = #tpu.core_type<tc>, window_params = [{transform_indices = @transform_0, window_bounds = array<i64: 640, 144>}, {pipeline_mode = #tpu.pipeline_mode<synchronous>, transform_indices = @transform_1, window_bounds = array<i64: 144, 256>}, {pipeline_mode = #tpu.pipeline_mode<synchronous>, transform_indices = @transform_2, window_bounds = array<i64: 1, 128>}, {transform_indices = @transform_3, window_bounds = array<i64: 1, 1>}, {transform_indices = @transform_4, window_bounds = array<i64: 640, 128>}, {transform_indices = @transform_5, window_bounds = array<i64: 640, 128>}]} {
    %get3A = arith.constant 0 : index
    %get3A_0 = arith.constant 0 : index
    %get3A_1 = vector.load %arg1[%get3A, %get3A_0] : memref<640x144xf32, #tpu.memory_space<vmem>>, vector<640x144xf32>
    %get3A_2 = arith.constant 0 : index
    %get3A_3 = arith.constant 0 : index
    %get3A_4 = vector.load %arg2[%get3A_2, %get3A_3] : memref<144x256xf32, #tpu.memory_space<vmem>>, vector<144x256xf32>
    %dot_general3A = arith.constant dense<0.000000e+00> : vector<640x256xf32>
    %dot_general3A_5 = tpu.matmul %get3A_1, %get3A_4, %dot_general3A {dimension_numbers = #tpu.dot_dimension_numbers<[1], [0], [0], [1], [0, 0, 1, 1], [], []>, transpose_lhs_hint = false} : vector<640x144xf32>, vector<144x256xf32>, vector<640x256xf32> -> vector<640x256xf32>
    %slice3A = vector.extract_strided_slice %dot_general3A_5 {offsets = [0, 128], sizes = [640, 128], strides = [1, 1]} : vector<640x256xf32> to vector<640x128xf32>
    %get3A_6 = arith.constant 0 : index
    %get3A_7 = arith.constant 0 : index
    %get3A_8 = memref.load %arg4[%get3A_6, %get3A_7] : memref<1x1xf32, #tpu.memory_space<smem>>
    %mul3A = vector.broadcast %get3A_8 : f32 to vector<640x128xf32>
    %mul3A_9 = arith.mulf %slice3A, %mul3A : vector<640x128xf32>
    %slice3A_10 = vector.extract_strided_slice %dot_general3A_5 {offsets = [0, 0], sizes = [640, 128], strides = [1, 1]} : vector<640x256xf32> to vector<640x128xf32>
    %get3A_11 = arith.constant 0 : index
    %get3A_12 = arith.constant 0 : index
    %get3A_13 = vector.load %arg3[%get3A_11, %get3A_12] : memref<1x128xf32, #tpu.memory_space<vmem>>, vector<1x128xf32>
    %add3A = vector.broadcast %get3A_13 : vector<1x128xf32> to vector<640x128xf32>
    %add3A_14 = arith.addf %slice3A_10, %add3A : vector<640x128xf32>
    %sub3A = arith.subf %add3A_14, %mul3A_9 : vector<640x128xf32>
    %swap3A = arith.constant 0 : index
    %swap3A_15 = arith.constant 0 : index
    %swap3A_16 = vector.load %arg5[%swap3A, %swap3A_15] : memref<640x128xf32, #tpu.memory_space<vmem>>, vector<640x128xf32>
    tpu.vector_store %arg5[%swap3A, %swap3A_15], %sub3A {strides = array<i32>} : memref<640x128xf32, #tpu.memory_space<vmem>>, vector<640x128xf32>,
    %swap3A_17 = arith.constant 0 : index
    %swap3A_18 = arith.constant 0 : index
    %swap3A_19 = vector.load %arg6[%swap3A_17, %swap3A_18] : memref<640x128xf32, #tpu.memory_space<vmem>>, vector<640x128xf32>
    tpu.vector_store %arg6[%swap3A_17, %swap3A_18], %mul3A_9 {strides = array<i32>} : memref<640x128xf32, #tpu.memory_space<vmem>>, vector<640x128xf32>,
    return
  }
  func.func @transform_0(%arg0: i32) -> (i32, i32) {
    %c0_i32 = arith.constant 0 : i32
    %c0_i32_0 = arith.constant 0 : i32
    return %arg0, %c0_i32 : i32, i32
  }
  func.func @transform_1(%arg0: i32) -> (i32, i32) {
    %c0_i32 = arith.constant 0 : i32
    %c0_i32_0 = arith.constant 0 : i32
    %c0_i32_1 = arith.constant 0 : i32
    return %c0_i32, %c0_i32_0 : i32, i32
  }
  func.func @transform_2(%arg0: i32) -> (i32, i32) {
    %c0_i32 = arith.constant 0 : i32
    %c0_i32_0 = arith.constant 0 : i32
    %c0_i32_1 = arith.constant 0 : i32
    return %c0_i32, %c0_i32_0 : i32, i32
  }
  func.func @transform_3(%arg0: i32) -> (i32, i32) {
    %c0_i32 = arith.constant 0 : i32
    %c0_i32_0 = arith.constant 0 : i32
    %c0_i32_1 = arith.constant 0 : i32
    return %c0_i32, %c0_i32_0 : i32, i32
  }
  func.func @transform_4(%arg0: i32) -> (i32, i32) {
    %c0_i32 = arith.constant 0 : i32
    %c0_i32_0 = arith.constant 0 : i32
    return %arg0, %c0_i32 : i32, i32
  }
  func.func @transform_5(%arg0: i32) -> (i32, i32) {
    %c0_i32 = arith.constant 0 : i32
    %c0_i32_0 = arith.constant 0 : i32
    return %arg0, %c0_i32 : i32, i32
  }
}

module attributes {stable_mosaic.version = 14 : i64} {
  func.func @_lin_body(%arg0: i32, %arg1: memref<4000x128xf32, #tpu.memory_space<vmem>>, %arg2: memref<1x128xf32, #tpu.memory_space<vmem>>, %arg3: memref<1x128xf32, #tpu.memory_space<vmem>>, %arg4: memref<128x128xf32, #tpu.memory_space<vmem>>, %arg5: memref<1x128xf32, #tpu.memory_space<vmem>>, %arg6: memref<4000x128xf32, #tpu.memory_space<vmem>>, %arg7: memref<2x128xf32, #tpu.memory_space<vmem>>, %arg8: memref<2x128xf32, #tpu.memory_space<vmem>>) attributes {dimension_semantics = [#tpu.dimension_semantics<arbitrary>], iteration_bounds = array<i64: 80>, scalar_prefetch = 0 : i64, scratch_operands = 1 : i64, tpu.core_type = #tpu.core_type<tc>, window_params = [{transform_indices = @transform_0, window_bounds = array<i64: 4000, 128>}, {pipeline_mode = #tpu.pipeline_mode<synchronous>, transform_indices = @transform_1, window_bounds = array<i64: 1, 128>}, {pipeline_mode = #tpu.pipeline_mode<synchronous>, transform_indices = @transform_2, window_bounds = array<i64: 1, 128>}, {pipeline_mode = #tpu.pipeline_mode<synchronous>, transform_indices = @transform_3, window_bounds = array<i64: 128, 128>}, {pipeline_mode = #tpu.pipeline_mode<synchronous>, transform_indices = @transform_4, window_bounds = array<i64: 1, 128>}, {transform_indices = @transform_5, window_bounds = array<i64: 4000, 128>}, {pipeline_mode = #tpu.pipeline_mode<synchronous>, transform_indices = @transform_6, window_bounds = array<i64: 2, 128>}]} {
    %get3A = arith.constant 0 : index
    %get3A_0 = arith.constant 0 : index
    %get3A_1 = vector.load %arg1[%get3A, %get3A_0] : memref<4000x128xf32, #tpu.memory_space<vmem>>, vector<4000x128xf32>
    %get3A_2 = arith.constant 0 : index
    %get3A_3 = arith.constant 0 : index
    %get3A_4 = vector.load %arg2[%get3A_2, %get3A_3] : memref<1x128xf32, #tpu.memory_space<vmem>>, vector<1x128xf32>
    %mul3A = vector.broadcast %get3A_4 : vector<1x128xf32> to vector<4000x128xf32>
    %mul3A_5 = arith.mulf %get3A_1, %mul3A : vector<4000x128xf32>
    %get3A_6 = arith.constant 0 : index
    %get3A_7 = arith.constant 0 : index
    %get3A_8 = vector.load %arg3[%get3A_6, %get3A_7] : memref<1x128xf32, #tpu.memory_space<vmem>>, vector<1x128xf32>
    %add3A = vector.broadcast %get3A_8 : vector<1x128xf32> to vector<4000x128xf32>
    %add3A_9 = arith.addf %mul3A_5, %add3A : vector<4000x128xf32>
    %max3A = arith.constant 0.000000e+00 : f32
    %max3A_10 = vector.broadcast %max3A : f32 to vector<4000x128xf32>
    %max3A_11 = arith.maximumf %add3A_9, %max3A_10 : vector<4000x128xf32>
    %get3A_12 = arith.constant 0 : index
    %get3A_13 = arith.constant 0 : index
    %get3A_14 = vector.load %arg4[%get3A_12, %get3A_13] : memref<128x128xf32, #tpu.memory_space<vmem>>, vector<128x128xf32>
    %dot_general3A = arith.constant dense<0.000000e+00> : vector<4000x128xf32>
    %dot_general3A_15 = tpu.matmul %max3A_11, %get3A_14, %dot_general3A {dimension_numbers = #tpu.dot_dimension_numbers<[1], [0], [0], [1], [0, 0, 1, 1], [], []>, transpose_lhs_hint = false} : vector<4000x128xf32>, vector<128x128xf32>, vector<4000x128xf32> -> vector<4000x128xf32>
    %get3A_16 = arith.constant 0 : index
    %get3A_17 = arith.constant 0 : index
    %get3A_18 = vector.load %arg5[%get3A_16, %get3A_17] : memref<1x128xf32, #tpu.memory_space<vmem>>, vector<1x128xf32>
    %add3A_19 = vector.broadcast %get3A_18 : vector<1x128xf32> to vector<4000x128xf32>
    %add3A_20 = arith.addf %dot_general3A_15, %add3A_19 : vector<4000x128xf32>
    %swap3A = arith.constant 0 : index
    %swap3A_21 = arith.constant 0 : index
    %swap3A_22 = vector.load %arg6[%swap3A, %swap3A_21] : memref<4000x128xf32, #tpu.memory_space<vmem>>, vector<4000x128xf32>
    tpu.vector_store %arg6[%swap3A, %swap3A_21], %add3A_20 {strides = array<i32>} : memref<4000x128xf32, #tpu.memory_space<vmem>>, vector<4000x128xf32>,
    %eq3A = arith.constant 0 : i32
    %eq3A_23 = arith.cmpi eq, %arg0, %eq3A : i32
    %convert_element_type3A = arith.extui %eq3A_23 : i1 to i32
    %cond3A = arith.constant 0 : i32
    %cond3A_24 = arith.cmpi ne, %convert_element_type3A, %cond3A : i32
    scf.if %cond3A_24 {
      %broadcast_in_dim3A_49 = arith.constant 0.000000e+00 : f32
      %broadcast_in_dim3A_50 = vector.broadcast %broadcast_in_dim3A_49 : f32 to vector<2x128xf32>
      %swap3A_51 = arith.constant 0 : index
      %swap3A_52 = arith.constant 0 : index
      %swap3A_53 = vector.load %arg8[%swap3A_51, %swap3A_52] : memref<2x128xf32, #tpu.memory_space<vmem>>, vector<2x128xf32>
      tpu.vector_store %arg8[%swap3A_51, %swap3A_52], %broadcast_in_dim3A_50 {strides = array<i32>} : memref<2x128xf32, #tpu.memory_space<vmem>>, vector<2x128xf32>,
    } else {
    }
    %get3A_25 = arith.constant 0 : index
    %get3A_26 = arith.constant 0 : index
    %get3A_27 = vector.load %arg8[%get3A_25, %get3A_26] : memref<2x128xf32, #tpu.memory_space<vmem>>, vector<1x128xf32>
    %reduce_sum3A = arith.constant dense<0.000000e+00> : vector<128xf32>
    %reduce_sum3A_28 = vector.multi_reduction <add>, %add3A_20, %reduce_sum3A [0] : vector<4000x128xf32> to vector<128xf32>
    %broadcast_in_dim3A = vector.shape_cast %reduce_sum3A_28 : vector<128xf32> to vector<1x128xf32>
    %add3A_29 = arith.addf %get3A_27, %broadcast_in_dim3A : vector<1x128xf32>
    %swap3A_30 = arith.constant 0 : index
    %swap3A_31 = arith.constant 0 : index
    %swap3A_32 = vector.load %arg8[%swap3A_30, %swap3A_31] : memref<2x128xf32, #tpu.memory_space<vmem>>, vector<1x128xf32>
    tpu.vector_store %arg8[%swap3A_30, %swap3A_31], %add3A_29 {strides = array<i32>} : memref<2x128xf32, #tpu.memory_space<vmem>>, vector<1x128xf32>,
    %get3A_33 = arith.constant 1 : index
    %get3A_34 = arith.constant 0 : index
    %get3A_35 = vector.load %arg8[%get3A_33, %get3A_34] : memref<2x128xf32, #tpu.memory_space<vmem>>, vector<1x128xf32>
    %mul3A_36 = arith.mulf %add3A_20, %add3A_20 : vector<4000x128xf32>
    %reduce_sum3A_37 = arith.constant dense<0.000000e+00> : vector<128xf32>
    %reduce_sum3A_38 = vector.multi_reduction <add>, %mul3A_36, %reduce_sum3A_37 [0] : vector<4000x128xf32> to vector<128xf32>
    %broadcast_in_dim3A_39 = vector.shape_cast %reduce_sum3A_38 : vector<128xf32> to vector<1x128xf32>
    %add3A_40 = arith.addf %get3A_35, %broadcast_in_dim3A_39 : vector<1x128xf32>
    %swap3A_41 = arith.constant 1 : index
    %swap3A_42 = arith.constant 0 : index
    %swap3A_43 = vector.load %arg8[%swap3A_41, %swap3A_42] : memref<2x128xf32, #tpu.memory_space<vmem>>, vector<1x128xf32>
    tpu.vector_store %arg8[%swap3A_41, %swap3A_42], %add3A_40 {strides = array<i32>} : memref<2x128xf32, #tpu.memory_space<vmem>>, vector<1x128xf32>,
    %eq3A_44 = arith.constant 79 : i32
    %eq3A_45 = arith.cmpi eq, %arg0, %eq3A_44 : i32
    %convert_element_type3A_46 = arith.extui %eq3A_45 : i1 to i32
    %cond3A_47 = arith.constant 0 : i32
    %cond3A_48 = arith.cmpi ne, %convert_element_type3A_46, %cond3A_47 : i32
    scf.if %cond3A_48 {
      %get3A_49 = arith.constant 0 : index
      %get3A_50 = arith.constant 0 : index
      %get3A_51 = vector.load %arg8[%get3A_49, %get3A_50] : memref<2x128xf32, #tpu.memory_space<vmem>>, vector<2x128xf32>
      %swap3A_52 = arith.constant 0 : index
      %swap3A_53 = arith.constant 0 : index
      %swap3A_54 = vector.load %arg7[%swap3A_52, %swap3A_53] : memref<2x128xf32, #tpu.memory_space<vmem>>, vector<2x128xf32>
      tpu.vector_store %arg7[%swap3A_52, %swap3A_53], %get3A_51 {strides = array<i32>} : memref<2x128xf32, #tpu.memory_space<vmem>>, vector<2x128xf32>,
    } else {
    }
    return
  }
  func.func @transform_0(%arg0: i32) -> (i32, i32) {
    %c0_i32 = arith.constant 0 : i32
    %c0_i32_0 = arith.constant 0 : i32
    return %arg0, %c0_i32 : i32, i32
  }
  func.func @transform_1(%arg0: i32) -> (i32, i32) {
    %c0_i32 = arith.constant 0 : i32
    %c0_i32_0 = arith.constant 0 : i32
    %c0_i32_1 = arith.constant 0 : i32
    return %c0_i32, %c0_i32_0 : i32, i32
  }
  func.func @transform_2(%arg0: i32) -> (i32, i32) {
    %c0_i32 = arith.constant 0 : i32
    %c0_i32_0 = arith.constant 0 : i32
    %c0_i32_1 = arith.constant 0 : i32
    return %c0_i32, %c0_i32_0 : i32, i32
  }
  func.func @transform_3(%arg0: i32) -> (i32, i32) {
    %c0_i32 = arith.constant 0 : i32
    %c0_i32_0 = arith.constant 0 : i32
    %c0_i32_1 = arith.constant 0 : i32
    return %c0_i32, %c0_i32_0 : i32, i32
  }
  func.func @transform_4(%arg0: i32) -> (i32, i32) {
    %c0_i32 = arith.constant 0 : i32
    %c0_i32_0 = arith.constant 0 : i32
    %c0_i32_1 = arith.constant 0 : i32
    return %c0_i32, %c0_i32_0 : i32, i32
  }
  func.func @transform_5(%arg0: i32) -> (i32, i32) {
    %c0_i32 = arith.constant 0 : i32
    %c0_i32_0 = arith.constant 0 : i32
    return %arg0, %c0_i32 : i32, i32
  }
  func.func @transform_6(%arg0: i32) -> (i32, i32) {
    %c0_i32 = arith.constant 0 : i32
    %c0_i32_0 = arith.constant 0 : i32
    %c0_i32_1 = arith.constant 0 : i32
    return %c0_i32, %c0_i32_0 : i32, i32
  }
}

module attributes {stable_mosaic.version = 14 : i64} {
  func.func @_lin_res_body(%arg0: i32, %arg1: memref<4000x128xf32, #tpu.memory_space<vmem>>, %arg2: memref<4000x128xf32, #tpu.memory_space<vmem>>, %arg3: memref<1x128xf32, #tpu.memory_space<vmem>>, %arg4: memref<1x128xf32, #tpu.memory_space<vmem>>, %arg5: memref<1x128xf32, #tpu.memory_space<vmem>>, %arg6: memref<1x128xf32, #tpu.memory_space<vmem>>, %arg7: memref<128x128xf32, #tpu.memory_space<vmem>>, %arg8: memref<1x128xf32, #tpu.memory_space<vmem>>, %arg9: memref<4000x128xf32, #tpu.memory_space<vmem>>, %arg10: memref<2x128xf32, #tpu.memory_space<vmem>>, %arg11: memref<2x128xf32, #tpu.memory_space<vmem>>) attributes {dimension_semantics = [#tpu.dimension_semantics<arbitrary>], iteration_bounds = array<i64: 80>, scalar_prefetch = 0 : i64, scratch_operands = 1 : i64, tpu.core_type = #tpu.core_type<tc>, window_params = [{transform_indices = @transform_0, window_bounds = array<i64: 4000, 128>}, {transform_indices = @transform_1, window_bounds = array<i64: 4000, 128>}, {pipeline_mode = #tpu.pipeline_mode<synchronous>, transform_indices = @transform_2, window_bounds = array<i64: 1, 128>}, {pipeline_mode = #tpu.pipeline_mode<synchronous>, transform_indices = @transform_3, window_bounds = array<i64: 1, 128>}, {pipeline_mode = #tpu.pipeline_mode<synchronous>, transform_indices = @transform_4, window_bounds = array<i64: 1, 128>}, {pipeline_mode = #tpu.pipeline_mode<synchronous>, transform_indices = @transform_5, window_bounds = array<i64: 1, 128>}, {pipeline_mode = #tpu.pipeline_mode<synchronous>, transform_indices = @transform_6, window_bounds = array<i64: 128, 128>}, {pipeline_mode = #tpu.pipeline_mode<synchronous>, transform_indices = @transform_7, window_bounds = array<i64: 1, 128>}, {transform_indices = @transform_8, window_bounds = array<i64: 4000, 128>}, {pipeline_mode = #tpu.pipeline_mode<synchronous>, transform_indices = @transform_9, window_bounds = array<i64: 2, 128>}]} {
    %get3A = arith.constant 0 : index
    %get3A_0 = arith.constant 0 : index
    %get3A_1 = vector.load %arg2[%get3A, %get3A_0] : memref<4000x128xf32, #tpu.memory_space<vmem>>, vector<4000x128xf32>
    %get3A_2 = arith.constant 0 : index
    %get3A_3 = arith.constant 0 : index
    %get3A_4 = vector.load %arg5[%get3A_2, %get3A_3] : memref<1x128xf32, #tpu.memory_space<vmem>>, vector<1x128xf32>
    %mul3A = vector.broadcast %get3A_4 : vector<1x128xf32> to vector<4000x128xf32>
    %mul3A_5 = arith.mulf %get3A_1, %mul3A : vector<4000x128xf32>
    %get3A_6 = arith.constant 0 : index
    %get3A_7 = arith.constant 0 : index
    %get3A_8 = vector.load %arg6[%get3A_6, %get3A_7] : memref<1x128xf32, #tpu.memory_space<vmem>>, vector<1x128xf32>
    %add3A = vector.broadcast %get3A_8 : vector<1x128xf32> to vector<4000x128xf32>
    %add3A_9 = arith.addf %mul3A_5, %add3A : vector<4000x128xf32>
    %max3A = arith.constant 0.000000e+00 : f32
    %max3A_10 = vector.broadcast %max3A : f32 to vector<4000x128xf32>
    %max3A_11 = arith.maximumf %add3A_9, %max3A_10 : vector<4000x128xf32>
    %get3A_12 = arith.constant 0 : index
    %get3A_13 = arith.constant 0 : index
    %get3A_14 = vector.load %arg1[%get3A_12, %get3A_13] : memref<4000x128xf32, #tpu.memory_space<vmem>>, vector<4000x128xf32>
    %get3A_15 = arith.constant 0 : index
    %get3A_16 = arith.constant 0 : index
    %get3A_17 = vector.load %arg3[%get3A_15, %get3A_16] : memref<1x128xf32, #tpu.memory_space<vmem>>, vector<1x128xf32>
    %mul3A_18 = vector.broadcast %get3A_17 : vector<1x128xf32> to vector<4000x128xf32>
    %mul3A_19 = arith.mulf %get3A_14, %mul3A_18 : vector<4000x128xf32>
    %get3A_20 = arith.constant 0 : index
    %get3A_21 = arith.constant 0 : index
    %get3A_22 = vector.load %arg4[%get3A_20, %get3A_21] : memref<1x128xf32, #tpu.memory_space<vmem>>, vector<1x128xf32>
    %add3A_23 = vector.broadcast %get3A_22 : vector<1x128xf32> to vector<4000x128xf32>
    %add3A_24 = arith.addf %mul3A_19, %add3A_23 : vector<4000x128xf32>
    %add3A_25 = arith.addf %add3A_24, %max3A_11 : vector<4000x128xf32>
    %max3A_26 = arith.constant 0.000000e+00 : f32
    %max3A_27 = vector.broadcast %max3A_26 : f32 to vector<4000x128xf32>
    %max3A_28 = arith.maximumf %add3A_25, %max3A_27 : vector<4000x128xf32>
    %get3A_29 = arith.constant 0 : index
    %get3A_30 = arith.constant 0 : index
    %get3A_31 = vector.load %arg7[%get3A_29, %get3A_30] : memref<128x128xf32, #tpu.memory_space<vmem>>, vector<128x128xf32>
    %dot_general3A = arith.constant dense<0.000000e+00> : vector<4000x128xf32>
    %dot_general3A_32 = tpu.matmul %max3A_28, %get3A_31, %dot_general3A {dimension_numbers = #tpu.dot_dimension_numbers<[1], [0], [0], [1], [0, 0, 1, 1], [], []>, transpose_lhs_hint = false} : vector<4000x128xf32>, vector<128x128xf32>, vector<4000x128xf32> -> vector<4000x128xf32>
    %get3A_33 = arith.constant 0 : index
    %get3A_34 = arith.constant 0 : index
    %get3A_35 = vector.load %arg8[%get3A_33, %get3A_34] : memref<1x128xf32, #tpu.memory_space<vmem>>, vector<1x128xf32>
    %add3A_36 = vector.broadcast %get3A_35 : vector<1x128xf32> to vector<4000x128xf32>
    %add3A_37 = arith.addf %dot_general3A_32, %add3A_36 : vector<4000x128xf32>
    %swap3A = arith.constant 0 : index
    %swap3A_38 = arith.constant 0 : index
    %swap3A_39 = vector.load %arg9[%swap3A, %swap3A_38] : memref<4000x128xf32, #tpu.memory_space<vmem>>, vector<4000x128xf32>
    tpu.vector_store %arg9[%swap3A, %swap3A_38], %add3A_37 {strides = array<i32>} : memref<4000x128xf32, #tpu.memory_space<vmem>>, vector<4000x128xf32>,
    %eq3A = arith.constant 0 : i32
    %eq3A_40 = arith.cmpi eq, %arg0, %eq3A : i32
    %convert_element_type3A = arith.extui %eq3A_40 : i1 to i32
    %cond3A = arith.constant 0 : i32
    %cond3A_41 = arith.cmpi ne, %convert_element_type3A, %cond3A : i32
    scf.if %cond3A_41 {
      %broadcast_in_dim3A_66 = arith.constant 0.000000e+00 : f32
      %broadcast_in_dim3A_67 = vector.broadcast %broadcast_in_dim3A_66 : f32 to vector<2x128xf32>
      %swap3A_68 = arith.constant 0 : index
      %swap3A_69 = arith.constant 0 : index
      %swap3A_70 = vector.load %arg11[%swap3A_68, %swap3A_69] : memref<2x128xf32, #tpu.memory_space<vmem>>, vector<2x128xf32>
      tpu.vector_store %arg11[%swap3A_68, %swap3A_69], %broadcast_in_dim3A_67 {strides = array<i32>} : memref<2x128xf32, #tpu.memory_space<vmem>>, vector<2x128xf32>,
    } else {
    }
    %get3A_42 = arith.constant 0 : index
    %get3A_43 = arith.constant 0 : index
    %get3A_44 = vector.load %arg11[%get3A_42, %get3A_43] : memref<2x128xf32, #tpu.memory_space<vmem>>, vector<1x128xf32>
    %reduce_sum3A = arith.constant dense<0.000000e+00> : vector<128xf32>
    %reduce_sum3A_45 = vector.multi_reduction <add>, %add3A_37, %reduce_sum3A [0] : vector<4000x128xf32> to vector<128xf32>
    %broadcast_in_dim3A = vector.shape_cast %reduce_sum3A_45 : vector<128xf32> to vector<1x128xf32>
    %add3A_46 = arith.addf %get3A_44, %broadcast_in_dim3A : vector<1x128xf32>
    %swap3A_47 = arith.constant 0 : index
    %swap3A_48 = arith.constant 0 : index
    %swap3A_49 = vector.load %arg11[%swap3A_47, %swap3A_48] : memref<2x128xf32, #tpu.memory_space<vmem>>, vector<1x128xf32>
    tpu.vector_store %arg11[%swap3A_47, %swap3A_48], %add3A_46 {strides = array<i32>} : memref<2x128xf32, #tpu.memory_space<vmem>>, vector<1x128xf32>,
    %get3A_50 = arith.constant 1 : index
    %get3A_51 = arith.constant 0 : index
    %get3A_52 = vector.load %arg11[%get3A_50, %get3A_51] : memref<2x128xf32, #tpu.memory_space<vmem>>, vector<1x128xf32>
    %mul3A_53 = arith.mulf %add3A_37, %add3A_37 : vector<4000x128xf32>
    %reduce_sum3A_54 = arith.constant dense<0.000000e+00> : vector<128xf32>
    %reduce_sum3A_55 = vector.multi_reduction <add>, %mul3A_53, %reduce_sum3A_54 [0] : vector<4000x128xf32> to vector<128xf32>
    %broadcast_in_dim3A_56 = vector.shape_cast %reduce_sum3A_55 : vector<128xf32> to vector<1x128xf32>
    %add3A_57 = arith.addf %get3A_52, %broadcast_in_dim3A_56 : vector<1x128xf32>
    %swap3A_58 = arith.constant 1 : index
    %swap3A_59 = arith.constant 0 : index
    %swap3A_60 = vector.load %arg11[%swap3A_58, %swap3A_59] : memref<2x128xf32, #tpu.memory_space<vmem>>, vector<1x128xf32>
    tpu.vector_store %arg11[%swap3A_58, %swap3A_59], %add3A_57 {strides = array<i32>} : memref<2x128xf32, #tpu.memory_space<vmem>>, vector<1x128xf32>,
    %eq3A_61 = arith.constant 79 : i32
    %eq3A_62 = arith.cmpi eq, %arg0, %eq3A_61 : i32
    %convert_element_type3A_63 = arith.extui %eq3A_62 : i1 to i32
    %cond3A_64 = arith.constant 0 : i32
    %cond3A_65 = arith.cmpi ne, %convert_element_type3A_63, %cond3A_64 : i32
    scf.if %cond3A_65 {
      %get3A_66 = arith.constant 0 : index
      %get3A_67 = arith.constant 0 : index
      %get3A_68 = vector.load %arg11[%get3A_66, %get3A_67] : memref<2x128xf32, #tpu.memory_space<vmem>>, vector<2x128xf32>
      %swap3A_69 = arith.constant 0 : index
      %swap3A_70 = arith.constant 0 : index
      %swap3A_71 = vector.load %arg10[%swap3A_69, %swap3A_70] : memref<2x128xf32, #tpu.memory_space<vmem>>, vector<2x128xf32>
      tpu.vector_store %arg10[%swap3A_69, %swap3A_70], %get3A_68 {strides = array<i32>} : memref<2x128xf32, #tpu.memory_space<vmem>>, vector<2x128xf32>,
    } else {
    }
    return
  }
  func.func @transform_0(%arg0: i32) -> (i32, i32) {
    %c0_i32 = arith.constant 0 : i32
    %c0_i32_0 = arith.constant 0 : i32
    return %arg0, %c0_i32 : i32, i32
  }
  func.func @transform_1(%arg0: i32) -> (i32, i32) {
    %c0_i32 = arith.constant 0 : i32
    %c0_i32_0 = arith.constant 0 : i32
    return %arg0, %c0_i32 : i32, i32
  }
  func.func @transform_2(%arg0: i32) -> (i32, i32) {
    %c0_i32 = arith.constant 0 : i32
    %c0_i32_0 = arith.constant 0 : i32
    %c0_i32_1 = arith.constant 0 : i32
    return %c0_i32, %c0_i32_0 : i32, i32
  }
  func.func @transform_3(%arg0: i32) -> (i32, i32) {
    %c0_i32 = arith.constant 0 : i32
    %c0_i32_0 = arith.constant 0 : i32
    %c0_i32_1 = arith.constant 0 : i32
    return %c0_i32, %c0_i32_0 : i32, i32
  }
  func.func @transform_4(%arg0: i32) -> (i32, i32) {
    %c0_i32 = arith.constant 0 : i32
    %c0_i32_0 = arith.constant 0 : i32
    %c0_i32_1 = arith.constant 0 : i32
    return %c0_i32, %c0_i32_0 : i32, i32
  }
  func.func @transform_5(%arg0: i32) -> (i32, i32) {
    %c0_i32 = arith.constant 0 : i32
    %c0_i32_0 = arith.constant 0 : i32
    %c0_i32_1 = arith.constant 0 : i32
    return %c0_i32, %c0_i32_0 : i32, i32
  }
  func.func @transform_6(%arg0: i32) -> (i32, i32) {
    %c0_i32 = arith.constant 0 : i32
    %c0_i32_0 = arith.constant 0 : i32
    %c0_i32_1 = arith.constant 0 : i32
    return %c0_i32, %c0_i32_0 : i32, i32
  }
  func.func @transform_7(%arg0: i32) -> (i32, i32) {
    %c0_i32 = arith.constant 0 : i32
    %c0_i32_0 = arith.constant 0 : i32
    %c0_i32_1 = arith.constant 0 : i32
    return %c0_i32, %c0_i32_0 : i32, i32
  }
  func.func @transform_8(%arg0: i32) -> (i32, i32) {
    %c0_i32 = arith.constant 0 : i32
    %c0_i32_0 = arith.constant 0 : i32
    return %arg0, %c0_i32 : i32, i32
  }
  func.func @transform_9(%arg0: i32) -> (i32, i32) {
    %c0_i32 = arith.constant 0 : i32
    %c0_i32_0 = arith.constant 0 : i32
    %c0_i32_1 = arith.constant 0 : i32
    return %c0_i32, %c0_i32_0 : i32, i32
  }
}

module attributes {stable_mosaic.version = 14 : i64} {
  func.func @_final_body(%arg0: i32, %arg1: memref<4000x128xf32, #tpu.memory_space<vmem>>, %arg2: memref<4000x128xf32, #tpu.memory_space<vmem>>, %arg3: memref<4000x128xf32, #tpu.memory_space<vmem>>, %arg4: memref<1x128xf32, #tpu.memory_space<vmem>>, %arg5: memref<1x128xf32, #tpu.memory_space<vmem>>, %arg6: memref<1x128xf32, #tpu.memory_space<vmem>>, %arg7: memref<1x128xf32, #tpu.memory_space<vmem>>, %arg8: memref<1x128xf32, #tpu.memory_space<vmem>>, %arg9: memref<1x128xf32, #tpu.memory_space<vmem>>, %arg10: memref<4000x128xf32, #tpu.memory_space<vmem>>) attributes {dimension_semantics = [#tpu.dimension_semantics<arbitrary>], iteration_bounds = array<i64: 80>, scalar_prefetch = 0 : i64, scratch_operands = 0 : i64, tpu.core_type = #tpu.core_type<tc>, window_params = [{transform_indices = @transform_0, window_bounds = array<i64: 4000, 128>}, {transform_indices = @transform_1, window_bounds = array<i64: 4000, 128>}, {transform_indices = @transform_2, window_bounds = array<i64: 4000, 128>}, {pipeline_mode = #tpu.pipeline_mode<synchronous>, transform_indices = @transform_3, window_bounds = array<i64: 1, 128>}, {pipeline_mode = #tpu.pipeline_mode<synchronous>, transform_indices = @transform_4, window_bounds = array<i64: 1, 128>}, {pipeline_mode = #tpu.pipeline_mode<synchronous>, transform_indices = @transform_5, window_bounds = array<i64: 1, 128>}, {pipeline_mode = #tpu.pipeline_mode<synchronous>, transform_indices = @transform_6, window_bounds = array<i64: 1, 128>}, {pipeline_mode = #tpu.pipeline_mode<synchronous>, transform_indices = @transform_7, window_bounds = array<i64: 1, 128>}, {pipeline_mode = #tpu.pipeline_mode<synchronous>, transform_indices = @transform_8, window_bounds = array<i64: 1, 128>}, {transform_indices = @transform_9, window_bounds = array<i64: 4000, 128>}]} {
    %get3A = arith.constant 0 : index
    %get3A_0 = arith.constant 0 : index
    %get3A_1 = vector.load %arg3[%get3A, %get3A_0] : memref<4000x128xf32, #tpu.memory_space<vmem>>, vector<4000x128xf32>
    %get3A_2 = arith.constant 0 : index
    %get3A_3 = arith.constant 0 : index
    %get3A_4 = vector.load %arg8[%get3A_2, %get3A_3] : memref<1x128xf32, #tpu.memory_space<vmem>>, vector<1x128xf32>
    %mul3A = vector.broadcast %get3A_4 : vector<1x128xf32> to vector<4000x128xf32>
    %mul3A_5 = arith.mulf %get3A_1, %mul3A : vector<4000x128xf32>
    %get3A_6 = arith.constant 0 : index
    %get3A_7 = arith.constant 0 : index
    %get3A_8 = vector.load %arg9[%get3A_6, %get3A_7] : memref<1x128xf32, #tpu.memory_space<vmem>>, vector<1x128xf32>
    %add3A = vector.broadcast %get3A_8 : vector<1x128xf32> to vector<4000x128xf32>
    %add3A_9 = arith.addf %mul3A_5, %add3A : vector<4000x128xf32>
    %max3A = arith.constant 0.000000e+00 : f32
    %max3A_10 = vector.broadcast %max3A : f32 to vector<4000x128xf32>
    %max3A_11 = arith.maximumf %add3A_9, %max3A_10 : vector<4000x128xf32>
    %get3A_12 = arith.constant 0 : index
    %get3A_13 = arith.constant 0 : index
    %get3A_14 = vector.load %arg2[%get3A_12, %get3A_13] : memref<4000x128xf32, #tpu.memory_space<vmem>>, vector<4000x128xf32>
    %get3A_15 = arith.constant 0 : index
    %get3A_16 = arith.constant 0 : index
    %get3A_17 = vector.load %arg6[%get3A_15, %get3A_16] : memref<1x128xf32, #tpu.memory_space<vmem>>, vector<1x128xf32>
    %mul3A_18 = vector.broadcast %get3A_17 : vector<1x128xf32> to vector<4000x128xf32>
    %mul3A_19 = arith.mulf %get3A_14, %mul3A_18 : vector<4000x128xf32>
    %get3A_20 = arith.constant 0 : index
    %get3A_21 = arith.constant 0 : index
    %get3A_22 = vector.load %arg7[%get3A_20, %get3A_21] : memref<1x128xf32, #tpu.memory_space<vmem>>, vector<1x128xf32>
    %add3A_23 = vector.broadcast %get3A_22 : vector<1x128xf32> to vector<4000x128xf32>
    %add3A_24 = arith.addf %mul3A_19, %add3A_23 : vector<4000x128xf32>
    %add3A_25 = arith.addf %add3A_24, %max3A_11 : vector<4000x128xf32>
    %max3A_26 = arith.constant 0.000000e+00 : f32
    %max3A_27 = vector.broadcast %max3A_26 : f32 to vector<4000x128xf32>
    %max3A_28 = arith.maximumf %add3A_25, %max3A_27 : vector<4000x128xf32>
    %get3A_29 = arith.constant 0 : index
    %get3A_30 = arith.constant 0 : index
    %get3A_31 = vector.load %arg1[%get3A_29, %get3A_30] : memref<4000x128xf32, #tpu.memory_space<vmem>>, vector<4000x128xf32>
    %get3A_32 = arith.constant 0 : index
    %get3A_33 = arith.constant 0 : index
    %get3A_34 = vector.load %arg4[%get3A_32, %get3A_33] : memref<1x128xf32, #tpu.memory_space<vmem>>, vector<1x128xf32>
    %mul3A_35 = vector.broadcast %get3A_34 : vector<1x128xf32> to vector<4000x128xf32>
    %mul3A_36 = arith.mulf %get3A_31, %mul3A_35 : vector<4000x128xf32>
    %get3A_37 = arith.constant 0 : index
    %get3A_38 = arith.constant 0 : index
    %get3A_39 = vector.load %arg5[%get3A_37, %get3A_38] : memref<1x128xf32, #tpu.memory_space<vmem>>, vector<1x128xf32>
    %add3A_40 = vector.broadcast %get3A_39 : vector<1x128xf32> to vector<4000x128xf32>
    %add3A_41 = arith.addf %mul3A_36, %add3A_40 : vector<4000x128xf32>
    %add3A_42 = arith.addf %add3A_41, %max3A_28 : vector<4000x128xf32>
    %max3A_43 = arith.constant 0.000000e+00 : f32
    %max3A_44 = vector.broadcast %max3A_43 : f32 to vector<4000x128xf32>
    %max3A_45 = arith.maximumf %add3A_42, %max3A_44 : vector<4000x128xf32>
    %swap3A = arith.constant 0 : index
    %swap3A_46 = arith.constant 0 : index
    %swap3A_47 = vector.load %arg10[%swap3A, %swap3A_46] : memref<4000x128xf32, #tpu.memory_space<vmem>>, vector<4000x128xf32>
    tpu.vector_store %arg10[%swap3A, %swap3A_46], %max3A_45 {strides = array<i32>} : memref<4000x128xf32, #tpu.memory_space<vmem>>, vector<4000x128xf32>,
    return
  }
  func.func @transform_0(%arg0: i32) -> (i32, i32) {
    %c0_i32 = arith.constant 0 : i32
    %c0_i32_0 = arith.constant 0 : i32
    return %arg0, %c0_i32 : i32, i32
  }
  func.func @transform_1(%arg0: i32) -> (i32, i32) {
    %c0_i32 = arith.constant 0 : i32
    %c0_i32_0 = arith.constant 0 : i32
    return %arg0, %c0_i32 : i32, i32
  }
  func.func @transform_2(%arg0: i32) -> (i32, i32) {
    %c0_i32 = arith.constant 0 : i32
    %c0_i32_0 = arith.constant 0 : i32
    return %arg0, %c0_i32 : i32, i32
  }
  func.func @transform_3(%arg0: i32) -> (i32, i32) {
    %c0_i32 = arith.constant 0 : i32
    %c0_i32_0 = arith.constant 0 : i32
    %c0_i32_1 = arith.constant 0 : i32
    return %c0_i32, %c0_i32_0 : i32, i32
  }
  func.func @transform_4(%arg0: i32) -> (i32, i32) {
    %c0_i32 = arith.constant 0 : i32
    %c0_i32_0 = arith.constant 0 : i32
    %c0_i32_1 = arith.constant 0 : i32
    return %c0_i32, %c0_i32_0 : i32, i32
  }
  func.func @transform_5(%arg0: i32) -> (i32, i32) {
    %c0_i32 = arith.constant 0 : i32
    %c0_i32_0 = arith.constant 0 : i32
    %c0_i32_1 = arith.constant 0 : i32
    return %c0_i32, %c0_i32_0 : i32, i32
  }
  func.func @transform_6(%arg0: i32) -> (i32, i32) {
    %c0_i32 = arith.constant 0 : i32
    %c0_i32_0 = arith.constant 0 : i32
    %c0_i32_1 = arith.constant 0 : i32
    return %c0_i32, %c0_i32_0 : i32, i32
  }
  func.func @transform_7(%arg0: i32) -> (i32, i32) {
    %c0_i32 = arith.constant 0 : i32
    %c0_i32_0 = arith.constant 0 : i32
    %c0_i32_1 = arith.constant 0 : i32
    return %c0_i32, %c0_i32_0 : i32, i32
  }
  func.func @transform_8(%arg0: i32) -> (i32, i32) {
    %c0_i32 = arith.constant 0 : i32
    %c0_i32_0 = arith.constant 0 : i32
    %c0_i32_1 = arith.constant 0 : i32
    return %c0_i32, %c0_i32_0 : i32, i32
  }
  func.func @transform_9(%arg0: i32) -> (i32, i32) {
    %c0_i32 = arith.constant 0 : i32
    %c0_i32_0 = arith.constant 0 : i32
    return %arg0, %c0_i32 : i32, i32
  }
}

</mosaic_0001>

<sc_bundles>
// kernel: kernel.11.cloned.1.call-start
scs
__scs_entry_jumppad:
0x0: {  	(pc) =	sbr.rel $0x88, $3  }
0x1: {  	(tag) =	ssettag $0x0;
	lr =	simm.s32 $0x1  }
0x2: {  	[smem:$0x3F90] =	sst lr;
	_ =	strace $0xD0000000  }
0x3: {  	_ = 	snop  }
0x4: {  	_ = 	snop  }
0x5: {  	_ = 	snop  }
0x6: {  	_ = 	snop  }
0x7: {  	_ = 	snop  }
__scs_overlays_trampoline_lowered:
0x8: {  	[smem:$0x3F9F] =	sst s0  }
0x9: {  	[smem:$0x3FA0] =	sst s1  }
0xa: {  	[smem:$0x3FA1] =	sst s2  }
0xb: {  	[smem:$0x3FA2] =	sst s3  }
0xc: {  	[smem:$0x3FA3] =	sst s4  }
0xd: {  	[smem:$0x3FA4] =	sst s5  }
0xe: {  	[smem:$0x3FA5] =	sst s6  }
0xf: {  	[smem:$0x3FA6] =	sst s7  }
0x10: {  	[smem:$0x3FA7] =	sst s8  }
0x11: {  	[smem:$0x3FA8] =	sst s9;
	s0 =	simm.s32 @!p0 $0x0  }
0x12: {  	s1 =	sld [smem:$0x3F8E];
	s0 =	simm.s32 @p0 $0x1  }
0x13: {  	[smem:$0x3FA9] =	sst s0;
	s0 =	simm.s32 @!p1 $0x0  }
0x14: {  	s2 =	sld [smem:$0x3F8D];
	s0 =	simm.s32 @p1 $0x1  }
0x15: {  	[smem:$0x3FAA] =	sst s0;
	s0 =	simm.s32 @!p2 $0x0  }
0x16: {  	s3 =	sld [smem:$0x3FDB];
	s0 =	simm.s32 @p2 $0x1  }
0x17: {  	s4 =	simm.s32 $0x1BF5;
	[smem:$0x3FAC] =	sst s0  }
0x18: {  	s0 =	sld [smem:$0x3F8F];
	_ =	swait.ge [sflag:s4], $0x0  }
0x19: {  	s7 =	sld [smem:$0x3F90]  }
0x1a: {  	s8 =	sadd.s32 $0xFFFFE003, lr  }
0x1b: {  	s9 =	sadd.s32 $0xFFFFFEF7, lr;
	s5 =	simm.s32 $0xFFFFFFFF;
	p2 =	slt.u32 s8, $0xFFFFF086  }
0x1c: {  	p1 =	slt.u32 s9, $0xF7A;
	s5 =	simm.s32 @!p2 $0x0  }
0x1d: {  	s5 =	simm.s32 @p1 $0x1;
	p0 =	seq.s32 s7, s2  }
0x1e: {  	s7 =	smul.u32 @!p0 $0xF7A, s2;
	p2 =	seq.s32 @!p0 s5, $0x0  }
0x1f: {  	s9 =	smul.u32 $0xF7A, s1;
	s8 =	simm.s32 @!p0 $0x1BF5;
	p2 =	por !p2, p0  }
0x20: {  	[sflag:s8] =	ssyncset.s32 @!p0 $0xFFFFF086;
	s6 =	sadd.s32 @!p0 s3, s7;
	s7 =	simm.s32 @!p0 $0x108  }
0x21: {  	s3 =	sadd.s32 s3, s9;
	s6 =	sadd.s32 @!p0 $0x88, s6;
	s7 =	simm.s32 @p2 $0x1082  }
0x22: {  	[simem:s7], [sflag:s8] =	dma.local @!p0 [hbm:s6], $0xF7A  }
0x23: {  	s9 =	sor.u32 $0xD0000000, s2;
	s6 =	simm.s32 $0x108;
	_ =	swait.ge @!p0 [sflag:s8], $0x0  }
0x24: {  	s3 =	sadd.s32 $0x88, s3;
	s6 =	simm.s32 @!p1 $0x1082;
	[sflag:s4] =	ssyncset.s32 $0xFFFFF086  }
0x25: {  	[simem:s6], [sflag:s4] =	dma.local [hbm:s3], $0xF7A  }
0x26: {  	[smem:$0x3F90] =	sst s1;
	(tag) =	ssettag s2;
	_ =	strace s9  }
0x27: {  	s1 =	sld [smem:$0x3FA0]  }
0x28: {  	s2 =	sld [smem:$0x3FA1]  }
0x29: {  	s4 =	sld [smem:$0x3FA3]  }
0x2a: {  	p0 =	seq.s32 s5, $0x0;
	s5 =	sld [smem:$0x3FA4]  }
0x2b: {  	s6 =	sld [smem:$0x3FA5]  }
0x2c: {  	s7 =	sld [smem:$0x3FA6]  }
0x2d: {  	s3 =	simm.s32 $0x108;
	s8 =	sld [smem:$0x3FA7]  }
0x2e: {  	s3 =	simm.s32 @!p0 $0x1082;
	s9 =	sld [smem:$0x3FA8]  }
0x2f: {  	lr =	sadd.s32 s0, s3;
	s0 =	sld [smem:$0x3F9F]  }
0x30: {  	s3 =	sld [smem:$0x3FA2]  }
0x31: {  	[smem:$0x3FAB] =	sst s10  }
0x32: {  	s10 =	sld [smem:$0x3FA9];
	_ =	sdelay $0x3  }
0x33: {  	p0 =	seq.s32 s10, $0x1;
	s10 =	sld [smem:$0x3FAB];
	_ =	sdelay $0x3  }
0x34: {  	[smem:$0x3FAB] =	sst s10  }
0x35: {  	s10 =	sld [smem:$0x3FAA];
	_ =	sdelay $0x3  }
0x36: {  	p1 =	seq.s32 s10, $0x1;
	s10 =	sld [smem:$0x3FAB];
	_ =	sdelay $0x3  }
0x37: {  	[smem:$0x3FAB] =	sst s10  }
0x38: {  	s10 =	sld [smem:$0x3FAC]  }
0x39: {  	_ = 	snop;
	(pc) =	sbr.ind lr, $3  }
0x3a: {  	_ = 	snop  }
0x3b: {  	_ = 	snop  }
0x3c: {  	p2 =	seq.s32 s10, $0x1;
	s10 =	sld [smem:$0x3FAB]  }
0x3d: {  	_ =	shalt  }
0x3e: {  	_ =	shalt  }
0x3f: {  	_ =	shalt  }
0x40: {  	_ =	shalt  }
0x41: {  	_ =	shalt  }
0x42: {  	_ =	shalt  }
0x43: {  	_ =	shalt  }
0x44: {  	_ =	shalt  }
0x45: {  	_ =	shalt  }
0x46: {  	_ =	shalt  }
0x47: {  	_ =	shalt  }
0x48: {  	_ =	shalt  }
0x49: {  	_ =	shalt  }
0x4a: {  	_ =	shalt  }
0x4b: {  	_ =	shalt  }
0x4c: {  	_ =	shalt  }
0x4d: {  	_ =	shalt  }
0x4e: {  	_ =	shalt  }
0x4f: {  	_ =	shalt  }
0x50: {  	_ =	shalt  }
0x51: {  	_ =	shalt  }
0x52: {  	_ =	shalt  }
0x53: {  	_ =	shalt  }
0x54: {  	_ =	shalt  }
0x55: {  	_ =	shalt  }
0x56: {  	_ =	shalt  }
0x57: {  	_ =	shalt  }
0x58: {  	_ =	shalt  }
0x59: {  	_ =	shalt  }
0x5a: {  	_ =	shalt  }
0x5b: {  	_ =	shalt  }
0x5c: {  	_ =	shalt  }
0x5d: {  	_ =	shalt  }
0x5e: {  	_ =	shalt  }
0x5f: {  	_ =	shalt  }
0x60: {  	_ =	shalt  }
0x61: {  	_ =	shalt  }
0x62: {  	_ =	shalt  }
0x63: {  	_ =	shalt  }
0x64: {  	_ =	shalt  }
0x65: {  	_ =	shalt  }
0x66: {  	_ =	shalt  }
0x67: {  	_ =	shalt  }
0x68: {  	_ =	shalt  }
0x69: {  	_ =	shalt  }
0x6a: {  	_ =	shalt  }
0x6b: {  	_ =	shalt  }
0x6c: {  	_ =	shalt  }
0x6d: {  	_ =	shalt  }
0x6e: {  	_ =	shalt  }
0x6f: {  	_ =	shalt  }
0x70: {  	_ =	shalt  }
0x71: {  	_ =	shalt  }
0x72: {  	_ =	shalt  }
0x73: {  	_ =	shalt  }
0x74: {  	_ =	shalt  }
0x75: {  	_ =	shalt  }
0x76: {  	_ =	shalt  }
0x77: {  	_ =	shalt  }
0x78: {  	_ =	shalt  }
0x79: {  	_ =	shalt  }
0x7a: {  	_ =	shalt  }
0x7b: {  	_ =	shalt  }
0x7c: {  	_ =	shalt  }
0x7d: {  	_ =	shalt  }
0x7e: {  	_ =	shalt  }
0x7f: {  	_ =	shalt  }
0x80: {  	_ =	shalt  }
0x81: {  	_ =	shalt  }
0x82: {  	_ =	shalt  }
0x83: {  	_ =	shalt  }
0x84: {  	_ =	shalt  }
0x85: {  	_ =	shalt  }
0x86: {  	_ =	shalt  }
0x87: {  	_ =	shalt  }
.Lfunc_end0:
.L_simem_size_0:
called_computation_lowered:
.L_overlay_start_0:
0x88: {  	s2 =	sld [smem:$0x3FD9]  }
0x89: {  	s3 =	sld [smem:$0x3FFE];
	_ =	sdelay $0x1  }
0x8a: {  	s1 =	srdreg.scid  }
0x8b: {  	s0 =	sand.u32 $0x1, s1  }
0x8c: {  	s17 =	sshll.u32 s0, $0xA;
	s2 =	sadd.s32 s3, s2  }
0x8d: {  	s2 =	sadd.s32 s2, s17  }
0x8e: {  	[smem:$0x3FB7] =	sst s2  }
0x8f: {  	_ = 	snop  }
0x90: {  	s2 =	sld [smem:$0x3FD0];
	(tm) =	ssettm $0x1  }
0x91: {  	s18 =	sld [smem:$0x3FFB];
	_ =	sdelay $0x3  }
0x92: {  	_ =	strace s18  }
0x93: {  	s3 =	sld [smem:$0x3FFC];
	_ =	sdelay $0x3  }
0x94: {  	_ =	strace s3  }
0x95: {  	s3 =	sld [smem:$0x3FFD];
	_ =	sdelay $0x3  }
0x96: {  	_ =	strace s3  }
0x97: {  	_ =	strace $0x8FFFFFFF  }
0x98: {  	s19 =	sld [smem:$0x3FDB];
	_ =	sdelay $0x1  }
0x99: {  	s4 =	simm.s32 $_scs_section_size  }
0x9a: {  	s5 =	simm.s32 $_size__tile_overlayer_lowered;
	s6 =	simm.s32 $_tile_overlayer_lowered  }
0x9b: {  	s22 =	simm.s32 $0x1BFF;
	s21 =	sshll.u32 s6, $0x1;
	s3 =	sadd.s32 s4, s19  }
0x9c: {  	s7 =	simm.s32 $0x0;
	s20 =	sshll.u32 s5, $0x1;
	s5 =	sadd.s32 s21, s3  }
0x9d: {  	[timem:s7], [sflag:s22] =	dma.local [hbm:s5], s20  }
0x9e: {  	_ =	swait.ge [sflag:s22], s20  }
0x9f: {  	s4 =	ssub.s32 $0x0, s20;
	[sflag:s22] =	ssyncset.done $0x0  }
0xa0: {  	[sflag:s22] =	ssyncadd.s32 s4;
	_ =	sdelay $0x1  }
0xa1: {  	s23 =	simm.s32 $0x1B8B  }
0xa2: {  	_ =	swait.ge [sflag:s23], $0x1  }
0xa3: {  	[sflag:s23] =	ssyncset.done $0x0  }
0xa4: {  	s25 =	simm.s32 $0x1B8E;
	s24 =	sld [smem:$0x3FFE];
	[sflag:s23] =	ssyncadd.s32 $0xFFFFFFFF  }
0xa5: {  	s26 =	simm.s32 $execute0_lowered;
	[smem:$0x3FD2] =	sst s25  }
0xa6: {  	s5 =	sshll.u32 s26, $0x1;
	_ =	strace $0x80000046;
	[dreg:$0x1] =	wrdreg $0xFFFFFFFF  }
0xa7: {  	s28 =	simm.s32 $_size_execute0_lowered;
	s3 =	sadd.s32 s3, s5;
	[dreg:$0x0] =	wrdreg $0x0  }
0xa8: {  	s5 =	sshll.u32 s28, $0x1;
	[dreg:$0x2] =	wrdreg s3  }
0xa9: {  	[dreg:$0x3] =	wrdreg s5  }
0xaa: {  	[dreg:$0x4] =	wrdreg $0xC0  }
0xab: {  	_ =	task [dreg:s7], $0x5FFFF  }
0xac: {  	[dreg:$0x1] =	wrdreg $0xFFFFFFFF  }
0xad: {  	[dreg:$0x0] =	wrdreg $0x60  }
0xae: {  	[dreg:$0x2] =	wrdreg s24  }
0xaf: {  	[dreg:$0x3] =	wrdreg s2  }
0xb0: {  	[dreg:$0x4] =	wrdreg $0x9  }
0xb1: {  	_ =	task.clear_ibuf [dreg:s7], $0x5FFFF;
	_ =	strace $0x90000046  }
0xb2: {  	s29 =	simm.s32 $0x9;
	_ =	strace $0x80000048  }
0xb3: {  	_ =	swait.ge [sflag:s29], $0x1  }
0xb4: {  	[sflag:s29] =	ssyncadd.s32 $0xFFFFFFFF  }
0xb5: {  	_ =	strace $0x90000048  }
0xb6: {  	_ =	sfence  }
0xb7: {  	s30 =	sld [smem:$0x0];
	_ =	sdelay $0x2  }
0xb8: {  	s31 =	sshll.u32 s1, $0xD;
	s1 =	sshrl.u32 s1, $0x2  }
0xb9: {  	s3 =	sand.u32 $0x4000, s31;
	s1 =	sadd.s32 s1, s30  }
0xba: {  	s0 =	sor.u32 s3, s0;
	s1 =	sshll.u32 s1, $0x11  }
0xbb: {  	s0 =	sor.u32 s1, s0  }
0xbc: {  	s0 =	sadd.s32 $0x8F2B, s0  }
0xbd: {  	[sflag:s0] =	ssyncadd.remote.s32 $0x1  }
0xbe: {  	_ =	sfence.sel $0xFFFF  }
0xbf: {  	[dreg:$0x0] =	wrdreg $0xFFFFFFFF;
	(pc) =	sbr.abs _section_cstart, $3  }
0xc0: {  	[dreg:$0x1] =	wrdreg $0xFFFFFFFF  }
0xc1: {  	_ =	task.clear_ibuf [dreg:s7], $0x2FFFF;
	_ =	strace $0x9FFFFFFF  }
0xc2: {  	(tm) =	ssettm $0x7FFFFFFF  }
0xc3: {  	_ =	shalt  }
tec
execute0_lowered:
.L_overlay_start_1:
0x0: {  	(tag) =	ssettag $0x1  }
0x1: {  	s6 =	rddreg [dreg:$0x0]  }
0x2: {  	s1 =	rddreg [dreg:$0x1]  }
0x3: {  	s0 =	rddreg [dreg:$0x2];
	s3 =	simm.s32 $0x0;
	s4 =	srdreg.scid  }
0x4: {  	s2 =	stileid.u32;
	s11 =	simm.s32 $0xC8;
	s12 =	simm.s32 $0x190  }
0x5: {  	s13 =	simm.s32 $0x7210;
	s14 =	simm.s32 $0x1;
	s15 =	simm.s32 $0x2  }
0x6: {  	s16 =	simm.s32 $0xE290;
	s17 =	simm.s32 $0xE2A0;
	s18 =	simm.s32 $0x0  }
0x7: {  	s22 =	simm.s32 $0x0;
	s5 =	sand.u32 $0x1, s4;
	s7 =	sshll.u32 s2, $0x1  }
0x8: {  	[smem:$0x7FF] =	sst s3;
	s4 =	sadd.s32 $0xD800, s6;
	s7 =	sor.u32 s5, s7  }
0x9: {  	_ =	strace $0x80000047;
	s8 =	ssub.s32 $0x2, s5;
	s9 =	sshll.u32 s7, $0x1  }
0xa: {  	s5 =	sadd.s32 $0x3A00, s6;
	s10 =	sshrl.u32 s8, $0x1;
	s9 =	sadd.s32 s9, s6  }
0xb: {  	s10 =	ssub.s32 s8, s10;
	s6 =	smul.u32 $0x2710, s7;
	s7 =	sadd.s32 $0x39800, s9  }
0xc: {  	s8 =	sadd.s32 $0x39A00, s9;
	s9 =	smax.u32 s10, $0x1;
	s10 =	simm.s32 $0x3  }
.LBB2_1:
0xd: {  	v0 =	vimm.f32 $0.0e+00;
	v1 =	vimm.f32 $0.0e+00;
	s19 =	simm.s32 $0x0  }
.LBB2_2:
0xe: {  	s20 =	smul.u32 $0xC8, s19;
	_ =	sdelay $0x1  }
0xf: {  	s20 =	sadd.s32 s6, s20  }
0x10: {  	s20 =	sshrl.u32 s20, $0x3  }
0x11: {  	s21 =	sadd.s32 s5, s20  }
0x12: {  	[tilespmem:s22], [sflag:$0x3] =	stream.linear.gather [hbm4b:s21+s22], $0xC8, $0x38;
	[tilespmem:$0xE2B0] =	vst v63  }
0x13: {  	_ =	swait.ge [sflag:s10], $0xC8  }
0x14: {  	[sflag:s10] =	ssyncset.done $0x0  }
0x15: {  	s20 =	sadd.s32 s1, s20;
	[sflag:s10] =	ssyncadd.s32 $0xFFFFFF38  }
0x16: {  	[tilespmem:s11], [sflag:$0x3] =	stream.linear.gather [hbm4b:s20+s22], $0xC8, $0x38;
	[tilespmem:$0xE2B0] =	vst v63  }
0x17: {  	_ =	swait.ge [sflag:s10], $0xC8  }
0x18: {  	[sflag:s10] =	ssyncset.done $0x0  }
0x19: {  	[sflag:s10] =	ssyncadd.s32 $0xFFFFFF38  }
0x1a: {  	[tilespmem:s12], [sflag:$0x1] =	stream.indirect.gather [hbm4b:s4+s11], $0x90, s22, s11, $0xb8;
	[tilespmem:$0xE2B0] =	vst v63  }
0x1b: {  	_ = 	snop  }
0x1c: {  	[tilespmem:s13], [sflag:$0x2] =	stream.indirect.gather [hbm4b:s4+s11], $0x90, s11, s11, $0xb8;
	[tilespmem:$0xE2B0] =	vst v63  }
0x1d: {  	_ =	swait.ge [sflag:s14], $0x7080  }
0x1e: {  	[sflag:s14] =	ssyncset.done $0x0  }
0x1f: {  	[sflag:s14] =	ssyncadd.s32 $0xFFFF8F80  }
0x20: {  	_ =	swait.ge [sflag:s15], $0x7080  }
0x21: {  	[sflag:s15] =	ssyncset.done $0x0  }
0x22: {  	s31 =	simm.s32 $0x0;
	[sflag:s15] =	ssyncadd.s32 $0xFFFF8F80  }
0x23: {  	v2 =	vld [tilespmem:s31+$0x190]  }
0x24: {  	v3 =	vld [tilespmem:s31+$0x7210]  }
0x25: {  	v4 =	vld [tilespmem:s31+$0x1A0]  }
0x26: {  	v5 =	vld [tilespmem:s31+$0x7220]  }
0x27: {  	v6 =	vld [tilespmem:s31+$0x1B0]  }
0x28: {  	v7 =	vld [tilespmem:s31+$0x7230]  }
0x29: {  	v8 =	vld [tilespmem:s31+$0x1C0]  }
0x2a: {  	v9 =	vld [tilespmem:s31+$0x1D0];
	v2 =	vsub.f32 v3, v2  }
0x2b: {  	v3 =	vld [tilespmem:s31+$0x7240]  }
0x2c: {  	v10 =	vld [tilespmem:s31+$0x7250];
	v4 =	vsub.f32 v5, v4;
	v5 =	vmul.f32 v2, v2  }
0x2d: {  	v11 =	vld [tilespmem:s31+$0x7260];
	v1 =	vadd.f32 v2, v1  }
0x2e: {  	v6 =	vsub.f32 v7, v6;
	v7 =	vld [tilespmem:s31+$0x1E0];
	v2 =	vmul.f32 v4, v4;
	v0 =	vadd.f32 v5, v0  }
0x2f: {  	v12 =	vld [tilespmem:s31+$0x1F0];
	v1 =	vadd.f32 v4, v1  }
0x30: {  	v4 =	vld [tilespmem:s31+$0x7270];
	v8 =	vsub.f32 v3, v8;
	v3 =	vmul.f32 v6, v6;
	v2 =	vadd.f32 v2, v0  }
0x31: {  	v9 =	vsub.f32 v10, v9;
	v5 =	vld [tilespmem:s31+$0x7280]  }
0x32: {  	v0 =	vld [tilespmem:s31+$0x200];
	v6 =	vadd.f32 v6, v1;
	v10 =	vmul.f32 v8, v8;
	v2 =	vadd.f32 v3, v2  }
0x33: {  	v1 =	vld [tilespmem:s31+$0x210];
	v3 =	vsub.f32 v11, v7  }
0x34: {  	s20 =	simm.s32 $0x90;
	v8 =	vadd.f32 v8, v6;
	v11 =	vmul.f32 v9, v9;
	v6 =	vld [tilespmem:s31+$0x7290];
	v10 =	vadd.f32 v10, v2  }
0x35: {  	v7 =	vsub.f32 v4, v12;
	v4 =	vld [tilespmem:s20+$0x7210]  }
0x36: {  	s21 =	simm.s32 $0x480;
	v2 =	vld [tilespmem:s20+$0x190];
	v8 =	vadd.f32 v9, v8;
	v9 =	vadd.f32 v11, v10;
	v10 =	vmul.f32 v3, v3  }
.LBB2_3:
0x37: {  	p0 =	sne.s32 s21, $0x1BFC0;
	v11 =	vld [tilespmem:s20+$0x1A0];
	v0 =	vsub.f32 v5, v0  }
0x38: {  	v5 =	vld [tilespmem:s20+$0x7220];
	v3 =	vadd.f32 v3, v8;
	v8 =	vadd.f32 v10, v9;
	v9 =	vmul.f32 v7, v7  }
0x39: {  	v10 =	vld [tilespmem:s20+$0x1B0];
	v1 =	vsub.f32 v6, v1  }
0x3a: {  	v6 =	vld [tilespmem:s20+$0x7230];
	v3 =	vadd.f32 v7, v3;
	v7 =	vadd.f32 v9, v8;
	v8 =	vmul.f32 v0, v0  }
0x3b: {  	v2 =	vsub.f32 v4, v2;
	v4 =	vld [tilespmem:s20+$0x1C0]  }
0x3c: {  	v9 =	vld [tilespmem:s20+$0x7240];
	v0 =	vadd.f32 v0, v3;
	v3 =	vadd.f32 v8, v7;
	v7 =	vmul.f32 v1, v1  }
0x3d: {  	v5 =	vsub.f32 v5, v11;
	v8 =	vld [tilespmem:s20+$0x1D0]  }
0x3e: {  	v11 =	vmul.f32 v2, v2;
	v12 =	vld [tilespmem:s20+$0x7250];
	v0 =	vadd.f32 v1, v0;
	v1 =	vadd.f32 v7, v3  }
0x3f: {  	v3 =	vsub.f32 v6, v10;
	v6 =	vld [tilespmem:s20+$0x1E0]  }
0x40: {  	v0 =	vadd.f32 v2, v0;
	v1 =	vadd.f32 v11, v1;
	v2 =	vmul.f32 v5, v5;
	v7 =	vld [tilespmem:s20+$0x7260]  }
0x41: {  	v4 =	vsub.f32 v9, v4;
	v9 =	vld [tilespmem:s20+$0x1F0]  }
0x42: {  	v5 =	vadd.f32 v5, v0;
	v1 =	vadd.f32 v2, v1;
	v2 =	vmul.f32 v3, v3;
	v10 =	vld [tilespmem:s20+$0x7270]  }
0x43: {  	v8 =	vsub.f32 v12, v8;
	v0 =	vld [tilespmem:s20+$0x200]  }
.Ltmp0:
0x44: {  	v12 =	vmul.f32 v4, v4;
	v11 =	vadd.f32 v3, v5;
	v2 =	vadd.f32 v2, v1;
	v5 =	vld [tilespmem:s20+$0x7280];
	(pc) =	sbr.rel @p0 .LBB2_3-.Ltmp0, $4  }
0x45: {  	v3 =	vsub.f32 v7, v6;
	v1 =	vld [tilespmem:s20+$0x210]  }
0x46: {  	v13 =	vmul.f32 v8, v8;
	v11 =	vadd.f32 v4, v11;
	v12 =	vadd.f32 v12, v2;
	v6 =	vld [tilespmem:s20+$0x7290];
	s20 =	sshra.s32 s21, $0x2  }
0x47: {  	v2 =	vld [tilespmem:s20+$0x190];
	v7 =	vsub.f32 v10, v9  }
0x48: {  	s21 =	sadd.s32 $0x240, s21;
	v10 =	vmul.f32 v3, v3;
	v4 =	vld [tilespmem:s20+$0x7210];
	v8 =	vadd.f32 v8, v11;
	v9 =	vadd.f32 v13, v12  }
0x49: {  	v11 =	vld [tilespmem:s20+$0x1A0];
	v0 =	vsub.f32 v5, v0  }
0x4a: {  	v45 =	vld [tilespmem:s20+$0x7220];
	v47 =	vmul.f32 v7, v7;
	v3 =	vadd.f32 v3, v8;
	v46 =	vadd.f32 v10, v9  }
0x4b: {  	v48 =	vld [tilespmem:s20+$0x1B0];
	v1 =	vsub.f32 v6, v1  }
0x4c: {  	v49 =	vld [tilespmem:s20+$0x7230];
	v51 =	vmul.f32 v0, v0;
	v3 =	vadd.f32 v7, v3;
	v50 =	vadd.f32 v47, v46  }
0x4d: {  	v52 =	vld [tilespmem:s20+$0x1C0];
	v2 =	vsub.f32 v4, v2  }
0x4e: {  	v53 =	vld [tilespmem:s20+$0x7240];
	v54 =	vmul.f32 v1, v1;
	v0 =	vadd.f32 v0, v3;
	v3 =	vadd.f32 v51, v50  }
0x4f: {  	v55 =	vld [tilespmem:s20+$0x1D0];
	v5 =	vsub.f32 v45, v11  }
0x50: {  	v12 =	vld [tilespmem:s20+$0x7250];
	v56 =	vmul.f32 v2, v2;
	v0 =	vadd.f32 v1, v0;
	v1 =	vadd.f32 v54, v3  }
0x51: {  	v57 =	vld [tilespmem:s20+$0x1E0];
	v3 =	vsub.f32 v49, v48  }
0x52: {  	v58 =	vld [tilespmem:s20+$0x7260];
	v0 =	vadd.f32 v2, v0;
	v1 =	vadd.f32 v56, v1;
	v2 =	vmul.f32 v5, v5  }
0x53: {  	v59 =	vld [tilespmem:s20+$0x1F0];
	v4 =	vsub.f32 v53, v52  }
0x54: {  	v60 =	vld [tilespmem:s20+$0x7270];
	v0 =	vadd.f32 v5, v0;
	v1 =	vadd.f32 v2, v1;
	v2 =	vmul.f32 v3, v3  }
0x55: {  	v61 =	vld [tilespmem:s20+$0x200];
	v8 =	vsub.f32 v12, v55  }
0x56: {  	v0 =	vadd.f32 v3, v0;
	v1 =	vadd.f32 v2, v1;
	v2 =	vmul.f32 v4, v4;
	v3 =	vld [tilespmem:s20+$0x7280]  }
0x57: {  	v62 =	vld [tilespmem:s20+$0x210];
	v6 =	vsub.f32 v58, v57  }
0x58: {  	v63 =	vld [tilespmem:s20+$0x7290];
	v0 =	vadd.f32 v4, v0;
	v1 =	vadd.f32 v2, v1;
	v2 =	vmul.f32 v8, v8  }
0x59: {  	v5 =	vsub.f32 v60, v59  }
0x5a: {  	v0 =	vadd.f32 v8, v0;
	v1 =	vadd.f32 v2, v1;
	v2 =	vmul.f32 v6, v6  }
0x5b: {  	v3 =	vsub.f32 v3, v61  }
0x5c: {  	s19 =	sadd.s32 $0x1, s19;
	v0 =	vadd.f32 v6, v0;
	v1 =	vadd.f32 v2, v1;
	v2 =	vmul.f32 v5, v5  }
0x5d: {  	p0 =	sne.s32 s19, $0x32;
	v4 =	vsub.f32 v63, v62  }
.Ltmp1:
0x5e: {  	v0 =	vadd.f32 v5, v0;
	v1 =	vadd.f32 v2, v1;
	v2 =	vmul.f32 v3, v3;
	(pc) =	sbr.rel @p0 .LBB2_2-.Ltmp1, $3  }
0x5f: {  	_ = 	snop  }
0x60: {  	v0 =	vadd.f32 v3, v0;
	v2 =	vadd.f32 v2, v1;
	v3 =	vmul.f32 v4, v4;
	_ =	sdelay $0x1  }
0x61: {  	v1 =	vadd.f32 v4, v0;
	v0 =	vadd.f32 v3, v2  }
0x62: {  	_ = 	snop  }
0x63: {  	[tilespmem:$0xE290] =	vst v1  }
0x64: {  	[tilespmem:$0xE2A0] =	vst v0  }
0x65: {  	[hbm4b:s7+s3] =	stream.linear.scatter [tilespmem:s16], [sflag:$0x3], $0x10, $0x38;
	[tilespmem:$0xE2B0] =	vst v63  }
0x66: {  	s18 =	sadd.s32 $0x1, s18;
	_ =	swait.ge [sflag:s10], $0x10  }
0x67: {  	p0 =	sne.s32 s18, s9;
	[sflag:s10] =	ssyncset.done $0x0  }
.Ltmp2:
0x68: {  	[sflag:s10] =	ssyncadd.s32 $0xFFFFFFF0;
	(pc) =	sbr.rel @p0 .LBB2_1-.Ltmp2, $4  }
0x69: {  	[hbm4b:s8+s3] =	stream.linear.scatter [tilespmem:s17], [sflag:$0x3], $0x10, $0x38;
	[tilespmem:$0xE2B0] =	vst v63  }
0x6a: {  	_ =	swait.ge [sflag:s10], $0x10  }
0x6b: {  	[sflag:s10] =	ssyncset.done $0x0  }
0x6c: {  	[sflag:s10] =	ssyncadd.s32 $0xFFFFFFF0  }
0x6d: {  	_ =	sfence.sel $0x180000  }
0x6e: {  	[bflag:$0x0] =	sbarrier.arrive $0xFFFF  }
0x6f: {  	p0 =	sne.s32 s2, $0x0;
	_ =	strace $0x90000047  }
0x70: {  	s0 =	sadd.s32 @!p0 $0x100000, s0;
	[bflag:$0x2] =	sbarrier.arrive $0xFFFF  }
0x71: {  	[sflag:s0] =	ssyncadd.tile.s32 @!p0 $0x1;
	_ =	shalt  }
.Lfunc_end2:
_tile_overlayer_lowered:
.L_overlay_start_2:
0x72: {  	(tag) =	ssettag $0x2  }
0x73: {  	s0 =	rddreg [dreg:$0x0];
	s2 =	stileid.u32  }
0x74: {  	s1 =	rddreg [dreg:$0x1];
	p0 =	sne.s32 s2, $0x0  }
0x75: {  	s3 =	rddreg [dreg:$0x2];
	[bflag:$0x3] =	sbarrier.arrive $0xFFFF;
	s2 =	simm.s32 @!p0 $0x1C03  }
0x76: {  	[timem:s3], [sflag:s2] =	dma.local @!p0 [hbm:s0], s1  }
0x77: {  	s0 =	simm.s32 @!p0 $0x3  }
0x78: {  	_ =	swait.ge @!p0 [sflag:s0], s1  }
0x79: {  	s1 =	ssub.s32 @!p0 $0x0, s1;
	[sflag:s0] =	ssyncset.done @!p0 $0x0  }
0x7a: {  	[sflag:s0] =	ssyncadd.s32 @!p0 s1  }
0x7b: {  	[bflag:$0x3] =	sbarrier.arrive $0xFFFF  }
0x7c: {  	_ =	shalt  }

// kernel: kernel.14.cloned.1.call-start
scs
__scs_entry_jumppad:
0x0: {  	(pc) =	sbr.rel $0x88, $3  }
0x1: {  	(tag) =	ssettag $0x0;
	lr =	simm.s32 $0x1  }
0x2: {  	[smem:$0x3F90] =	sst lr;
	_ =	strace $0xD0000000  }
0x3: {  	_ = 	snop  }
0x4: {  	_ = 	snop  }
0x5: {  	_ = 	snop  }
0x6: {  	_ = 	snop  }
0x7: {  	_ = 	snop  }
__scs_overlays_trampoline_lowered:
0x8: {  	[smem:$0x3F9F] =	sst s0  }
0x9: {  	[smem:$0x3FA0] =	sst s1  }
0xa: {  	[smem:$0x3FA1] =	sst s2  }
0xb: {  	[smem:$0x3FA2] =	sst s3  }
0xc: {  	[smem:$0x3FA3] =	sst s4  }
0xd: {  	[smem:$0x3FA4] =	sst s5  }
0xe: {  	[smem:$0x3FA5] =	sst s6  }
0xf: {  	[smem:$0x3FA6] =	sst s7  }
0x10: {  	[smem:$0x3FA7] =	sst s8  }
0x11: {  	[smem:$0x3FA8] =	sst s9;
	s0 =	simm.s32 @!p0 $0x0  }
0x12: {  	s1 =	sld [smem:$0x3F8E];
	s0 =	simm.s32 @p0 $0x1  }
0x13: {  	[smem:$0x3FA9] =	sst s0;
	s0 =	simm.s32 @!p1 $0x0  }
0x14: {  	s2 =	sld [smem:$0x3F8D];
	s0 =	simm.s32 @p1 $0x1  }
0x15: {  	[smem:$0x3FAA] =	sst s0;
	s0 =	simm.s32 @!p2 $0x0  }
0x16: {  	s3 =	sld [smem:$0x3FDB];
	s0 =	simm.s32 @p2 $0x1  }
0x17: {  	s4 =	simm.s32 $0x1BF5;
	[smem:$0x3FAC] =	sst s0  }
0x18: {  	s0 =	sld [smem:$0x3F8F];
	_ =	swait.ge [sflag:s4], $0x0  }
0x19: {  	s7 =	sld [smem:$0x3F90]  }
0x1a: {  	s8 =	sadd.s32 $0xFFFFE003, lr  }
0x1b: {  	s9 =	sadd.s32 $0xFFFFFEF7, lr;
	s5 =	simm.s32 $0xFFFFFFFF;
	p2 =	slt.u32 s8, $0xFFFFF086  }
0x1c: {  	p1 =	slt.u32 s9, $0xF7A;
	s5 =	simm.s32 @!p2 $0x0  }
0x1d: {  	s5 =	simm.s32 @p1 $0x1;
	p0 =	seq.s32 s7, s2  }
0x1e: {  	s7 =	smul.u32 @!p0 $0xF7A, s2;
	p2 =	seq.s32 @!p0 s5, $0x0  }
0x1f: {  	s9 =	smul.u32 $0xF7A, s1;
	s8 =	simm.s32 @!p0 $0x1BF5;
	p2 =	por !p2, p0  }
0x20: {  	[sflag:s8] =	ssyncset.s32 @!p0 $0xFFFFF086;
	s6 =	sadd.s32 @!p0 s3, s7;
	s7 =	simm.s32 @!p0 $0x108  }
0x21: {  	s3 =	sadd.s32 s3, s9;
	s6 =	sadd.s32 @!p0 $0x88, s6;
	s7 =	simm.s32 @p2 $0x1082  }
0x22: {  	[simem:s7], [sflag:s8] =	dma.local @!p0 [hbm:s6], $0xF7A  }
0x23: {  	s9 =	sor.u32 $0xD0000000, s2;
	s6 =	simm.s32 $0x108;
	_ =	swait.ge @!p0 [sflag:s8], $0x0  }
0x24: {  	s3 =	sadd.s32 $0x88, s3;
	s6 =	simm.s32 @!p1 $0x1082;
	[sflag:s4] =	ssyncset.s32 $0xFFFFF086  }
0x25: {  	[simem:s6], [sflag:s4] =	dma.local [hbm:s3], $0xF7A  }
0x26: {  	[smem:$0x3F90] =	sst s1;
	(tag) =	ssettag s2;
	_ =	strace s9  }
0x27: {  	s1 =	sld [smem:$0x3FA0]  }
0x28: {  	s2 =	sld [smem:$0x3FA1]  }
0x29: {  	s4 =	sld [smem:$0x3FA3]  }
0x2a: {  	p0 =	seq.s32 s5, $0x0;
	s5 =	sld [smem:$0x3FA4]  }
0x2b: {  	s6 =	sld [smem:$0x3FA5]  }
0x2c: {  	s7 =	sld [smem:$0x3FA6]  }
0x2d: {  	s3 =	simm.s32 $0x108;
	s8 =	sld [smem:$0x3FA7]  }
0x2e: {  	s3 =	simm.s32 @!p0 $0x1082;
	s9 =	sld [smem:$0x3FA8]  }
0x2f: {  	lr =	sadd.s32 s0, s3;
	s0 =	sld [smem:$0x3F9F]  }
0x30: {  	s3 =	sld [smem:$0x3FA2]  }
0x31: {  	[smem:$0x3FAB] =	sst s10  }
0x32: {  	s10 =	sld [smem:$0x3FA9];
	_ =	sdelay $0x3  }
0x33: {  	p0 =	seq.s32 s10, $0x1;
	s10 =	sld [smem:$0x3FAB];
	_ =	sdelay $0x3  }
0x34: {  	[smem:$0x3FAB] =	sst s10  }
0x35: {  	s10 =	sld [smem:$0x3FAA];
	_ =	sdelay $0x3  }
0x36: {  	p1 =	seq.s32 s10, $0x1;
	s10 =	sld [smem:$0x3FAB];
	_ =	sdelay $0x3  }
0x37: {  	[smem:$0x3FAB] =	sst s10  }
0x38: {  	s10 =	sld [smem:$0x3FAC]  }
0x39: {  	_ = 	snop;
	(pc) =	sbr.ind lr, $3  }
0x3a: {  	_ = 	snop  }
0x3b: {  	_ = 	snop  }
0x3c: {  	p2 =	seq.s32 s10, $0x1;
	s10 =	sld [smem:$0x3FAB]  }
0x3d: {  	_ =	shalt  }
0x3e: {  	_ =	shalt  }
0x3f: {  	_ =	shalt  }
0x40: {  	_ =	shalt  }
0x41: {  	_ =	shalt  }
0x42: {  	_ =	shalt  }
0x43: {  	_ =	shalt  }
0x44: {  	_ =	shalt  }
0x45: {  	_ =	shalt  }
0x46: {  	_ =	shalt  }
0x47: {  	_ =	shalt  }
0x48: {  	_ =	shalt  }
0x49: {  	_ =	shalt  }
0x4a: {  	_ =	shalt  }
0x4b: {  	_ =	shalt  }
0x4c: {  	_ =	shalt  }
0x4d: {  	_ =	shalt  }
0x4e: {  	_ =	shalt  }
0x4f: {  	_ =	shalt  }
0x50: {  	_ =	shalt  }
0x51: {  	_ =	shalt  }
0x52: {  	_ =	shalt  }
0x53: {  	_ =	shalt  }
0x54: {  	_ =	shalt  }
0x55: {  	_ =	shalt  }
0x56: {  	_ =	shalt  }
0x57: {  	_ =	shalt  }
0x58: {  	_ =	shalt  }
0x59: {  	_ =	shalt  }
0x5a: {  	_ =	shalt  }
0x5b: {  	_ =	shalt  }
0x5c: {  	_ =	shalt  }
0x5d: {  	_ =	shalt  }
0x5e: {  	_ =	shalt  }
0x5f: {  	_ =	shalt  }
0x60: {  	_ =	shalt  }
0x61: {  	_ =	shalt  }
0x62: {  	_ =	shalt  }
0x63: {  	_ =	shalt  }
0x64: {  	_ =	shalt  }
0x65: {  	_ =	shalt  }
0x66: {  	_ =	shalt  }
0x67: {  	_ =	shalt  }
0x68: {  	_ =	shalt  }
0x69: {  	_ =	shalt  }
0x6a: {  	_ =	shalt  }
0x6b: {  	_ =	shalt  }
0x6c: {  	_ =	shalt  }
0x6d: {  	_ =	shalt  }
0x6e: {  	_ =	shalt  }
0x6f: {  	_ =	shalt  }
0x70: {  	_ =	shalt  }
0x71: {  	_ =	shalt  }
0x72: {  	_ =	shalt  }
0x73: {  	_ =	shalt  }
0x74: {  	_ =	shalt  }
0x75: {  	_ =	shalt  }
0x76: {  	_ =	shalt  }
0x77: {  	_ =	shalt  }
0x78: {  	_ =	shalt  }
0x79: {  	_ =	shalt  }
0x7a: {  	_ =	shalt  }
0x7b: {  	_ =	shalt  }
0x7c: {  	_ =	shalt  }
0x7d: {  	_ =	shalt  }
0x7e: {  	_ =	shalt  }
0x7f: {  	_ =	shalt  }
0x80: {  	_ =	shalt  }
0x81: {  	_ =	shalt  }
0x82: {  	_ =	shalt  }
0x83: {  	_ =	shalt  }
0x84: {  	_ =	shalt  }
0x85: {  	_ =	shalt  }
0x86: {  	_ =	shalt  }
0x87: {  	_ =	shalt  }
.Lfunc_end0:
.L_simem_size_0:
called_computation.1_lowered:
.L_overlay_start_0:
0x88: {  	s2 =	sld [smem:$0x3FD9]  }
0x89: {  	s3 =	sld [smem:$0x3FFE];
	_ =	sdelay $0x1  }
0x8a: {  	s1 =	srdreg.scid  }
0x8b: {  	s0 =	sand.u32 $0x1, s1  }
0x8c: {  	s17 =	sshll.u32 s0, $0xA;
	s2 =	sadd.s32 s3, s2  }
0x8d: {  	s2 =	sadd.s32 s2, s17  }
0x8e: {  	[smem:$0x3FB7] =	sst s2  }
0x8f: {  	_ = 	snop  }
0x90: {  	s2 =	sld [smem:$0x3FD0];
	(tm) =	ssettm $0x1  }
0x91: {  	s18 =	sld [smem:$0x3FFB];
	_ =	sdelay $0x3  }
0x92: {  	_ =	strace s18  }
0x93: {  	s3 =	sld [smem:$0x3FFC];
	_ =	sdelay $0x3  }
0x94: {  	_ =	strace s3  }
0x95: {  	s3 =	sld [smem:$0x3FFD];
	_ =	sdelay $0x3  }
0x96: {  	_ =	strace s3  }
0x97: {  	_ =	strace $0x8FFFFFFF  }
0x98: {  	s19 =	sld [smem:$0x3FDB];
	_ =	sdelay $0x1  }
0x99: {  	s4 =	simm.s32 $_scs_section_size  }
0x9a: {  	s5 =	simm.s32 $_size__tile_overlayer_lowered;
	s6 =	simm.s32 $_tile_overlayer_lowered  }
0x9b: {  	s22 =	simm.s32 $0x1BFF;
	s21 =	sshll.u32 s6, $0x1;
	s3 =	sadd.s32 s4, s19  }
0x9c: {  	s7 =	simm.s32 $0x0;
	s20 =	sshll.u32 s5, $0x1;
	s5 =	sadd.s32 s21, s3  }
0x9d: {  	[timem:s7], [sflag:s22] =	dma.local [hbm:s5], s20  }
0x9e: {  	_ =	swait.ge [sflag:s22], s20  }
0x9f: {  	s4 =	ssub.s32 $0x0, s20;
	[sflag:s22] =	ssyncset.done $0x0  }
0xa0: {  	[sflag:s22] =	ssyncadd.s32 s4;
	_ =	sdelay $0x1  }
0xa1: {  	s23 =	simm.s32 $0x1B8B  }
0xa2: {  	_ =	swait.ge [sflag:s23], $0x1  }
0xa3: {  	[sflag:s23] =	ssyncset.done $0x0  }
0xa4: {  	s25 =	simm.s32 $0x1B8E;
	s24 =	sld [smem:$0x3FFE];
	[sflag:s23] =	ssyncadd.s32 $0xFFFFFFFF  }
0xa5: {  	s26 =	simm.s32 $execute0_lowered;
	[smem:$0x3FD2] =	sst s25  }
0xa6: {  	s5 =	sshll.u32 s26, $0x1;
	_ =	strace $0x80000049;
	[dreg:$0x1] =	wrdreg $0xFFFFFFFF  }
0xa7: {  	s28 =	simm.s32 $_size_execute0_lowered;
	s3 =	sadd.s32 s3, s5;
	[dreg:$0x0] =	wrdreg $0x0  }
0xa8: {  	s5 =	sshll.u32 s28, $0x1;
	[dreg:$0x2] =	wrdreg s3  }
0xa9: {  	[dreg:$0x3] =	wrdreg s5  }
0xaa: {  	[dreg:$0x4] =	wrdreg $0xC0  }
0xab: {  	_ =	task [dreg:s7], $0x5FFFF  }
0xac: {  	[dreg:$0x1] =	wrdreg $0xFFFFFFFF  }
0xad: {  	[dreg:$0x0] =	wrdreg $0x60  }
0xae: {  	[dreg:$0x2] =	wrdreg s24  }
0xaf: {  	[dreg:$0x3] =	wrdreg s2  }
0xb0: {  	[dreg:$0x4] =	wrdreg $0x9  }
0xb1: {  	_ =	task.clear_ibuf [dreg:s7], $0x5FFFF;
	_ =	strace $0x90000049  }
0xb2: {  	s29 =	simm.s32 $0x9;
	_ =	strace $0x8000004B  }
0xb3: {  	_ =	swait.ge [sflag:s29], $0x1  }
0xb4: {  	[sflag:s29] =	ssyncadd.s32 $0xFFFFFFFF  }
0xb5: {  	_ =	strace $0x9000004B  }
0xb6: {  	_ =	sfence  }
0xb7: {  	s30 =	sld [smem:$0x0];
	_ =	sdelay $0x2  }
0xb8: {  	s31 =	sshll.u32 s1, $0xD;
	s1 =	sshrl.u32 s1, $0x2  }
0xb9: {  	s3 =	sand.u32 $0x4000, s31;
	s1 =	sadd.s32 s1, s30  }
0xba: {  	s0 =	sor.u32 s3, s0;
	s1 =	sshll.u32 s1, $0x11  }
0xbb: {  	s0 =	sor.u32 s1, s0  }
0xbc: {  	s0 =	sadd.s32 $0x8F2B, s0  }
0xbd: {  	[sflag:s0] =	ssyncadd.remote.s32 $0x1  }
0xbe: {  	_ =	sfence.sel $0xFFFF  }
0xbf: {  	[dreg:$0x0] =	wrdreg $0xFFFFFFFF;
	(pc) =	sbr.abs _section_cstart, $3  }
0xc0: {  	[dreg:$0x1] =	wrdreg $0xFFFFFFFF  }
0xc1: {  	_ =	task.clear_ibuf [dreg:s7], $0x2FFFF;
	_ =	strace $0x9FFFFFFF  }
0xc2: {  	(tm) =	ssettm $0x7FFFFFFF  }
0xc3: {  	_ =	shalt  }
tec
execute0_lowered:
.L_overlay_start_1:
0x0: {  	(tag) =	ssettag $0x1  }
0x1: {  	s7 =	rddreg [dreg:$0x0]  }
0x2: {  	s1 =	rddreg [dreg:$0x1]  }
0x3: {  	s0 =	rddreg [dreg:$0x2]  }
0x4: {  	s3 =	simm.s32 $0x0;
	s2 =	stileid.u32;
	s6 =	srdreg.scid  }
0x5: {  	s13 =	simm.s32 $0xC8;
	s14 =	simm.s32 $0x200;
	s15 =	simm.s32 $0x6600  }
0x6: {  	s16 =	simm.s32 $0x1;
	s17 =	simm.s32 $0x2;
	s18 =	simm.s32 $0xCA00  }
0x7: {  	s19 =	simm.s32 $0x80;
	s20 =	simm.s32 $0x400;
	s21 =	simm.s32 $0x12E00  }
0x8: {  	s22 =	simm.s32 $0x0;
	[smem:$0x7FF] =	sst s3;
	s4 =	sadd.s32 $0xD800, s7  }
0x9: {  	s5 =	sadd.s32 $0x35800, s7;
	s8 =	sand.u32 $0x1, s6;
	s9 =	sshll.u32 s2, $0x1  }
0xa: {  	s6 =	sadd.s32 $0x3A00, s7;
	s10 =	sshll.u32 s2, $0x6;
	_ =	strace $0x8000004A  }
0xb: {  	s9 =	sor.u32 s8, s9;
	s10 =	sand.u32 $0x300, s10;
	s8 =	ssub.s32 $0x2, s8  }
0xc: {  	s11 =	sshll.u32 s9, $0x4;
	s10 =	sadd.s32 s10, s7;
	s12 =	sshrl.u32 s8, $0x1  }
0xd: {  	s7 =	sadd.s32 $0x5DC00, s7;
	s11 =	sand.u32 $0x70, s11;
	s12 =	ssub.s32 s8, s12  }
0xe: {  	s8 =	smul.u32 $0x2710, s9;
	s10 =	sadd.s32 s11, s10;
	s11 =	simm.s32 $0x3  }
0xf: {  	s9 =	sadd.s32 $0x5D800, s10;
	s10 =	smax.u32 s12, $0x1;
	s12 =	simm.s32 $0x100  }
.LBB2_1:
0x10: {  	v14 =	vimm.f32 $0.0e+00  }
0x11: {  	v15 =	vimm.f32 $0.0e+00;
	v0 =	vimm.f32 $0.0e+00;
	v1 =	vimm.f32 $0.0e+00  }
0x12: {  	v2 =	vimm.f32 $0.0e+00;
	v3 =	vimm.f32 $0.0e+00;
	v4 =	vimm.f32 $0.0e+00  }
0x13: {  	v5 =	vimm.f32 $0.0e+00;
	v6 =	vimm.f32 $0.0e+00;
	v7 =	vimm.f32 $0.0e+00  }
0x14: {  	v11 =	vimm.f32 $0.0e+00;
	v10 =	vimm.f32 $0.0e+00;
	v13 =	vimm.f32 $0.0e+00  }
0x15: {  	v8 =	vimm.f32 $0.0e+00;
	v9 =	vimm.f32 $0.0e+00;
	v12 =	vimm.f32 $0.0e+00;
	s23 =	simm.s32 $0x0  }
.LBB2_2:
0x16: {  	s24 =	smul.u32 $0xC8, s23;
	_ =	sdelay $0x1  }
0x17: {  	s24 =	sadd.s32 s8, s24  }
0x18: {  	s25 =	sshrl.u32 s24, $0x3  }
0x19: {  	s28 =	simm.s32 $0x0;
	s26 =	sadd.s32 s6, s25  }
0x1a: {  	[tilespmem:s28], [sflag:$0x3] =	stream.linear.gather [hbm4b:s26+s28], $0xC8, $0x38;
	[tilespmem:$0x12F00] =	vst v63  }
0x1b: {  	_ =	swait.ge [sflag:s11], $0xC8  }
0x1c: {  	[sflag:s11] =	ssyncset.done $0x0  }
0x1d: {  	s25 =	sadd.s32 s1, s25;
	[sflag:s11] =	ssyncadd.s32 $0xFFFFFF38  }
0x1e: {  	[tilespmem:s12], [sflag:$0x3] =	stream.linear.gather [hbm4b:s25+s28], $0xC8, $0x38;
	[tilespmem:$0x12F00] =	vst v63  }
0x1f: {  	_ =	swait.ge [sflag:s11], $0xC8  }
0x20: {  	[sflag:s11] =	ssyncset.done $0x0  }
0x21: {  	[sflag:s11] =	ssyncadd.s32 $0xFFFFFF38  }
0x22: {  	[tilespmem:s14], [sflag:$0x1] =	stream.indirect.gather [hbm4b:s4+s13], $0x80, s28, s13, $0xb8;
	[tilespmem:$0x12F00] =	vst v63  }
0x23: {  	_ = 	snop  }
0x24: {  	[tilespmem:s15], [sflag:$0x2] =	stream.indirect.gather [hbm4b:s5+s13], $0x80, s12, s13, $0xb8;
	[tilespmem:$0x12F00] =	vst v63  }
0x25: {  	_ =	swait.ge [sflag:s16], $0x6400  }
0x26: {  	[sflag:s16] =	ssyncset.done $0x0  }
0x27: {  	[sflag:s16] =	ssyncadd.s32 $0xFFFF9C00  }
0x28: {  	_ =	swait.ge [sflag:s17], $0x6400  }
0x29: {  	[sflag:s17] =	ssyncset.done $0x0  }
0x2a: {  	s25 =	simm.s32 $0x0;
	[sflag:s17] =	ssyncadd.s32 $0xFFFF9C00  }
0x2b: {  	v16 =	vld [tilespmem:s25+$0x270]  }
0x2c: {  	v17 =	vld [tilespmem:s25+$0x6670]  }
0x2d: {  	v18 =	vld [tilespmem:s25+$0x200]  }
0x2e: {  	v19 =	vld [tilespmem:s25+$0x6600]  }
0x2f: {  	v20 =	vld [tilespmem:s25+$0x210]  }
0x30: {  	v21 =	vld [tilespmem:s25+$0x6610]  }
0x31: {  	v22 =	vld [tilespmem:s25+$0x220]  }
0x32: {  	v23 =	vld [tilespmem:s25+$0x230]  }
0x33: {  	v17 =	vadd.f32 v17, v16;
	v16 =	vld [tilespmem:s25+$0x6620]  }
0x34: {  	v24 =	vld [tilespmem:s25+$0x6630]  }
0x35: {  	v25 =	vld [tilespmem:s25+$0x6640]  }
0x36: {  	v19 =	vadd.f32 v19, v18;
	v20 =	vadd.f32 v21, v20;
	v21 =	vld [tilespmem:s25+$0x240]  }
0x37: {  	v26 =	vmul.f32 v17, v17;
	v15 =	vadd.f32 v17, v15  }
0x38: {  	v18 =	vld [tilespmem:s25+$0x6650];
	[tilespmem:s25+$0xCA70] =	vst v17;
	v12 =	vadd.f32 v19, v12;
	v63 =	vmul.f32 v20, v20;
	v27 =	vadd.f32 v16, v22  }
0x39: {  	[tilespmem:s25+$0xCA00] =	vst v19;
	v8 =	vadd.f32 v20, v8;
	v17 =	vadd.f32 v24, v23;
	v16 =	vld [tilespmem:s25+$0x250];
	v22 =	vmul.f32 v19, v19  }
0x3a: {  	[tilespmem:s25+$0xCA10] =	vst v20;
	v14 =	vadd.f32 v26, v14;
	v13 =	vadd.f32 v63, v13;
	v19 =	vld [tilespmem:s25+$0x260];
	v28 =	vmul.f32 v27, v27  }
0x3b: {  	s26 =	simm.s32 $0x80;
	v21 =	vadd.f32 v25, v21;
	[tilespmem:s25+$0xCA20] =	vst v27;
	v9 =	vadd.f32 v22, v9;
	v22 =	vld [tilespmem:s25+$0x6660]  }
0x3c: {  	s28 =	simm.s32 $0x400;
	v23 =	vmul.f32 v17, v17;
	v10 =	vadd.f32 v27, v10;
	v20 =	vld [tilespmem:s26+$0x270];
	[tilespmem:s25+$0xCA30] =	vst v17;
	v11 =	vadd.f32 v28, v11  }
.LBB2_3:
0x3d: {  	p0 =	sne.s32 s28, $0x18E00;
	v24 =	vld [tilespmem:s26+$0x6670];
	v7 =	vadd.f32 v17, v7  }
0x3e: {  	v17 =	vld [tilespmem:s26+$0x200];
	v6 =	vadd.f32 v23, v6;
	[tilespmem:s25+$0xCA40] =	vst v21;
	v23 =	vmul.f32 v21, v21;
	v16 =	vadd.f32 v18, v16  }
0x3f: {  	v5 =	vadd.f32 v21, v5;
	v18 =	vld [tilespmem:s26+$0x6600]  }
0x40: {  	v21 =	vld [tilespmem:s26+$0x210];
	v4 =	vadd.f32 v23, v4;
	[tilespmem:s25+$0xCA50] =	vst v16;
	v23 =	vmul.f32 v16, v16;
	v19 =	vadd.f32 v22, v19  }
0x41: {  	v3 =	vadd.f32 v16, v3;
	v22 =	vld [tilespmem:s26+$0x6610]  }
0x42: {  	v16 =	vld [tilespmem:s26+$0x220];
	v20 =	vadd.f32 v24, v20;
	v2 =	vadd.f32 v23, v2;
	[tilespmem:s25+$0xCA60] =	vst v19;
	v23 =	vmul.f32 v19, v19;
	s25 =	smov.u32 s26  }
0x43: {  	v1 =	vadd.f32 v19, v1;
	v24 =	vld [tilespmem:s25+$0x6620]  }
0x44: {  	v17 =	vadd.f32 v18, v17;
	v19 =	vld [tilespmem:s25+$0x230];
	[tilespmem:s25+$0xCA70] =	vst v20;
	v18 =	vmul.f32 v20, v20;
	v0 =	vadd.f32 v23, v0  }
0x45: {  	v15 =	vadd.f32 v20, v15;
	v23 =	vld [tilespmem:s25+$0x6630]  }
0x46: {  	[tilespmem:s25+$0xCA00] =	vst v17;
	v20 =	vmul.f32 v17, v17;
	v21 =	vadd.f32 v22, v21;
	v25 =	vld [tilespmem:s25+$0x240];
	v14 =	vadd.f32 v18, v14  }
0x47: {  	v12 =	vadd.f32 v17, v12;
	v26 =	vld [tilespmem:s25+$0x6640]  }
.Ltmp0:
0x48: {  	v9 =	vadd.f32 v20, v9;
	[tilespmem:s25+$0xCA10] =	vst v21;
	v17 =	vmul.f32 v21, v21;
	v20 =	vadd.f32 v24, v16;
	v16 =	vld [tilespmem:s25+$0x250];
	(pc) =	sbr.rel @p0 .LBB2_3-.Ltmp0, $4  }
0x49: {  	v8 =	vadd.f32 v21, v8;
	v18 =	vld [tilespmem:s25+$0x6650]  }
0x4a: {  	v13 =	vadd.f32 v17, v13;
	[tilespmem:s25+$0xCA20] =	vst v20;
	v21 =	vmul.f32 v20, v20;
	v17 =	vadd.f32 v23, v19;
	v19 =	vld [tilespmem:s25+$0x260]  }
0x4b: {  	s26 =	sshra.s32 s28, $0x2;
	v10 =	vadd.f32 v20, v10;
	v22 =	vld [tilespmem:s25+$0x6660]  }
0x4c: {  	s28 =	sadd.s32 $0x200, s28;
	v20 =	vld [tilespmem:s26+$0x270];
	v11 =	vadd.f32 v21, v11;
	[tilespmem:s25+$0xCA30] =	vst v17;
	v23 =	vmul.f32 v17, v17;
	v21 =	vadd.f32 v26, v25  }
0x4d: {  	v24 =	vld [tilespmem:s26+$0x6670]  }
0x4e: {  	v25 =	vld [tilespmem:s26+$0x200];
	[tilespmem:s25+$0xCA40] =	vst v21;
	v16 =	vadd.f32 v18, v16  }
0x4f: {  	v48 =	vld [tilespmem:s26+$0x6600]  }
0x50: {  	v26 =	vld [tilespmem:s26+$0x210];
	[tilespmem:s25+$0xCA50] =	vst v16;
	v19 =	vadd.f32 v22, v19  }
0x51: {  	v49 =	vld [tilespmem:s26+$0x6610]  }
0x52: {  	v27 =	vld [tilespmem:s26+$0x220];
	[tilespmem:s25+$0xCA60] =	vst v19  }
0x53: {  	v50 =	vld [tilespmem:s26+$0x6620]  }
0x54: {  	v28 =	vld [tilespmem:s26+$0x230]  }
0x55: {  	v51 =	vld [tilespmem:s26+$0x6630]  }
0x56: {  	v7 =	vadd.f32 v17, v7;
	v30 =	vmul.f32 v21, v21;
	v52 =	vld [tilespmem:s26+$0x240]  }
0x57: {  	v6 =	vadd.f32 v23, v6;
	v5 =	vadd.f32 v21, v5;
	v17 =	vmul.f32 v16, v16;
	v29 =	vld [tilespmem:s26+$0x6640]  }
0x58: {  	v4 =	vadd.f32 v30, v4;
	v3 =	vadd.f32 v16, v3;
	v53 =	vld [tilespmem:s26+$0x250]  }
0x59: {  	v20 =	vadd.f32 v24, v20;
	v54 =	vmul.f32 v19, v19;
	v2 =	vadd.f32 v17, v2;
	v31 =	vld [tilespmem:s26+$0x6650]  }
0x5a: {  	v1 =	vadd.f32 v19, v1;
	v55 =	vld [tilespmem:s26+$0x260];
	v18 =	vadd.f32 v48, v25  }
0x5b: {  	v16 =	vld [tilespmem:s26+$0x6660];
	[tilespmem:s26+$0xCA70] =	vst v20;
	v0 =	vadd.f32 v54, v0;
	v17 =	vmul.f32 v20, v20;
	v22 =	vadd.f32 v49, v26  }
0x5c: {  	v15 =	vadd.f32 v20, v15;
	[tilespmem:s26+$0xCA00] =	vst v18;
	v24 =	vadd.f32 v50, v27  }
0x5d: {  	v14 =	vadd.f32 v17, v14;
	v57 =	vmul.f32 v18, v18;
	[tilespmem:s26+$0xCA10] =	vst v22;
	v56 =	vadd.f32 v51, v28  }
0x5e: {  	v12 =	vadd.f32 v18, v12;
	v17 =	vadd.f32 v29, v52;
	[tilespmem:s26+$0xCA20] =	vst v24  }
0x5f: {  	v58 =	vadd.f32 v31, v53;
	v59 =	vmul.f32 v22, v22;
	v9 =	vadd.f32 v57, v9;
	[tilespmem:s26+$0xCA30] =	vst v56  }
0x60: {  	s23 =	sadd.s32 $0x1, s23;
	v16 =	vadd.f32 v16, v55;
	v8 =	vadd.f32 v22, v8;
	[tilespmem:s26+$0xCA40] =	vst v17  }
0x61: {  	s24 =	sshll.u32 s24, $0x4;
	p0 =	sne.s32 s23, $0x32;
	v60 =	vmul.f32 v24, v24;
	v13 =	vadd.f32 v59, v13;
	v61 =	vmul.f32 v56, v56;
	[tilespmem:s26+$0xCA50] =	vst v58  }
.Ltmp1:
0x62: {  	s24 =	sadd.s32 s7, s24;
	v10 =	vadd.f32 v24, v10;
	v62 =	vmul.f32 v17, v17;
	[tilespmem:s26+$0xCA60] =	vst v16;
	v7 =	vadd.f32 v56, v7;
	(pc) =	sbr.rel @p0 .LBB2_2-.Ltmp1, $4  }
0x63: {  	v63 =	vmul.f32 v58, v58;
	v5 =	vadd.f32 v17, v5;
	v3 =	vadd.f32 v58, v3;
	[hbm4b:s24+s3] =	stream.linear.scatter [tilespmem:s18], [sflag:$0x3], $0x6400, $0x38;
	[tilespmem:$0x12F00] =	vst v63  }
0x64: {  	v17 =	vmul.f32 v16, v16;
	v1 =	vadd.f32 v16, v1;
	v11 =	vadd.f32 v60, v11;
	_ =	swait.ge [sflag:s11], $0x6400  }
0x65: {  	v6 =	vadd.f32 v61, v6;
	v4 =	vadd.f32 v62, v4;
	[sflag:s11] =	ssyncset.done $0x0  }
0x66: {  	v2 =	vadd.f32 v63, v2;
	v0 =	vadd.f32 v17, v0;
	[sflag:s11] =	ssyncadd.s32 $0xFFFF9C00  }
0x67: {  	[tilespmem:$0x12E00] =	vst v12  }
0x68: {  	[tilespmem:$0x12E80] =	vst v9  }
0x69: {  	[tilespmem:$0x12E10] =	vst v8  }
0x6a: {  	[tilespmem:$0x12E90] =	vst v13  }
0x6b: {  	[tilespmem:$0x12E20] =	vst v10  }
0x6c: {  	[tilespmem:$0x12EA0] =	vst v11  }
0x6d: {  	[tilespmem:$0x12E30] =	vst v7  }
0x6e: {  	[tilespmem:$0x12EB0] =	vst v6  }
0x6f: {  	[tilespmem:$0x12E40] =	vst v5  }
0x70: {  	[tilespmem:$0x12EC0] =	vst v4  }
0x71: {  	[tilespmem:$0x12E50] =	vst v3  }
0x72: {  	[tilespmem:$0x12E60] =	vst v1  }
0x73: {  	[tilespmem:$0x12E70] =	vst v15  }
0x74: {  	[tilespmem:$0x12EF0] =	vst v14;
	s22 =	sadd.s32 $0x1, s22  }
0x75: {  	[tilespmem:$0x12ED0] =	vst v2;
	p0 =	sne.s32 s22, s10  }
.Ltmp2:
0x76: {  	[tilespmem:$0x12EE0] =	vst v0;
	(pc) =	sbr.rel @p0 .LBB2_1-.Ltmp2, $4  }
0x77: {  	[hbm4b:s9+s19] =	stream.strided.scatter [tilespmem:s21], [sflag:$0x3], $0x100, s20, s19, $0x38;
	[tilespmem:$0x12F00] =	vst v63  }
0x78: {  	_ =	swait.ge [sflag:s11], $0x100  }
0x79: {  	[sflag:s11] =	ssyncset.done $0x0  }
0x7a: {  	[sflag:s11] =	ssyncadd.s32 $0xFFFFFF00  }
0x7b: {  	_ =	sfence.sel $0x180000  }
0x7c: {  	[bflag:$0x0] =	sbarrier.arrive $0xFFFF  }
0x7d: {  	p0 =	sne.s32 s2, $0x0;
	_ =	strace $0x9000004A  }
0x7e: {  	s0 =	sadd.s32 @!p0 $0x100000, s0;
	[bflag:$0x2] =	sbarrier.arrive $0xFFFF  }
0x7f: {  	[sflag:s0] =	ssyncadd.tile.s32 @!p0 $0x1;
	_ =	shalt  }
.Lfunc_end2:
_tile_overlayer_lowered:
.L_overlay_start_2:
0x80: {  	(tag) =	ssettag $0x2  }
0x81: {  	s0 =	rddreg [dreg:$0x0];
	s2 =	stileid.u32  }
0x82: {  	s1 =	rddreg [dreg:$0x1];
	p0 =	sne.s32 s2, $0x0  }
0x83: {  	s3 =	rddreg [dreg:$0x2];
	[bflag:$0x3] =	sbarrier.arrive $0xFFFF;
	s2 =	simm.s32 @!p0 $0x1C03  }
0x84: {  	[timem:s3], [sflag:s2] =	dma.local @!p0 [hbm:s0], s1  }
0x85: {  	s0 =	simm.s32 @!p0 $0x3  }
0x86: {  	_ =	swait.ge @!p0 [sflag:s0], s1  }
0x87: {  	s1 =	ssub.s32 @!p0 $0x0, s1;
	[sflag:s0] =	ssyncset.done @!p0 $0x0  }
0x88: {  	[sflag:s0] =	ssyncadd.s32 @!p0 s1  }
0x89: {  	[bflag:$0x3] =	sbarrier.arrive $0xFFFF  }
0x8a: {  	_ =	shalt  }

// kernel: kernel.17.cloned.1.call-start
scs
__scs_entry_jumppad:
0x0: {  	(pc) =	sbr.rel $0x88, $3  }
0x1: {  	(tag) =	ssettag $0x0;
	lr =	simm.s32 $0x1  }
0x2: {  	[smem:$0x3F90] =	sst lr;
	_ =	strace $0xD0000000  }
0x3: {  	_ = 	snop  }
0x4: {  	_ = 	snop  }
0x5: {  	_ = 	snop  }
0x6: {  	_ = 	snop  }
0x7: {  	_ = 	snop  }
__scs_overlays_trampoline_lowered:
0x8: {  	[smem:$0x3F9F] =	sst s0  }
0x9: {  	[smem:$0x3FA0] =	sst s1  }
0xa: {  	[smem:$0x3FA1] =	sst s2  }
0xb: {  	[smem:$0x3FA2] =	sst s3  }
0xc: {  	[smem:$0x3FA3] =	sst s4  }
0xd: {  	[smem:$0x3FA4] =	sst s5  }
0xe: {  	[smem:$0x3FA5] =	sst s6  }
0xf: {  	[smem:$0x3FA6] =	sst s7  }
0x10: {  	[smem:$0x3FA7] =	sst s8  }
0x11: {  	[smem:$0x3FA8] =	sst s9;
	s0 =	simm.s32 @!p0 $0x0  }
0x12: {  	s1 =	sld [smem:$0x3F8E];
	s0 =	simm.s32 @p0 $0x1  }
0x13: {  	[smem:$0x3FA9] =	sst s0;
	s0 =	simm.s32 @!p1 $0x0  }
0x14: {  	s2 =	sld [smem:$0x3F8D];
	s0 =	simm.s32 @p1 $0x1  }
0x15: {  	[smem:$0x3FAA] =	sst s0;
	s0 =	simm.s32 @!p2 $0x0  }
0x16: {  	s3 =	sld [smem:$0x3FDB];
	s0 =	simm.s32 @p2 $0x1  }
0x17: {  	s4 =	simm.s32 $0x1BF5;
	[smem:$0x3FAC] =	sst s0  }
0x18: {  	s0 =	sld [smem:$0x3F8F];
	_ =	swait.ge [sflag:s4], $0x0  }
0x19: {  	s7 =	sld [smem:$0x3F90]  }
0x1a: {  	s8 =	sadd.s32 $0xFFFFE003, lr  }
0x1b: {  	s9 =	sadd.s32 $0xFFFFFEF7, lr;
	s5 =	simm.s32 $0xFFFFFFFF;
	p2 =	slt.u32 s8, $0xFFFFF086  }
0x1c: {  	p1 =	slt.u32 s9, $0xF7A;
	s5 =	simm.s32 @!p2 $0x0  }
0x1d: {  	s5 =	simm.s32 @p1 $0x1;
	p0 =	seq.s32 s7, s2  }
0x1e: {  	s7 =	smul.u32 @!p0 $0xF7A, s2;
	p2 =	seq.s32 @!p0 s5, $0x0  }
0x1f: {  	s9 =	smul.u32 $0xF7A, s1;
	s8 =	simm.s32 @!p0 $0x1BF5;
	p2 =	por !p2, p0  }
0x20: {  	[sflag:s8] =	ssyncset.s32 @!p0 $0xFFFFF086;
	s6 =	sadd.s32 @!p0 s3, s7;
	s7 =	simm.s32 @!p0 $0x108  }
0x21: {  	s3 =	sadd.s32 s3, s9;
	s6 =	sadd.s32 @!p0 $0x88, s6;
	s7 =	simm.s32 @p2 $0x1082  }
0x22: {  	[simem:s7], [sflag:s8] =	dma.local @!p0 [hbm:s6], $0xF7A  }
0x23: {  	s9 =	sor.u32 $0xD0000000, s2;
	s6 =	simm.s32 $0x108;
	_ =	swait.ge @!p0 [sflag:s8], $0x0  }
0x24: {  	s3 =	sadd.s32 $0x88, s3;
	s6 =	simm.s32 @!p1 $0x1082;
	[sflag:s4] =	ssyncset.s32 $0xFFFFF086  }
0x25: {  	[simem:s6], [sflag:s4] =	dma.local [hbm:s3], $0xF7A  }
0x26: {  	[smem:$0x3F90] =	sst s1;
	(tag) =	ssettag s2;
	_ =	strace s9  }
0x27: {  	s1 =	sld [smem:$0x3FA0]  }
0x28: {  	s2 =	sld [smem:$0x3FA1]  }
0x29: {  	s4 =	sld [smem:$0x3FA3]  }
0x2a: {  	p0 =	seq.s32 s5, $0x0;
	s5 =	sld [smem:$0x3FA4]  }
0x2b: {  	s6 =	sld [smem:$0x3FA5]  }
0x2c: {  	s7 =	sld [smem:$0x3FA6]  }
0x2d: {  	s3 =	simm.s32 $0x108;
	s8 =	sld [smem:$0x3FA7]  }
0x2e: {  	s3 =	simm.s32 @!p0 $0x1082;
	s9 =	sld [smem:$0x3FA8]  }
0x2f: {  	lr =	sadd.s32 s0, s3;
	s0 =	sld [smem:$0x3F9F]  }
0x30: {  	s3 =	sld [smem:$0x3FA2]  }
0x31: {  	[smem:$0x3FAB] =	sst s10  }
0x32: {  	s10 =	sld [smem:$0x3FA9];
	_ =	sdelay $0x3  }
0x33: {  	p0 =	seq.s32 s10, $0x1;
	s10 =	sld [smem:$0x3FAB];
	_ =	sdelay $0x3  }
0x34: {  	[smem:$0x3FAB] =	sst s10  }
0x35: {  	s10 =	sld [smem:$0x3FAA];
	_ =	sdelay $0x3  }
0x36: {  	p1 =	seq.s32 s10, $0x1;
	s10 =	sld [smem:$0x3FAB];
	_ =	sdelay $0x3  }
0x37: {  	[smem:$0x3FAB] =	sst s10  }
0x38: {  	s10 =	sld [smem:$0x3FAC]  }
0x39: {  	_ = 	snop;
	(pc) =	sbr.ind lr, $3  }
0x3a: {  	_ = 	snop  }
0x3b: {  	_ = 	snop  }
0x3c: {  	p2 =	seq.s32 s10, $0x1;
	s10 =	sld [smem:$0x3FAB]  }
0x3d: {  	_ =	shalt  }
0x3e: {  	_ =	shalt  }
0x3f: {  	_ =	shalt  }
0x40: {  	_ =	shalt  }
0x41: {  	_ =	shalt  }
0x42: {  	_ =	shalt  }
0x43: {  	_ =	shalt  }
0x44: {  	_ =	shalt  }
0x45: {  	_ =	shalt  }
0x46: {  	_ =	shalt  }
0x47: {  	_ =	shalt  }
0x48: {  	_ =	shalt  }
0x49: {  	_ =	shalt  }
0x4a: {  	_ =	shalt  }
0x4b: {  	_ =	shalt  }
0x4c: {  	_ =	shalt  }
0x4d: {  	_ =	shalt  }
0x4e: {  	_ =	shalt  }
0x4f: {  	_ =	shalt  }
0x50: {  	_ =	shalt  }
0x51: {  	_ =	shalt  }
0x52: {  	_ =	shalt  }
0x53: {  	_ =	shalt  }
0x54: {  	_ =	shalt  }
0x55: {  	_ =	shalt  }
0x56: {  	_ =	shalt  }
0x57: {  	_ =	shalt  }
0x58: {  	_ =	shalt  }
0x59: {  	_ =	shalt  }
0x5a: {  	_ =	shalt  }
0x5b: {  	_ =	shalt  }
0x5c: {  	_ =	shalt  }
0x5d: {  	_ =	shalt  }
0x5e: {  	_ =	shalt  }
0x5f: {  	_ =	shalt  }
0x60: {  	_ =	shalt  }
0x61: {  	_ =	shalt  }
0x62: {  	_ =	shalt  }
0x63: {  	_ =	shalt  }
0x64: {  	_ =	shalt  }
0x65: {  	_ =	shalt  }
0x66: {  	_ =	shalt  }
0x67: {  	_ =	shalt  }
0x68: {  	_ =	shalt  }
0x69: {  	_ =	shalt  }
0x6a: {  	_ =	shalt  }
0x6b: {  	_ =	shalt  }
0x6c: {  	_ =	shalt  }
0x6d: {  	_ =	shalt  }
0x6e: {  	_ =	shalt  }
0x6f: {  	_ =	shalt  }
0x70: {  	_ =	shalt  }
0x71: {  	_ =	shalt  }
0x72: {  	_ =	shalt  }
0x73: {  	_ =	shalt  }
0x74: {  	_ =	shalt  }
0x75: {  	_ =	shalt  }
0x76: {  	_ =	shalt  }
0x77: {  	_ =	shalt  }
0x78: {  	_ =	shalt  }
0x79: {  	_ =	shalt  }
0x7a: {  	_ =	shalt  }
0x7b: {  	_ =	shalt  }
0x7c: {  	_ =	shalt  }
0x7d: {  	_ =	shalt  }
0x7e: {  	_ =	shalt  }
0x7f: {  	_ =	shalt  }
0x80: {  	_ =	shalt  }
0x81: {  	_ =	shalt  }
0x82: {  	_ =	shalt  }
0x83: {  	_ =	shalt  }
0x84: {  	_ =	shalt  }
0x85: {  	_ =	shalt  }
0x86: {  	_ =	shalt  }
0x87: {  	_ =	shalt  }
.Lfunc_end0:
.L_simem_size_0:
called_computation.2_lowered:
.L_overlay_start_0:
0x88: {  	s2 =	sld [smem:$0x3FD9]  }
0x89: {  	s3 =	sld [smem:$0x3FFE];
	_ =	sdelay $0x1  }
0x8a: {  	s1 =	srdreg.scid  }
0x8b: {  	s0 =	sand.u32 $0x1, s1  }
0x8c: {  	s16 =	sshll.u32 s0, $0xA;
	s2 =	sadd.s32 s3, s2  }
0x8d: {  	s2 =	sadd.s32 s2, s16  }
0x8e: {  	[smem:$0x3FB7] =	sst s2  }
0x8f: {  	_ = 	snop  }
0x90: {  	(tm) =	ssettm $0x1  }
0x91: {  	s17 =	sld [smem:$0x3FFB];
	_ =	sdelay $0x3  }
0x92: {  	_ =	strace s17  }
0x93: {  	s2 =	sld [smem:$0x3FFC];
	_ =	sdelay $0x3  }
0x94: {  	_ =	strace s2  }
0x95: {  	s2 =	sld [smem:$0x3FFD];
	_ =	sdelay $0x3  }
0x96: {  	_ =	strace s2  }
0x97: {  	_ =	strace $0x8FFFFFFF  }
0x98: {  	s18 =	sld [smem:$0x3FDB];
	_ =	sdelay $0x1  }
0x99: {  	s19 =	simm.s32 $_scs_section_size  }
0x9a: {  	s4 =	simm.s32 $_size__tile_overlayer_lowered;
	s5 =	simm.s32 $_tile_overlayer_lowered  }
0x9b: {  	s22 =	simm.s32 $0x1BFF;
	s21 =	sshll.u32 s5, $0x1;
	s2 =	sadd.s32 s19, s18  }
0x9c: {  	s6 =	simm.s32 $0x0;
	s20 =	sshll.u32 s4, $0x1;
	s4 =	sadd.s32 s21, s2  }
0x9d: {  	[timem:s6], [sflag:s22] =	dma.local [hbm:s4], s20  }
0x9e: {  	_ =	swait.ge [sflag:s22], s20  }
0x9f: {  	s3 =	ssub.s32 $0x0, s20;
	[sflag:s22] =	ssyncset.done $0x0  }
0xa0: {  	[sflag:s22] =	ssyncadd.s32 s3;
	_ =	sdelay $0x1  }
0xa1: {  	s23 =	simm.s32 $0x1B8B  }
0xa2: {  	_ =	swait.ge [sflag:s23], $0x1  }
0xa3: {  	[sflag:s23] =	ssyncset.done $0x0  }
0xa4: {  	s25 =	simm.s32 $0x1B8E;
	s24 =	sld [smem:$0x3FFE];
	[sflag:s23] =	ssyncadd.s32 $0xFFFFFFFF  }
0xa5: {  	s26 =	simm.s32 $execute0_lowered;
	[smem:$0x3FD2] =	sst s25  }
0xa6: {  	s4 =	sshll.u32 s26, $0x1;
	_ =	strace $0x8000004C;
	[dreg:$0x1] =	wrdreg $0xFFFFFFFF  }
0xa7: {  	s28 =	simm.s32 $_size_execute0_lowered;
	s2 =	sadd.s32 s2, s4;
	[dreg:$0x0] =	wrdreg $0x0  }
0xa8: {  	s4 =	sshll.u32 s28, $0x1;
	[dreg:$0x2] =	wrdreg s2  }
0xa9: {  	[dreg:$0x3] =	wrdreg s4  }
0xaa: {  	[dreg:$0x4] =	wrdreg $0xC0  }
0xab: {  	_ =	task [dreg:s6], $0x5FFFF  }
0xac: {  	[dreg:$0x1] =	wrdreg $0xFFFFFFFF  }
0xad: {  	[dreg:$0x0] =	wrdreg $0x60  }
0xae: {  	[dreg:$0x2] =	wrdreg s24  }
0xaf: {  	[dreg:$0x3] =	wrdreg $0x9  }
0xb0: {  	_ =	task.clear_ibuf [dreg:s6], $0x4FFFF;
	_ =	strace $0x9000004C  }
0xb1: {  	s29 =	simm.s32 $0x9;
	_ =	strace $0x8000004E  }
0xb2: {  	_ =	swait.ge [sflag:s29], $0x1  }
0xb3: {  	[sflag:s29] =	ssyncadd.s32 $0xFFFFFFFF  }
0xb4: {  	_ =	strace $0x9000004E  }
0xb5: {  	_ =	sfence  }
0xb6: {  	s30 =	sld [smem:$0x0];
	_ =	sdelay $0x2  }
0xb7: {  	s31 =	sshll.u32 s1, $0xD;
	s1 =	sshrl.u32 s1, $0x2  }
0xb8: {  	s3 =	sand.u32 $0x4000, s31;
	s1 =	sadd.s32 s1, s30  }
0xb9: {  	s0 =	sor.u32 s3, s0;
	s1 =	sshll.u32 s1, $0x11  }
0xba: {  	s0 =	sor.u32 s1, s0  }
0xbb: {  	s0 =	sadd.s32 $0x8F2B, s0  }
0xbc: {  	[sflag:s0] =	ssyncadd.remote.s32 $0x1  }
0xbd: {  	_ =	sfence.sel $0xFFFF  }
0xbe: {  	[dreg:$0x0] =	wrdreg $0xFFFFFFFF;
	(pc) =	sbr.abs _section_cstart, $3  }
0xbf: {  	[dreg:$0x1] =	wrdreg $0xFFFFFFFF  }
0xc0: {  	_ =	task.clear_ibuf [dreg:s6], $0x2FFFF;
	_ =	strace $0x9FFFFFFF  }
0xc1: {  	(tm) =	ssettm $0x7FFFFFFF  }
tec
execute0_lowered:
.L_overlay_start_1:
0x0: {  	(tag) =	ssettag $0x1  }
0x1: {  	s1 =	srdreg.scid  }
0x2: {  	s0 =	stileid.u32;
	s6 =	rddreg [dreg:$0x0];
	s2 =	simm.s32 $0x0  }
0x3: {  	s10 =	simm.s32 $0x700;
	s11 =	simm.s32 $0xB00;
	s13 =	simm.s32 $0x3  }
0x4: {  	s14 =	simm.s32 $0x2;
	s15 =	simm.s32 $0x1700;
	s16 =	simm.s32 $0x4  }
0x5: {  	s3 =	sand.u32 $0x1, s1;
	s4 =	sshll.u32 s0, $0x1;
	s1 =	rddreg [dreg:$0x1]  }
0x6: {  	s17 =	simm.s32 $0x0;
	[smem:$0x7FF] =	sst s2;
	s4 =	sor.u32 s3, s4  }
0x7: {  	s5 =	sadd.s32 $0x3A00, s6;
	s8 =	ssub.s32 $0x2, s3;
	s7 =	smul.u32 $0x1400, s4  }
0x8: {  	_ =	strace $0x8000004D;
	s3 =	smul.u32 $0x140, s4;
	s9 =	sshrl.u32 s8, $0x1  }
0x9: {  	s4 =	sadd.s32 $0x53FC00, s6;
	s31 =	ssub.s32 s8, s9;
	s8 =	simm.s32 $0x380  }
0xa: {  	v2 =	vimm.f32 $0.0e+00;
	v3 =	vimm.s32 $0x0;
	v4 =	vlaneseq.u32;
	s9 =	simm.s32 $0x1;
	s6 =	sadd.s32 s7, s6;
	s12 =	sadd.s32 $0x140, s3  }
0xb: {  	vm0 =	vmmov $0xffff;
	s7 =	smax.u32 s31, $0x1;
	v0 =	vmov s3;
	s6 =	sadd.s32 $0xD800, s6;
	v1 =	vmov s12;
	s12 =	simm.s32 $0xF00  }
.LBB2_1:
0xc: {  	s18 =	simm.s32 $0x0;
	s19 =	simm.s32 $0x200  }
.LBB2_2:
0xd: {  	p0 =	sne.s32 s19, $0x27E00;
	[tilespmem:s18+$0x15700] =	vst v2  }
0xe: {  	[tilespmem:s18+$0x1700] =	vst v2  }
0xf: {  	[tilespmem:s18+$0xB700] =	vst v2  }
0x10: {  	[tilespmem:s18+$0x1710] =	vst v2  }
0x11: {  	[tilespmem:s18+$0xB710] =	vst v2  }
0x12: {  	[tilespmem:s18+$0x1720] =	vst v2  }
0x13: {  	[tilespmem:s18+$0xB720] =	vst v2  }
0x14: {  	[tilespmem:s18+$0x1730] =	vst v2  }
0x15: {  	[tilespmem:s18+$0xB730] =	vst v2  }
0x16: {  	[tilespmem:s18+$0x1740] =	vst v2  }
0x17: {  	[tilespmem:s18+$0xB740] =	vst v2  }
0x18: {  	[tilespmem:s18+$0x1750] =	vst v2  }
.Ltmp0:
0x19: {  	[tilespmem:s18+$0xB750] =	vst v2;
	(pc) =	sbr.rel @p0 .LBB2_2-.Ltmp0, $4  }
0x1a: {  	[tilespmem:s18+$0x1760] =	vst v2  }
0x1b: {  	[tilespmem:s18+$0xB760] =	vst v2  }
0x1c: {  	[tilespmem:s18+$0x1770] =	vst v2  }
0x1d: {  	[tilespmem:s18+$0xB770] =	vst v2;
	s18 =	sshra.s32 s19, $0x2;
	s19 =	sadd.s32 $0x200, s19  }
0x1e: {  	[tilespmem:s18+$0x15700] =	vst v2  }
0x1f: {  	[tilespmem:s18+$0x1700] =	vst v2  }
0x20: {  	[tilespmem:s18+$0xB700] =	vst v2  }
0x21: {  	[tilespmem:s18+$0x1710] =	vst v2  }
0x22: {  	[tilespmem:s18+$0xB710] =	vst v2  }
0x23: {  	[tilespmem:s18+$0x1720] =	vst v2  }
0x24: {  	[tilespmem:s18+$0xB720] =	vst v2  }
0x25: {  	[tilespmem:s18+$0x1730] =	vst v2  }
0x26: {  	[tilespmem:s18+$0xB730] =	vst v2  }
0x27: {  	[tilespmem:s18+$0x1740] =	vst v2  }
0x28: {  	[tilespmem:s18+$0xB740] =	vst v2  }
0x29: {  	[tilespmem:s18+$0x1750] =	vst v2  }
0x2a: {  	[tilespmem:s18+$0xB750] =	vst v2  }
0x2b: {  	[tilespmem:s18+$0x1760] =	vst v2  }
0x2c: {  	[tilespmem:s18+$0xB760] =	vst v2  }
0x2d: {  	[tilespmem:s18+$0x1770] =	vst v2  }
0x2e: {  	[tilespmem:s18+$0xB770] =	vst v2;
	s18 =	simm.s32 $0x40;
	s19 =	simm.s32 $0x0  }
.LBB2_4:
0x2f: {  	p0 =	sne.s32 s18, $0xFC0;
	[tilespmem:s19+$0x700] =	vst v3;
	s20 =	smov.u32 s18;
	s18 =	sadd.s32 $0x40, s18  }
.Ltmp1:
0x30: {  	[tilespmem:s19+$0xB00] =	vst v3;
	(pc) =	sbr.rel @p0 .LBB2_4-.Ltmp1, $2  }
0x31: {  	_ =	sdelay $0x2  }
0x32: {  	s19 =	sshra.s32 s20, $0x2  }
.Ltmp2:
0x33: {  	(pc) =	sbr.rel .LBB2_6-.Ltmp2, $4  }
0x34: {  	_ = 	snop  }
0x35: {  	[tilespmem:s19+$0x700] =	vst v3;
	s18 =	simm.s32 $0x0  }
0x36: {  	[tilespmem:s19+$0xB00] =	vst v3;
	s19 =	simm.s32 $0x320;
	s20 =	simm.s32 $0x0;
	s21 =	simm.s32 $0x0  }
0x37: {  	[tilespmem:s18], [sflag:$0x1] =	stream.linear.gather [hbm4b:s5+s18], $0x320, $0x38;
	[tilespmem:$0x1F700] =	vst v63  }
.LBB2_24:
0x38: {  	s21 =	sadd.s32 $0x1, s21  }
0x39: {  	p0 =	sne.s32 s21, $0xC8  }
.Ltmp3:
0x3a: {  	_ = 	snop;
	(pc) =	sbr.rel @!p0 .LBB2_25-.Ltmp3, $2  }
0x3b: {  	_ =	sdelay $0x2  }
0x3c: {  	s20 =	sadd.s32 $0x640, s20;
	s19 =	sadd.s32 $0x640, s19  }
.LBB2_6:
0x3d: {  	s22 =	smul.u32 $0x640, s21;
	_ =	sdelay $0x1  }
0x3e: {  	s22 =	sshrl.u32 s22, $0x3  }
0x3f: {  	s22 =	sadd.s32 s5, s22  }
0x40: {  	s22 =	sadd.s32 $0x64, s22  }
0x41: {  	[tilespmem:s8], [sflag:$0x2] =	stream.linear.gather [hbm4b:s22+s18], $0x320, $0x38;
	[tilespmem:$0x1F700] =	vst v63  }
0x42: {  	_ =	swait.ge [sflag:s9], $0x320  }
0x43: {  	[sflag:s9] =	ssyncset.done $0x0  }
0x44: {  	s31 =	simm.s32 $0x0;
	[sflag:s9] =	ssyncadd.s32 $0xFFFFFCE0  }
0x45: {  	v5 =	vld [tilespmem:s31+$0x0];
	_ =	sdelay $0x4  }
0x46: {  	vm1 =	vge.s32 v5, v0;
	vm2 =	vlt.s32 v5, v1  }
0x47: {  	vm1 =	vmand vm1, vm2  }
0x48: {  	v6 =	vsel vm1, $0x1, v3  }
0x49: {  	(xrf0) =	vadd.scan.msk.s32 $0xffff, v6;
	_ =	sdelay $0x2  }
0x4a: {  	v6 =	vmov s18  }
0x4b: {  	v6 =	vadd.s32 $0xFFFFFFFF, v6  }
0x4c: {  	v6 =	vbroadcast v6, $0x0  }
0x4d: {  	v7, _, _ =	vpop (xrf0)  }
0x4e: {  	v6 =	vadd.s32 v7, v6;
	(v2sf) =	vpush v7, $0xF;
	_ =	sdelay $0x3  }
0x4f: {  	v8 =	vor.u32 s20, v4  }
0x50: {  	s25 =	simm.s32 $0x10;
	[tilespmem:v6+s10+$0x0] =	vst.idx.msk vm1, v8  }
0x51: {  	s24 =	simm.s32 $0x80;
	s23 =	smov.u32 s20;
	s22 =	simm.s32 $0x0;
	[tilespmem:v6+s11+$0x0] =	vst.idx.msk vm1, v5  }
.LBB2_7:
0x52: {  	p0 =	sne.s32 s24, $0xC40;
	v5 =	vld [tilespmem:s25+$0x0];
	_ =	sdelay $0x4  }
0x53: {  	vm1 =	vge.s32 v5, v0;
	vm2 =	vlt.s32 v5, v1  }
0x54: {  	vm1 =	vmand vm1, vm2  }
0x55: {  	v6 =	vsel vm1, $0x1, v3  }
0x56: {  	(xrf0) =	vadd.scan.msk.s32 $0xffff, v6;
	s25 =	spop (v2sf)  }
0x57: {  	s22 =	sadd.s32 s22, s25  }
0x58: {  	v6 =	vmov s22  }
0x59: {  	v6 =	vadd.s32 $0xFFFFFFFF, v6  }
0x5a: {  	v6 =	vbroadcast v6, $0x0;
	_ =	sdelay $0x1  }
0x5b: {  	v7, _, _ =	vpop (xrf0)  }
0x5c: {  	v6 =	vadd.s32 v7, v6;
	(v2sf) =	vpush v7, $0xF;
	_ =	sdelay $0x1  }
.Ltmp4:
0x5d: {  	(pc) =	sbr.rel @p0 .LBB2_7-.Ltmp4, $4  }
0x5e: {  	s23 =	sadd.s32 $0x10, s23  }
0x5f: {  	v7 =	vor.u32 s23, v4  }
0x60: {  	[tilespmem:v6+s10+$0x0] =	vst.idx.msk vm1, v7  }
0x61: {  	s25 =	sshra.s32 s24, $0x2;
	s24 =	sadd.s32 $0x40, s24;
	[tilespmem:v6+s11+$0x0] =	vst.idx.msk vm1, v5  }
0x62: {  	v5 =	vld [tilespmem:s25+$0x0];
	_ =	sdelay $0x4  }
0x63: {  	vm1 =	vge.s32 v5, v0;
	vm2 =	vlt.s32 v5, v1  }
0x64: {  	vm1 =	vmand vm1, vm2  }
0x65: {  	v6 =	vsel vm1, $0x1, v3  }
0x66: {  	(xrf0) =	vadd.scan.msk.s32 $0xffff, v6;
	_ =	sdelay $0x5  }
0x67: {  	v6, _, _ =	vpop (xrf0)  }
0x68: {  	(v2sf) =	vpush v6, $0xF;
	_ =	sdelay $0xd  }
0x69: {  	s24 =	spop (v2sf)  }
0x6a: {  	s22 =	sadd.s32 s22, s24;
	s29 =	spop (v2sf)  }
0x6b: {  	v7 =	vmov s22;
	s22 =	sadd.s32 s22, s29  }
0x6c: {  	s24 =	sadd.s32 $0xF, s22  }
0x6d: {  	s30 =	sand.u32 $0xF, s24  }
0x6e: {  	s31 =	sshra.s32 s24, $0x1F;
	p1 =	slt.s32 s24, $0x1;
	p0 =	sne.s32 s30, $0x0  }
0x6f: {  	v7 =	vadd.s32 $0xFFFFFFFF, v7;
	s25 =	sshrl.u32 s31, $0x1C;
	p0 =	por !p1, !p0  }
0x70: {  	v7 =	vbroadcast v7, $0x0;
	s24 =	sadd.s32 s25, s24;
	s25 =	simm.s32 $0x1;
	p0 =	por !p0, !p0  }
0x71: {  	s23 =	sadd.s32 $0x10, s23;
	s24 =	sshra.s32 s24, $0x4;
	s25 =	simm.s32 @!p0 $0x0  }
0x72: {  	v6 =	vadd.s32 v6, v7;
	v7 =	vor.u32 s23, v4;
	s23 =	ssub.s32 s24, s25  }
0x73: {  	p0 =	slt.s32 s23, $0x1  }
.Ltmp5:
0x74: {  	_ = 	snop;
	(pc) =	sbr.rel @p0 .LBB2_15-.Ltmp5, $3  }
0x75: {  	_ =	sdelay $0x1  }
0x76: {  	[tilespmem:v6+s10+$0x0] =	vst.idx.msk vm1, v7  }
0x77: {  	[tilespmem:v6+s11+$0x0] =	vst.idx.msk vm1, v5  }
.Ltmp6:
0x78: {  	(pc) =	sbr.rel .LBB2_10-.Ltmp6, $2  }
0x79: {  	_ =	sdelay $0x2  }
0x7a: {  	s24 =	simm.s32 $0x0;
	s25 =	simm.s32 $0xB00;
	s26 =	smov.u32 s22  }
.LBB2_13:
0x7b: {  	[tilespmem:s29+$0x1770] =	vst v6  }
0x7c: {  	[tilespmem:s29+$0xB770] =	vst v5  }
.LBB2_14:
0x7d: {  	s24 =	sadd.s32 $0x1, s24  }
0x7e: {  	p0 =	sne.s32 s24, s23  }
.Ltmp7:
0x7f: {  	_ = 	snop;
	(pc) =	sbr.rel @!p0 .LBB2_15-.Ltmp7, $2  }
0x80: {  	_ =	sdelay $0x2  }
0x81: {  	s26 =	sadd.s32 $0xFFFFFFF0, s26;
	s25 =	sadd.s32 $0x10, s25  }
.LBB2_10:
0x82: {  	s28 =	sshll.u32 s24, $0x4  }
0x83: {  	v5 =	vld [tilespmem:s28+$0x700];
	_ =	sdelay $0x4  }
0x84: {  	s28 =	ssub.s32 s22, s28  }
0x85: {  	p0 =	slt.s32 s28, $0x1  }
.Ltmp8:
0x86: {  	_ = 	snop;
	(pc) =	sbr.rel @p0 .LBB2_14-.Ltmp8, $4  }
0x87: {  	[tilespmem:s12], [sflag:$0x3] =	stream.indirect_vreg.gather [hbm4b:s4+s2], $0x80, v5, vm0, $0xb8;
	[tilespmem:$0x1F700] =	vst v63  }
0x88: {  	_ =	swait.ge [sflag:s13], $0x800  }
0x89: {  	[sflag:s13] =	ssyncset.done $0x0  }
0x8a: {  	[sflag:s13] =	ssyncadd.s32 $0xFFFFF800  }
0x8b: {  	v5 =	vld [tilespmem:s25+$0x0];
	_ =	sdelay $0x4  }
0x8c: {  	(v2sf) =	vpush v5, $0x0;
	_ =	sdelay $0xe  }
0x8d: {  	s29 =	spop (v2sf)  }
0x8e: {  	s28 =	simm.s32 $0xF40;
	s29 =	ssub.s32 s29, s3  }
0x8f: {  	v5 =	vld [tilespmem:s28+$0xFFFFFFC0];
	s29 =	sshll.u32 s29, $0x7  }
0x90: {  	v6 =	vld [tilespmem:s29+$0xB700]  }
0x91: {  	v7 =	vld [tilespmem:s29+$0x1700];
	_ =	sdelay $0x4  }
0x92: {  	v6 =	vadd.f32 v6, v5;
	v5 =	vmax.f32 v7, v5  }
0x93: {  	v7 =	vld [tilespmem:s29+$0xB710];
	[tilespmem:s29+$0x1700] =	vst v5  }
0x94: {  	[tilespmem:s29+$0xB700] =	vst v6;
	v6 =	vld [tilespmem:s29+$0x1710]  }
0x95: {  	v5 =	vld [tilespmem:s28+$0xFFFFFFD0];
	_ =	sdelay $0x4  }
0x96: {  	v6 =	vmax.f32 v6, v5;
	v5 =	vadd.f32 v7, v5  }
0x97: {  	v7 =	vld [tilespmem:s29+$0xB720];
	[tilespmem:s29+$0x1710] =	vst v6  }
0x98: {  	v6 =	vld [tilespmem:s29+$0x1720];
	[tilespmem:s29+$0xB710] =	vst v5  }
0x99: {  	v5 =	vld [tilespmem:s28+$0xFFFFFFE0];
	_ =	sdelay $0x4  }
0x9a: {  	v6 =	vmax.f32 v6, v5;
	v5 =	vadd.f32 v7, v5  }
0x9b: {  	v7 =	vld [tilespmem:s29+$0xB730];
	[tilespmem:s29+$0x1720] =	vst v6  }
0x9c: {  	v6 =	vld [tilespmem:s29+$0x1730];
	[tilespmem:s29+$0xB720] =	vst v5  }
0x9d: {  	v5 =	vld [tilespmem:s28+$0xFFFFFFF0];
	_ =	sdelay $0x4  }
0x9e: {  	v6 =	vmax.f32 v6, v5;
	v5 =	vadd.f32 v7, v5  }
0x9f: {  	v7 =	vld [tilespmem:s29+$0xB740];
	[tilespmem:s29+$0x1730] =	vst v6  }
0xa0: {  	v6 =	vld [tilespmem:s29+$0x1740];
	[tilespmem:s29+$0xB730] =	vst v5  }
0xa1: {  	v5 =	vld [tilespmem:s28+$0x0];
	_ =	sdelay $0x4  }
0xa2: {  	v6 =	vmax.f32 v6, v5;
	v5 =	vadd.f32 v7, v5  }
0xa3: {  	v7 =	vld [tilespmem:s29+$0xB750];
	[tilespmem:s29+$0x1740] =	vst v6  }
0xa4: {  	v6 =	vld [tilespmem:s29+$0x1750];
	[tilespmem:s29+$0xB740] =	vst v5  }
0xa5: {  	v5 =	vld [tilespmem:s28+$0x10];
	_ =	sdelay $0x4  }
0xa6: {  	v6 =	vmax.f32 v6, v5;
	v5 =	vadd.f32 v7, v5  }
0xa7: {  	v7 =	vld [tilespmem:s29+$0xB760];
	[tilespmem:s29+$0x1750] =	vst v6  }
0xa8: {  	v6 =	vld [tilespmem:s29+$0x1760];
	[tilespmem:s29+$0xB750] =	vst v5  }
0xa9: {  	v5 =	vld [tilespmem:s28+$0x20];
	_ =	sdelay $0x4  }
0xaa: {  	p0 =	sgt.s32 s26, $0x1;
	s30 =	smov.u32 s26;
	v8 =	vld [tilespmem:s29+$0x15700];
	v6 =	vmax.f32 v6, v5;
	v5 =	vadd.f32 v7, v5  }
0xab: {  	s30 =	simm.s32 @!p0 $0x1;
	[tilespmem:s29+$0x1760] =	vst v6;
	v6 =	vld [tilespmem:s29+$0x1770]  }
0xac: {  	s30 =	smin.u32 s30, $0x10;
	[tilespmem:s29+$0xB760] =	vst v5;
	v5 =	vld [tilespmem:s29+$0xB770]  }
0xad: {  	p0 =	sne.s32 s30, $0x1;
	v7 =	vld [tilespmem:s28+$0x30]  }
.Ltmp9:
0xae: {  	_ = 	snop;
	(pc) =	sbr.rel @!p0 .LBB2_13-.Ltmp9, $3  }
0xaf: {  	_ = 	snop  }
0xb0: {  	v8 =	vadd.f32 $1.000000000e+00, v8;
	_ =	sdelay $0x1  }
0xb1: {  	s31 =	smov.u32 s25;
	s30 =	sadd.s32 $0xFFFFFFFF, s30;
	[tilespmem:s29+$0x15700] =	vst v8;
	v6 =	vmax.f32 v6, v7;
	v5 =	vadd.f32 v5, v7  }
.LBB2_12:
0xb2: {  	p0 =	sne.s32 s30, $0x1;
	[tilespmem:s29+$0x1770] =	vst v6;
	s31 =	sadd.s32 $0x1, s31;
	s28 =	sadd.s32 $0x80, s28  }
0xb3: {  	s30 =	sadd.s32 $0xFFFFFFFF, s30;
	[tilespmem:s29+$0xB770] =	vst v5  }
0xb4: {  	v5 =	vld [tilespmem:s31+$0x0];
	_ =	sdelay $0x4  }
0xb5: {  	(v2sf) =	vpush v5, $0x0;
	_ =	sdelay $0xe  }
0xb6: {  	s29 =	spop (v2sf)  }
0xb7: {  	s29 =	ssub.s32 s29, s3  }
0xb8: {  	v5 =	vld [tilespmem:s28+$0xFFFFFFC0];
	s29 =	sshll.u32 s29, $0x7  }
0xb9: {  	v6 =	vld [tilespmem:s29+$0xB700]  }
0xba: {  	v7 =	vld [tilespmem:s29+$0x1700];
	_ =	sdelay $0x3  }
0xbb: {  	v6 =	vadd.f32 v6, v5  }
0xbc: {  	v5 =	vmax.f32 v7, v5  }
0xbd: {  	[tilespmem:s29+$0xB700] =	vst v6;
	v6 =	vld [tilespmem:s29+$0x1710]  }
0xbe: {  	[tilespmem:s29+$0x1700] =	vst v5;
	v5 =	vld [tilespmem:s29+$0xB710]  }
0xbf: {  	v7 =	vld [tilespmem:s28+$0xFFFFFFD0];
	_ =	sdelay $0x4  }
0xc0: {  	v6 =	vmax.f32 v6, v7;
	v5 =	vadd.f32 v5, v7  }
0xc1: {  	[tilespmem:s29+$0x1710] =	vst v6;
	v6 =	vld [tilespmem:s29+$0x1720]  }
0xc2: {  	[tilespmem:s29+$0xB710] =	vst v5;
	v5 =	vld [tilespmem:s29+$0xB720]  }
0xc3: {  	v7 =	vld [tilespmem:s28+$0xFFFFFFE0];
	_ =	sdelay $0x4  }
0xc4: {  	v6 =	vmax.f32 v6, v7;
	v5 =	vadd.f32 v5, v7  }
0xc5: {  	[tilespmem:s29+$0x1720] =	vst v6;
	v6 =	vld [tilespmem:s29+$0x1730]  }
0xc6: {  	[tilespmem:s29+$0xB720] =	vst v5;
	v5 =	vld [tilespmem:s29+$0xB730]  }
0xc7: {  	v7 =	vld [tilespmem:s28+$0xFFFFFFF0];
	_ =	sdelay $0x4  }
0xc8: {  	v6 =	vmax.f32 v6, v7;
	v5 =	vadd.f32 v5, v7  }
0xc9: {  	[tilespmem:s29+$0x1730] =	vst v6;
	v6 =	vld [tilespmem:s29+$0x1740]  }
0xca: {  	[tilespmem:s29+$0xB730] =	vst v5;
	v5 =	vld [tilespmem:s29+$0xB740]  }
0xcb: {  	v7 =	vld [tilespmem:s28+$0x0];
	_ =	sdelay $0x4  }
0xcc: {  	v6 =	vmax.f32 v6, v7;
	v5 =	vadd.f32 v5, v7  }
0xcd: {  	[tilespmem:s29+$0x1740] =	vst v6;
	v6 =	vld [tilespmem:s29+$0x1750]  }
0xce: {  	[tilespmem:s29+$0xB740] =	vst v5;
	v5 =	vld [tilespmem:s29+$0xB750]  }
0xcf: {  	v7 =	vld [tilespmem:s28+$0x10];
	_ =	sdelay $0x4  }
0xd0: {  	v6 =	vmax.f32 v6, v7;
	v5 =	vadd.f32 v5, v7  }
0xd1: {  	[tilespmem:s29+$0x1750] =	vst v6;
	v6 =	vld [tilespmem:s29+$0x1760]  }
0xd2: {  	[tilespmem:s29+$0xB750] =	vst v5;
	v5 =	vld [tilespmem:s29+$0xB760]  }
0xd3: {  	v7 =	vld [tilespmem:s28+$0x20];
	_ =	sdelay $0x1  }
0xd4: {  	v8 =	vld [tilespmem:s29+$0x15700];
	_ =	sdelay $0x2  }
0xd5: {  	v6 =	vmax.f32 v6, v7;
	v5 =	vadd.f32 v5, v7  }
0xd6: {  	[tilespmem:s29+$0x1760] =	vst v6;
	v6 =	vld [tilespmem:s29+$0x1770]  }
0xd7: {  	[tilespmem:s29+$0xB760] =	vst v5;
	v5 =	vld [tilespmem:s29+$0xB770];
	v7 =	vadd.f32 $1.000000000e+00, v8  }
0xd8: {  	v8 =	vld [tilespmem:s28+$0x30]  }
.Ltmp10:
0xd9: {  	[tilespmem:s29+$0x15700] =	vst v7;
	(pc) =	sbr.rel @p0 .LBB2_12-.Ltmp10, $2  }
0xda: {  	_ =	sdelay $0x2  }
0xdb: {  	v6 =	vmax.f32 v6, v8;
	v5 =	vadd.f32 v5, v8  }
.Ltmp11:
0xdc: {  	_ = 	snop;
	(pc) =	sbr.rel .LBB2_13-.Ltmp11, $1  }
0xdd: {  	_ =	sdelay $0x3  }
.LBB2_15:
0xde: {  	s22 =	sshll.u32 s21, $0x1  }
0xdf: {  	s22 =	smin.u32 s22, $0x18D  }
0xe0: {  	s22 =	smul.u32 $0x320, s22;
	_ =	sdelay $0x1  }
0xe1: {  	s22 =	sshrl.u32 s22, $0x3  }
0xe2: {  	s22 =	sadd.s32 s5, s22  }
0xe3: {  	s23 =	sadd.s32 $0xC8, s22;
	s22 =	simm.s32 $0x0  }
0xe4: {  	[tilespmem:s22], [sflag:$0x1] =	stream.linear.gather [hbm4b:s23+s22], $0x320, $0x38;
	[tilespmem:$0x1F700] =	vst v63  }
0xe5: {  	_ =	swait.ge [sflag:s14], $0x320  }
0xe6: {  	[sflag:s14] =	ssyncset.done $0x0  }
0xe7: {  	s31 =	simm.s32 $0x0;
	[sflag:s14] =	ssyncadd.s32 $0xFFFFFCE0  }
0xe8: {  	v5 =	vld [tilespmem:s31+$0x380];
	_ =	sdelay $0x4  }
0xe9: {  	vm1 =	vge.s32 v5, v0;
	vm2 =	vlt.s32 v5, v1  }
0xea: {  	vm1 =	vmand vm1, vm2  }
0xeb: {  	v6 =	vsel vm1, $0x1, v3  }
0xec: {  	(xrf0) =	vadd.scan.msk.s32 $0xffff, v6;
	_ =	sdelay $0x2  }
0xed: {  	v6 =	vmov s22  }
0xee: {  	v6 =	vadd.s32 $0xFFFFFFFF, v6  }
0xef: {  	v6 =	vbroadcast v6, $0x0  }
0xf0: {  	v7, _, _ =	vpop (xrf0)  }
0xf1: {  	v6 =	vadd.s32 v7, v6;
	(v2sf) =	vpush v7, $0xF;
	_ =	sdelay $0x3  }
0xf2: {  	v8 =	vor.u32 s19, v4  }
0xf3: {  	[tilespmem:v6+s10+$0x0] =	vst.idx.msk vm1, v8  }
0xf4: {  	s25 =	simm.s32 $0x10;
	s24 =	simm.s32 $0x80;
	s23 =	smov.u32 s19;
	[tilespmem:v6+s11+$0x0] =	vst.idx.msk vm1, v5  }
.LBB2_16:
0xf5: {  	p0 =	sne.s32 s24, $0xC40;
	v5 =	vld [tilespmem:s25+$0x380];
	_ =	sdelay $0x4  }
0xf6: {  	vm1 =	vge.s32 v5, v0;
	vm2 =	vlt.s32 v5, v1  }
0xf7: {  	vm1 =	vmand vm1, vm2  }
0xf8: {  	v6 =	vsel vm1, $0x1, v3  }
0xf9: {  	(xrf0) =	vadd.scan.msk.s32 $0xffff, v6;
	s25 =	spop (v2sf)  }
0xfa: {  	s22 =	sadd.s32 s22, s25  }
0xfb: {  	v6 =	vmov s22  }
0xfc: {  	v6 =	vadd.s32 $0xFFFFFFFF, v6  }
0xfd: {  	v6 =	vbroadcast v6, $0x0;
	_ =	sdelay $0x1  }
0xfe: {  	v7, _, _ =	vpop (xrf0)  }
0xff: {  	v6 =	vadd.s32 v7, v6;
	(v2sf) =	vpush v7, $0xF;
	_ =	sdelay $0x1  }
.Ltmp12:
0x100: {  	(pc) =	sbr.rel @p0 .LBB2_16-.Ltmp12, $4  }
0x101: {  	s23 =	sadd.s32 $0x10, s23  }
0x102: {  	v7 =	vor.u32 s23, v4  }
0x103: {  	[tilespmem:v6+s10+$0x0] =	vst.idx.msk vm1, v7  }
0x104: {  	s25 =	sshra.s32 s24, $0x2;
	s24 =	sadd.s32 $0x40, s24;
	[tilespmem:v6+s11+$0x0] =	vst.idx.msk vm1, v5  }
0x105: {  	v5 =	vld [tilespmem:s25+$0x380];
	_ =	sdelay $0x4  }
0x106: {  	vm1 =	vge.s32 v5, v0;
	vm2 =	vlt.s32 v5, v1  }
0x107: {  	vm1 =	vmand vm1, vm2  }
0x108: {  	v6 =	vsel vm1, $0x1, v3  }
0x109: {  	(xrf0) =	vadd.scan.msk.s32 $0xffff, v6;
	_ =	sdelay $0x5  }
0x10a: {  	v6, _, _ =	vpop (xrf0)  }
0x10b: {  	(v2sf) =	vpush v6, $0xF;
	_ =	sdelay $0xd  }
0x10c: {  	s24 =	spop (v2sf)  }
0x10d: {  	s22 =	sadd.s32 s22, s24;
	s29 =	spop (v2sf)  }
0x10e: {  	v7 =	vmov s22;
	s22 =	sadd.s32 s22, s29  }
0x10f: {  	s24 =	sadd.s32 $0xF, s22  }
0x110: {  	s30 =	sand.u32 $0xF, s24  }
0x111: {  	s31 =	sshra.s32 s24, $0x1F;
	p1 =	slt.s32 s24, $0x1;
	p0 =	sne.s32 s30, $0x0  }
0x112: {  	v7 =	vadd.s32 $0xFFFFFFFF, v7;
	s25 =	sshrl.u32 s31, $0x1C;
	p0 =	por !p1, !p0  }
0x113: {  	v7 =	vbroadcast v7, $0x0;
	s24 =	sadd.s32 s25, s24;
	s25 =	simm.s32 $0x1;
	p0 =	por !p0, !p0  }
0x114: {  	s23 =	sadd.s32 $0x10, s23;
	s24 =	sshra.s32 s24, $0x4;
	s25 =	simm.s32 @!p0 $0x0  }
0x115: {  	v6 =	vadd.s32 v6, v7;
	v7 =	vor.u32 s23, v4;
	s23 =	ssub.s32 s24, s25  }
0x116: {  	p0 =	slt.s32 s23, $0x1  }
.Ltmp13:
0x117: {  	_ = 	snop;
	(pc) =	sbr.rel @p0 .LBB2_24-.Ltmp13, $3  }
0x118: {  	_ =	sdelay $0x1  }
0x119: {  	[tilespmem:v6+s10+$0x0] =	vst.idx.msk vm1, v7  }
0x11a: {  	[tilespmem:v6+s11+$0x0] =	vst.idx.msk vm1, v5  }
.Ltmp14:
0x11b: {  	(pc) =	sbr.rel .LBB2_19-.Ltmp14, $2  }
0x11c: {  	_ =	sdelay $0x2  }
0x11d: {  	s24 =	simm.s32 $0x0;
	s25 =	simm.s32 $0xB00;
	s26 =	smov.u32 s22  }
.LBB2_22:
0x11e: {  	[tilespmem:s29+$0x1770] =	vst v6  }
0x11f: {  	[tilespmem:s29+$0xB770] =	vst v5  }
.LBB2_23:
0x120: {  	s24 =	sadd.s32 $0x1, s24  }
0x121: {  	p0 =	sne.s32 s24, s23  }
.Ltmp15:
0x122: {  	_ = 	snop;
	(pc) =	sbr.rel @!p0 .LBB2_24-.Ltmp15, $2  }
0x123: {  	_ =	sdelay $0x2  }
0x124: {  	s26 =	sadd.s32 $0xFFFFFFF0, s26;
	s25 =	sadd.s32 $0x10, s25  }
.LBB2_19:
0x125: {  	s28 =	sshll.u32 s24, $0x4  }
0x126: {  	v5 =	vld [tilespmem:s28+$0x700];
	_ =	sdelay $0x4  }
0x127: {  	s28 =	ssub.s32 s22, s28  }
0x128: {  	p0 =	slt.s32 s28, $0x1  }
.Ltmp16:
0x129: {  	_ = 	snop;
	(pc) =	sbr.rel @p0 .LBB2_23-.Ltmp16, $4  }
0x12a: {  	[tilespmem:s12], [sflag:$0x3] =	stream.indirect_vreg.gather [hbm4b:s4+s2], $0x80, v5, vm0, $0xb8;
	[tilespmem:$0x1F700] =	vst v63  }
0x12b: {  	_ =	swait.ge [sflag:s13], $0x800  }
0x12c: {  	[sflag:s13] =	ssyncset.done $0x0  }
0x12d: {  	[sflag:s13] =	ssyncadd.s32 $0xFFFFF800  }
0x12e: {  	v5 =	vld [tilespmem:s25+$0x0];
	_ =	sdelay $0x4  }
0x12f: {  	(v2sf) =	vpush v5, $0x0;
	_ =	sdelay $0xe  }
0x130: {  	s29 =	spop (v2sf)  }
0x131: {  	s28 =	simm.s32 $0xF40;
	s29 =	ssub.s32 s29, s3  }
0x132: {  	v5 =	vld [tilespmem:s28+$0xFFFFFFC0];
	s29 =	sshll.u32 s29, $0x7  }
0x133: {  	v6 =	vld [tilespmem:s29+$0xB700]  }
0x134: {  	v7 =	vld [tilespmem:s29+$0x1700];
	_ =	sdelay $0x4  }
0x135: {  	v6 =	vadd.f32 v6, v5;
	v5 =	vmax.f32 v7, v5  }
0x136: {  	v7 =	vld [tilespmem:s29+$0xB710];
	[tilespmem:s29+$0x1700] =	vst v5  }
0x137: {  	[tilespmem:s29+$0xB700] =	vst v6;
	v6 =	vld [tilespmem:s29+$0x1710]  }
0x138: {  	v5 =	vld [tilespmem:s28+$0xFFFFFFD0];
	_ =	sdelay $0x4  }
0x139: {  	v6 =	vmax.f32 v6, v5;
	v5 =	vadd.f32 v7, v5  }
0x13a: {  	v7 =	vld [tilespmem:s29+$0xB720];
	[tilespmem:s29+$0x1710] =	vst v6  }
0x13b: {  	v6 =	vld [tilespmem:s29+$0x1720];
	[tilespmem:s29+$0xB710] =	vst v5  }
0x13c: {  	v5 =	vld [tilespmem:s28+$0xFFFFFFE0];
	_ =	sdelay $0x4  }
0x13d: {  	v6 =	vmax.f32 v6, v5;
	v5 =	vadd.f32 v7, v5  }
0x13e: {  	v7 =	vld [tilespmem:s29+$0xB730];
	[tilespmem:s29+$0x1720] =	vst v6  }
0x13f: {  	v6 =	vld [tilespmem:s29+$0x1730];
	[tilespmem:s29+$0xB720] =	vst v5  }
0x140: {  	v5 =	vld [tilespmem:s28+$0xFFFFFFF0];
	_ =	sdelay $0x4  }
0x141: {  	v6 =	vmax.f32 v6, v5;
	v5 =	vadd.f32 v7, v5  }
0x142: {  	v7 =	vld [tilespmem:s29+$0xB740];
	[tilespmem:s29+$0x1730] =	vst v6  }
0x143: {  	v6 =	vld [tilespmem:s29+$0x1740];
	[tilespmem:s29+$0xB730] =	vst v5  }
0x144: {  	v5 =	vld [tilespmem:s28+$0x0];
	_ =	sdelay $0x4  }
0x145: {  	v6 =	vmax.f32 v6, v5;
	v5 =	vadd.f32 v7, v5  }
0x146: {  	v7 =	vld [tilespmem:s29+$0xB750];
	[tilespmem:s29+$0x1740] =	vst v6  }
0x147: {  	v6 =	vld [tilespmem:s29+$0x1750];
	[tilespmem:s29+$0xB740] =	vst v5  }
0x148: {  	v5 =	vld [tilespmem:s28+$0x10];
	_ =	sdelay $0x4  }
0x149: {  	v6 =	vmax.f32 v6, v5;
	v5 =	vadd.f32 v7, v5  }
0x14a: {  	v7 =	vld [tilespmem:s29+$0xB760];
	[tilespmem:s29+$0x1750] =	vst v6  }
0x14b: {  	v6 =	vld [tilespmem:s29+$0x1760];
	[tilespmem:s29+$0xB750] =	vst v5  }
0x14c: {  	v5 =	vld [tilespmem:s28+$0x20];
	_ =	sdelay $0x4  }
0x14d: {  	p0 =	sgt.s32 s26, $0x1;
	s30 =	smov.u32 s26;
	v8 =	vld [tilespmem:s29+$0x15700];
	v6 =	vmax.f32 v6, v5;
	v5 =	vadd.f32 v7, v5  }
0x14e: {  	s30 =	simm.s32 @!p0 $0x1;
	[tilespmem:s29+$0x1760] =	vst v6;
	v6 =	vld [tilespmem:s29+$0x1770]  }
0x14f: {  	s30 =	smin.u32 s30, $0x10;
	[tilespmem:s29+$0xB760] =	vst v5;
	v5 =	vld [tilespmem:s29+$0xB770]  }
0x150: {  	p0 =	sne.s32 s30, $0x1;
	v7 =	vld [tilespmem:s28+$0x30]  }
.Ltmp17:
0x151: {  	_ = 	snop;
	(pc) =	sbr.rel @!p0 .LBB2_22-.Ltmp17, $3  }
0x152: {  	_ = 	snop  }
0x153: {  	v8 =	vadd.f32 $1.000000000e+00, v8;
	_ =	sdelay $0x1  }
0x154: {  	s31 =	smov.u32 s25;
	s30 =	sadd.s32 $0xFFFFFFFF, s30;
	[tilespmem:s29+$0x15700] =	vst v8;
	v6 =	vmax.f32 v6, v7;
	v5 =	vadd.f32 v5, v7  }
.LBB2_21:
0x155: {  	p0 =	sne.s32 s30, $0x1;
	[tilespmem:s29+$0x1770] =	vst v6;
	s31 =	sadd.s32 $0x1, s31;
	s28 =	sadd.s32 $0x80, s28  }
0x156: {  	s30 =	sadd.s32 $0xFFFFFFFF, s30;
	[tilespmem:s29+$0xB770] =	vst v5  }
0x157: {  	v5 =	vld [tilespmem:s31+$0x0];
	_ =	sdelay $0x4  }
0x158: {  	(v2sf) =	vpush v5, $0x0;
	_ =	sdelay $0xe  }
0x159: {  	s29 =	spop (v2sf)  }
0x15a: {  	s29 =	ssub.s32 s29, s3  }
0x15b: {  	v5 =	vld [tilespmem:s28+$0xFFFFFFC0];
	s29 =	sshll.u32 s29, $0x7  }
0x15c: {  	v6 =	vld [tilespmem:s29+$0xB700]  }
0x15d: {  	v7 =	vld [tilespmem:s29+$0x1700];
	_ =	sdelay $0x3  }
0x15e: {  	v6 =	vadd.f32 v6, v5  }
0x15f: {  	v5 =	vmax.f32 v7, v5  }
0x160: {  	[tilespmem:s29+$0xB700] =	vst v6;
	v6 =	vld [tilespmem:s29+$0x1710]  }
0x161: {  	[tilespmem:s29+$0x1700] =	vst v5;
	v5 =	vld [tilespmem:s29+$0xB710]  }
0x162: {  	v7 =	vld [tilespmem:s28+$0xFFFFFFD0];
	_ =	sdelay $0x4  }
0x163: {  	v6 =	vmax.f32 v6, v7;
	v5 =	vadd.f32 v5, v7  }
0x164: {  	[tilespmem:s29+$0x1710] =	vst v6;
	v6 =	vld [tilespmem:s29+$0x1720]  }
0x165: {  	[tilespmem:s29+$0xB710] =	vst v5;
	v5 =	vld [tilespmem:s29+$0xB720]  }
0x166: {  	v7 =	vld [tilespmem:s28+$0xFFFFFFE0];
	_ =	sdelay $0x4  }
0x167: {  	v6 =	vmax.f32 v6, v7;
	v5 =	vadd.f32 v5, v7  }
0x168: {  	[tilespmem:s29+$0x1720] =	vst v6;
	v6 =	vld [tilespmem:s29+$0x1730]  }
0x169: {  	[tilespmem:s29+$0xB720] =	vst v5;
	v5 =	vld [tilespmem:s29+$0xB730]  }
0x16a: {  	v7 =	vld [tilespmem:s28+$0xFFFFFFF0];
	_ =	sdelay $0x4  }
0x16b: {  	v6 =	vmax.f32 v6, v7;
	v5 =	vadd.f32 v5, v7  }
0x16c: {  	[tilespmem:s29+$0x1730] =	vst v6;
	v6 =	vld [tilespmem:s29+$0x1740]  }
0x16d: {  	[tilespmem:s29+$0xB730] =	vst v5;
	v5 =	vld [tilespmem:s29+$0xB740]  }
0x16e: {  	v7 =	vld [tilespmem:s28+$0x0];
	_ =	sdelay $0x4  }
0x16f: {  	v6 =	vmax.f32 v6, v7;
	v5 =	vadd.f32 v5, v7  }
0x170: {  	[tilespmem:s29+$0x1740] =	vst v6;
	v6 =	vld [tilespmem:s29+$0x1750]  }
0x171: {  	[tilespmem:s29+$0xB740] =	vst v5;
	v5 =	vld [tilespmem:s29+$0xB750]  }
0x172: {  	v7 =	vld [tilespmem:s28+$0x10];
	_ =	sdelay $0x4  }
0x173: {  	v6 =	vmax.f32 v6, v7;
	v5 =	vadd.f32 v5, v7  }
0x174: {  	[tilespmem:s29+$0x1750] =	vst v6;
	v6 =	vld [tilespmem:s29+$0x1760]  }
0x175: {  	[tilespmem:s29+$0xB750] =	vst v5;
	v5 =	vld [tilespmem:s29+$0xB760]  }
0x176: {  	v7 =	vld [tilespmem:s28+$0x20];
	_ =	sdelay $0x1  }
0x177: {  	v8 =	vld [tilespmem:s29+$0x15700];
	_ =	sdelay $0x2  }
0x178: {  	v6 =	vmax.f32 v6, v7;
	v5 =	vadd.f32 v5, v7  }
0x179: {  	[tilespmem:s29+$0x1760] =	vst v6;
	v6 =	vld [tilespmem:s29+$0x1770]  }
0x17a: {  	[tilespmem:s29+$0xB760] =	vst v5;
	v5 =	vld [tilespmem:s29+$0xB770];
	v7 =	vadd.f32 $1.000000000e+00, v8  }
0x17b: {  	v8 =	vld [tilespmem:s28+$0x30]  }
.Ltmp18:
0x17c: {  	[tilespmem:s29+$0x15700] =	vst v7;
	(pc) =	sbr.rel @p0 .LBB2_21-.Ltmp18, $2  }
0x17d: {  	_ =	sdelay $0x2  }
0x17e: {  	v6 =	vmax.f32 v6, v8;
	v5 =	vadd.f32 v5, v8  }
.Ltmp19:
0x17f: {  	_ = 	snop;
	(pc) =	sbr.rel .LBB2_22-.Ltmp19, $1  }
0x180: {  	_ =	sdelay $0x3  }
.LBB2_25:
0x181: {  	_ =	swait.ge [sflag:s9], $0x320  }
0x182: {  	[sflag:s9] =	ssyncset.done $0x0  }
0x183: {  	s19 =	simm.s32 $0x0;
	[sflag:s9] =	ssyncadd.s32 $0xFFFFFCE0  }
0x184: {  	v5 =	vld [tilespmem:s19+$0x15700];
	_ =	sdelay $0x4  }
0x185: {  	v6 =	vld [tilespmem:s19+$0xB700];
	v5 =	vmax.f32 v5, $1.000000000e+00  }
0x186: {  	v7 =	vld [tilespmem:s19+$0xB710];
	(erf) = vrcp.f32 v5  }
0x187: {  	v9 =	vld [tilespmem:s19+$0xB720]  }
0x188: {  	v10 =	vld [tilespmem:s19+$0xB730]  }
0x189: {  	v11 =	vld [tilespmem:s19+$0xB740]  }
0x18a: {  	v12 =	vld [tilespmem:s19+$0xB750]  }
0x18b: {  	v13 =	vld [tilespmem:s19+$0xB760]  }
0x18c: {  	v14 =	vld [tilespmem:s19+$0xB770]  }
0x18d: {  	s18 =	simm.s32 $0x80;
	v5 =	vld [tilespmem:s19+$0x1700]  }
0x18e: {  	v15 =	vld [tilespmem:s18+$0x15700]  }
0x18f: {  	v16 =	vld [tilespmem:s19+$0x1710];
	v18 =	vpop (erf)  }
0x190: {  	v17 =	vld [tilespmem:s19+$0x1720];
	v6 =	vmul.f32 v18, v6  }
0x191: {  	v19 =	vld [tilespmem:s19+$0x1730]  }
0x192: {  	v20 =	vld [tilespmem:s19+$0x1740];
	v5 =	vadd.f32 v6, v5;
	v6 =	vmul.f32 v7, v18  }
0x193: {  	v21 =	vld [tilespmem:s19+$0x1750];
	v7 =	vmul.f32 v9, v18  }
0x194: {  	v8 =	vld [tilespmem:s19+$0x1760];
	v10 =	vmul.f32 v10, v18;
	v6 =	vadd.f32 v6, v16  }
0x195: {  	v11 =	vmul.f32 v11, v18;
	v9 =	vld [tilespmem:s19+$0x1770];
	[tilespmem:s19+$0x1700] =	vst v5;
	v7 =	vadd.f32 v7, v17  }
0x196: {  	v12 =	vmul.f32 v12, v18;
	v63 =	vadd.f32 v10, v19;
	v5 =	vld [tilespmem:s18+$0xB700];
	[tilespmem:s19+$0x1710] =	vst v6  }
0x197: {  	v15 =	vmax.f32 v15, $1.000000000e+00;
	v11 =	vadd.f32 v11, v20;
	v10 =	vmul.f32 v13, v18;
	v6 =	vld [tilespmem:s18+$0xB710];
	[tilespmem:s19+$0x1720] =	vst v7  }
0x198: {  	s20 =	simm.s32 $0x400;
	(erf) = vrcp.f32 v15;
	v13 =	vadd.f32 v12, v21;
	v12 =	vmul.f32 v14, v18;
	v7 =	vld [tilespmem:s18+$0xB720];
	[tilespmem:s19+$0x1730] =	vst v63  }
.LBB2_26:
0x199: {  	p0 =	sne.s32 s20, $0x27E00;
	v14 =	vld [tilespmem:s18+$0xB730];
	[tilespmem:s19+$0x1740] =	vst v11;
	v8 =	vadd.f32 v10, v8  }
0x19a: {  	v10 =	vld [tilespmem:s18+$0xB740];
	[tilespmem:s19+$0x1750] =	vst v13;
	v9 =	vadd.f32 v12, v9  }
0x19b: {  	v11 =	vld [tilespmem:s18+$0xB750];
	[tilespmem:s19+$0x1760] =	vst v8  }
0x19c: {  	v12 =	vld [tilespmem:s18+$0xB760];
	[tilespmem:s19+$0x1770] =	vst v9;
	s19 =	smov.u32 s18  }
0x19d: {  	s18 =	sshra.s32 s20, $0x2;
	v15 =	vld [tilespmem:s19+$0xB770]  }
0x19e: {  	v13 =	vld [tilespmem:s18+$0x15700]  }
0x19f: {  	v8 =	vld [tilespmem:s19+$0x1700]  }
0x1a0: {  	v9 =	vld [tilespmem:s19+$0x1710]  }
0x1a1: {  	v16 =	vld [tilespmem:s19+$0x1720];
	v17 =	vpop (erf)  }
0x1a2: {  	v5 =	vmul.f32 v17, v5;
	v18 =	vld [tilespmem:s19+$0x1730]  }
0x1a3: {  	v6 =	vmul.f32 v6, v17;
	v19 =	vld [tilespmem:s19+$0x1740]  }
0x1a4: {  	v7 =	vmul.f32 v7, v17;
	v5 =	vadd.f32 v5, v8;
	v20 =	vld [tilespmem:s19+$0x1750]  }
.Ltmp20:
0x1a5: {  	v14 =	vmul.f32 v14, v17;
	v6 =	vadd.f32 v6, v9;
	v8 =	vld [tilespmem:s19+$0x1760];
	(pc) =	sbr.rel @p0 .LBB2_26-.Ltmp20, $4  }
0x1a6: {  	v10 =	vmul.f32 v10, v17;
	[tilespmem:s19+$0x1700] =	vst v5;
	v7 =	vadd.f32 v7, v16;
	v9 =	vld [tilespmem:s19+$0x1770]  }
0x1a7: {  	v16 =	vmul.f32 v11, v17;
	v5 =	vld [tilespmem:s18+$0xB700];
	[tilespmem:s19+$0x1710] =	vst v6;
	v14 =	vadd.f32 v14, v18  }
0x1a8: {  	v13 =	vmax.f32 v13, $1.000000000e+00;
	v6 =	vld [tilespmem:s18+$0xB710];
	[tilespmem:s19+$0x1720] =	vst v7;
	v11 =	vadd.f32 v10, v19;
	v10 =	vmul.f32 v12, v17  }
0x1a9: {  	s20 =	sadd.s32 $0x200, s20;
	v12 =	vmul.f32 v15, v17;
	v7 =	vld [tilespmem:s18+$0xB720];
	(erf) = vrcp.f32 v13;
	[tilespmem:s19+$0x1730] =	vst v14;
	v13 =	vadd.f32 v16, v20  }
0x1aa: {  	_ = 	snop  }
0x1ab: {  	v14 =	vld [tilespmem:s18+$0xB730];
	[tilespmem:s19+$0x1740] =	vst v11;
	v8 =	vadd.f32 v10, v8  }
0x1ac: {  	v11 =	vld [tilespmem:s18+$0xB740];
	[tilespmem:s19+$0x1750] =	vst v13;
	v9 =	vadd.f32 v12, v9  }
0x1ad: {  	v58 =	vld [tilespmem:s18+$0xB750];
	[tilespmem:s19+$0x1760] =	vst v8  }
0x1ae: {  	v8 =	vld [tilespmem:s18+$0xB760];
	[tilespmem:s19+$0x1770] =	vst v9  }
0x1af: {  	v9 =	vld [tilespmem:s18+$0xB770]  }
0x1b0: {  	v59 =	vld [tilespmem:s18+$0x1700]  }
0x1b1: {  	v13 =	vld [tilespmem:s18+$0x1710]  }
0x1b2: {  	v15 =	vld [tilespmem:s18+$0x1720];
	v16 =	vpop (erf)  }
0x1b3: {  	v17 =	vld [tilespmem:s18+$0x1730];
	v5 =	vmul.f32 v16, v5  }
0x1b4: {  	v18 =	vld [tilespmem:s18+$0x1740];
	v6 =	vmul.f32 v6, v16  }
0x1b5: {  	v60 =	vld [tilespmem:s18+$0x1750];
	v7 =	vmul.f32 v7, v16;
	v5 =	vadd.f32 v5, v59  }
0x1b6: {  	v19 =	vld [tilespmem:s18+$0x1760];
	v61 =	vmul.f32 v14, v16;
	v6 =	vadd.f32 v6, v13  }
0x1b7: {  	v62 =	vld [tilespmem:s18+$0x1770];
	[tilespmem:s18+$0x1700] =	vst v5;
	v5 =	vadd.f32 v7, v15;
	v7 =	vmul.f32 v11, v16  }
0x1b8: {  	v10 =	vmul.f32 v58, v16;
	[tilespmem:s18+$0x1710] =	vst v6;
	v6 =	vadd.f32 v61, v17  }
0x1b9: {  	[tilespmem:s18+$0x1720] =	vst v5;
	v5 =	vadd.f32 v7, v18;
	v7 =	vmul.f32 v8, v16  }
0x1ba: {  	v63 =	vmul.f32 v9, v16;
	[tilespmem:s18+$0x1730] =	vst v6;
	v6 =	vadd.f32 v10, v60  }
0x1bb: {  	[tilespmem:s18+$0x1740] =	vst v5;
	v5 =	vadd.f32 v7, v19  }
0x1bc: {  	s17 =	sadd.s32 $0x1, s17;
	[tilespmem:s18+$0x1750] =	vst v6;
	v6 =	vadd.f32 v63, v62  }
0x1bd: {  	p0 =	sne.s32 s17, s7;
	[tilespmem:s18+$0x1760] =	vst v5  }
.Ltmp21:
0x1be: {  	[tilespmem:s18+$0x1770] =	vst v6;
	(pc) =	sbr.rel @p0 .LBB2_1-.Ltmp21, $4  }
0x1bf: {  	[hbm4b:s6+s2] =	stream.linear.scatter [tilespmem:s15], [sflag:$0x4], $0xA000, $0x38;
	[tilespmem:$0x1F700] =	vst v63  }
0x1c0: {  	_ =	swait.ge [sflag:s16], $0xA000  }
0x1c1: {  	[sflag:s16] =	ssyncset.done $0x0  }
0x1c2: {  	[sflag:s16] =	ssyncadd.s32 $0xFFFF6000  }
0x1c3: {  	_ =	sfence.sel $0x180000  }
0x1c4: {  	[bflag:$0x0] =	sbarrier.arrive $0xFFFF  }
0x1c5: {  	p0 =	sne.s32 s0, $0x0;
	_ =	strace $0x9000004D  }
0x1c6: {  	s0 =	sadd.s32 @!p0 $0x100000, s1;
	[bflag:$0x2] =	sbarrier.arrive $0xFFFF  }
0x1c7: {  	[sflag:s0] =	ssyncadd.tile.s32 @!p0 $0x1;
	_ =	shalt  }
.Lfunc_end2:
_tile_overlayer_lowered:
.L_overlay_start_2:
0x1c8: {  	(tag) =	ssettag $0x2  }
0x1c9: {  	s0 =	rddreg [dreg:$0x0];
	s2 =	stileid.u32  }
0x1ca: {  	s1 =	rddreg [dreg:$0x1];
	p0 =	sne.s32 s2, $0x0  }
0x1cb: {  	s3 =	rddreg [dreg:$0x2];
	[bflag:$0x3] =	sbarrier.arrive $0xFFFF;
	s2 =	simm.s32 @!p0 $0x1C04  }
0x1cc: {  	[timem:s3], [sflag:s2] =	dma.local @!p0 [hbm:s0], s1  }
0x1cd: {  	s0 =	simm.s32 @!p0 $0x4  }
0x1ce: {  	_ =	swait.ge @!p0 [sflag:s0], s1  }
0x1cf: {  	s1 =	ssub.s32 @!p0 $0x0, s1;
	[sflag:s0] =	ssyncset.done @!p0 $0x0  }
0x1d0: {  	[sflag:s0] =	ssyncadd.s32 @!p0 s1  }
0x1d1: {  	[bflag:$0x3] =	sbarrier.arrive $0xFFFF  }
0x1d2: {  	_ =	shalt  }

</sc_bundles>
